<compile_context>
chip_gen: v7x
topology: tpu7x:2x2x1
jax: 0.10.2.dev20260603
libtpu: 0.0.44.dev20260713+nightly
codegen_flags: <defaults>
</compile_context>

<pallas_src>
import functools

import jax
import jax.numpy as jnp
from jax import lax
from jax.experimental import pallas as pl
from jax.experimental.pallas import tpu as pltpu
from jax.experimental.pallas import tpu_sc as plsc

N = 10000
E = 320000
D = 128
NC = 2
NS = 16
CH = 128
KC = 8
NCHUNK = 160
E_PAD = NS * NCHUNK * CH
N_PAD = 10112
ROWS_PER_TILE = N_PAD // NS

_mesh = plsc.VectorSubcoreMesh(core_axis_name="c", subcore_axis_name="s")


NSB = NCHUNK // KC


def _sc_agg_body(x_hbm, src_hbm, dst_hbm, zeros_hbm,
                 agg_out,
                 src_a, dst_a, src_b, dst_b, rows0, rows1,
                 acc_sh, sem0, sem1, sem_i):
    c = lax.axis_index("c")
    s = lax.axis_index("s")
    r0 = s * ROWS_PER_TILE
    rows = (rows0, rows1)
    sems = (sem0, sem1)
    pltpu.sync_copy(zeros_hbm.at[pl.ds(r0, ROWS_PER_TILE)],
                    acc_sh.at[pl.ds(r0, ROWS_PER_TILE)])
    plsc.subcore_barrier()

    def start_rows(src_buf, j, b):
        pltpu.async_copy(x_hbm.at[src_buf.at[j]], rows[b], sems[b])

    def wait_rows(b):
        pltpu.make_async_copy(x_hbm.at[pl.ds(0, CH)], rows[b], sems[b]).wait()

    def wait_idx(src_n, dst_n):
        pltpu.make_async_copy(src_hbm.at[c, s, pl.ds(0, KC)], src_n, sem_i).wait()
        pltpu.make_async_copy(dst_hbm.at[c, s, pl.ds(0, KC)], dst_n, sem_i).wait()

    def superblock(g, src_c, dst_c, src_n, dst_n):
        @pl.when(g + 1 < NSB)
        def _():
            pltpu.async_copy(src_hbm.at[c, s, pl.ds((g + 1) * KC, KC)], src_n, sem_i)
            pltpu.async_copy(dst_hbm.at[c, s, pl.ds((g + 1) * KC, KC)], dst_n, sem_i)
        for j in range(KC):
            b = j & 1
            nb = (j + 1) & 1
            if j + 1 < KC:
                start_rows(src_c, j + 1, nb)
            else:
                @pl.when(g + 1 < NSB)
                def _():
                    wait_idx(src_n, dst_n)
                    start_rows(src_n, 0, nb)
            wait_rows(b)
            pltpu.sync_copy(rows[b], acc_sh.at[dst_c.at[j]], add=True)

    pltpu.sync_copy(src_hbm.at[c, s, pl.ds(0, KC)], src_a)
    pltpu.sync_copy(dst_hbm.at[c, s, pl.ds(0, KC)], dst_a)
    start_rows(src_a, 0, 0)

    def outer(t, carry):
        superblock(2 * t, src_a, dst_a, src_b, dst_b)
        superblock(2 * t + 1, src_b, dst_b, src_a, dst_a)
        return carry

    lax.fori_loop(0, NSB // 2, outer, 0)
    plsc.subcore_barrier()
    pltpu.sync_copy(acc_sh.at[pl.ds(r0, ROWS_PER_TILE)],
                    agg_out.at[c, pl.ds(r0, ROWS_PER_TILE)])


_sc_agg = pl.kernel(
    _sc_agg_body,
    out_type=jax.ShapeDtypeStruct((NC, N_PAD, D), jnp.float32),
    mesh=_mesh,
    scratch_types=[
        pltpu.VMEM((KC, CH), jnp.int32),
        pltpu.VMEM((KC, CH), jnp.int32),
        pltpu.VMEM((KC, CH), jnp.int32),
        pltpu.VMEM((KC, CH), jnp.int32),
        pltpu.VMEM((CH, D), jnp.float32),
        pltpu.VMEM((CH, D), jnp.float32),
        pltpu.VMEM_SHARED((N_PAD, D), jnp.float32),
        pltpu.SemaphoreType.DMA,
        pltpu.SemaphoreType.DMA,
        pltpu.SemaphoreType.DMA,
    ],
)


def _sc_deg_body(ones_hbm, dst_hbm, zeros_hbm,
                 deg_out,
                 dst_v, ones_v, acc_sh):
    c = lax.axis_index("c")
    s = lax.axis_index("s")
    r0 = s * ROWS_PER_TILE
    pltpu.sync_copy(zeros_hbm.at[pl.ds(r0, ROWS_PER_TILE)],
                    acc_sh.at[pl.ds(r0, ROWS_PER_TILE)])
    pltpu.sync_copy(ones_hbm, ones_v)
    plsc.subcore_barrier()

    def outer(g, carry):
        pltpu.sync_copy(dst_hbm.at[c, s, pl.ds(g * KC, KC)], dst_v)

        def body(j, carry2):
            pltpu.sync_copy(ones_v, acc_sh.at[dst_v.at[j]], add=True)
            return carry2

        lax.fori_loop(0, KC, body, 0)
        return carry

    lax.fori_loop(0, NCHUNK // KC, outer, 0)
    plsc.subcore_barrier()
    pltpu.sync_copy(acc_sh.at[pl.ds(r0, ROWS_PER_TILE)],
                    deg_out.at[c, pl.ds(r0, ROWS_PER_TILE)])


_sc_deg = pl.kernel(
    _sc_deg_body,
    out_type=jax.ShapeDtypeStruct((NC, N_PAD, D), jnp.float32),
    mesh=_mesh,
    scratch_types=[
        pltpu.VMEM((KC, CH), jnp.int32),
        pltpu.VMEM((CH, D), jnp.float32),
        pltpu.VMEM_SHARED((N_PAD, D), jnp.float32),
    ],
)


def _dense_body(relu, x_ref, agg_ref, deg_ref, ws_ref, wn_ref, b_ref, out_ref):
    deg = jnp.maximum(deg_ref[0], 1.0)
    a = agg_ref[0] / deg
    h = (jnp.dot(x_ref[...], ws_ref[0], preferred_element_type=jnp.float32)
         + jnp.dot(a, wn_ref[0], preferred_element_type=jnp.float32)
         + b_ref[0])
    out_ref[...] = jnp.maximum(h, 0.0) if relu else h


def _dense(x, agg, deg, ws, wn, b, relu):
    B = 1000
    grid = (2, N // B)
    nb = N // B
    return pl.pallas_call(
        functools.partial(_dense_body, relu),
        grid=grid,
        in_specs=[
            pl.BlockSpec((B, D), lambda t, i: (t * nb + i, 0)),
            pl.BlockSpec((1, B, D), lambda t, i: (t, i, 0)),
            pl.BlockSpec((1, B, 1), lambda t, i: (t, i, 0)),
            pl.BlockSpec((1, D, D), lambda t, i: (t, 0, 0)),
            pl.BlockSpec((1, D, D), lambda t, i: (t, 0, 0)),
            pl.BlockSpec((1, 1, D), lambda t, i: (t, 0, 0)),
        ],
        out_specs=pl.BlockSpec((B, D), lambda t, i: (t * nb + i, 0)),
        out_shape=jax.ShapeDtypeStruct((2 * N, D), jnp.float32),
    )(x, agg, deg, ws, wn, b)


def _prep_rel(ei, src_off):
    src = ei[0].astype(jnp.int32) + src_off
    dst = ei[1].astype(jnp.int32)
    pad = E_PAD - E
    src = jnp.concatenate([src, jnp.zeros((pad,), jnp.int32)])
    dst = jnp.concatenate([dst, jnp.full((pad,), N, jnp.int32)])
    return src.reshape(NS, NCHUNK, CH), dst.reshape(NS, NCHUNK, CH)


def kernel(x_user, x_movie, edge_index_rates, edge_index_rated_by,
           W_self_rates1, W_neigh_rates1, b_rates1,
           W_self_rb1, W_neigh_rb1, b_rb1,
           W_self_rates2, W_neigh_rates2, b_rates2,
           W_self_rb2, W_neigh_rb2, b_rb2):
    src_rb, dst_rb = _prep_rel(edge_index_rated_by, N)
    src_rt, dst_rt = _prep_rel(edge_index_rates, 0)
    src_idx = jnp.stack([src_rb, src_rt])
    dst_idx = jnp.stack([dst_rb, dst_rt])
    zeros = jnp.zeros((N_PAD, D), jnp.float32)
    ones = jnp.ones((CH, D), jnp.float32)

    deg = _sc_deg(ones, dst_idx, zeros)[:, :, :1]

    x_all = jnp.concatenate([x_user, x_movie], axis=0)
    agg1 = _sc_agg(x_all, src_idx, dst_idx, zeros)

    ws1 = jnp.stack([W_self_rb1, W_self_rates1])
    wn1 = jnp.stack([W_neigh_rb1, W_neigh_rates1])
    bs1 = jnp.stack([b_rb1, b_rates1])[:, None, :]
    h = _dense(x_all, agg1, deg, ws1, wn1, bs1, relu=True)

    agg2 = _sc_agg(h, src_idx, dst_idx, zeros)

    ws2 = jnp.stack([W_self_rb2, W_self_rates2])
    wn2 = jnp.stack([W_neigh_rb2, W_neigh_rates2])
    bs2 = jnp.stack([b_rb2, b_rates2])[:, None, :]
    out = _dense(h, agg2, deg, ws2, wn2, bs2, relu=False)
    return out[:N], out[N:]

# --- scband reference (transcript-rebuilt; emitter-appended) ---
"""Pipeline reference for scband-hetero-graph-sageencoder-27754078667401 (READ-ONLY COPY).

The authoritative reference and input builder live on the scoring server;
editing this copy changes nothing except your own understanding.
"""

import jax, jax.numpy as jnp
import numpy as np

N_USER = 10000
N_MOVIE = 10000
E = 320000
D_IN = 128
D_HID = 128
D_OUT = 128


def setup_inputs(seed: int = 0) -> dict:
    key = jax.random.key(seed)
    ks = jax.random.split(key, 20)
    inp = {}
    inp["x_user"] = jax.random.normal(ks[0], (N_USER, D_IN), dtype=jnp.float32)
    inp["x_movie"] = jax.random.normal(ks[1], (N_MOVIE, D_IN), dtype=jnp.float32)
    # row 0 = src node ids, row 1 = dst node ids
    inp["edge_index_rates"] = jax.random.randint(ks[2], (2, E), 0, N_USER).astype(jnp.int64)      # user -> movie
    inp["edge_index_rated_by"] = jax.random.randint(ks[3], (2, E), 0, N_MOVIE).astype(jnp.int64)  # movie -> user

    def w(k, i, o):
        return jax.random.normal(k, (i, o), dtype=jnp.float32) * 0.05

    # layer 1 (in -> hid), one SAGEConv per relation
    inp["W_self_rates1"] = w(ks[4], D_IN, D_HID)
    inp["W_neigh_rates1"] = w(ks[5], D_IN, D_HID)
    inp["b_rates1"] = jnp.zeros((D_HID,), dtype=jnp.float32)
    inp["W_self_rb1"] = w(ks[6], D_IN, D_HID)
    inp["W_neigh_rb1"] = w(ks[7], D_IN, D_HID)
    inp["b_rb1"] = jnp.zeros((D_HID,), dtype=jnp.float32)
    # layer 2 (hid -> out)
    inp["W_self_rates2"] = w(ks[8], D_HID, D_OUT)
    inp["W_neigh_rates2"] = w(ks[9], D_HID, D_OUT)
    inp["b_rates2"] = jnp.zeros((D_OUT,), dtype=jnp.float32)
    inp["W_self_rb2"] = w(ks[10], D_HID, D_OUT)
    inp["W_neigh_rb2"] = w(ks[11], D_HID, D_OUT)
    inp["b_rb2"] = jnp.zeros((D_OUT,), dtype=jnp.float32)
    return inp


def _sage_conv(x_src, x_dst, edges, W_self, W_neigh, b, num_dst):
    # DGL SAGEConv, aggregator_type='mean':
    #   h_dst = fc_self(x_dst) + fc_neigh(mean_{u in N(v)} x_src[u]) + bias
    src = edges[0]
    dst = edges[1]
    msg = jnp.take(x_src, src, axis=0)
    agg = jax.ops.segment_sum(msg, dst, num_segments=num_dst)
    deg = jax.ops.segment_sum(jnp.ones((edges.shape[1],), dtype=jnp.float32), dst, num_segments=num_dst)
    agg = agg / jnp.maximum(deg, 1.0)[:, None]
    return x_dst @ W_self + agg @ W_neigh + b


def reference(x_user, x_movie, edge_index_rates, edge_index_rated_by,
              W_self_rates1, W_neigh_rates1, b_rates1,
              W_self_rb1, W_neigh_rb1, b_rb1,
              W_self_rates2, W_neigh_rates2, b_rates2,
              W_self_rb2, W_neigh_rb2, b_rb2):
    # conv1: HeteroGraphConv(aggregate='sum'); each dst type receives one relation
    h_movie = _sage_conv(x_user, x_movie, edge_index_rates, W_self_rates1, W_neigh_rates1, b_rates1, N_MOVIE)
    h_user = _sage_conv(x_movie, x_user, edge_index_rated_by, W_self_rb1, W_neigh_rb1, b_rb1, N_USER)
    h_movie = jax.nn.relu(h_movie)
    h_user = jax.nn.relu(h_user)
    # conv2
    out_movie = _sage_conv(h_user, h_movie, edge_index_rates, W_self_rates2, W_neigh_rates2, b_rates2, N_MOVIE)
    out_user = _sage_conv(h_movie, h_user, edge_index_rated_by, W_self_rb2, W_neigh_rb2, b_rb2, N_USER)
    return (out_user, out_movie)

if __name__ == "__main__":
    import jax
    _d = setup_inputs()
    print(jax.jit(kernel)(*tuple(_d.values())))

</pallas_src>

<mosaic_0001>
#map = affine_map<(d0, d1) -> (0, 0)>
#map1 = affine_map<(d0, d1) -> (0, 0, 0, 0)>
#map2 = affine_map<(d0, d1) -> (0, 0, 0)>
module attributes {stable_mosaic.version = 14 : i64} {
  func.func @_sc_deg_body(%arg0: i32, %arg1: i32, %arg2: memref<128x128xf32, #tpu.memory_space<hbm>>, %arg3: memref<2x16x160x128xi32, #tpu.memory_space<hbm>>, %arg4: memref<10112x128xf32, #tpu.memory_space<hbm>>, %arg5: memref<2x10112x128xf32, #tpu.memory_space<hbm>>, %arg6: memref<8x128xi32, #tpu.memory_space<vmem>>, %arg7: memref<128x128xf32, #tpu.memory_space<vmem>>, %arg8: memref<10112x128xf32, #tpu.memory_space<vmem_shared>>) attributes {dimension_semantics = [#tpu.dimension_semantics<core_parallel>, #tpu.dimension_semantics<subcore_parallel>], iteration_bounds = array<i64: 2, 16>, scalar_prefetch = 0 : i64, scratch_operands = 3 : i64, tpu.core_type = #tpu.core_type<sc_vector_subcore>, window_params = [{transform_indices = #map}, {transform_indices = #map1}, {transform_indices = #map}, {transform_indices = #map2}]} {
    %mul3A = arith.constant 632 : i32
    %mul3A_0 = arith.muli %arg1, %mul3A : i32
    "tpu.region"() ({
      %run_scoped3A = tpu.sem_alloc : memref<!tpu.dma_semaphore, #tpu.memory_space<semaphore_mem>>
      %dma_start3A = arith.constant 0 : i32
      %dma_start3A_7 = tpu.memref_slice %arg8[%mul3A_0, %dma_start3A] : memref<10112x128xf32, #tpu.memory_space<vmem_shared>> -> memref<632x128xf32, #tpu.memory_space<vmem_shared>>
      %dma_start3A_8 = arith.constant 0 : i32
      %dma_start3A_9 = tpu.memref_slice %arg4[%mul3A_0, %dma_start3A_8] : memref<10112x128xf32, #tpu.memory_space<hbm>> -> memref<632x128xf32, #tpu.memory_space<hbm>>
      tpu.enqueue_dma source(%dma_start3A_9 : memref<632x128xf32, #tpu.memory_space<hbm>>) target(%dma_start3A_7 : memref<632x128xf32, #tpu.memory_space<vmem_shared>>) target_semaphore(%run_scoped3A : memref<!tpu.dma_semaphore, #tpu.memory_space<semaphore_mem>>)
      %dma_wait3A = arith.constant 0 : i32
      %dma_wait3A_10 = tpu.memref_slice %arg8[%mul3A_0, %dma_wait3A] : memref<10112x128xf32, #tpu.memory_space<vmem_shared>> -> memref<632x128xf32, #tpu.memory_space<vmem_shared>>
      %dma_wait3A_11 = arith.constant 0 : i32
      %dma_wait3A_12 = tpu.memref_slice %arg4[%mul3A_0, %dma_wait3A_11] : memref<10112x128xf32, #tpu.memory_space<hbm>> -> memref<632x128xf32, #tpu.memory_space<hbm>>
      tpu.wait_dma2 semaphore(%run_scoped3A : memref<!tpu.dma_semaphore, #tpu.memory_space<semaphore_mem>>) src(%dma_wait3A_12 : memref<632x128xf32, #tpu.memory_space<hbm>>) dst(%dma_wait3A_10 : memref<632x128xf32, #tpu.memory_space<vmem_shared>>)
      tpu.yield
    }) : () -> ()
    "tpu.region"() ({
      %run_scoped3A = tpu.sem_alloc : memref<!tpu.dma_semaphore, #tpu.memory_space<semaphore_mem>>
      tpu.enqueue_dma source(%arg2 : memref<128x128xf32, #tpu.memory_space<hbm>>) target(%arg7 : memref<128x128xf32, #tpu.memory_space<vmem>>) target_semaphore(%run_scoped3A : memref<!tpu.dma_semaphore, #tpu.memory_space<semaphore_mem>>)
      tpu.wait_dma2 semaphore(%run_scoped3A : memref<!tpu.dma_semaphore, #tpu.memory_space<semaphore_mem>>) src(%arg2 : memref<128x128xf32, #tpu.memory_space<hbm>>) dst(%arg7 : memref<128x128xf32, #tpu.memory_space<vmem>>)
      tpu.yield
    }) : () -> ()
    %barrier3A = arith.constant 0 : index
    tpu.barrier barrier_id(%barrier3A)
    %scan3A = arith.constant 0 : i32
    %scan3A_1 = arith.constant 0 : i32
    %scan3A_2 = arith.constant 20 : i32
    %scan3A_3 = arith.addi %scan3A_1, %scan3A_2 : i32
    %scan3A_4 = arith.constant 1 : i32
    scf.for %scan3A_7 = %scan3A_1 to %scan3A_3 step %scan3A_4  : i32 {
      %mul3A_8 = arith.constant 8 : i32
      %mul3A_9 = arith.muli %scan3A_7, %mul3A_8 : i32
      "tpu.region"() ({
        %run_scoped3A = tpu.sem_alloc : memref<!tpu.dma_semaphore, #tpu.memory_space<semaphore_mem>>
        %dma_start3A = arith.constant 0 : i32
        %dma_start3A_16 = tpu.memref_slice %arg3[%arg0, %arg1, %mul3A_9, %dma_start3A] : memref<2x16x160x128xi32, #tpu.memory_space<hbm>> -> memref<1x1x8x128xi32, #tpu.memory_space<hbm>>
        %dma_start3A_17 = tpu.memref_squeeze %dma_start3A_16 : memref<1x1x8x128xi32, #tpu.memory_space<hbm>> -> memref<8x128xi32, #tpu.memory_space<hbm>>
        %dma_start3A_18 = arith.constant 0 : i32
        %dma_start3A_19 = tpu.memref_slice %arg3[%arg0, %arg1, %mul3A_9, %dma_start3A_18] : memref<2x16x160x128xi32, #tpu.memory_space<hbm>> -> memref<1x1x8x128xi32, #tpu.memory_space<hbm>>
        %dma_start3A_20 = tpu.memref_squeeze %dma_start3A_19 : memref<1x1x8x128xi32, #tpu.memory_space<hbm>> -> memref<8x128xi32, #tpu.memory_space<hbm>>
        tpu.enqueue_dma source(%dma_start3A_20 : memref<8x128xi32, #tpu.memory_space<hbm>>) target(%arg6 : memref<8x128xi32, #tpu.memory_space<vmem>>) target_semaphore(%run_scoped3A : memref<!tpu.dma_semaphore, #tpu.memory_space<semaphore_mem>>)
        %dma_wait3A = arith.constant 0 : i32
        %dma_wait3A_21 = tpu.memref_slice %arg3[%arg0, %arg1, %mul3A_9, %dma_wait3A] : memref<2x16x160x128xi32, #tpu.memory_space<hbm>> -> memref<1x1x8x128xi32, #tpu.memory_space<hbm>>
        %dma_wait3A_22 = tpu.memref_squeeze %dma_wait3A_21 : memref<1x1x8x128xi32, #tpu.memory_space<hbm>> -> memref<8x128xi32, #tpu.memory_space<hbm>>
        %dma_wait3A_23 = arith.constant 0 : i32
        %dma_wait3A_24 = tpu.memref_slice %arg3[%arg0, %arg1, %mul3A_9, %dma_wait3A_23] : memref<2x16x160x128xi32, #tpu.memory_space<hbm>> -> memref<1x1x8x128xi32, #tpu.memory_space<hbm>>
        %dma_wait3A_25 = tpu.memref_squeeze %dma_wait3A_24 : memref<1x1x8x128xi32, #tpu.memory_space<hbm>> -> memref<8x128xi32, #tpu.memory_space<hbm>>
        tpu.wait_dma2 semaphore(%run_scoped3A : memref<!tpu.dma_semaphore, #tpu.memory_space<semaphore_mem>>) src(%dma_wait3A_25 : memref<8x128xi32, #tpu.memory_space<hbm>>) dst(%arg6 : memref<8x128xi32, #tpu.memory_space<vmem>>)
        tpu.yield
      }) : () -> ()
      %scan3A_10 = arith.constant 0 : i32
      %scan3A_11 = arith.constant 0 : i32
      %scan3A_12 = arith.constant 8 : i32
      %scan3A_13 = arith.addi %scan3A_11, %scan3A_12 : i32
      %scan3A_14 = arith.constant 1 : i32
      scf.for %scan3A_16 = %scan3A_11 to %scan3A_13 step %scan3A_14  : i32 {
        "tpu.region"() ({
          %run_scoped3A = tpu.sem_alloc : memref<!tpu.dma_semaphore, #tpu.memory_space<semaphore_mem>>
          %dma_start3A = arith.constant 0 : i32
          %dma_start3A_17 = tpu.memref_slice %arg6[%scan3A_16, %dma_start3A] : memref<8x128xi32, #tpu.memory_space<vmem>> -> memref<1x128xi32, #tpu.memory_space<vmem>>
          %dma_start3A_18 = tpu.memref_squeeze %dma_start3A_17 : memref<1x128xi32, #tpu.memory_space<vmem>> -> memref<128xi32, #tpu.memory_space<vmem>>
          %dma_start3A_19 = arith.constant 0 : i32
          %dma_start3A_20 = arith.constant 0 : i32
          %dma_start3A_21 = tpu.memref_slice %arg8[%dma_start3A_19, %dma_start3A_20] : memref<10112x128xf32, #tpu.memory_space<vmem_shared>> -> memref<10112x128xf32, #tpu.memory_space<vmem_shared>>
          tpu.enqueue_indirect_dma source(%arg7 : memref<128x128xf32, #tpu.memory_space<vmem>>) target(%dma_start3A_21 : memref<10112x128xf32, #tpu.memory_space<vmem_shared>>) offsets(%dma_start3A_18 : memref<128xi32, #tpu.memory_space<vmem>>) semaphore(%run_scoped3A : memref<!tpu.dma_semaphore, #tpu.memory_space<semaphore_mem>>) {add = true}
          %dma_wait3A = arith.constant 0 : i32
          %dma_wait3A_22 = tpu.memref_slice %arg6[%scan3A_16, %dma_wait3A] : memref<8x128xi32, #tpu.memory_space<vmem>> -> memref<1x128xi32, #tpu.memory_space<vmem>>
          %dma_wait3A_23 = tpu.memref_squeeze %dma_wait3A_22 : memref<1x128xi32, #tpu.memory_space<vmem>> -> memref<128xi32, #tpu.memory_space<vmem>>
          %dma_wait3A_24 = arith.constant 0 : i32
          %dma_wait3A_25 = arith.constant 0 : i32
          %dma_wait3A_26 = tpu.memref_slice %arg8[%dma_wait3A_24, %dma_wait3A_25] : memref<10112x128xf32, #tpu.memory_space<vmem_shared>> -> memref<10112x128xf32, #tpu.memory_space<vmem_shared>>
          tpu.wait_indirect_dma semaphore(%run_scoped3A : memref<!tpu.dma_semaphore, #tpu.memory_space<semaphore_mem>>) src(%arg7 : memref<128x128xf32, #tpu.memory_space<vmem>>) dst(%dma_wait3A_26 : memref<10112x128xf32, #tpu.memory_space<vmem_shared>>)
          tpu.yield
        }) : () -> ()
      }
      %scan3A_15 = arith.constant 8 : i32
    }
    %scan3A_5 = arith.constant 20 : i32
    %barrier3A_6 = arith.constant 0 : index
    tpu.barrier barrier_id(%barrier3A_6)
    "tpu.region"() ({
      %run_scoped3A = tpu.sem_alloc : memref<!tpu.dma_semaphore, #tpu.memory_space<semaphore_mem>>
      %dma_start3A = arith.constant 0 : i32
      %dma_start3A_7 = tpu.memref_slice %arg5[%arg0, %mul3A_0, %dma_start3A] : memref<2x10112x128xf32, #tpu.memory_space<hbm>> -> memref<1x632x128xf32, #tpu.memory_space<hbm>>
      %dma_start3A_8 = tpu.memref_squeeze %dma_start3A_7 : memref<1x632x128xf32, #tpu.memory_space<hbm>> -> memref<632x128xf32, #tpu.memory_space<hbm>>
      %dma_start3A_9 = arith.constant 0 : i32
      %dma_start3A_10 = tpu.memref_slice %arg8[%mul3A_0, %dma_start3A_9] : memref<10112x128xf32, #tpu.memory_space<vmem_shared>> -> memref<632x128xf32, #tpu.memory_space<vmem_shared>>
      tpu.enqueue_dma source(%dma_start3A_10 : memref<632x128xf32, #tpu.memory_space<vmem_shared>>) target(%dma_start3A_8 : memref<632x128xf32, #tpu.memory_space<hbm>>) target_semaphore(%run_scoped3A : memref<!tpu.dma_semaphore, #tpu.memory_space<semaphore_mem>>)
      %dma_wait3A = arith.constant 0 : i32
      %dma_wait3A_11 = tpu.memref_slice %arg5[%arg0, %mul3A_0, %dma_wait3A] : memref<2x10112x128xf32, #tpu.memory_space<hbm>> -> memref<1x632x128xf32, #tpu.memory_space<hbm>>
      %dma_wait3A_12 = tpu.memref_squeeze %dma_wait3A_11 : memref<1x632x128xf32, #tpu.memory_space<hbm>> -> memref<632x128xf32, #tpu.memory_space<hbm>>
      %dma_wait3A_13 = arith.constant 0 : i32
      %dma_wait3A_14 = tpu.memref_slice %arg8[%mul3A_0, %dma_wait3A_13] : memref<10112x128xf32, #tpu.memory_space<vmem_shared>> -> memref<632x128xf32, #tpu.memory_space<vmem_shared>>
      tpu.wait_dma2 semaphore(%run_scoped3A : memref<!tpu.dma_semaphore, #tpu.memory_space<semaphore_mem>>) src(%dma_wait3A_14 : memref<632x128xf32, #tpu.memory_space<vmem_shared>>) dst(%dma_wait3A_12 : memref<632x128xf32, #tpu.memory_space<hbm>>)
      tpu.yield
    }) : () -> ()
    return
  }
}

#map = affine_map<(d0, d1) -> (0, 0)>
#map1 = affine_map<(d0, d1) -> (0, 0, 0, 0)>
#map2 = affine_map<(d0, d1) -> (0, 0, 0)>
module attributes {stable_mosaic.version = 14 : i64} {
  func.func @_sc_agg_body(%arg0: i32, %arg1: i32, %arg2: memref<20000x128xf32, #tpu.memory_space<hbm>>, %arg3: memref<2x16x160x128xi32, #tpu.memory_space<hbm>>, %arg4: memref<2x16x160x128xi32, #tpu.memory_space<hbm>>, %arg5: memref<10112x128xf32, #tpu.memory_space<hbm>>, %arg6: memref<2x10112x128xf32, #tpu.memory_space<hbm>>, %arg7: memref<8x128xi32, #tpu.memory_space<vmem>>, %arg8: memref<8x128xi32, #tpu.memory_space<vmem>>, %arg9: memref<8x128xi32, #tpu.memory_space<vmem>>, %arg10: memref<8x128xi32, #tpu.memory_space<vmem>>, %arg11: memref<128x128xf32, #tpu.memory_space<vmem>>, %arg12: memref<128x128xf32, #tpu.memory_space<vmem>>, %arg13: memref<10112x128xf32, #tpu.memory_space<vmem_shared>>, %arg14: memref<!tpu.dma_semaphore, #tpu.memory_space<semaphore_mem>>, %arg15: memref<!tpu.dma_semaphore, #tpu.memory_space<semaphore_mem>>, %arg16: memref<!tpu.dma_semaphore, #tpu.memory_space<semaphore_mem>>) attributes {dimension_semantics = [#tpu.dimension_semantics<core_parallel>, #tpu.dimension_semantics<subcore_parallel>], iteration_bounds = array<i64: 2, 16>, scalar_prefetch = 0 : i64, scratch_operands = 10 : i64, tpu.core_type = #tpu.core_type<sc_vector_subcore>, window_params = [{transform_indices = #map}, {transform_indices = #map1}, {transform_indices = #map1}, {transform_indices = #map}, {transform_indices = #map2}]} {
    %mul3A = arith.constant 632 : i32
    %mul3A_0 = arith.muli %arg1, %mul3A : i32
    "tpu.region"() ({
      %run_scoped3A = tpu.sem_alloc : memref<!tpu.dma_semaphore, #tpu.memory_space<semaphore_mem>>
      %dma_start3A_13 = arith.constant 0 : i32
      %dma_start3A_14 = tpu.memref_slice %arg13[%mul3A_0, %dma_start3A_13] : memref<10112x128xf32, #tpu.memory_space<vmem_shared>> -> memref<632x128xf32, #tpu.memory_space<vmem_shared>>
      %dma_start3A_15 = arith.constant 0 : i32
      %dma_start3A_16 = tpu.memref_slice %arg5[%mul3A_0, %dma_start3A_15] : memref<10112x128xf32, #tpu.memory_space<hbm>> -> memref<632x128xf32, #tpu.memory_space<hbm>>
      tpu.enqueue_dma source(%dma_start3A_16 : memref<632x128xf32, #tpu.memory_space<hbm>>) target(%dma_start3A_14 : memref<632x128xf32, #tpu.memory_space<vmem_shared>>) target_semaphore(%run_scoped3A : memref<!tpu.dma_semaphore, #tpu.memory_space<semaphore_mem>>)
      %dma_wait3A = arith.constant 0 : i32
      %dma_wait3A_17 = tpu.memref_slice %arg13[%mul3A_0, %dma_wait3A] : memref<10112x128xf32, #tpu.memory_space<vmem_shared>> -> memref<632x128xf32, #tpu.memory_space<vmem_shared>>
      %dma_wait3A_18 = arith.constant 0 : i32
      %dma_wait3A_19 = tpu.memref_slice %arg5[%mul3A_0, %dma_wait3A_18] : memref<10112x128xf32, #tpu.memory_space<hbm>> -> memref<632x128xf32, #tpu.memory_space<hbm>>
      tpu.wait_dma2 semaphore(%run_scoped3A : memref<!tpu.dma_semaphore, #tpu.memory_space<semaphore_mem>>) src(%dma_wait3A_19 : memref<632x128xf32, #tpu.memory_space<hbm>>) dst(%dma_wait3A_17 : memref<632x128xf32, #tpu.memory_space<vmem_shared>>)
      tpu.yield
    }) : () -> ()
    %barrier3A = arith.constant 0 : index
    tpu.barrier barrier_id(%barrier3A)
    "tpu.region"() ({
      %run_scoped3A = tpu.sem_alloc : memref<!tpu.dma_semaphore, #tpu.memory_space<semaphore_mem>>
      %dma_start3A_13 = arith.constant 0 : i32
      %dma_start3A_14 = arith.constant 0 : i32
      %dma_start3A_15 = tpu.memref_slice %arg3[%arg0, %arg1, %dma_start3A_13, %dma_start3A_14] : memref<2x16x160x128xi32, #tpu.memory_space<hbm>> -> memref<1x1x8x128xi32, #tpu.memory_space<hbm>>
      %dma_start3A_16 = tpu.memref_squeeze %dma_start3A_15 : memref<1x1x8x128xi32, #tpu.memory_space<hbm>> -> memref<8x128xi32, #tpu.memory_space<hbm>>
      %dma_start3A_17 = arith.constant 0 : i32
      %dma_start3A_18 = arith.constant 0 : i32
      %dma_start3A_19 = tpu.memref_slice %arg3[%arg0, %arg1, %dma_start3A_17, %dma_start3A_18] : memref<2x16x160x128xi32, #tpu.memory_space<hbm>> -> memref<1x1x8x128xi32, #tpu.memory_space<hbm>>
      %dma_start3A_20 = tpu.memref_squeeze %dma_start3A_19 : memref<1x1x8x128xi32, #tpu.memory_space<hbm>> -> memref<8x128xi32, #tpu.memory_space<hbm>>
      tpu.enqueue_dma source(%dma_start3A_20 : memref<8x128xi32, #tpu.memory_space<hbm>>) target(%arg7 : memref<8x128xi32, #tpu.memory_space<vmem>>) target_semaphore(%run_scoped3A : memref<!tpu.dma_semaphore, #tpu.memory_space<semaphore_mem>>)
      %dma_wait3A = arith.constant 0 : i32
      %dma_wait3A_21 = arith.constant 0 : i32
      %dma_wait3A_22 = tpu.memref_slice %arg3[%arg0, %arg1, %dma_wait3A, %dma_wait3A_21] : memref<2x16x160x128xi32, #tpu.memory_space<hbm>> -> memref<1x1x8x128xi32, #tpu.memory_space<hbm>>
      %dma_wait3A_23 = tpu.memref_squeeze %dma_wait3A_22 : memref<1x1x8x128xi32, #tpu.memory_space<hbm>> -> memref<8x128xi32, #tpu.memory_space<hbm>>
      %dma_wait3A_24 = arith.constant 0 : i32
      %dma_wait3A_25 = arith.constant 0 : i32
      %dma_wait3A_26 = tpu.memref_slice %arg3[%arg0, %arg1, %dma_wait3A_24, %dma_wait3A_25] : memref<2x16x160x128xi32, #tpu.memory_space<hbm>> -> memref<1x1x8x128xi32, #tpu.memory_space<hbm>>
      %dma_wait3A_27 = tpu.memref_squeeze %dma_wait3A_26 : memref<1x1x8x128xi32, #tpu.memory_space<hbm>> -> memref<8x128xi32, #tpu.memory_space<hbm>>
      tpu.wait_dma2 semaphore(%run_scoped3A : memref<!tpu.dma_semaphore, #tpu.memory_space<semaphore_mem>>) src(%dma_wait3A_27 : memref<8x128xi32, #tpu.memory_space<hbm>>) dst(%arg7 : memref<8x128xi32, #tpu.memory_space<vmem>>)
      tpu.yield
    }) : () -> ()
    "tpu.region"() ({
      %run_scoped3A = tpu.sem_alloc : memref<!tpu.dma_semaphore, #tpu.memory_space<semaphore_mem>>
      %dma_start3A_13 = arith.constant 0 : i32
      %dma_start3A_14 = arith.constant 0 : i32
      %dma_start3A_15 = tpu.memref_slice %arg4[%arg0, %arg1, %dma_start3A_13, %dma_start3A_14] : memref<2x16x160x128xi32, #tpu.memory_space<hbm>> -> memref<1x1x8x128xi32, #tpu.memory_space<hbm>>
      %dma_start3A_16 = tpu.memref_squeeze %dma_start3A_15 : memref<1x1x8x128xi32, #tpu.memory_space<hbm>> -> memref<8x128xi32, #tpu.memory_space<hbm>>
      %dma_start3A_17 = arith.constant 0 : i32
      %dma_start3A_18 = arith.constant 0 : i32
      %dma_start3A_19 = tpu.memref_slice %arg4[%arg0, %arg1, %dma_start3A_17, %dma_start3A_18] : memref<2x16x160x128xi32, #tpu.memory_space<hbm>> -> memref<1x1x8x128xi32, #tpu.memory_space<hbm>>
      %dma_start3A_20 = tpu.memref_squeeze %dma_start3A_19 : memref<1x1x8x128xi32, #tpu.memory_space<hbm>> -> memref<8x128xi32, #tpu.memory_space<hbm>>
      tpu.enqueue_dma source(%dma_start3A_20 : memref<8x128xi32, #tpu.memory_space<hbm>>) target(%arg8 : memref<8x128xi32, #tpu.memory_space<vmem>>) target_semaphore(%run_scoped3A : memref<!tpu.dma_semaphore, #tpu.memory_space<semaphore_mem>>)
      %dma_wait3A = arith.constant 0 : i32
      %dma_wait3A_21 = arith.constant 0 : i32
      %dma_wait3A_22 = tpu.memref_slice %arg4[%arg0, %arg1, %dma_wait3A, %dma_wait3A_21] : memref<2x16x160x128xi32, #tpu.memory_space<hbm>> -> memref<1x1x8x128xi32, #tpu.memory_space<hbm>>
      %dma_wait3A_23 = tpu.memref_squeeze %dma_wait3A_22 : memref<1x1x8x128xi32, #tpu.memory_space<hbm>> -> memref<8x128xi32, #tpu.memory_space<hbm>>
      %dma_wait3A_24 = arith.constant 0 : i32
      %dma_wait3A_25 = arith.constant 0 : i32
      %dma_wait3A_26 = tpu.memref_slice %arg4[%arg0, %arg1, %dma_wait3A_24, %dma_wait3A_25] : memref<2x16x160x128xi32, #tpu.memory_space<hbm>> -> memref<1x1x8x128xi32, #tpu.memory_space<hbm>>
      %dma_wait3A_27 = tpu.memref_squeeze %dma_wait3A_26 : memref<1x1x8x128xi32, #tpu.memory_space<hbm>> -> memref<8x128xi32, #tpu.memory_space<hbm>>
      tpu.wait_dma2 semaphore(%run_scoped3A : memref<!tpu.dma_semaphore, #tpu.memory_space<semaphore_mem>>) src(%dma_wait3A_27 : memref<8x128xi32, #tpu.memory_space<hbm>>) dst(%arg8 : memref<8x128xi32, #tpu.memory_space<vmem>>)
      tpu.yield
    }) : () -> ()
    %dma_start3A = arith.constant 0 : i32
    %dma_start3A_1 = arith.constant 0 : i32
    %dma_start3A_2 = tpu.memref_slice %arg7[%dma_start3A, %dma_start3A_1] : memref<8x128xi32, #tpu.memory_space<vmem>> -> memref<1x128xi32, #tpu.memory_space<vmem>>
    %dma_start3A_3 = tpu.memref_squeeze %dma_start3A_2 : memref<1x128xi32, #tpu.memory_space<vmem>> -> memref<128xi32, #tpu.memory_space<vmem>>
    %dma_start3A_4 = arith.constant 0 : i32
    %dma_start3A_5 = arith.constant 0 : i32
    %dma_start3A_6 = tpu.memref_slice %arg2[%dma_start3A_4, %dma_start3A_5] : memref<20000x128xf32, #tpu.memory_space<hbm>> -> memref<20000x128xf32, #tpu.memory_space<hbm>>
    tpu.enqueue_indirect_dma source(%dma_start3A_6 : memref<20000x128xf32, #tpu.memory_space<hbm>>) target(%arg11 : memref<128x128xf32, #tpu.memory_space<vmem>>) offsets(%dma_start3A_3 : memref<128xi32, #tpu.memory_space<vmem>>) semaphore(%arg14 : memref<!tpu.dma_semaphore, #tpu.memory_space<semaphore_mem>>)
    %scan3A = arith.constant 0 : i32
    %scan3A_7 = arith.constant 0 : i32
    %scan3A_8 = arith.constant 10 : i32
    %scan3A_9 = arith.addi %scan3A_7, %scan3A_8 : i32
    %scan3A_10 = arith.constant 1 : i32
    scf.for %scan3A_13 = %scan3A_7 to %scan3A_9 step %scan3A_10  : i32 {
      %mul3A_14 = arith.constant 2 : i32
      %mul3A_15 = arith.muli %mul3A_14, %scan3A_13 : i32
      %add3A = arith.constant 1 : i32
      %add3A_16 = arith.addi %mul3A_15, %add3A : i32
      %lt3A = arith.constant 20 : i32
      %lt3A_17 = arith.cmpi slt, %add3A_16, %lt3A : i32
      %convert_element_type3A = arith.extui %lt3A_17 : i1 to i32
      %cond3A = arith.constant 0 : i32
      %cond3A_18 = arith.cmpi ne, %convert_element_type3A, %cond3A : i32
      scf.if %cond3A_18 {
        %add3A_252 = arith.constant 1 : i32
        %add3A_253 = arith.addi %mul3A_15, %add3A_252 : i32
        %mul3A_254 = arith.constant 8 : i32
        %mul3A_255 = arith.muli %add3A_253, %mul3A_254 : i32
        %dma_start3A_256 = arith.constant 0 : i32
        %dma_start3A_257 = tpu.memref_slice %arg3[%arg0, %arg1, %mul3A_255, %dma_start3A_256] : memref<2x16x160x128xi32, #tpu.memory_space<hbm>> -> memref<1x1x8x128xi32, #tpu.memory_space<hbm>>
        %dma_start3A_258 = tpu.memref_squeeze %dma_start3A_257 : memref<1x1x8x128xi32, #tpu.memory_space<hbm>> -> memref<8x128xi32, #tpu.memory_space<hbm>>
        %dma_start3A_259 = arith.constant 0 : i32
        %dma_start3A_260 = tpu.memref_slice %arg3[%arg0, %arg1, %mul3A_255, %dma_start3A_259] : memref<2x16x160x128xi32, #tpu.memory_space<hbm>> -> memref<1x1x8x128xi32, #tpu.memory_space<hbm>>
        %dma_start3A_261 = tpu.memref_squeeze %dma_start3A_260 : memref<1x1x8x128xi32, #tpu.memory_space<hbm>> -> memref<8x128xi32, #tpu.memory_space<hbm>>
        tpu.enqueue_dma source(%dma_start3A_261 : memref<8x128xi32, #tpu.memory_space<hbm>>) target(%arg9 : memref<8x128xi32, #tpu.memory_space<vmem>>) target_semaphore(%arg16 : memref<!tpu.dma_semaphore, #tpu.memory_space<semaphore_mem>>)
        %add3A_262 = arith.constant 1 : i32
        %add3A_263 = arith.addi %mul3A_15, %add3A_262 : i32
        %mul3A_264 = arith.constant 8 : i32
        %mul3A_265 = arith.muli %add3A_263, %mul3A_264 : i32
        %dma_start3A_266 = arith.constant 0 : i32
        %dma_start3A_267 = tpu.memref_slice %arg4[%arg0, %arg1, %mul3A_265, %dma_start3A_266] : memref<2x16x160x128xi32, #tpu.memory_space<hbm>> -> memref<1x1x8x128xi32, #tpu.memory_space<hbm>>
        %dma_start3A_268 = tpu.memref_squeeze %dma_start3A_267 : memref<1x1x8x128xi32, #tpu.memory_space<hbm>> -> memref<8x128xi32, #tpu.memory_space<hbm>>
        %dma_start3A_269 = arith.constant 0 : i32
        %dma_start3A_270 = tpu.memref_slice %arg4[%arg0, %arg1, %mul3A_265, %dma_start3A_269] : memref<2x16x160x128xi32, #tpu.memory_space<hbm>> -> memref<1x1x8x128xi32, #tpu.memory_space<hbm>>
        %dma_start3A_271 = tpu.memref_squeeze %dma_start3A_270 : memref<1x1x8x128xi32, #tpu.memory_space<hbm>> -> memref<8x128xi32, #tpu.memory_space<hbm>>
        tpu.enqueue_dma source(%dma_start3A_271 : memref<8x128xi32, #tpu.memory_space<hbm>>) target(%arg10 : memref<8x128xi32, #tpu.memory_space<vmem>>) target_semaphore(%arg16 : memref<!tpu.dma_semaphore, #tpu.memory_space<semaphore_mem>>)
      } else {
      }
      %dma_start3A_19 = arith.constant 1 : i32
      %dma_start3A_20 = arith.constant 0 : i32
      %dma_start3A_21 = tpu.memref_slice %arg7[%dma_start3A_19, %dma_start3A_20] : memref<8x128xi32, #tpu.memory_space<vmem>> -> memref<1x128xi32, #tpu.memory_space<vmem>>
      %dma_start3A_22 = tpu.memref_squeeze %dma_start3A_21 : memref<1x128xi32, #tpu.memory_space<vmem>> -> memref<128xi32, #tpu.memory_space<vmem>>
      %dma_start3A_23 = arith.constant 0 : i32
      %dma_start3A_24 = arith.constant 0 : i32
      %dma_start3A_25 = tpu.memref_slice %arg2[%dma_start3A_23, %dma_start3A_24] : memref<20000x128xf32, #tpu.memory_space<hbm>> -> memref<20000x128xf32, #tpu.memory_space<hbm>>
      tpu.enqueue_indirect_dma source(%dma_start3A_25 : memref<20000x128xf32, #tpu.memory_space<hbm>>) target(%arg12 : memref<128x128xf32, #tpu.memory_space<vmem>>) offsets(%dma_start3A_22 : memref<128xi32, #tpu.memory_space<vmem>>) semaphore(%arg15 : memref<!tpu.dma_semaphore, #tpu.memory_space<semaphore_mem>>)
      %dma_wait3A = arith.constant 0 : i32
      %dma_wait3A_26 = arith.constant 0 : i32
      %dma_wait3A_27 = tpu.memref_slice %arg2[%dma_wait3A, %dma_wait3A_26] : memref<20000x128xf32, #tpu.memory_space<hbm>> -> memref<128x128xf32, #tpu.memory_space<hbm>>
      %dma_wait3A_28 = arith.constant 0 : i32
      %dma_wait3A_29 = arith.constant 0 : i32
      %dma_wait3A_30 = tpu.memref_slice %arg2[%dma_wait3A_28, %dma_wait3A_29] : memref<20000x128xf32, #tpu.memory_space<hbm>> -> memref<128x128xf32, #tpu.memory_space<hbm>>
      tpu.wait_dma2 semaphore(%arg14 : memref<!tpu.dma_semaphore, #tpu.memory_space<semaphore_mem>>) src(%dma_wait3A_30 : memref<128x128xf32, #tpu.memory_space<hbm>>) dst(%arg11 : memref<128x128xf32, #tpu.memory_space<vmem>>)
      %run_scoped3A = arith.constant 0 : i32
      "tpu.region"() ({
        %run_scoped3A_252 = tpu.sem_alloc : memref<!tpu.dma_semaphore, #tpu.memory_space<semaphore_mem>>
        %dma_start3A_253 = arith.constant 0 : i32
        %dma_start3A_254 = tpu.memref_slice %arg8[%run_scoped3A, %dma_start3A_253] : memref<8x128xi32, #tpu.memory_space<vmem>> -> memref<1x128xi32, #tpu.memory_space<vmem>>
        %dma_start3A_255 = tpu.memref_squeeze %dma_start3A_254 : memref<1x128xi32, #tpu.memory_space<vmem>> -> memref<128xi32, #tpu.memory_space<vmem>>
        %dma_start3A_256 = arith.constant 0 : i32
        %dma_start3A_257 = arith.constant 0 : i32
        %dma_start3A_258 = tpu.memref_slice %arg13[%dma_start3A_256, %dma_start3A_257] : memref<10112x128xf32, #tpu.memory_space<vmem_shared>> -> memref<10112x128xf32, #tpu.memory_space<vmem_shared>>
        tpu.enqueue_indirect_dma source(%arg11 : memref<128x128xf32, #tpu.memory_space<vmem>>) target(%dma_start3A_258 : memref<10112x128xf32, #tpu.memory_space<vmem_shared>>) offsets(%dma_start3A_255 : memref<128xi32, #tpu.memory_space<vmem>>) semaphore(%run_scoped3A_252 : memref<!tpu.dma_semaphore, #tpu.memory_space<semaphore_mem>>) {add = true}
        %dma_wait3A_259 = arith.constant 0 : i32
        %dma_wait3A_260 = tpu.memref_slice %arg8[%run_scoped3A, %dma_wait3A_259] : memref<8x128xi32, #tpu.memory_space<vmem>> -> memref<1x128xi32, #tpu.memory_space<vmem>>
        %dma_wait3A_261 = tpu.memref_squeeze %dma_wait3A_260 : memref<1x128xi32, #tpu.memory_space<vmem>> -> memref<128xi32, #tpu.memory_space<vmem>>
        %dma_wait3A_262 = arith.constant 0 : i32
        %dma_wait3A_263 = arith.constant 0 : i32
        %dma_wait3A_264 = tpu.memref_slice %arg13[%dma_wait3A_262, %dma_wait3A_263] : memref<10112x128xf32, #tpu.memory_space<vmem_shared>> -> memref<10112x128xf32, #tpu.memory_space<vmem_shared>>
        tpu.wait_indirect_dma semaphore(%run_scoped3A_252 : memref<!tpu.dma_semaphore, #tpu.memory_space<semaphore_mem>>) src(%arg11 : memref<128x128xf32, #tpu.memory_space<vmem>>) dst(%dma_wait3A_264 : memref<10112x128xf32, #tpu.memory_space<vmem_shared>>)
        tpu.yield
      }) : () -> ()
      %dma_start3A_31 = arith.constant 2 : i32
      %dma_start3A_32 = arith.constant 0 : i32
      %dma_start3A_33 = tpu.memref_slice %arg7[%dma_start3A_31, %dma_start3A_32] : memref<8x128xi32, #tpu.memory_space<vmem>> -> memref<1x128xi32, #tpu.memory_space<vmem>>
      %dma_start3A_34 = tpu.memref_squeeze %dma_start3A_33 : memref<1x128xi32, #tpu.memory_space<vmem>> -> memref<128xi32, #tpu.memory_space<vmem>>
      %dma_start3A_35 = arith.constant 0 : i32
      %dma_start3A_36 = arith.constant 0 : i32
      %dma_start3A_37 = tpu.memref_slice %arg2[%dma_start3A_35, %dma_start3A_36] : memref<20000x128xf32, #tpu.memory_space<hbm>> -> memref<20000x128xf32, #tpu.memory_space<hbm>>
      tpu.enqueue_indirect_dma source(%dma_start3A_37 : memref<20000x128xf32, #tpu.memory_space<hbm>>) target(%arg11 : memref<128x128xf32, #tpu.memory_space<vmem>>) offsets(%dma_start3A_34 : memref<128xi32, #tpu.memory_space<vmem>>) semaphore(%arg14 : memref<!tpu.dma_semaphore, #tpu.memory_space<semaphore_mem>>)
      %dma_wait3A_38 = arith.constant 0 : i32
      %dma_wait3A_39 = arith.constant 0 : i32
      %dma_wait3A_40 = tpu.memref_slice %arg2[%dma_wait3A_38, %dma_wait3A_39] : memref<20000x128xf32, #tpu.memory_space<hbm>> -> memref<128x128xf32, #tpu.memory_space<hbm>>
      %dma_wait3A_41 = arith.constant 0 : i32
      %dma_wait3A_42 = arith.constant 0 : i32
      %dma_wait3A_43 = tpu.memref_slice %arg2[%dma_wait3A_41, %dma_wait3A_42] : memref<20000x128xf32, #tpu.memory_space<hbm>> -> memref<128x128xf32, #tpu.memory_space<hbm>>
      tpu.wait_dma2 semaphore(%arg15 : memref<!tpu.dma_semaphore, #tpu.memory_space<semaphore_mem>>) src(%dma_wait3A_43 : memref<128x128xf32, #tpu.memory_space<hbm>>) dst(%arg12 : memref<128x128xf32, #tpu.memory_space<vmem>>)
      %run_scoped3A_44 = arith.constant 1 : i32
      "tpu.region"() ({
        %run_scoped3A_252 = tpu.sem_alloc : memref<!tpu.dma_semaphore, #tpu.memory_space<semaphore_mem>>
        %dma_start3A_253 = arith.constant 0 : i32
        %dma_start3A_254 = tpu.memref_slice %arg8[%run_scoped3A_44, %dma_start3A_253] : memref<8x128xi32, #tpu.memory_space<vmem>> -> memref<1x128xi32, #tpu.memory_space<vmem>>
        %dma_start3A_255 = tpu.memref_squeeze %dma_start3A_254 : memref<1x128xi32, #tpu.memory_space<vmem>> -> memref<128xi32, #tpu.memory_space<vmem>>
        %dma_start3A_256 = arith.constant 0 : i32
        %dma_start3A_257 = arith.constant 0 : i32
        %dma_start3A_258 = tpu.memref_slice %arg13[%dma_start3A_256, %dma_start3A_257] : memref<10112x128xf32, #tpu.memory_space<vmem_shared>> -> memref<10112x128xf32, #tpu.memory_space<vmem_shared>>
        tpu.enqueue_indirect_dma source(%arg12 : memref<128x128xf32, #tpu.memory_space<vmem>>) target(%dma_start3A_258 : memref<10112x128xf32, #tpu.memory_space<vmem_shared>>) offsets(%dma_start3A_255 : memref<128xi32, #tpu.memory_space<vmem>>) semaphore(%run_scoped3A_252 : memref<!tpu.dma_semaphore, #tpu.memory_space<semaphore_mem>>) {add = true}
        %dma_wait3A_259 = arith.constant 0 : i32
        %dma_wait3A_260 = tpu.memref_slice %arg8[%run_scoped3A_44, %dma_wait3A_259] : memref<8x128xi32, #tpu.memory_space<vmem>> -> memref<1x128xi32, #tpu.memory_space<vmem>>
        %dma_wait3A_261 = tpu.memref_squeeze %dma_wait3A_260 : memref<1x128xi32, #tpu.memory_space<vmem>> -> memref<128xi32, #tpu.memory_space<vmem>>
        %dma_wait3A_262 = arith.constant 0 : i32
        %dma_wait3A_263 = arith.constant 0 : i32
        %dma_wait3A_264 = tpu.memref_slice %arg13[%dma_wait3A_262, %dma_wait3A_263] : memref<10112x128xf32, #tpu.memory_space<vmem_shared>> -> memref<10112x128xf32, #tpu.memory_space<vmem_shared>>
        tpu.wait_indirect_dma semaphore(%run_scoped3A_252 : memref<!tpu.dma_semaphore, #tpu.memory_space<semaphore_mem>>) src(%arg12 : memref<128x128xf32, #tpu.memory_space<vmem>>) dst(%dma_wait3A_264 : memref<10112x128xf32, #tpu.memory_space<vmem_shared>>)
        tpu.yield
      }) : () -> ()
      %dma_start3A_45 = arith.constant 3 : i32
      %dma_start3A_46 = arith.constant 0 : i32
      %dma_start3A_47 = tpu.memref_slice %arg7[%dma_start3A_45, %dma_start3A_46] : memref<8x128xi32, #tpu.memory_space<vmem>> -> memref<1x128xi32, #tpu.memory_space<vmem>>
      %dma_start3A_48 = tpu.memref_squeeze %dma_start3A_47 : memref<1x128xi32, #tpu.memory_space<vmem>> -> memref<128xi32, #tpu.memory_space<vmem>>
      %dma_start3A_49 = arith.constant 0 : i32
      %dma_start3A_50 = arith.constant 0 : i32
      %dma_start3A_51 = tpu.memref_slice %arg2[%dma_start3A_49, %dma_start3A_50] : memref<20000x128xf32, #tpu.memory_space<hbm>> -> memref<20000x128xf32, #tpu.memory_space<hbm>>
      tpu.enqueue_indirect_dma source(%dma_start3A_51 : memref<20000x128xf32, #tpu.memory_space<hbm>>) target(%arg12 : memref<128x128xf32, #tpu.memory_space<vmem>>) offsets(%dma_start3A_48 : memref<128xi32, #tpu.memory_space<vmem>>) semaphore(%arg15 : memref<!tpu.dma_semaphore, #tpu.memory_space<semaphore_mem>>)
      %dma_wait3A_52 = arith.constant 0 : i32
      %dma_wait3A_53 = arith.constant 0 : i32
      %dma_wait3A_54 = tpu.memref_slice %arg2[%dma_wait3A_52, %dma_wait3A_53] : memref<20000x128xf32, #tpu.memory_space<hbm>> -> memref<128x128xf32, #tpu.memory_space<hbm>>
      %dma_wait3A_55 = arith.constant 0 : i32
      %dma_wait3A_56 = arith.constant 0 : i32
      %dma_wait3A_57 = tpu.memref_slice %arg2[%dma_wait3A_55, %dma_wait3A_56] : memref<20000x128xf32, #tpu.memory_space<hbm>> -> memref<128x128xf32, #tpu.memory_space<hbm>>
      tpu.wait_dma2 semaphore(%arg14 : memref<!tpu.dma_semaphore, #tpu.memory_space<semaphore_mem>>) src(%dma_wait3A_57 : memref<128x128xf32, #tpu.memory_space<hbm>>) dst(%arg11 : memref<128x128xf32, #tpu.memory_space<vmem>>)
      %run_scoped3A_58 = arith.constant 2 : i32
      "tpu.region"() ({
        %run_scoped3A_252 = tpu.sem_alloc : memref<!tpu.dma_semaphore, #tpu.memory_space<semaphore_mem>>
        %dma_start3A_253 = arith.constant 0 : i32
        %dma_start3A_254 = tpu.memref_slice %arg8[%run_scoped3A_58, %dma_start3A_253] : memref<8x128xi32, #tpu.memory_space<vmem>> -> memref<1x128xi32, #tpu.memory_space<vmem>>
        %dma_start3A_255 = tpu.memref_squeeze %dma_start3A_254 : memref<1x128xi32, #tpu.memory_space<vmem>> -> memref<128xi32, #tpu.memory_space<vmem>>
        %dma_start3A_256 = arith.constant 0 : i32
        %dma_start3A_257 = arith.constant 0 : i32
        %dma_start3A_258 = tpu.memref_slice %arg13[%dma_start3A_256, %dma_start3A_257] : memref<10112x128xf32, #tpu.memory_space<vmem_shared>> -> memref<10112x128xf32, #tpu.memory_space<vmem_shared>>
        tpu.enqueue_indirect_dma source(%arg11 : memref<128x128xf32, #tpu.memory_space<vmem>>) target(%dma_start3A_258 : memref<10112x128xf32, #tpu.memory_space<vmem_shared>>) offsets(%dma_start3A_255 : memref<128xi32, #tpu.memory_space<vmem>>) semaphore(%run_scoped3A_252 : memref<!tpu.dma_semaphore, #tpu.memory_space<semaphore_mem>>) {add = true}
        %dma_wait3A_259 = arith.constant 0 : i32
        %dma_wait3A_260 = tpu.memref_slice %arg8[%run_scoped3A_58, %dma_wait3A_259] : memref<8x128xi32, #tpu.memory_space<vmem>> -> memref<1x128xi32, #tpu.memory_space<vmem>>
        %dma_wait3A_261 = tpu.memref_squeeze %dma_wait3A_260 : memref<1x128xi32, #tpu.memory_space<vmem>> -> memref<128xi32, #tpu.memory_space<vmem>>
        %dma_wait3A_262 = arith.constant 0 : i32
        %dma_wait3A_263 = arith.constant 0 : i32
        %dma_wait3A_264 = tpu.memref_slice %arg13[%dma_wait3A_262, %dma_wait3A_263] : memref<10112x128xf32, #tpu.memory_space<vmem_shared>> -> memref<10112x128xf32, #tpu.memory_space<vmem_shared>>
        tpu.wait_indirect_dma semaphore(%run_scoped3A_252 : memref<!tpu.dma_semaphore, #tpu.memory_space<semaphore_mem>>) src(%arg11 : memref<128x128xf32, #tpu.memory_space<vmem>>) dst(%dma_wait3A_264 : memref<10112x128xf32, #tpu.memory_space<vmem_shared>>)
        tpu.yield
      }) : () -> ()
      %dma_start3A_59 = arith.constant 4 : i32
      %dma_start3A_60 = arith.constant 0 : i32
      %dma_start3A_61 = tpu.memref_slice %arg7[%dma_start3A_59, %dma_start3A_60] : memref<8x128xi32, #tpu.memory_space<vmem>> -> memref<1x128xi32, #tpu.memory_space<vmem>>
      %dma_start3A_62 = tpu.memref_squeeze %dma_start3A_61 : memref<1x128xi32, #tpu.memory_space<vmem>> -> memref<128xi32, #tpu.memory_space<vmem>>
      %dma_start3A_63 = arith.constant 0 : i32
      %dma_start3A_64 = arith.constant 0 : i32
      %dma_start3A_65 = tpu.memref_slice %arg2[%dma_start3A_63, %dma_start3A_64] : memref<20000x128xf32, #tpu.memory_space<hbm>> -> memref<20000x128xf32, #tpu.memory_space<hbm>>
      tpu.enqueue_indirect_dma source(%dma_start3A_65 : memref<20000x128xf32, #tpu.memory_space<hbm>>) target(%arg11 : memref<128x128xf32, #tpu.memory_space<vmem>>) offsets(%dma_start3A_62 : memref<128xi32, #tpu.memory_space<vmem>>) semaphore(%arg14 : memref<!tpu.dma_semaphore, #tpu.memory_space<semaphore_mem>>)
      %dma_wait3A_66 = arith.constant 0 : i32
      %dma_wait3A_67 = arith.constant 0 : i32
      %dma_wait3A_68 = tpu.memref_slice %arg2[%dma_wait3A_66, %dma_wait3A_67] : memref<20000x128xf32, #tpu.memory_space<hbm>> -> memref<128x128xf32, #tpu.memory_space<hbm>>
      %dma_wait3A_69 = arith.constant 0 : i32
      %dma_wait3A_70 = arith.constant 0 : i32
      %dma_wait3A_71 = tpu.memref_slice %arg2[%dma_wait3A_69, %dma_wait3A_70] : memref<20000x128xf32, #tpu.memory_space<hbm>> -> memref<128x128xf32, #tpu.memory_space<hbm>>
      tpu.wait_dma2 semaphore(%arg15 : memref<!tpu.dma_semaphore, #tpu.memory_space<semaphore_mem>>) src(%dma_wait3A_71 : memref<128x128xf32, #tpu.memory_space<hbm>>) dst(%arg12 : memref<128x128xf32, #tpu.memory_space<vmem>>)
      %run_scoped3A_72 = arith.constant 3 : i32
      "tpu.region"() ({
        %run_scoped3A_252 = tpu.sem_alloc : memref<!tpu.dma_semaphore, #tpu.memory_space<semaphore_mem>>
        %dma_start3A_253 = arith.constant 0 : i32
        %dma_start3A_254 = tpu.memref_slice %arg8[%run_scoped3A_72, %dma_start3A_253] : memref<8x128xi32, #tpu.memory_space<vmem>> -> memref<1x128xi32, #tpu.memory_space<vmem>>
        %dma_start3A_255 = tpu.memref_squeeze %dma_start3A_254 : memref<1x128xi32, #tpu.memory_space<vmem>> -> memref<128xi32, #tpu.memory_space<vmem>>
        %dma_start3A_256 = arith.constant 0 : i32
        %dma_start3A_257 = arith.constant 0 : i32
        %dma_start3A_258 = tpu.memref_slice %arg13[%dma_start3A_256, %dma_start3A_257] : memref<10112x128xf32, #tpu.memory_space<vmem_shared>> -> memref<10112x128xf32, #tpu.memory_space<vmem_shared>>
        tpu.enqueue_indirect_dma source(%arg12 : memref<128x128xf32, #tpu.memory_space<vmem>>) target(%dma_start3A_258 : memref<10112x128xf32, #tpu.memory_space<vmem_shared>>) offsets(%dma_start3A_255 : memref<128xi32, #tpu.memory_space<vmem>>) semaphore(%run_scoped3A_252 : memref<!tpu.dma_semaphore, #tpu.memory_space<semaphore_mem>>) {add = true}
        %dma_wait3A_259 = arith.constant 0 : i32
        %dma_wait3A_260 = tpu.memref_slice %arg8[%run_scoped3A_72, %dma_wait3A_259] : memref<8x128xi32, #tpu.memory_space<vmem>> -> memref<1x128xi32, #tpu.memory_space<vmem>>
        %dma_wait3A_261 = tpu.memref_squeeze %dma_wait3A_260 : memref<1x128xi32, #tpu.memory_space<vmem>> -> memref<128xi32, #tpu.memory_space<vmem>>
        %dma_wait3A_262 = arith.constant 0 : i32
        %dma_wait3A_263 = arith.constant 0 : i32
        %dma_wait3A_264 = tpu.memref_slice %arg13[%dma_wait3A_262, %dma_wait3A_263] : memref<10112x128xf32, #tpu.memory_space<vmem_shared>> -> memref<10112x128xf32, #tpu.memory_space<vmem_shared>>
        tpu.wait_indirect_dma semaphore(%run_scoped3A_252 : memref<!tpu.dma_semaphore, #tpu.memory_space<semaphore_mem>>) src(%arg12 : memref<128x128xf32, #tpu.memory_space<vmem>>) dst(%dma_wait3A_264 : memref<10112x128xf32, #tpu.memory_space<vmem_shared>>)
        tpu.yield
      }) : () -> ()
      %dma_start3A_73 = arith.constant 5 : i32
      %dma_start3A_74 = arith.constant 0 : i32
      %dma_start3A_75 = tpu.memref_slice %arg7[%dma_start3A_73, %dma_start3A_74] : memref<8x128xi32, #tpu.memory_space<vmem>> -> memref<1x128xi32, #tpu.memory_space<vmem>>
      %dma_start3A_76 = tpu.memref_squeeze %dma_start3A_75 : memref<1x128xi32, #tpu.memory_space<vmem>> -> memref<128xi32, #tpu.memory_space<vmem>>
      %dma_start3A_77 = arith.constant 0 : i32
      %dma_start3A_78 = arith.constant 0 : i32
      %dma_start3A_79 = tpu.memref_slice %arg2[%dma_start3A_77, %dma_start3A_78] : memref<20000x128xf32, #tpu.memory_space<hbm>> -> memref<20000x128xf32, #tpu.memory_space<hbm>>
      tpu.enqueue_indirect_dma source(%dma_start3A_79 : memref<20000x128xf32, #tpu.memory_space<hbm>>) target(%arg12 : memref<128x128xf32, #tpu.memory_space<vmem>>) offsets(%dma_start3A_76 : memref<128xi32, #tpu.memory_space<vmem>>) semaphore(%arg15 : memref<!tpu.dma_semaphore, #tpu.memory_space<semaphore_mem>>)
      %dma_wait3A_80 = arith.constant 0 : i32
      %dma_wait3A_81 = arith.constant 0 : i32
      %dma_wait3A_82 = tpu.memref_slice %arg2[%dma_wait3A_80, %dma_wait3A_81] : memref<20000x128xf32, #tpu.memory_space<hbm>> -> memref<128x128xf32, #tpu.memory_space<hbm>>
      %dma_wait3A_83 = arith.constant 0 : i32
      %dma_wait3A_84 = arith.constant 0 : i32
      %dma_wait3A_85 = tpu.memref_slice %arg2[%dma_wait3A_83, %dma_wait3A_84] : memref<20000x128xf32, #tpu.memory_space<hbm>> -> memref<128x128xf32, #tpu.memory_space<hbm>>
      tpu.wait_dma2 semaphore(%arg14 : memref<!tpu.dma_semaphore, #tpu.memory_space<semaphore_mem>>) src(%dma_wait3A_85 : memref<128x128xf32, #tpu.memory_space<hbm>>) dst(%arg11 : memref<128x128xf32, #tpu.memory_space<vmem>>)
      %run_scoped3A_86 = arith.constant 4 : i32
      "tpu.region"() ({
        %run_scoped3A_252 = tpu.sem_alloc : memref<!tpu.dma_semaphore, #tpu.memory_space<semaphore_mem>>
        %dma_start3A_253 = arith.constant 0 : i32
        %dma_start3A_254 = tpu.memref_slice %arg8[%run_scoped3A_86, %dma_start3A_253] : memref<8x128xi32, #tpu.memory_space<vmem>> -> memref<1x128xi32, #tpu.memory_space<vmem>>
        %dma_start3A_255 = tpu.memref_squeeze %dma_start3A_254 : memref<1x128xi32, #tpu.memory_space<vmem>> -> memref<128xi32, #tpu.memory_space<vmem>>
        %dma_start3A_256 = arith.constant 0 : i32
        %dma_start3A_257 = arith.constant 0 : i32
        %dma_start3A_258 = tpu.memref_slice %arg13[%dma_start3A_256, %dma_start3A_257] : memref<10112x128xf32, #tpu.memory_space<vmem_shared>> -> memref<10112x128xf32, #tpu.memory_space<vmem_shared>>
        tpu.enqueue_indirect_dma source(%arg11 : memref<128x128xf32, #tpu.memory_space<vmem>>) target(%dma_start3A_258 : memref<10112x128xf32, #tpu.memory_space<vmem_shared>>) offsets(%dma_start3A_255 : memref<128xi32, #tpu.memory_space<vmem>>) semaphore(%run_scoped3A_252 : memref<!tpu.dma_semaphore, #tpu.memory_space<semaphore_mem>>) {add = true}
        %dma_wait3A_259 = arith.constant 0 : i32
        %dma_wait3A_260 = tpu.memref_slice %arg8[%run_scoped3A_86, %dma_wait3A_259] : memref<8x128xi32, #tpu.memory_space<vmem>> -> memref<1x128xi32, #tpu.memory_space<vmem>>
        %dma_wait3A_261 = tpu.memref_squeeze %dma_wait3A_260 : memref<1x128xi32, #tpu.memory_space<vmem>> -> memref<128xi32, #tpu.memory_space<vmem>>
        %dma_wait3A_262 = arith.constant 0 : i32
        %dma_wait3A_263 = arith.constant 0 : i32
        %dma_wait3A_264 = tpu.memref_slice %arg13[%dma_wait3A_262, %dma_wait3A_263] : memref<10112x128xf32, #tpu.memory_space<vmem_shared>> -> memref<10112x128xf32, #tpu.memory_space<vmem_shared>>
        tpu.wait_indirect_dma semaphore(%run_scoped3A_252 : memref<!tpu.dma_semaphore, #tpu.memory_space<semaphore_mem>>) src(%arg11 : memref<128x128xf32, #tpu.memory_space<vmem>>) dst(%dma_wait3A_264 : memref<10112x128xf32, #tpu.memory_space<vmem_shared>>)
        tpu.yield
      }) : () -> ()
      %dma_start3A_87 = arith.constant 6 : i32
      %dma_start3A_88 = arith.constant 0 : i32
      %dma_start3A_89 = tpu.memref_slice %arg7[%dma_start3A_87, %dma_start3A_88] : memref<8x128xi32, #tpu.memory_space<vmem>> -> memref<1x128xi32, #tpu.memory_space<vmem>>
      %dma_start3A_90 = tpu.memref_squeeze %dma_start3A_89 : memref<1x128xi32, #tpu.memory_space<vmem>> -> memref<128xi32, #tpu.memory_space<vmem>>
      %dma_start3A_91 = arith.constant 0 : i32
      %dma_start3A_92 = arith.constant 0 : i32
      %dma_start3A_93 = tpu.memref_slice %arg2[%dma_start3A_91, %dma_start3A_92] : memref<20000x128xf32, #tpu.memory_space<hbm>> -> memref<20000x128xf32, #tpu.memory_space<hbm>>
      tpu.enqueue_indirect_dma source(%dma_start3A_93 : memref<20000x128xf32, #tpu.memory_space<hbm>>) target(%arg11 : memref<128x128xf32, #tpu.memory_space<vmem>>) offsets(%dma_start3A_90 : memref<128xi32, #tpu.memory_space<vmem>>) semaphore(%arg14 : memref<!tpu.dma_semaphore, #tpu.memory_space<semaphore_mem>>)
      %dma_wait3A_94 = arith.constant 0 : i32
      %dma_wait3A_95 = arith.constant 0 : i32
      %dma_wait3A_96 = tpu.memref_slice %arg2[%dma_wait3A_94, %dma_wait3A_95] : memref<20000x128xf32, #tpu.memory_space<hbm>> -> memref<128x128xf32, #tpu.memory_space<hbm>>
      %dma_wait3A_97 = arith.constant 0 : i32
      %dma_wait3A_98 = arith.constant 0 : i32
      %dma_wait3A_99 = tpu.memref_slice %arg2[%dma_wait3A_97, %dma_wait3A_98] : memref<20000x128xf32, #tpu.memory_space<hbm>> -> memref<128x128xf32, #tpu.memory_space<hbm>>
      tpu.wait_dma2 semaphore(%arg15 : memref<!tpu.dma_semaphore, #tpu.memory_space<semaphore_mem>>) src(%dma_wait3A_99 : memref<128x128xf32, #tpu.memory_space<hbm>>) dst(%arg12 : memref<128x128xf32, #tpu.memory_space<vmem>>)
      %run_scoped3A_100 = arith.constant 5 : i32
      "tpu.region"() ({
        %run_scoped3A_252 = tpu.sem_alloc : memref<!tpu.dma_semaphore, #tpu.memory_space<semaphore_mem>>
        %dma_start3A_253 = arith.constant 0 : i32
        %dma_start3A_254 = tpu.memref_slice %arg8[%run_scoped3A_100, %dma_start3A_253] : memref<8x128xi32, #tpu.memory_space<vmem>> -> memref<1x128xi32, #tpu.memory_space<vmem>>
        %dma_start3A_255 = tpu.memref_squeeze %dma_start3A_254 : memref<1x128xi32, #tpu.memory_space<vmem>> -> memref<128xi32, #tpu.memory_space<vmem>>
        %dma_start3A_256 = arith.constant 0 : i32
        %dma_start3A_257 = arith.constant 0 : i32
        %dma_start3A_258 = tpu.memref_slice %arg13[%dma_start3A_256, %dma_start3A_257] : memref<10112x128xf32, #tpu.memory_space<vmem_shared>> -> memref<10112x128xf32, #tpu.memory_space<vmem_shared>>
        tpu.enqueue_indirect_dma source(%arg12 : memref<128x128xf32, #tpu.memory_space<vmem>>) target(%dma_start3A_258 : memref<10112x128xf32, #tpu.memory_space<vmem_shared>>) offsets(%dma_start3A_255 : memref<128xi32, #tpu.memory_space<vmem>>) semaphore(%run_scoped3A_252 : memref<!tpu.dma_semaphore, #tpu.memory_space<semaphore_mem>>) {add = true}
        %dma_wait3A_259 = arith.constant 0 : i32
        %dma_wait3A_260 = tpu.memref_slice %arg8[%run_scoped3A_100, %dma_wait3A_259] : memref<8x128xi32, #tpu.memory_space<vmem>> -> memref<1x128xi32, #tpu.memory_space<vmem>>
        %dma_wait3A_261 = tpu.memref_squeeze %dma_wait3A_260 : memref<1x128xi32, #tpu.memory_space<vmem>> -> memref<128xi32, #tpu.memory_space<vmem>>
        %dma_wait3A_262 = arith.constant 0 : i32
        %dma_wait3A_263 = arith.constant 0 : i32
        %dma_wait3A_264 = tpu.memref_slice %arg13[%dma_wait3A_262, %dma_wait3A_263] : memref<10112x128xf32, #tpu.memory_space<vmem_shared>> -> memref<10112x128xf32, #tpu.memory_space<vmem_shared>>
        tpu.wait_indirect_dma semaphore(%run_scoped3A_252 : memref<!tpu.dma_semaphore, #tpu.memory_space<semaphore_mem>>) src(%arg12 : memref<128x128xf32, #tpu.memory_space<vmem>>) dst(%dma_wait3A_264 : memref<10112x128xf32, #tpu.memory_space<vmem_shared>>)
        tpu.yield
      }) : () -> ()
      %dma_start3A_101 = arith.constant 7 : i32
      %dma_start3A_102 = arith.constant 0 : i32
      %dma_start3A_103 = tpu.memref_slice %arg7[%dma_start3A_101, %dma_start3A_102] : memref<8x128xi32, #tpu.memory_space<vmem>> -> memref<1x128xi32, #tpu.memory_space<vmem>>
      %dma_start3A_104 = tpu.memref_squeeze %dma_start3A_103 : memref<1x128xi32, #tpu.memory_space<vmem>> -> memref<128xi32, #tpu.memory_space<vmem>>
      %dma_start3A_105 = arith.constant 0 : i32
      %dma_start3A_106 = arith.constant 0 : i32
      %dma_start3A_107 = tpu.memref_slice %arg2[%dma_start3A_105, %dma_start3A_106] : memref<20000x128xf32, #tpu.memory_space<hbm>> -> memref<20000x128xf32, #tpu.memory_space<hbm>>
      tpu.enqueue_indirect_dma source(%dma_start3A_107 : memref<20000x128xf32, #tpu.memory_space<hbm>>) target(%arg12 : memref<128x128xf32, #tpu.memory_space<vmem>>) offsets(%dma_start3A_104 : memref<128xi32, #tpu.memory_space<vmem>>) semaphore(%arg15 : memref<!tpu.dma_semaphore, #tpu.memory_space<semaphore_mem>>)
      %dma_wait3A_108 = arith.constant 0 : i32
      %dma_wait3A_109 = arith.constant 0 : i32
      %dma_wait3A_110 = tpu.memref_slice %arg2[%dma_wait3A_108, %dma_wait3A_109] : memref<20000x128xf32, #tpu.memory_space<hbm>> -> memref<128x128xf32, #tpu.memory_space<hbm>>
      %dma_wait3A_111 = arith.constant 0 : i32
      %dma_wait3A_112 = arith.constant 0 : i32
      %dma_wait3A_113 = tpu.memref_slice %arg2[%dma_wait3A_111, %dma_wait3A_112] : memref<20000x128xf32, #tpu.memory_space<hbm>> -> memref<128x128xf32, #tpu.memory_space<hbm>>
      tpu.wait_dma2 semaphore(%arg14 : memref<!tpu.dma_semaphore, #tpu.memory_space<semaphore_mem>>) src(%dma_wait3A_113 : memref<128x128xf32, #tpu.memory_space<hbm>>) dst(%arg11 : memref<128x128xf32, #tpu.memory_space<vmem>>)
      %run_scoped3A_114 = arith.constant 6 : i32
      "tpu.region"() ({
        %run_scoped3A_252 = tpu.sem_alloc : memref<!tpu.dma_semaphore, #tpu.memory_space<semaphore_mem>>
        %dma_start3A_253 = arith.constant 0 : i32
        %dma_start3A_254 = tpu.memref_slice %arg8[%run_scoped3A_114, %dma_start3A_253] : memref<8x128xi32, #tpu.memory_space<vmem>> -> memref<1x128xi32, #tpu.memory_space<vmem>>
        %dma_start3A_255 = tpu.memref_squeeze %dma_start3A_254 : memref<1x128xi32, #tpu.memory_space<vmem>> -> memref<128xi32, #tpu.memory_space<vmem>>
        %dma_start3A_256 = arith.constant 0 : i32
        %dma_start3A_257 = arith.constant 0 : i32
        %dma_start3A_258 = tpu.memref_slice %arg13[%dma_start3A_256, %dma_start3A_257] : memref<10112x128xf32, #tpu.memory_space<vmem_shared>> -> memref<10112x128xf32, #tpu.memory_space<vmem_shared>>
        tpu.enqueue_indirect_dma source(%arg11 : memref<128x128xf32, #tpu.memory_space<vmem>>) target(%dma_start3A_258 : memref<10112x128xf32, #tpu.memory_space<vmem_shared>>) offsets(%dma_start3A_255 : memref<128xi32, #tpu.memory_space<vmem>>) semaphore(%run_scoped3A_252 : memref<!tpu.dma_semaphore, #tpu.memory_space<semaphore_mem>>) {add = true}
        %dma_wait3A_259 = arith.constant 0 : i32
        %dma_wait3A_260 = tpu.memref_slice %arg8[%run_scoped3A_114, %dma_wait3A_259] : memref<8x128xi32, #tpu.memory_space<vmem>> -> memref<1x128xi32, #tpu.memory_space<vmem>>
        %dma_wait3A_261 = tpu.memref_squeeze %dma_wait3A_260 : memref<1x128xi32, #tpu.memory_space<vmem>> -> memref<128xi32, #tpu.memory_space<vmem>>
        %dma_wait3A_262 = arith.constant 0 : i32
        %dma_wait3A_263 = arith.constant 0 : i32
        %dma_wait3A_264 = tpu.memref_slice %arg13[%dma_wait3A_262, %dma_wait3A_263] : memref<10112x128xf32, #tpu.memory_space<vmem_shared>> -> memref<10112x128xf32, #tpu.memory_space<vmem_shared>>
        tpu.wait_indirect_dma semaphore(%run_scoped3A_252 : memref<!tpu.dma_semaphore, #tpu.memory_space<semaphore_mem>>) src(%arg11 : memref<128x128xf32, #tpu.memory_space<vmem>>) dst(%dma_wait3A_264 : memref<10112x128xf32, #tpu.memory_space<vmem_shared>>)
        tpu.yield
      }) : () -> ()
      %add3A_115 = arith.constant 1 : i32
      %add3A_116 = arith.addi %mul3A_15, %add3A_115 : i32
      %lt3A_117 = arith.constant 20 : i32
      %lt3A_118 = arith.cmpi slt, %add3A_116, %lt3A_117 : i32
      %convert_element_type3A_119 = arith.extui %lt3A_118 : i1 to i32
      %cond3A_120 = arith.constant 0 : i32
      %cond3A_121 = arith.cmpi ne, %convert_element_type3A_119, %cond3A_120 : i32
      scf.if %cond3A_121 {
        %dma_wait3A_252 = arith.constant 0 : i32
        %dma_wait3A_253 = arith.constant 0 : i32
        %dma_wait3A_254 = tpu.memref_slice %arg3[%arg0, %arg1, %dma_wait3A_252, %dma_wait3A_253] : memref<2x16x160x128xi32, #tpu.memory_space<hbm>> -> memref<1x1x8x128xi32, #tpu.memory_space<hbm>>
        %dma_wait3A_255 = tpu.memref_squeeze %dma_wait3A_254 : memref<1x1x8x128xi32, #tpu.memory_space<hbm>> -> memref<8x128xi32, #tpu.memory_space<hbm>>
        %dma_wait3A_256 = arith.constant 0 : i32
        %dma_wait3A_257 = arith.constant 0 : i32
        %dma_wait3A_258 = tpu.memref_slice %arg3[%arg0, %arg1, %dma_wait3A_256, %dma_wait3A_257] : memref<2x16x160x128xi32, #tpu.memory_space<hbm>> -> memref<1x1x8x128xi32, #tpu.memory_space<hbm>>
        %dma_wait3A_259 = tpu.memref_squeeze %dma_wait3A_258 : memref<1x1x8x128xi32, #tpu.memory_space<hbm>> -> memref<8x128xi32, #tpu.memory_space<hbm>>
        tpu.wait_dma2 semaphore(%arg16 : memref<!tpu.dma_semaphore, #tpu.memory_space<semaphore_mem>>) src(%dma_wait3A_259 : memref<8x128xi32, #tpu.memory_space<hbm>>) dst(%arg9 : memref<8x128xi32, #tpu.memory_space<vmem>>)
        %dma_wait3A_260 = arith.constant 0 : i32
        %dma_wait3A_261 = arith.constant 0 : i32
        %dma_wait3A_262 = tpu.memref_slice %arg4[%arg0, %arg1, %dma_wait3A_260, %dma_wait3A_261] : memref<2x16x160x128xi32, #tpu.memory_space<hbm>> -> memref<1x1x8x128xi32, #tpu.memory_space<hbm>>
        %dma_wait3A_263 = tpu.memref_squeeze %dma_wait3A_262 : memref<1x1x8x128xi32, #tpu.memory_space<hbm>> -> memref<8x128xi32, #tpu.memory_space<hbm>>
        %dma_wait3A_264 = arith.constant 0 : i32
        %dma_wait3A_265 = arith.constant 0 : i32
        %dma_wait3A_266 = tpu.memref_slice %arg4[%arg0, %arg1, %dma_wait3A_264, %dma_wait3A_265] : memref<2x16x160x128xi32, #tpu.memory_space<hbm>> -> memref<1x1x8x128xi32, #tpu.memory_space<hbm>>
        %dma_wait3A_267 = tpu.memref_squeeze %dma_wait3A_266 : memref<1x1x8x128xi32, #tpu.memory_space<hbm>> -> memref<8x128xi32, #tpu.memory_space<hbm>>
        tpu.wait_dma2 semaphore(%arg16 : memref<!tpu.dma_semaphore, #tpu.memory_space<semaphore_mem>>) src(%dma_wait3A_267 : memref<8x128xi32, #tpu.memory_space<hbm>>) dst(%arg10 : memref<8x128xi32, #tpu.memory_space<vmem>>)
        %dma_start3A_268 = arith.constant 0 : i32
        %dma_start3A_269 = arith.constant 0 : i32
        %dma_start3A_270 = tpu.memref_slice %arg9[%dma_start3A_268, %dma_start3A_269] : memref<8x128xi32, #tpu.memory_space<vmem>> -> memref<1x128xi32, #tpu.memory_space<vmem>>
        %dma_start3A_271 = tpu.memref_squeeze %dma_start3A_270 : memref<1x128xi32, #tpu.memory_space<vmem>> -> memref<128xi32, #tpu.memory_space<vmem>>
        %dma_start3A_272 = arith.constant 0 : i32
        %dma_start3A_273 = arith.constant 0 : i32
        %dma_start3A_274 = tpu.memref_slice %arg2[%dma_start3A_272, %dma_start3A_273] : memref<20000x128xf32, #tpu.memory_space<hbm>> -> memref<20000x128xf32, #tpu.memory_space<hbm>>
        tpu.enqueue_indirect_dma source(%dma_start3A_274 : memref<20000x128xf32, #tpu.memory_space<hbm>>) target(%arg11 : memref<128x128xf32, #tpu.memory_space<vmem>>) offsets(%dma_start3A_271 : memref<128xi32, #tpu.memory_space<vmem>>) semaphore(%arg14 : memref<!tpu.dma_semaphore, #tpu.memory_space<semaphore_mem>>)
      } else {
      }
      %dma_wait3A_122 = arith.constant 0 : i32
      %dma_wait3A_123 = arith.constant 0 : i32
      %dma_wait3A_124 = tpu.memref_slice %arg2[%dma_wait3A_122, %dma_wait3A_123] : memref<20000x128xf32, #tpu.memory_space<hbm>> -> memref<128x128xf32, #tpu.memory_space<hbm>>
      %dma_wait3A_125 = arith.constant 0 : i32
      %dma_wait3A_126 = arith.constant 0 : i32
      %dma_wait3A_127 = tpu.memref_slice %arg2[%dma_wait3A_125, %dma_wait3A_126] : memref<20000x128xf32, #tpu.memory_space<hbm>> -> memref<128x128xf32, #tpu.memory_space<hbm>>
      tpu.wait_dma2 semaphore(%arg15 : memref<!tpu.dma_semaphore, #tpu.memory_space<semaphore_mem>>) src(%dma_wait3A_127 : memref<128x128xf32, #tpu.memory_space<hbm>>) dst(%arg12 : memref<128x128xf32, #tpu.memory_space<vmem>>)
      %run_scoped3A_128 = arith.constant 7 : i32
      "tpu.region"() ({
        %run_scoped3A_252 = tpu.sem_alloc : memref<!tpu.dma_semaphore, #tpu.memory_space<semaphore_mem>>
        %dma_start3A_253 = arith.constant 0 : i32
        %dma_start3A_254 = tpu.memref_slice %arg8[%run_scoped3A_128, %dma_start3A_253] : memref<8x128xi32, #tpu.memory_space<vmem>> -> memref<1x128xi32, #tpu.memory_space<vmem>>
        %dma_start3A_255 = tpu.memref_squeeze %dma_start3A_254 : memref<1x128xi32, #tpu.memory_space<vmem>> -> memref<128xi32, #tpu.memory_space<vmem>>
        %dma_start3A_256 = arith.constant 0 : i32
        %dma_start3A_257 = arith.constant 0 : i32
        %dma_start3A_258 = tpu.memref_slice %arg13[%dma_start3A_256, %dma_start3A_257] : memref<10112x128xf32, #tpu.memory_space<vmem_shared>> -> memref<10112x128xf32, #tpu.memory_space<vmem_shared>>
        tpu.enqueue_indirect_dma source(%arg12 : memref<128x128xf32, #tpu.memory_space<vmem>>) target(%dma_start3A_258 : memref<10112x128xf32, #tpu.memory_space<vmem_shared>>) offsets(%dma_start3A_255 : memref<128xi32, #tpu.memory_space<vmem>>) semaphore(%run_scoped3A_252 : memref<!tpu.dma_semaphore, #tpu.memory_space<semaphore_mem>>) {add = true}
        %dma_wait3A_259 = arith.constant 0 : i32
        %dma_wait3A_260 = tpu.memref_slice %arg8[%run_scoped3A_128, %dma_wait3A_259] : memref<8x128xi32, #tpu.memory_space<vmem>> -> memref<1x128xi32, #tpu.memory_space<vmem>>
        %dma_wait3A_261 = tpu.memref_squeeze %dma_wait3A_260 : memref<1x128xi32, #tpu.memory_space<vmem>> -> memref<128xi32, #tpu.memory_space<vmem>>
        %dma_wait3A_262 = arith.constant 0 : i32
        %dma_wait3A_263 = arith.constant 0 : i32
        %dma_wait3A_264 = tpu.memref_slice %arg13[%dma_wait3A_262, %dma_wait3A_263] : memref<10112x128xf32, #tpu.memory_space<vmem_shared>> -> memref<10112x128xf32, #tpu.memory_space<vmem_shared>>
        tpu.wait_indirect_dma semaphore(%run_scoped3A_252 : memref<!tpu.dma_semaphore, #tpu.memory_space<semaphore_mem>>) src(%arg12 : memref<128x128xf32, #tpu.memory_space<vmem>>) dst(%dma_wait3A_264 : memref<10112x128xf32, #tpu.memory_space<vmem_shared>>)
        tpu.yield
      }) : () -> ()
      %mul3A_129 = arith.constant 2 : i32
      %mul3A_130 = arith.muli %mul3A_129, %scan3A_13 : i32
      %add3A_131 = arith.constant 1 : i32
      %add3A_132 = arith.addi %mul3A_130, %add3A_131 : i32
      %add3A_133 = arith.constant 1 : i32
      %add3A_134 = arith.addi %add3A_132, %add3A_133 : i32
      %lt3A_135 = arith.constant 20 : i32
      %lt3A_136 = arith.cmpi slt, %add3A_134, %lt3A_135 : i32
      %convert_element_type3A_137 = arith.extui %lt3A_136 : i1 to i32
      %cond3A_138 = arith.constant 0 : i32
      %cond3A_139 = arith.cmpi ne, %convert_element_type3A_137, %cond3A_138 : i32
      scf.if %cond3A_139 {
        %add3A_252 = arith.constant 1 : i32
        %add3A_253 = arith.addi %add3A_132, %add3A_252 : i32
        %mul3A_254 = arith.constant 8 : i32
        %mul3A_255 = arith.muli %add3A_253, %mul3A_254 : i32
        %dma_start3A_256 = arith.constant 0 : i32
        %dma_start3A_257 = tpu.memref_slice %arg3[%arg0, %arg1, %mul3A_255, %dma_start3A_256] : memref<2x16x160x128xi32, #tpu.memory_space<hbm>> -> memref<1x1x8x128xi32, #tpu.memory_space<hbm>>
        %dma_start3A_258 = tpu.memref_squeeze %dma_start3A_257 : memref<1x1x8x128xi32, #tpu.memory_space<hbm>> -> memref<8x128xi32, #tpu.memory_space<hbm>>
        %dma_start3A_259 = arith.constant 0 : i32
        %dma_start3A_260 = tpu.memref_slice %arg3[%arg0, %arg1, %mul3A_255, %dma_start3A_259] : memref<2x16x160x128xi32, #tpu.memory_space<hbm>> -> memref<1x1x8x128xi32, #tpu.memory_space<hbm>>
        %dma_start3A_261 = tpu.memref_squeeze %dma_start3A_260 : memref<1x1x8x128xi32, #tpu.memory_space<hbm>> -> memref<8x128xi32, #tpu.memory_space<hbm>>
        tpu.enqueue_dma source(%dma_start3A_261 : memref<8x128xi32, #tpu.memory_space<hbm>>) target(%arg7 : memref<8x128xi32, #tpu.memory_space<vmem>>) target_semaphore(%arg16 : memref<!tpu.dma_semaphore, #tpu.memory_space<semaphore_mem>>)
        %add3A_262 = arith.constant 1 : i32
        %add3A_263 = arith.addi %add3A_132, %add3A_262 : i32
        %mul3A_264 = arith.constant 8 : i32
        %mul3A_265 = arith.muli %add3A_263, %mul3A_264 : i32
        %dma_start3A_266 = arith.constant 0 : i32
        %dma_start3A_267 = tpu.memref_slice %arg4[%arg0, %arg1, %mul3A_265, %dma_start3A_266] : memref<2x16x160x128xi32, #tpu.memory_space<hbm>> -> memref<1x1x8x128xi32, #tpu.memory_space<hbm>>
        %dma_start3A_268 = tpu.memref_squeeze %dma_start3A_267 : memref<1x1x8x128xi32, #tpu.memory_space<hbm>> -> memref<8x128xi32, #tpu.memory_space<hbm>>
        %dma_start3A_269 = arith.constant 0 : i32
        %dma_start3A_270 = tpu.memref_slice %arg4[%arg0, %arg1, %mul3A_265, %dma_start3A_269] : memref<2x16x160x128xi32, #tpu.memory_space<hbm>> -> memref<1x1x8x128xi32, #tpu.memory_space<hbm>>
        %dma_start3A_271 = tpu.memref_squeeze %dma_start3A_270 : memref<1x1x8x128xi32, #tpu.memory_space<hbm>> -> memref<8x128xi32, #tpu.memory_space<hbm>>
        tpu.enqueue_dma source(%dma_start3A_271 : memref<8x128xi32, #tpu.memory_space<hbm>>) target(%arg8 : memref<8x128xi32, #tpu.memory_space<vmem>>) target_semaphore(%arg16 : memref<!tpu.dma_semaphore, #tpu.memory_space<semaphore_mem>>)
      } else {
      }
      %dma_start3A_140 = arith.constant 1 : i32
      %dma_start3A_141 = arith.constant 0 : i32
      %dma_start3A_142 = tpu.memref_slice %arg9[%dma_start3A_140, %dma_start3A_141] : memref<8x128xi32, #tpu.memory_space<vmem>> -> memref<1x128xi32, #tpu.memory_space<vmem>>
      %dma_start3A_143 = tpu.memref_squeeze %dma_start3A_142 : memref<1x128xi32, #tpu.memory_space<vmem>> -> memref<128xi32, #tpu.memory_space<vmem>>
      %dma_start3A_144 = arith.constant 0 : i32
      %dma_start3A_145 = arith.constant 0 : i32
      %dma_start3A_146 = tpu.memref_slice %arg2[%dma_start3A_144, %dma_start3A_145] : memref<20000x128xf32, #tpu.memory_space<hbm>> -> memref<20000x128xf32, #tpu.memory_space<hbm>>
      tpu.enqueue_indirect_dma source(%dma_start3A_146 : memref<20000x128xf32, #tpu.memory_space<hbm>>) target(%arg12 : memref<128x128xf32, #tpu.memory_space<vmem>>) offsets(%dma_start3A_143 : memref<128xi32, #tpu.memory_space<vmem>>) semaphore(%arg15 : memref<!tpu.dma_semaphore, #tpu.memory_space<semaphore_mem>>)
      %dma_wait3A_147 = arith.constant 0 : i32
      %dma_wait3A_148 = arith.constant 0 : i32
      %dma_wait3A_149 = tpu.memref_slice %arg2[%dma_wait3A_147, %dma_wait3A_148] : memref<20000x128xf32, #tpu.memory_space<hbm>> -> memref<128x128xf32, #tpu.memory_space<hbm>>
      %dma_wait3A_150 = arith.constant 0 : i32
      %dma_wait3A_151 = arith.constant 0 : i32
      %dma_wait3A_152 = tpu.memref_slice %arg2[%dma_wait3A_150, %dma_wait3A_151] : memref<20000x128xf32, #tpu.memory_space<hbm>> -> memref<128x128xf32, #tpu.memory_space<hbm>>
      tpu.wait_dma2 semaphore(%arg14 : memref<!tpu.dma_semaphore, #tpu.memory_space<semaphore_mem>>) src(%dma_wait3A_152 : memref<128x128xf32, #tpu.memory_space<hbm>>) dst(%arg11 : memref<128x128xf32, #tpu.memory_space<vmem>>)
      %run_scoped3A_153 = arith.constant 0 : i32
      "tpu.region"() ({
        %run_scoped3A_252 = tpu.sem_alloc : memref<!tpu.dma_semaphore, #tpu.memory_space<semaphore_mem>>
        %dma_start3A_253 = arith.constant 0 : i32
        %dma_start3A_254 = tpu.memref_slice %arg10[%run_scoped3A_153, %dma_start3A_253] : memref<8x128xi32, #tpu.memory_space<vmem>> -> memref<1x128xi32, #tpu.memory_space<vmem>>
        %dma_start3A_255 = tpu.memref_squeeze %dma_start3A_254 : memref<1x128xi32, #tpu.memory_space<vmem>> -> memref<128xi32, #tpu.memory_space<vmem>>
        %dma_start3A_256 = arith.constant 0 : i32
        %dma_start3A_257 = arith.constant 0 : i32
        %dma_start3A_258 = tpu.memref_slice %arg13[%dma_start3A_256, %dma_start3A_257] : memref<10112x128xf32, #tpu.memory_space<vmem_shared>> -> memref<10112x128xf32, #tpu.memory_space<vmem_shared>>
        tpu.enqueue_indirect_dma source(%arg11 : memref<128x128xf32, #tpu.memory_space<vmem>>) target(%dma_start3A_258 : memref<10112x128xf32, #tpu.memory_space<vmem_shared>>) offsets(%dma_start3A_255 : memref<128xi32, #tpu.memory_space<vmem>>) semaphore(%run_scoped3A_252 : memref<!tpu.dma_semaphore, #tpu.memory_space<semaphore_mem>>) {add = true}
        %dma_wait3A_259 = arith.constant 0 : i32
        %dma_wait3A_260 = tpu.memref_slice %arg10[%run_scoped3A_153, %dma_wait3A_259] : memref<8x128xi32, #tpu.memory_space<vmem>> -> memref<1x128xi32, #tpu.memory_space<vmem>>
        %dma_wait3A_261 = tpu.memref_squeeze %dma_wait3A_260 : memref<1x128xi32, #tpu.memory_space<vmem>> -> memref<128xi32, #tpu.memory_space<vmem>>
        %dma_wait3A_262 = arith.constant 0 : i32
        %dma_wait3A_263 = arith.constant 0 : i32
        %dma_wait3A_264 = tpu.memref_slice %arg13[%dma_wait3A_262, %dma_wait3A_263] : memref<10112x128xf32, #tpu.memory_space<vmem_shared>> -> memref<10112x128xf32, #tpu.memory_space<vmem_shared>>
        tpu.wait_indirect_dma semaphore(%run_scoped3A_252 : memref<!tpu.dma_semaphore, #tpu.memory_space<semaphore_mem>>) src(%arg11 : memref<128x128xf32, #tpu.memory_space<vmem>>) dst(%dma_wait3A_264 : memref<10112x128xf32, #tpu.memory_space<vmem_shared>>)
        tpu.yield
      }) : () -> ()
      %dma_start3A_154 = arith.constant 2 : i32
      %dma_start3A_155 = arith.constant 0 : i32
      %dma_start3A_156 = tpu.memref_slice %arg9[%dma_start3A_154, %dma_start3A_155] : memref<8x128xi32, #tpu.memory_space<vmem>> -> memref<1x128xi32, #tpu.memory_space<vmem>>
      %dma_start3A_157 = tpu.memref_squeeze %dma_start3A_156 : memref<1x128xi32, #tpu.memory_space<vmem>> -> memref<128xi32, #tpu.memory_space<vmem>>
      %dma_start3A_158 = arith.constant 0 : i32
      %dma_start3A_159 = arith.constant 0 : i32
      %dma_start3A_160 = tpu.memref_slice %arg2[%dma_start3A_158, %dma_start3A_159] : memref<20000x128xf32, #tpu.memory_space<hbm>> -> memref<20000x128xf32, #tpu.memory_space<hbm>>
      tpu.enqueue_indirect_dma source(%dma_start3A_160 : memref<20000x128xf32, #tpu.memory_space<hbm>>) target(%arg11 : memref<128x128xf32, #tpu.memory_space<vmem>>) offsets(%dma_start3A_157 : memref<128xi32, #tpu.memory_space<vmem>>) semaphore(%arg14 : memref<!tpu.dma_semaphore, #tpu.memory_space<semaphore_mem>>)
      %dma_wait3A_161 = arith.constant 0 : i32
      %dma_wait3A_162 = arith.constant 0 : i32
      %dma_wait3A_163 = tpu.memref_slice %arg2[%dma_wait3A_161, %dma_wait3A_162] : memref<20000x128xf32, #tpu.memory_space<hbm>> -> memref<128x128xf32, #tpu.memory_space<hbm>>
      %dma_wait3A_164 = arith.constant 0 : i32
      %dma_wait3A_165 = arith.constant 0 : i32
      %dma_wait3A_166 = tpu.memref_slice %arg2[%dma_wait3A_164, %dma_wait3A_165] : memref<20000x128xf32, #tpu.memory_space<hbm>> -> memref<128x128xf32, #tpu.memory_space<hbm>>
      tpu.wait_dma2 semaphore(%arg15 : memref<!tpu.dma_semaphore, #tpu.memory_space<semaphore_mem>>) src(%dma_wait3A_166 : memref<128x128xf32, #tpu.memory_space<hbm>>) dst(%arg12 : memref<128x128xf32, #tpu.memory_space<vmem>>)
      %run_scoped3A_167 = arith.constant 1 : i32
      "tpu.region"() ({
        %run_scoped3A_252 = tpu.sem_alloc : memref<!tpu.dma_semaphore, #tpu.memory_space<semaphore_mem>>
        %dma_start3A_253 = arith.constant 0 : i32
        %dma_start3A_254 = tpu.memref_slice %arg10[%run_scoped3A_167, %dma_start3A_253] : memref<8x128xi32, #tpu.memory_space<vmem>> -> memref<1x128xi32, #tpu.memory_space<vmem>>
        %dma_start3A_255 = tpu.memref_squeeze %dma_start3A_254 : memref<1x128xi32, #tpu.memory_space<vmem>> -> memref<128xi32, #tpu.memory_space<vmem>>
        %dma_start3A_256 = arith.constant 0 : i32
        %dma_start3A_257 = arith.constant 0 : i32
        %dma_start3A_258 = tpu.memref_slice %arg13[%dma_start3A_256, %dma_start3A_257] : memref<10112x128xf32, #tpu.memory_space<vmem_shared>> -> memref<10112x128xf32, #tpu.memory_space<vmem_shared>>
        tpu.enqueue_indirect_dma source(%arg12 : memref<128x128xf32, #tpu.memory_space<vmem>>) target(%dma_start3A_258 : memref<10112x128xf32, #tpu.memory_space<vmem_shared>>) offsets(%dma_start3A_255 : memref<128xi32, #tpu.memory_space<vmem>>) semaphore(%run_scoped3A_252 : memref<!tpu.dma_semaphore, #tpu.memory_space<semaphore_mem>>) {add = true}
        %dma_wait3A_259 = arith.constant 0 : i32
        %dma_wait3A_260 = tpu.memref_slice %arg10[%run_scoped3A_167, %dma_wait3A_259] : memref<8x128xi32, #tpu.memory_space<vmem>> -> memref<1x128xi32, #tpu.memory_space<vmem>>
        %dma_wait3A_261 = tpu.memref_squeeze %dma_wait3A_260 : memref<1x128xi32, #tpu.memory_space<vmem>> -> memref<128xi32, #tpu.memory_space<vmem>>
        %dma_wait3A_262 = arith.constant 0 : i32
        %dma_wait3A_263 = arith.constant 0 : i32
        %dma_wait3A_264 = tpu.memref_slice %arg13[%dma_wait3A_262, %dma_wait3A_263] : memref<10112x128xf32, #tpu.memory_space<vmem_shared>> -> memref<10112x128xf32, #tpu.memory_space<vmem_shared>>
        tpu.wait_indirect_dma semaphore(%run_scoped3A_252 : memref<!tpu.dma_semaphore, #tpu.memory_space<semaphore_mem>>) src(%arg12 : memref<128x128xf32, #tpu.memory_space<vmem>>) dst(%dma_wait3A_264 : memref<10112x128xf32, #tpu.memory_space<vmem_shared>>)
        tpu.yield
      }) : () -> ()
      %dma_start3A_168 = arith.constant 3 : i32
      %dma_start3A_169 = arith.constant 0 : i32
      %dma_start3A_170 = tpu.memref_slice %arg9[%dma_start3A_168, %dma_start3A_169] : memref<8x128xi32, #tpu.memory_space<vmem>> -> memref<1x128xi32, #tpu.memory_space<vmem>>
      %dma_start3A_171 = tpu.memref_squeeze %dma_start3A_170 : memref<1x128xi32, #tpu.memory_space<vmem>> -> memref<128xi32, #tpu.memory_space<vmem>>
      %dma_start3A_172 = arith.constant 0 : i32
      %dma_start3A_173 = arith.constant 0 : i32
      %dma_start3A_174 = tpu.memref_slice %arg2[%dma_start3A_172, %dma_start3A_173] : memref<20000x128xf32, #tpu.memory_space<hbm>> -> memref<20000x128xf32, #tpu.memory_space<hbm>>
      tpu.enqueue_indirect_dma source(%dma_start3A_174 : memref<20000x128xf32, #tpu.memory_space<hbm>>) target(%arg12 : memref<128x128xf32, #tpu.memory_space<vmem>>) offsets(%dma_start3A_171 : memref<128xi32, #tpu.memory_space<vmem>>) semaphore(%arg15 : memref<!tpu.dma_semaphore, #tpu.memory_space<semaphore_mem>>)
      %dma_wait3A_175 = arith.constant 0 : i32
      %dma_wait3A_176 = arith.constant 0 : i32
      %dma_wait3A_177 = tpu.memref_slice %arg2[%dma_wait3A_175, %dma_wait3A_176] : memref<20000x128xf32, #tpu.memory_space<hbm>> -> memref<128x128xf32, #tpu.memory_space<hbm>>
      %dma_wait3A_178 = arith.constant 0 : i32
      %dma_wait3A_179 = arith.constant 0 : i32
      %dma_wait3A_180 = tpu.memref_slice %arg2[%dma_wait3A_178, %dma_wait3A_179] : memref<20000x128xf32, #tpu.memory_space<hbm>> -> memref<128x128xf32, #tpu.memory_space<hbm>>
      tpu.wait_dma2 semaphore(%arg14 : memref<!tpu.dma_semaphore, #tpu.memory_space<semaphore_mem>>) src(%dma_wait3A_180 : memref<128x128xf32, #tpu.memory_space<hbm>>) dst(%arg11 : memref<128x128xf32, #tpu.memory_space<vmem>>)
      %run_scoped3A_181 = arith.constant 2 : i32
      "tpu.region"() ({
        %run_scoped3A_252 = tpu.sem_alloc : memref<!tpu.dma_semaphore, #tpu.memory_space<semaphore_mem>>
        %dma_start3A_253 = arith.constant 0 : i32
        %dma_start3A_254 = tpu.memref_slice %arg10[%run_scoped3A_181, %dma_start3A_253] : memref<8x128xi32, #tpu.memory_space<vmem>> -> memref<1x128xi32, #tpu.memory_space<vmem>>
        %dma_start3A_255 = tpu.memref_squeeze %dma_start3A_254 : memref<1x128xi32, #tpu.memory_space<vmem>> -> memref<128xi32, #tpu.memory_space<vmem>>
        %dma_start3A_256 = arith.constant 0 : i32
        %dma_start3A_257 = arith.constant 0 : i32
        %dma_start3A_258 = tpu.memref_slice %arg13[%dma_start3A_256, %dma_start3A_257] : memref<10112x128xf32, #tpu.memory_space<vmem_shared>> -> memref<10112x128xf32, #tpu.memory_space<vmem_shared>>
        tpu.enqueue_indirect_dma source(%arg11 : memref<128x128xf32, #tpu.memory_space<vmem>>) target(%dma_start3A_258 : memref<10112x128xf32, #tpu.memory_space<vmem_shared>>) offsets(%dma_start3A_255 : memref<128xi32, #tpu.memory_space<vmem>>) semaphore(%run_scoped3A_252 : memref<!tpu.dma_semaphore, #tpu.memory_space<semaphore_mem>>) {add = true}
        %dma_wait3A_259 = arith.constant 0 : i32
        %dma_wait3A_260 = tpu.memref_slice %arg10[%run_scoped3A_181, %dma_wait3A_259] : memref<8x128xi32, #tpu.memory_space<vmem>> -> memref<1x128xi32, #tpu.memory_space<vmem>>
        %dma_wait3A_261 = tpu.memref_squeeze %dma_wait3A_260 : memref<1x128xi32, #tpu.memory_space<vmem>> -> memref<128xi32, #tpu.memory_space<vmem>>
        %dma_wait3A_262 = arith.constant 0 : i32
        %dma_wait3A_263 = arith.constant 0 : i32
        %dma_wait3A_264 = tpu.memref_slice %arg13[%dma_wait3A_262, %dma_wait3A_263] : memref<10112x128xf32, #tpu.memory_space<vmem_shared>> -> memref<10112x128xf32, #tpu.memory_space<vmem_shared>>
        tpu.wait_indirect_dma semaphore(%run_scoped3A_252 : memref<!tpu.dma_semaphore, #tpu.memory_space<semaphore_mem>>) src(%arg11 : memref<128x128xf32, #tpu.memory_space<vmem>>) dst(%dma_wait3A_264 : memref<10112x128xf32, #tpu.memory_space<vmem_shared>>)
        tpu.yield
      }) : () -> ()
      %dma_start3A_182 = arith.constant 4 : i32
      %dma_start3A_183 = arith.constant 0 : i32
      %dma_start3A_184 = tpu.memref_slice %arg9[%dma_start3A_182, %dma_start3A_183] : memref<8x128xi32, #tpu.memory_space<vmem>> -> memref<1x128xi32, #tpu.memory_space<vmem>>
      %dma_start3A_185 = tpu.memref_squeeze %dma_start3A_184 : memref<1x128xi32, #tpu.memory_space<vmem>> -> memref<128xi32, #tpu.memory_space<vmem>>
      %dma_start3A_186 = arith.constant 0 : i32
      %dma_start3A_187 = arith.constant 0 : i32
      %dma_start3A_188 = tpu.memref_slice %arg2[%dma_start3A_186, %dma_start3A_187] : memref<20000x128xf32, #tpu.memory_space<hbm>> -> memref<20000x128xf32, #tpu.memory_space<hbm>>
      tpu.enqueue_indirect_dma source(%dma_start3A_188 : memref<20000x128xf32, #tpu.memory_space<hbm>>) target(%arg11 : memref<128x128xf32, #tpu.memory_space<vmem>>) offsets(%dma_start3A_185 : memref<128xi32, #tpu.memory_space<vmem>>) semaphore(%arg14 : memref<!tpu.dma_semaphore, #tpu.memory_space<semaphore_mem>>)
      %dma_wait3A_189 = arith.constant 0 : i32
      %dma_wait3A_190 = arith.constant 0 : i32
      %dma_wait3A_191 = tpu.memref_slice %arg2[%dma_wait3A_189, %dma_wait3A_190] : memref<20000x128xf32, #tpu.memory_space<hbm>> -> memref<128x128xf32, #tpu.memory_space<hbm>>
      %dma_wait3A_192 = arith.constant 0 : i32
      %dma_wait3A_193 = arith.constant 0 : i32
      %dma_wait3A_194 = tpu.memref_slice %arg2[%dma_wait3A_192, %dma_wait3A_193] : memref<20000x128xf32, #tpu.memory_space<hbm>> -> memref<128x128xf32, #tpu.memory_space<hbm>>
      tpu.wait_dma2 semaphore(%arg15 : memref<!tpu.dma_semaphore, #tpu.memory_space<semaphore_mem>>) src(%dma_wait3A_194 : memref<128x128xf32, #tpu.memory_space<hbm>>) dst(%arg12 : memref<128x128xf32, #tpu.memory_space<vmem>>)
      %run_scoped3A_195 = arith.constant 3 : i32
      "tpu.region"() ({
        %run_scoped3A_252 = tpu.sem_alloc : memref<!tpu.dma_semaphore, #tpu.memory_space<semaphore_mem>>
        %dma_start3A_253 = arith.constant 0 : i32
        %dma_start3A_254 = tpu.memref_slice %arg10[%run_scoped3A_195, %dma_start3A_253] : memref<8x128xi32, #tpu.memory_space<vmem>> -> memref<1x128xi32, #tpu.memory_space<vmem>>
        %dma_start3A_255 = tpu.memref_squeeze %dma_start3A_254 : memref<1x128xi32, #tpu.memory_space<vmem>> -> memref<128xi32, #tpu.memory_space<vmem>>
        %dma_start3A_256 = arith.constant 0 : i32
        %dma_start3A_257 = arith.constant 0 : i32
        %dma_start3A_258 = tpu.memref_slice %arg13[%dma_start3A_256, %dma_start3A_257] : memref<10112x128xf32, #tpu.memory_space<vmem_shared>> -> memref<10112x128xf32, #tpu.memory_space<vmem_shared>>
        tpu.enqueue_indirect_dma source(%arg12 : memref<128x128xf32, #tpu.memory_space<vmem>>) target(%dma_start3A_258 : memref<10112x128xf32, #tpu.memory_space<vmem_shared>>) offsets(%dma_start3A_255 : memref<128xi32, #tpu.memory_space<vmem>>) semaphore(%run_scoped3A_252 : memref<!tpu.dma_semaphore, #tpu.memory_space<semaphore_mem>>) {add = true}
        %dma_wait3A_259 = arith.constant 0 : i32
        %dma_wait3A_260 = tpu.memref_slice %arg10[%run_scoped3A_195, %dma_wait3A_259] : memref<8x128xi32, #tpu.memory_space<vmem>> -> memref<1x128xi32, #tpu.memory_space<vmem>>
        %dma_wait3A_261 = tpu.memref_squeeze %dma_wait3A_260 : memref<1x128xi32, #tpu.memory_space<vmem>> -> memref<128xi32, #tpu.memory_space<vmem>>
        %dma_wait3A_262 = arith.constant 0 : i32
        %dma_wait3A_263 = arith.constant 0 : i32
        %dma_wait3A_264 = tpu.memref_slice %arg13[%dma_wait3A_262, %dma_wait3A_263] : memref<10112x128xf32, #tpu.memory_space<vmem_shared>> -> memref<10112x128xf32, #tpu.memory_space<vmem_shared>>
        tpu.wait_indirect_dma semaphore(%run_scoped3A_252 : memref<!tpu.dma_semaphore, #tpu.memory_space<semaphore_mem>>) src(%arg12 : memref<128x128xf32, #tpu.memory_space<vmem>>) dst(%dma_wait3A_264 : memref<10112x128xf32, #tpu.memory_space<vmem_shared>>)
        tpu.yield
      }) : () -> ()
      %dma_start3A_196 = arith.constant 5 : i32
      %dma_start3A_197 = arith.constant 0 : i32
      %dma_start3A_198 = tpu.memref_slice %arg9[%dma_start3A_196, %dma_start3A_197] : memref<8x128xi32, #tpu.memory_space<vmem>> -> memref<1x128xi32, #tpu.memory_space<vmem>>
      %dma_start3A_199 = tpu.memref_squeeze %dma_start3A_198 : memref<1x128xi32, #tpu.memory_space<vmem>> -> memref<128xi32, #tpu.memory_space<vmem>>
      %dma_start3A_200 = arith.constant 0 : i32
      %dma_start3A_201 = arith.constant 0 : i32
      %dma_start3A_202 = tpu.memref_slice %arg2[%dma_start3A_200, %dma_start3A_201] : memref<20000x128xf32, #tpu.memory_space<hbm>> -> memref<20000x128xf32, #tpu.memory_space<hbm>>
      tpu.enqueue_indirect_dma source(%dma_start3A_202 : memref<20000x128xf32, #tpu.memory_space<hbm>>) target(%arg12 : memref<128x128xf32, #tpu.memory_space<vmem>>) offsets(%dma_start3A_199 : memref<128xi32, #tpu.memory_space<vmem>>) semaphore(%arg15 : memref<!tpu.dma_semaphore, #tpu.memory_space<semaphore_mem>>)
      %dma_wait3A_203 = arith.constant 0 : i32
      %dma_wait3A_204 = arith.constant 0 : i32
      %dma_wait3A_205 = tpu.memref_slice %arg2[%dma_wait3A_203, %dma_wait3A_204] : memref<20000x128xf32, #tpu.memory_space<hbm>> -> memref<128x128xf32, #tpu.memory_space<hbm>>
      %dma_wait3A_206 = arith.constant 0 : i32
      %dma_wait3A_207 = arith.constant 0 : i32
      %dma_wait3A_208 = tpu.memref_slice %arg2[%dma_wait3A_206, %dma_wait3A_207] : memref<20000x128xf32, #tpu.memory_space<hbm>> -> memref<128x128xf32, #tpu.memory_space<hbm>>
      tpu.wait_dma2 semaphore(%arg14 : memref<!tpu.dma_semaphore, #tpu.memory_space<semaphore_mem>>) src(%dma_wait3A_208 : memref<128x128xf32, #tpu.memory_space<hbm>>) dst(%arg11 : memref<128x128xf32, #tpu.memory_space<vmem>>)
      %run_scoped3A_209 = arith.constant 4 : i32
      "tpu.region"() ({
        %run_scoped3A_252 = tpu.sem_alloc : memref<!tpu.dma_semaphore, #tpu.memory_space<semaphore_mem>>
        %dma_start3A_253 = arith.constant 0 : i32
        %dma_start3A_254 = tpu.memref_slice %arg10[%run_scoped3A_209, %dma_start3A_253] : memref<8x128xi32, #tpu.memory_space<vmem>> -> memref<1x128xi32, #tpu.memory_space<vmem>>
        %dma_start3A_255 = tpu.memref_squeeze %dma_start3A_254 : memref<1x128xi32, #tpu.memory_space<vmem>> -> memref<128xi32, #tpu.memory_space<vmem>>
        %dma_start3A_256 = arith.constant 0 : i32
        %dma_start3A_257 = arith.constant 0 : i32
        %dma_start3A_258 = tpu.memref_slice %arg13[%dma_start3A_256, %dma_start3A_257] : memref<10112x128xf32, #tpu.memory_space<vmem_shared>> -> memref<10112x128xf32, #tpu.memory_space<vmem_shared>>
        tpu.enqueue_indirect_dma source(%arg11 : memref<128x128xf32, #tpu.memory_space<vmem>>) target(%dma_start3A_258 : memref<10112x128xf32, #tpu.memory_space<vmem_shared>>) offsets(%dma_start3A_255 : memref<128xi32, #tpu.memory_space<vmem>>) semaphore(%run_scoped3A_252 : memref<!tpu.dma_semaphore, #tpu.memory_space<semaphore_mem>>) {add = true}
        %dma_wait3A_259 = arith.constant 0 : i32
        %dma_wait3A_260 = tpu.memref_slice %arg10[%run_scoped3A_209, %dma_wait3A_259] : memref<8x128xi32, #tpu.memory_space<vmem>> -> memref<1x128xi32, #tpu.memory_space<vmem>>
        %dma_wait3A_261 = tpu.memref_squeeze %dma_wait3A_260 : memref<1x128xi32, #tpu.memory_space<vmem>> -> memref<128xi32, #tpu.memory_space<vmem>>
        %dma_wait3A_262 = arith.constant 0 : i32
        %dma_wait3A_263 = arith.constant 0 : i32
        %dma_wait3A_264 = tpu.memref_slice %arg13[%dma_wait3A_262, %dma_wait3A_263] : memref<10112x128xf32, #tpu.memory_space<vmem_shared>> -> memref<10112x128xf32, #tpu.memory_space<vmem_shared>>
        tpu.wait_indirect_dma semaphore(%run_scoped3A_252 : memref<!tpu.dma_semaphore, #tpu.memory_space<semaphore_mem>>) src(%arg11 : memref<128x128xf32, #tpu.memory_space<vmem>>) dst(%dma_wait3A_264 : memref<10112x128xf32, #tpu.memory_space<vmem_shared>>)
        tpu.yield
      }) : () -> ()
      %dma_start3A_210 = arith.constant 6 : i32
      %dma_start3A_211 = arith.constant 0 : i32
      %dma_start3A_212 = tpu.memref_slice %arg9[%dma_start3A_210, %dma_start3A_211] : memref<8x128xi32, #tpu.memory_space<vmem>> -> memref<1x128xi32, #tpu.memory_space<vmem>>
      %dma_start3A_213 = tpu.memref_squeeze %dma_start3A_212 : memref<1x128xi32, #tpu.memory_space<vmem>> -> memref<128xi32, #tpu.memory_space<vmem>>
      %dma_start3A_214 = arith.constant 0 : i32
      %dma_start3A_215 = arith.constant 0 : i32
      %dma_start3A_216 = tpu.memref_slice %arg2[%dma_start3A_214, %dma_start3A_215] : memref<20000x128xf32, #tpu.memory_space<hbm>> -> memref<20000x128xf32, #tpu.memory_space<hbm>>
      tpu.enqueue_indirect_dma source(%dma_start3A_216 : memref<20000x128xf32, #tpu.memory_space<hbm>>) target(%arg11 : memref<128x128xf32, #tpu.memory_space<vmem>>) offsets(%dma_start3A_213 : memref<128xi32, #tpu.memory_space<vmem>>) semaphore(%arg14 : memref<!tpu.dma_semaphore, #tpu.memory_space<semaphore_mem>>)
      %dma_wait3A_217 = arith.constant 0 : i32
      %dma_wait3A_218 = arith.constant 0 : i32
      %dma_wait3A_219 = tpu.memref_slice %arg2[%dma_wait3A_217, %dma_wait3A_218] : memref<20000x128xf32, #tpu.memory_space<hbm>> -> memref<128x128xf32, #tpu.memory_space<hbm>>
      %dma_wait3A_220 = arith.constant 0 : i32
      %dma_wait3A_221 = arith.constant 0 : i32
      %dma_wait3A_222 = tpu.memref_slice %arg2[%dma_wait3A_220, %dma_wait3A_221] : memref<20000x128xf32, #tpu.memory_space<hbm>> -> memref<128x128xf32, #tpu.memory_space<hbm>>
      tpu.wait_dma2 semaphore(%arg15 : memref<!tpu.dma_semaphore, #tpu.memory_space<semaphore_mem>>) src(%dma_wait3A_222 : memref<128x128xf32, #tpu.memory_space<hbm>>) dst(%arg12 : memref<128x128xf32, #tpu.memory_space<vmem>>)
      %run_scoped3A_223 = arith.constant 5 : i32
      "tpu.region"() ({
        %run_scoped3A_252 = tpu.sem_alloc : memref<!tpu.dma_semaphore, #tpu.memory_space<semaphore_mem>>
        %dma_start3A_253 = arith.constant 0 : i32
        %dma_start3A_254 = tpu.memref_slice %arg10[%run_scoped3A_223, %dma_start3A_253] : memref<8x128xi32, #tpu.memory_space<vmem>> -> memref<1x128xi32, #tpu.memory_space<vmem>>
        %dma_start3A_255 = tpu.memref_squeeze %dma_start3A_254 : memref<1x128xi32, #tpu.memory_space<vmem>> -> memref<128xi32, #tpu.memory_space<vmem>>
        %dma_start3A_256 = arith.constant 0 : i32
        %dma_start3A_257 = arith.constant 0 : i32
        %dma_start3A_258 = tpu.memref_slice %arg13[%dma_start3A_256, %dma_start3A_257] : memref<10112x128xf32, #tpu.memory_space<vmem_shared>> -> memref<10112x128xf32, #tpu.memory_space<vmem_shared>>
        tpu.enqueue_indirect_dma source(%arg12 : memref<128x128xf32, #tpu.memory_space<vmem>>) target(%dma_start3A_258 : memref<10112x128xf32, #tpu.memory_space<vmem_shared>>) offsets(%dma_start3A_255 : memref<128xi32, #tpu.memory_space<vmem>>) semaphore(%run_scoped3A_252 : memref<!tpu.dma_semaphore, #tpu.memory_space<semaphore_mem>>) {add = true}
        %dma_wait3A_259 = arith.constant 0 : i32
        %dma_wait3A_260 = tpu.memref_slice %arg10[%run_scoped3A_223, %dma_wait3A_259] : memref<8x128xi32, #tpu.memory_space<vmem>> -> memref<1x128xi32, #tpu.memory_space<vmem>>
        %dma_wait3A_261 = tpu.memref_squeeze %dma_wait3A_260 : memref<1x128xi32, #tpu.memory_space<vmem>> -> memref<128xi32, #tpu.memory_space<vmem>>
        %dma_wait3A_262 = arith.constant 0 : i32
        %dma_wait3A_263 = arith.constant 0 : i32
        %dma_wait3A_264 = tpu.memref_slice %arg13[%dma_wait3A_262, %dma_wait3A_263] : memref<10112x128xf32, #tpu.memory_space<vmem_shared>> -> memref<10112x128xf32, #tpu.memory_space<vmem_shared>>
        tpu.wait_indirect_dma semaphore(%run_scoped3A_252 : memref<!tpu.dma_semaphore, #tpu.memory_space<semaphore_mem>>) src(%arg12 : memref<128x128xf32, #tpu.memory_space<vmem>>) dst(%dma_wait3A_264 : memref<10112x128xf32, #tpu.memory_space<vmem_shared>>)
        tpu.yield
      }) : () -> ()
      %dma_start3A_224 = arith.constant 7 : i32
      %dma_start3A_225 = arith.constant 0 : i32
      %dma_start3A_226 = tpu.memref_slice %arg9[%dma_start3A_224, %dma_start3A_225] : memref<8x128xi32, #tpu.memory_space<vmem>> -> memref<1x128xi32, #tpu.memory_space<vmem>>
      %dma_start3A_227 = tpu.memref_squeeze %dma_start3A_226 : memref<1x128xi32, #tpu.memory_space<vmem>> -> memref<128xi32, #tpu.memory_space<vmem>>
      %dma_start3A_228 = arith.constant 0 : i32
      %dma_start3A_229 = arith.constant 0 : i32
      %dma_start3A_230 = tpu.memref_slice %arg2[%dma_start3A_228, %dma_start3A_229] : memref<20000x128xf32, #tpu.memory_space<hbm>> -> memref<20000x128xf32, #tpu.memory_space<hbm>>
      tpu.enqueue_indirect_dma source(%dma_start3A_230 : memref<20000x128xf32, #tpu.memory_space<hbm>>) target(%arg12 : memref<128x128xf32, #tpu.memory_space<vmem>>) offsets(%dma_start3A_227 : memref<128xi32, #tpu.memory_space<vmem>>) semaphore(%arg15 : memref<!tpu.dma_semaphore, #tpu.memory_space<semaphore_mem>>)
      %dma_wait3A_231 = arith.constant 0 : i32
      %dma_wait3A_232 = arith.constant 0 : i32
      %dma_wait3A_233 = tpu.memref_slice %arg2[%dma_wait3A_231, %dma_wait3A_232] : memref<20000x128xf32, #tpu.memory_space<hbm>> -> memref<128x128xf32, #tpu.memory_space<hbm>>
      %dma_wait3A_234 = arith.constant 0 : i32
      %dma_wait3A_235 = arith.constant 0 : i32
      %dma_wait3A_236 = tpu.memref_slice %arg2[%dma_wait3A_234, %dma_wait3A_235] : memref<20000x128xf32, #tpu.memory_space<hbm>> -> memref<128x128xf32, #tpu.memory_space<hbm>>
      tpu.wait_dma2 semaphore(%arg14 : memref<!tpu.dma_semaphore, #tpu.memory_space<semaphore_mem>>) src(%dma_wait3A_236 : memref<128x128xf32, #tpu.memory_space<hbm>>) dst(%arg11 : memref<128x128xf32, #tpu.memory_space<vmem>>)
      %run_scoped3A_237 = arith.constant 6 : i32
      "tpu.region"() ({
        %run_scoped3A_252 = tpu.sem_alloc : memref<!tpu.dma_semaphore, #tpu.memory_space<semaphore_mem>>
        %dma_start3A_253 = arith.constant 0 : i32
        %dma_start3A_254 = tpu.memref_slice %arg10[%run_scoped3A_237, %dma_start3A_253] : memref<8x128xi32, #tpu.memory_space<vmem>> -> memref<1x128xi32, #tpu.memory_space<vmem>>
        %dma_start3A_255 = tpu.memref_squeeze %dma_start3A_254 : memref<1x128xi32, #tpu.memory_space<vmem>> -> memref<128xi32, #tpu.memory_space<vmem>>
        %dma_start3A_256 = arith.constant 0 : i32
        %dma_start3A_257 = arith.constant 0 : i32
        %dma_start3A_258 = tpu.memref_slice %arg13[%dma_start3A_256, %dma_start3A_257] : memref<10112x128xf32, #tpu.memory_space<vmem_shared>> -> memref<10112x128xf32, #tpu.memory_space<vmem_shared>>
        tpu.enqueue_indirect_dma source(%arg11 : memref<128x128xf32, #tpu.memory_space<vmem>>) target(%dma_start3A_258 : memref<10112x128xf32, #tpu.memory_space<vmem_shared>>) offsets(%dma_start3A_255 : memref<128xi32, #tpu.memory_space<vmem>>) semaphore(%run_scoped3A_252 : memref<!tpu.dma_semaphore, #tpu.memory_space<semaphore_mem>>) {add = true}
        %dma_wait3A_259 = arith.constant 0 : i32
        %dma_wait3A_260 = tpu.memref_slice %arg10[%run_scoped3A_237, %dma_wait3A_259] : memref<8x128xi32, #tpu.memory_space<vmem>> -> memref<1x128xi32, #tpu.memory_space<vmem>>
        %dma_wait3A_261 = tpu.memref_squeeze %dma_wait3A_260 : memref<1x128xi32, #tpu.memory_space<vmem>> -> memref<128xi32, #tpu.memory_space<vmem>>
        %dma_wait3A_262 = arith.constant 0 : i32
        %dma_wait3A_263 = arith.constant 0 : i32
        %dma_wait3A_264 = tpu.memref_slice %arg13[%dma_wait3A_262, %dma_wait3A_263] : memref<10112x128xf32, #tpu.memory_space<vmem_shared>> -> memref<10112x128xf32, #tpu.memory_space<vmem_shared>>
        tpu.wait_indirect_dma semaphore(%run_scoped3A_252 : memref<!tpu.dma_semaphore, #tpu.memory_space<semaphore_mem>>) src(%arg11 : memref<128x128xf32, #tpu.memory_space<vmem>>) dst(%dma_wait3A_264 : memref<10112x128xf32, #tpu.memory_space<vmem_shared>>)
        tpu.yield
      }) : () -> ()
      %add3A_238 = arith.constant 1 : i32
      %add3A_239 = arith.addi %add3A_132, %add3A_238 : i32
      %lt3A_240 = arith.constant 20 : i32
      %lt3A_241 = arith.cmpi slt, %add3A_239, %lt3A_240 : i32
      %convert_element_type3A_242 = arith.extui %lt3A_241 : i1 to i32
      %cond3A_243 = arith.constant 0 : i32
      %cond3A_244 = arith.cmpi ne, %convert_element_type3A_242, %cond3A_243 : i32
      scf.if %cond3A_244 {
        %dma_wait3A_252 = arith.constant 0 : i32
        %dma_wait3A_253 = arith.constant 0 : i32
        %dma_wait3A_254 = tpu.memref_slice %arg3[%arg0, %arg1, %dma_wait3A_252, %dma_wait3A_253] : memref<2x16x160x128xi32, #tpu.memory_space<hbm>> -> memref<1x1x8x128xi32, #tpu.memory_space<hbm>>
        %dma_wait3A_255 = tpu.memref_squeeze %dma_wait3A_254 : memref<1x1x8x128xi32, #tpu.memory_space<hbm>> -> memref<8x128xi32, #tpu.memory_space<hbm>>
        %dma_wait3A_256 = arith.constant 0 : i32
        %dma_wait3A_257 = arith.constant 0 : i32
        %dma_wait3A_258 = tpu.memref_slice %arg3[%arg0, %arg1, %dma_wait3A_256, %dma_wait3A_257] : memref<2x16x160x128xi32, #tpu.memory_space<hbm>> -> memref<1x1x8x128xi32, #tpu.memory_space<hbm>>
        %dma_wait3A_259 = tpu.memref_squeeze %dma_wait3A_258 : memref<1x1x8x128xi32, #tpu.memory_space<hbm>> -> memref<8x128xi32, #tpu.memory_space<hbm>>
        tpu.wait_dma2 semaphore(%arg16 : memref<!tpu.dma_semaphore, #tpu.memory_space<semaphore_mem>>) src(%dma_wait3A_259 : memref<8x128xi32, #tpu.memory_space<hbm>>) dst(%arg7 : memref<8x128xi32, #tpu.memory_space<vmem>>)
        %dma_wait3A_260 = arith.constant 0 : i32
        %dma_wait3A_261 = arith.constant 0 : i32
        %dma_wait3A_262 = tpu.memref_slice %arg4[%arg0, %arg1, %dma_wait3A_260, %dma_wait3A_261] : memref<2x16x160x128xi32, #tpu.memory_space<hbm>> -> memref<1x1x8x128xi32, #tpu.memory_space<hbm>>
        %dma_wait3A_263 = tpu.memref_squeeze %dma_wait3A_262 : memref<1x1x8x128xi32, #tpu.memory_space<hbm>> -> memref<8x128xi32, #tpu.memory_space<hbm>>
        %dma_wait3A_264 = arith.constant 0 : i32
        %dma_wait3A_265 = arith.constant 0 : i32
        %dma_wait3A_266 = tpu.memref_slice %arg4[%arg0, %arg1, %dma_wait3A_264, %dma_wait3A_265] : memref<2x16x160x128xi32, #tpu.memory_space<hbm>> -> memref<1x1x8x128xi32, #tpu.memory_space<hbm>>
        %dma_wait3A_267 = tpu.memref_squeeze %dma_wait3A_266 : memref<1x1x8x128xi32, #tpu.memory_space<hbm>> -> memref<8x128xi32, #tpu.memory_space<hbm>>
        tpu.wait_dma2 semaphore(%arg16 : memref<!tpu.dma_semaphore, #tpu.memory_space<semaphore_mem>>) src(%dma_wait3A_267 : memref<8x128xi32, #tpu.memory_space<hbm>>) dst(%arg8 : memref<8x128xi32, #tpu.memory_space<vmem>>)
        %dma_start3A_268 = arith.constant 0 : i32
        %dma_start3A_269 = arith.constant 0 : i32
        %dma_start3A_270 = tpu.memref_slice %arg7[%dma_start3A_268, %dma_start3A_269] : memref<8x128xi32, #tpu.memory_space<vmem>> -> memref<1x128xi32, #tpu.memory_space<vmem>>
        %dma_start3A_271 = tpu.memref_squeeze %dma_start3A_270 : memref<1x128xi32, #tpu.memory_space<vmem>> -> memref<128xi32, #tpu.memory_space<vmem>>
        %dma_start3A_272 = arith.constant 0 : i32
        %dma_start3A_273 = arith.constant 0 : i32
        %dma_start3A_274 = tpu.memref_slice %arg2[%dma_start3A_272, %dma_start3A_273] : memref<20000x128xf32, #tpu.memory_space<hbm>> -> memref<20000x128xf32, #tpu.memory_space<hbm>>
        tpu.enqueue_indirect_dma source(%dma_start3A_274 : memref<20000x128xf32, #tpu.memory_space<hbm>>) target(%arg11 : memref<128x128xf32, #tpu.memory_space<vmem>>) offsets(%dma_start3A_271 : memref<128xi32, #tpu.memory_space<vmem>>) semaphore(%arg14 : memref<!tpu.dma_semaphore, #tpu.memory_space<semaphore_mem>>)
      } else {
      }
      %dma_wait3A_245 = arith.constant 0 : i32
      %dma_wait3A_246 = arith.constant 0 : i32
      %dma_wait3A_247 = tpu.memref_slice %arg2[%dma_wait3A_245, %dma_wait3A_246] : memref<20000x128xf32, #tpu.memory_space<hbm>> -> memref<128x128xf32, #tpu.memory_space<hbm>>
      %dma_wait3A_248 = arith.constant 0 : i32
      %dma_wait3A_249 = arith.constant 0 : i32
      %dma_wait3A_250 = tpu.memref_slice %arg2[%dma_wait3A_248, %dma_wait3A_249] : memref<20000x128xf32, #tpu.memory_space<hbm>> -> memref<128x128xf32, #tpu.memory_space<hbm>>
      tpu.wait_dma2 semaphore(%arg15 : memref<!tpu.dma_semaphore, #tpu.memory_space<semaphore_mem>>) src(%dma_wait3A_250 : memref<128x128xf32, #tpu.memory_space<hbm>>) dst(%arg12 : memref<128x128xf32, #tpu.memory_space<vmem>>)
      %run_scoped3A_251 = arith.constant 7 : i32
      "tpu.region"() ({
        %run_scoped3A_252 = tpu.sem_alloc : memref<!tpu.dma_semaphore, #tpu.memory_space<semaphore_mem>>
        %dma_start3A_253 = arith.constant 0 : i32
        %dma_start3A_254 = tpu.memref_slice %arg10[%run_scoped3A_251, %dma_start3A_253] : memref<8x128xi32, #tpu.memory_space<vmem>> -> memref<1x128xi32, #tpu.memory_space<vmem>>
        %dma_start3A_255 = tpu.memref_squeeze %dma_start3A_254 : memref<1x128xi32, #tpu.memory_space<vmem>> -> memref<128xi32, #tpu.memory_space<vmem>>
        %dma_start3A_256 = arith.constant 0 : i32
        %dma_start3A_257 = arith.constant 0 : i32
        %dma_start3A_258 = tpu.memref_slice %arg13[%dma_start3A_256, %dma_start3A_257] : memref<10112x128xf32, #tpu.memory_space<vmem_shared>> -> memref<10112x128xf32, #tpu.memory_space<vmem_shared>>
        tpu.enqueue_indirect_dma source(%arg12 : memref<128x128xf32, #tpu.memory_space<vmem>>) target(%dma_start3A_258 : memref<10112x128xf32, #tpu.memory_space<vmem_shared>>) offsets(%dma_start3A_255 : memref<128xi32, #tpu.memory_space<vmem>>) semaphore(%run_scoped3A_252 : memref<!tpu.dma_semaphore, #tpu.memory_space<semaphore_mem>>) {add = true}
        %dma_wait3A_259 = arith.constant 0 : i32
        %dma_wait3A_260 = tpu.memref_slice %arg10[%run_scoped3A_251, %dma_wait3A_259] : memref<8x128xi32, #tpu.memory_space<vmem>> -> memref<1x128xi32, #tpu.memory_space<vmem>>
        %dma_wait3A_261 = tpu.memref_squeeze %dma_wait3A_260 : memref<1x128xi32, #tpu.memory_space<vmem>> -> memref<128xi32, #tpu.memory_space<vmem>>
        %dma_wait3A_262 = arith.constant 0 : i32
        %dma_wait3A_263 = arith.constant 0 : i32
        %dma_wait3A_264 = tpu.memref_slice %arg13[%dma_wait3A_262, %dma_wait3A_263] : memref<10112x128xf32, #tpu.memory_space<vmem_shared>> -> memref<10112x128xf32, #tpu.memory_space<vmem_shared>>
        tpu.wait_indirect_dma semaphore(%run_scoped3A_252 : memref<!tpu.dma_semaphore, #tpu.memory_space<semaphore_mem>>) src(%arg12 : memref<128x128xf32, #tpu.memory_space<vmem>>) dst(%dma_wait3A_264 : memref<10112x128xf32, #tpu.memory_space<vmem_shared>>)
        tpu.yield
      }) : () -> ()
    }
    %scan3A_11 = arith.constant 10 : i32
    %barrier3A_12 = arith.constant 0 : index
    tpu.barrier barrier_id(%barrier3A_12)
    "tpu.region"() ({
      %run_scoped3A = tpu.sem_alloc : memref<!tpu.dma_semaphore, #tpu.memory_space<semaphore_mem>>
      %dma_start3A_13 = arith.constant 0 : i32
      %dma_start3A_14 = tpu.memref_slice %arg6[%arg0, %mul3A_0, %dma_start3A_13] : memref<2x10112x128xf32, #tpu.memory_space<hbm>> -> memref<1x632x128xf32, #tpu.memory_space<hbm>>
      %dma_start3A_15 = tpu.memref_squeeze %dma_start3A_14 : memref<1x632x128xf32, #tpu.memory_space<hbm>> -> memref<632x128xf32, #tpu.memory_space<hbm>>
      %dma_start3A_16 = arith.constant 0 : i32
      %dma_start3A_17 = tpu.memref_slice %arg13[%mul3A_0, %dma_start3A_16] : memref<10112x128xf32, #tpu.memory_space<vmem_shared>> -> memref<632x128xf32, #tpu.memory_space<vmem_shared>>
      tpu.enqueue_dma source(%dma_start3A_17 : memref<632x128xf32, #tpu.memory_space<vmem_shared>>) target(%dma_start3A_15 : memref<632x128xf32, #tpu.memory_space<hbm>>) target_semaphore(%run_scoped3A : memref<!tpu.dma_semaphore, #tpu.memory_space<semaphore_mem>>)
      %dma_wait3A = arith.constant 0 : i32
      %dma_wait3A_18 = tpu.memref_slice %arg6[%arg0, %mul3A_0, %dma_wait3A] : memref<2x10112x128xf32, #tpu.memory_space<hbm>> -> memref<1x632x128xf32, #tpu.memory_space<hbm>>
      %dma_wait3A_19 = tpu.memref_squeeze %dma_wait3A_18 : memref<1x632x128xf32, #tpu.memory_space<hbm>> -> memref<632x128xf32, #tpu.memory_space<hbm>>
      %dma_wait3A_20 = arith.constant 0 : i32
      %dma_wait3A_21 = tpu.memref_slice %arg13[%mul3A_0, %dma_wait3A_20] : memref<10112x128xf32, #tpu.memory_space<vmem_shared>> -> memref<632x128xf32, #tpu.memory_space<vmem_shared>>
      tpu.wait_dma2 semaphore(%run_scoped3A : memref<!tpu.dma_semaphore, #tpu.memory_space<semaphore_mem>>) src(%dma_wait3A_21 : memref<632x128xf32, #tpu.memory_space<vmem_shared>>) dst(%dma_wait3A_19 : memref<632x128xf32, #tpu.memory_space<hbm>>)
      tpu.yield
    }) : () -> ()
    return
  }
}

#map = affine_map<(d0, d1) -> (0, 0)>
#map1 = affine_map<(d0, d1) -> (0, 0, 0, 0)>
#map2 = affine_map<(d0, d1) -> (0, 0, 0)>
module attributes {stable_mosaic.version = 14 : i64} {
  func.func @_sc_agg_body(%arg0: i32, %arg1: i32, %arg2: memref<20000x128xf32, #tpu.memory_space<hbm>>, %arg3: memref<2x16x160x128xi32, #tpu.memory_space<hbm>>, %arg4: memref<2x16x160x128xi32, #tpu.memory_space<hbm>>, %arg5: memref<10112x128xf32, #tpu.memory_space<hbm>>, %arg6: memref<2x10112x128xf32, #tpu.memory_space<hbm>>, %arg7: memref<8x128xi32, #tpu.memory_space<vmem>>, %arg8: memref<8x128xi32, #tpu.memory_space<vmem>>, %arg9: memref<8x128xi32, #tpu.memory_space<vmem>>, %arg10: memref<8x128xi32, #tpu.memory_space<vmem>>, %arg11: memref<128x128xf32, #tpu.memory_space<vmem>>, %arg12: memref<128x128xf32, #tpu.memory_space<vmem>>, %arg13: memref<10112x128xf32, #tpu.memory_space<vmem_shared>>, %arg14: memref<!tpu.dma_semaphore, #tpu.memory_space<semaphore_mem>>, %arg15: memref<!tpu.dma_semaphore, #tpu.memory_space<semaphore_mem>>, %arg16: memref<!tpu.dma_semaphore, #tpu.memory_space<semaphore_mem>>) attributes {dimension_semantics = [#tpu.dimension_semantics<core_parallel>, #tpu.dimension_semantics<subcore_parallel>], iteration_bounds = array<i64: 2, 16>, scalar_prefetch = 0 : i64, scratch_operands = 10 : i64, tpu.core_type = #tpu.core_type<sc_vector_subcore>, window_params = [{transform_indices = #map}, {transform_indices = #map1}, {transform_indices = #map1}, {transform_indices = #map}, {transform_indices = #map2}]} {
    %mul3A = arith.constant 632 : i32
    %mul3A_0 = arith.muli %arg1, %mul3A : i32
    "tpu.region"() ({
      %run_scoped3A = tpu.sem_alloc : memref<!tpu.dma_semaphore, #tpu.memory_space<semaphore_mem>>
      %dma_start3A_13 = arith.constant 0 : i32
      %dma_start3A_14 = tpu.memref_slice %arg13[%mul3A_0, %dma_start3A_13] : memref<10112x128xf32, #tpu.memory_space<vmem_shared>> -> memref<632x128xf32, #tpu.memory_space<vmem_shared>>
      %dma_start3A_15 = arith.constant 0 : i32
      %dma_start3A_16 = tpu.memref_slice %arg5[%mul3A_0, %dma_start3A_15] : memref<10112x128xf32, #tpu.memory_space<hbm>> -> memref<632x128xf32, #tpu.memory_space<hbm>>
      tpu.enqueue_dma source(%dma_start3A_16 : memref<632x128xf32, #tpu.memory_space<hbm>>) target(%dma_start3A_14 : memref<632x128xf32, #tpu.memory_space<vmem_shared>>) target_semaphore(%run_scoped3A : memref<!tpu.dma_semaphore, #tpu.memory_space<semaphore_mem>>)
      %dma_wait3A = arith.constant 0 : i32
      %dma_wait3A_17 = tpu.memref_slice %arg13[%mul3A_0, %dma_wait3A] : memref<10112x128xf32, #tpu.memory_space<vmem_shared>> -> memref<632x128xf32, #tpu.memory_space<vmem_shared>>
      %dma_wait3A_18 = arith.constant 0 : i32
      %dma_wait3A_19 = tpu.memref_slice %arg5[%mul3A_0, %dma_wait3A_18] : memref<10112x128xf32, #tpu.memory_space<hbm>> -> memref<632x128xf32, #tpu.memory_space<hbm>>
      tpu.wait_dma2 semaphore(%run_scoped3A : memref<!tpu.dma_semaphore, #tpu.memory_space<semaphore_mem>>) src(%dma_wait3A_19 : memref<632x128xf32, #tpu.memory_space<hbm>>) dst(%dma_wait3A_17 : memref<632x128xf32, #tpu.memory_space<vmem_shared>>)
      tpu.yield
    }) : () -> ()
    %barrier3A = arith.constant 0 : index
    tpu.barrier barrier_id(%barrier3A)
    "tpu.region"() ({
      %run_scoped3A = tpu.sem_alloc : memref<!tpu.dma_semaphore, #tpu.memory_space<semaphore_mem>>
      %dma_start3A_13 = arith.constant 0 : i32
      %dma_start3A_14 = arith.constant 0 : i32
      %dma_start3A_15 = tpu.memref_slice %arg3[%arg0, %arg1, %dma_start3A_13, %dma_start3A_14] : memref<2x16x160x128xi32, #tpu.memory_space<hbm>> -> memref<1x1x8x128xi32, #tpu.memory_space<hbm>>
      %dma_start3A_16 = tpu.memref_squeeze %dma_start3A_15 : memref<1x1x8x128xi32, #tpu.memory_space<hbm>> -> memref<8x128xi32, #tpu.memory_space<hbm>>
      %dma_start3A_17 = arith.constant 0 : i32
      %dma_start3A_18 = arith.constant 0 : i32
      %dma_start3A_19 = tpu.memref_slice %arg3[%arg0, %arg1, %dma_start3A_17, %dma_start3A_18] : memref<2x16x160x128xi32, #tpu.memory_space<hbm>> -> memref<1x1x8x128xi32, #tpu.memory_space<hbm>>
      %dma_start3A_20 = tpu.memref_squeeze %dma_start3A_19 : memref<1x1x8x128xi32, #tpu.memory_space<hbm>> -> memref<8x128xi32, #tpu.memory_space<hbm>>
      tpu.enqueue_dma source(%dma_start3A_20 : memref<8x128xi32, #tpu.memory_space<hbm>>) target(%arg7 : memref<8x128xi32, #tpu.memory_space<vmem>>) target_semaphore(%run_scoped3A : memref<!tpu.dma_semaphore, #tpu.memory_space<semaphore_mem>>)
      %dma_wait3A = arith.constant 0 : i32
      %dma_wait3A_21 = arith.constant 0 : i32
      %dma_wait3A_22 = tpu.memref_slice %arg3[%arg0, %arg1, %dma_wait3A, %dma_wait3A_21] : memref<2x16x160x128xi32, #tpu.memory_space<hbm>> -> memref<1x1x8x128xi32, #tpu.memory_space<hbm>>
      %dma_wait3A_23 = tpu.memref_squeeze %dma_wait3A_22 : memref<1x1x8x128xi32, #tpu.memory_space<hbm>> -> memref<8x128xi32, #tpu.memory_space<hbm>>
      %dma_wait3A_24 = arith.constant 0 : i32
      %dma_wait3A_25 = arith.constant 0 : i32
      %dma_wait3A_26 = tpu.memref_slice %arg3[%arg0, %arg1, %dma_wait3A_24, %dma_wait3A_25] : memref<2x16x160x128xi32, #tpu.memory_space<hbm>> -> memref<1x1x8x128xi32, #tpu.memory_space<hbm>>
      %dma_wait3A_27 = tpu.memref_squeeze %dma_wait3A_26 : memref<1x1x8x128xi32, #tpu.memory_space<hbm>> -> memref<8x128xi32, #tpu.memory_space<hbm>>
      tpu.wait_dma2 semaphore(%run_scoped3A : memref<!tpu.dma_semaphore, #tpu.memory_space<semaphore_mem>>) src(%dma_wait3A_27 : memref<8x128xi32, #tpu.memory_space<hbm>>) dst(%arg7 : memref<8x128xi32, #tpu.memory_space<vmem>>)
      tpu.yield
    }) : () -> ()
    "tpu.region"() ({
      %run_scoped3A = tpu.sem_alloc : memref<!tpu.dma_semaphore, #tpu.memory_space<semaphore_mem>>
      %dma_start3A_13 = arith.constant 0 : i32
      %dma_start3A_14 = arith.constant 0 : i32
      %dma_start3A_15 = tpu.memref_slice %arg4[%arg0, %arg1, %dma_start3A_13, %dma_start3A_14] : memref<2x16x160x128xi32, #tpu.memory_space<hbm>> -> memref<1x1x8x128xi32, #tpu.memory_space<hbm>>
      %dma_start3A_16 = tpu.memref_squeeze %dma_start3A_15 : memref<1x1x8x128xi32, #tpu.memory_space<hbm>> -> memref<8x128xi32, #tpu.memory_space<hbm>>
      %dma_start3A_17 = arith.constant 0 : i32
      %dma_start3A_18 = arith.constant 0 : i32
      %dma_start3A_19 = tpu.memref_slice %arg4[%arg0, %arg1, %dma_start3A_17, %dma_start3A_18] : memref<2x16x160x128xi32, #tpu.memory_space<hbm>> -> memref<1x1x8x128xi32, #tpu.memory_space<hbm>>
      %dma_start3A_20 = tpu.memref_squeeze %dma_start3A_19 : memref<1x1x8x128xi32, #tpu.memory_space<hbm>> -> memref<8x128xi32, #tpu.memory_space<hbm>>
      tpu.enqueue_dma source(%dma_start3A_20 : memref<8x128xi32, #tpu.memory_space<hbm>>) target(%arg8 : memref<8x128xi32, #tpu.memory_space<vmem>>) target_semaphore(%run_scoped3A : memref<!tpu.dma_semaphore, #tpu.memory_space<semaphore_mem>>)
      %dma_wait3A = arith.constant 0 : i32
      %dma_wait3A_21 = arith.constant 0 : i32
      %dma_wait3A_22 = tpu.memref_slice %arg4[%arg0, %arg1, %dma_wait3A, %dma_wait3A_21] : memref<2x16x160x128xi32, #tpu.memory_space<hbm>> -> memref<1x1x8x128xi32, #tpu.memory_space<hbm>>
      %dma_wait3A_23 = tpu.memref_squeeze %dma_wait3A_22 : memref<1x1x8x128xi32, #tpu.memory_space<hbm>> -> memref<8x128xi32, #tpu.memory_space<hbm>>
      %dma_wait3A_24 = arith.constant 0 : i32
      %dma_wait3A_25 = arith.constant 0 : i32
      %dma_wait3A_26 = tpu.memref_slice %arg4[%arg0, %arg1, %dma_wait3A_24, %dma_wait3A_25] : memref<2x16x160x128xi32, #tpu.memory_space<hbm>> -> memref<1x1x8x128xi32, #tpu.memory_space<hbm>>
      %dma_wait3A_27 = tpu.memref_squeeze %dma_wait3A_26 : memref<1x1x8x128xi32, #tpu.memory_space<hbm>> -> memref<8x128xi32, #tpu.memory_space<hbm>>
      tpu.wait_dma2 semaphore(%run_scoped3A : memref<!tpu.dma_semaphore, #tpu.memory_space<semaphore_mem>>) src(%dma_wait3A_27 : memref<8x128xi32, #tpu.memory_space<hbm>>) dst(%arg8 : memref<8x128xi32, #tpu.memory_space<vmem>>)
      tpu.yield
    }) : () -> ()
    %dma_start3A = arith.constant 0 : i32
    %dma_start3A_1 = arith.constant 0 : i32
    %dma_start3A_2 = tpu.memref_slice %arg7[%dma_start3A, %dma_start3A_1] : memref<8x128xi32, #tpu.memory_space<vmem>> -> memref<1x128xi32, #tpu.memory_space<vmem>>
    %dma_start3A_3 = tpu.memref_squeeze %dma_start3A_2 : memref<1x128xi32, #tpu.memory_space<vmem>> -> memref<128xi32, #tpu.memory_space<vmem>>
    %dma_start3A_4 = arith.constant 0 : i32
    %dma_start3A_5 = arith.constant 0 : i32
    %dma_start3A_6 = tpu.memref_slice %arg2[%dma_start3A_4, %dma_start3A_5] : memref<20000x128xf32, #tpu.memory_space<hbm>> -> memref<20000x128xf32, #tpu.memory_space<hbm>>
    tpu.enqueue_indirect_dma source(%dma_start3A_6 : memref<20000x128xf32, #tpu.memory_space<hbm>>) target(%arg11 : memref<128x128xf32, #tpu.memory_space<vmem>>) offsets(%dma_start3A_3 : memref<128xi32, #tpu.memory_space<vmem>>) semaphore(%arg14 : memref<!tpu.dma_semaphore, #tpu.memory_space<semaphore_mem>>)
    %scan3A = arith.constant 0 : i32
    %scan3A_7 = arith.constant 0 : i32
    %scan3A_8 = arith.constant 10 : i32
    %scan3A_9 = arith.addi %scan3A_7, %scan3A_8 : i32
    %scan3A_10 = arith.constant 1 : i32
    scf.for %scan3A_13 = %scan3A_7 to %scan3A_9 step %scan3A_10  : i32 {
      %mul3A_14 = arith.constant 2 : i32
      %mul3A_15 = arith.muli %mul3A_14, %scan3A_13 : i32
      %add3A = arith.constant 1 : i32
      %add3A_16 = arith.addi %mul3A_15, %add3A : i32
      %lt3A = arith.constant 20 : i32
      %lt3A_17 = arith.cmpi slt, %add3A_16, %lt3A : i32
      %convert_element_type3A = arith.extui %lt3A_17 : i1 to i32
      %cond3A = arith.constant 0 : i32
      %cond3A_18 = arith.cmpi ne, %convert_element_type3A, %cond3A : i32
      scf.if %cond3A_18 {
        %add3A_252 = arith.constant 1 : i32
        %add3A_253 = arith.addi %mul3A_15, %add3A_252 : i32
        %mul3A_254 = arith.constant 8 : i32
        %mul3A_255 = arith.muli %add3A_253, %mul3A_254 : i32
        %dma_start3A_256 = arith.constant 0 : i32
        %dma_start3A_257 = tpu.memref_slice %arg3[%arg0, %arg1, %mul3A_255, %dma_start3A_256] : memref<2x16x160x128xi32, #tpu.memory_space<hbm>> -> memref<1x1x8x128xi32, #tpu.memory_space<hbm>>
        %dma_start3A_258 = tpu.memref_squeeze %dma_start3A_257 : memref<1x1x8x128xi32, #tpu.memory_space<hbm>> -> memref<8x128xi32, #tpu.memory_space<hbm>>
        %dma_start3A_259 = arith.constant 0 : i32
        %dma_start3A_260 = tpu.memref_slice %arg3[%arg0, %arg1, %mul3A_255, %dma_start3A_259] : memref<2x16x160x128xi32, #tpu.memory_space<hbm>> -> memref<1x1x8x128xi32, #tpu.memory_space<hbm>>
        %dma_start3A_261 = tpu.memref_squeeze %dma_start3A_260 : memref<1x1x8x128xi32, #tpu.memory_space<hbm>> -> memref<8x128xi32, #tpu.memory_space<hbm>>
        tpu.enqueue_dma source(%dma_start3A_261 : memref<8x128xi32, #tpu.memory_space<hbm>>) target(%arg9 : memref<8x128xi32, #tpu.memory_space<vmem>>) target_semaphore(%arg16 : memref<!tpu.dma_semaphore, #tpu.memory_space<semaphore_mem>>)
        %add3A_262 = arith.constant 1 : i32
        %add3A_263 = arith.addi %mul3A_15, %add3A_262 : i32
        %mul3A_264 = arith.constant 8 : i32
        %mul3A_265 = arith.muli %add3A_263, %mul3A_264 : i32
        %dma_start3A_266 = arith.constant 0 : i32
        %dma_start3A_267 = tpu.memref_slice %arg4[%arg0, %arg1, %mul3A_265, %dma_start3A_266] : memref<2x16x160x128xi32, #tpu.memory_space<hbm>> -> memref<1x1x8x128xi32, #tpu.memory_space<hbm>>
        %dma_start3A_268 = tpu.memref_squeeze %dma_start3A_267 : memref<1x1x8x128xi32, #tpu.memory_space<hbm>> -> memref<8x128xi32, #tpu.memory_space<hbm>>
        %dma_start3A_269 = arith.constant 0 : i32
        %dma_start3A_270 = tpu.memref_slice %arg4[%arg0, %arg1, %mul3A_265, %dma_start3A_269] : memref<2x16x160x128xi32, #tpu.memory_space<hbm>> -> memref<1x1x8x128xi32, #tpu.memory_space<hbm>>
        %dma_start3A_271 = tpu.memref_squeeze %dma_start3A_270 : memref<1x1x8x128xi32, #tpu.memory_space<hbm>> -> memref<8x128xi32, #tpu.memory_space<hbm>>
        tpu.enqueue_dma source(%dma_start3A_271 : memref<8x128xi32, #tpu.memory_space<hbm>>) target(%arg10 : memref<8x128xi32, #tpu.memory_space<vmem>>) target_semaphore(%arg16 : memref<!tpu.dma_semaphore, #tpu.memory_space<semaphore_mem>>)
      } else {
      }
      %dma_start3A_19 = arith.constant 1 : i32
      %dma_start3A_20 = arith.constant 0 : i32
      %dma_start3A_21 = tpu.memref_slice %arg7[%dma_start3A_19, %dma_start3A_20] : memref<8x128xi32, #tpu.memory_space<vmem>> -> memref<1x128xi32, #tpu.memory_space<vmem>>
      %dma_start3A_22 = tpu.memref_squeeze %dma_start3A_21 : memref<1x128xi32, #tpu.memory_space<vmem>> -> memref<128xi32, #tpu.memory_space<vmem>>
      %dma_start3A_23 = arith.constant 0 : i32
      %dma_start3A_24 = arith.constant 0 : i32
      %dma_start3A_25 = tpu.memref_slice %arg2[%dma_start3A_23, %dma_start3A_24] : memref<20000x128xf32, #tpu.memory_space<hbm>> -> memref<20000x128xf32, #tpu.memory_space<hbm>>
      tpu.enqueue_indirect_dma source(%dma_start3A_25 : memref<20000x128xf32, #tpu.memory_space<hbm>>) target(%arg12 : memref<128x128xf32, #tpu.memory_space<vmem>>) offsets(%dma_start3A_22 : memref<128xi32, #tpu.memory_space<vmem>>) semaphore(%arg15 : memref<!tpu.dma_semaphore, #tpu.memory_space<semaphore_mem>>)
      %dma_wait3A = arith.constant 0 : i32
      %dma_wait3A_26 = arith.constant 0 : i32
      %dma_wait3A_27 = tpu.memref_slice %arg2[%dma_wait3A, %dma_wait3A_26] : memref<20000x128xf32, #tpu.memory_space<hbm>> -> memref<128x128xf32, #tpu.memory_space<hbm>>
      %dma_wait3A_28 = arith.constant 0 : i32
      %dma_wait3A_29 = arith.constant 0 : i32
      %dma_wait3A_30 = tpu.memref_slice %arg2[%dma_wait3A_28, %dma_wait3A_29] : memref<20000x128xf32, #tpu.memory_space<hbm>> -> memref<128x128xf32, #tpu.memory_space<hbm>>
      tpu.wait_dma2 semaphore(%arg14 : memref<!tpu.dma_semaphore, #tpu.memory_space<semaphore_mem>>) src(%dma_wait3A_30 : memref<128x128xf32, #tpu.memory_space<hbm>>) dst(%arg11 : memref<128x128xf32, #tpu.memory_space<vmem>>)
      %run_scoped3A = arith.constant 0 : i32
      "tpu.region"() ({
        %run_scoped3A_252 = tpu.sem_alloc : memref<!tpu.dma_semaphore, #tpu.memory_space<semaphore_mem>>
        %dma_start3A_253 = arith.constant 0 : i32
        %dma_start3A_254 = tpu.memref_slice %arg8[%run_scoped3A, %dma_start3A_253] : memref<8x128xi32, #tpu.memory_space<vmem>> -> memref<1x128xi32, #tpu.memory_space<vmem>>
        %dma_start3A_255 = tpu.memref_squeeze %dma_start3A_254 : memref<1x128xi32, #tpu.memory_space<vmem>> -> memref<128xi32, #tpu.memory_space<vmem>>
        %dma_start3A_256 = arith.constant 0 : i32
        %dma_start3A_257 = arith.constant 0 : i32
        %dma_start3A_258 = tpu.memref_slice %arg13[%dma_start3A_256, %dma_start3A_257] : memref<10112x128xf32, #tpu.memory_space<vmem_shared>> -> memref<10112x128xf32, #tpu.memory_space<vmem_shared>>
        tpu.enqueue_indirect_dma source(%arg11 : memref<128x128xf32, #tpu.memory_space<vmem>>) target(%dma_start3A_258 : memref<10112x128xf32, #tpu.memory_space<vmem_shared>>) offsets(%dma_start3A_255 : memref<128xi32, #tpu.memory_space<vmem>>) semaphore(%run_scoped3A_252 : memref<!tpu.dma_semaphore, #tpu.memory_space<semaphore_mem>>) {add = true}
        %dma_wait3A_259 = arith.constant 0 : i32
        %dma_wait3A_260 = tpu.memref_slice %arg8[%run_scoped3A, %dma_wait3A_259] : memref<8x128xi32, #tpu.memory_space<vmem>> -> memref<1x128xi32, #tpu.memory_space<vmem>>
        %dma_wait3A_261 = tpu.memref_squeeze %dma_wait3A_260 : memref<1x128xi32, #tpu.memory_space<vmem>> -> memref<128xi32, #tpu.memory_space<vmem>>
        %dma_wait3A_262 = arith.constant 0 : i32
        %dma_wait3A_263 = arith.constant 0 : i32
        %dma_wait3A_264 = tpu.memref_slice %arg13[%dma_wait3A_262, %dma_wait3A_263] : memref<10112x128xf32, #tpu.memory_space<vmem_shared>> -> memref<10112x128xf32, #tpu.memory_space<vmem_shared>>
        tpu.wait_indirect_dma semaphore(%run_scoped3A_252 : memref<!tpu.dma_semaphore, #tpu.memory_space<semaphore_mem>>) src(%arg11 : memref<128x128xf32, #tpu.memory_space<vmem>>) dst(%dma_wait3A_264 : memref<10112x128xf32, #tpu.memory_space<vmem_shared>>)
        tpu.yield
      }) : () -> ()
      %dma_start3A_31 = arith.constant 2 : i32
      %dma_start3A_32 = arith.constant 0 : i32
      %dma_start3A_33 = tpu.memref_slice %arg7[%dma_start3A_31, %dma_start3A_32] : memref<8x128xi32, #tpu.memory_space<vmem>> -> memref<1x128xi32, #tpu.memory_space<vmem>>
      %dma_start3A_34 = tpu.memref_squeeze %dma_start3A_33 : memref<1x128xi32, #tpu.memory_space<vmem>> -> memref<128xi32, #tpu.memory_space<vmem>>
      %dma_start3A_35 = arith.constant 0 : i32
      %dma_start3A_36 = arith.constant 0 : i32
      %dma_start3A_37 = tpu.memref_slice %arg2[%dma_start3A_35, %dma_start3A_36] : memref<20000x128xf32, #tpu.memory_space<hbm>> -> memref<20000x128xf32, #tpu.memory_space<hbm>>
      tpu.enqueue_indirect_dma source(%dma_start3A_37 : memref<20000x128xf32, #tpu.memory_space<hbm>>) target(%arg11 : memref<128x128xf32, #tpu.memory_space<vmem>>) offsets(%dma_start3A_34 : memref<128xi32, #tpu.memory_space<vmem>>) semaphore(%arg14 : memref<!tpu.dma_semaphore, #tpu.memory_space<semaphore_mem>>)
      %dma_wait3A_38 = arith.constant 0 : i32
      %dma_wait3A_39 = arith.constant 0 : i32
      %dma_wait3A_40 = tpu.memref_slice %arg2[%dma_wait3A_38, %dma_wait3A_39] : memref<20000x128xf32, #tpu.memory_space<hbm>> -> memref<128x128xf32, #tpu.memory_space<hbm>>
      %dma_wait3A_41 = arith.constant 0 : i32
      %dma_wait3A_42 = arith.constant 0 : i32
      %dma_wait3A_43 = tpu.memref_slice %arg2[%dma_wait3A_41, %dma_wait3A_42] : memref<20000x128xf32, #tpu.memory_space<hbm>> -> memref<128x128xf32, #tpu.memory_space<hbm>>
      tpu.wait_dma2 semaphore(%arg15 : memref<!tpu.dma_semaphore, #tpu.memory_space<semaphore_mem>>) src(%dma_wait3A_43 : memref<128x128xf32, #tpu.memory_space<hbm>>) dst(%arg12 : memref<128x128xf32, #tpu.memory_space<vmem>>)
      %run_scoped3A_44 = arith.constant 1 : i32
      "tpu.region"() ({
        %run_scoped3A_252 = tpu.sem_alloc : memref<!tpu.dma_semaphore, #tpu.memory_space<semaphore_mem>>
        %dma_start3A_253 = arith.constant 0 : i32
        %dma_start3A_254 = tpu.memref_slice %arg8[%run_scoped3A_44, %dma_start3A_253] : memref<8x128xi32, #tpu.memory_space<vmem>> -> memref<1x128xi32, #tpu.memory_space<vmem>>
        %dma_start3A_255 = tpu.memref_squeeze %dma_start3A_254 : memref<1x128xi32, #tpu.memory_space<vmem>> -> memref<128xi32, #tpu.memory_space<vmem>>
        %dma_start3A_256 = arith.constant 0 : i32
        %dma_start3A_257 = arith.constant 0 : i32
        %dma_start3A_258 = tpu.memref_slice %arg13[%dma_start3A_256, %dma_start3A_257] : memref<10112x128xf32, #tpu.memory_space<vmem_shared>> -> memref<10112x128xf32, #tpu.memory_space<vmem_shared>>
        tpu.enqueue_indirect_dma source(%arg12 : memref<128x128xf32, #tpu.memory_space<vmem>>) target(%dma_start3A_258 : memref<10112x128xf32, #tpu.memory_space<vmem_shared>>) offsets(%dma_start3A_255 : memref<128xi32, #tpu.memory_space<vmem>>) semaphore(%run_scoped3A_252 : memref<!tpu.dma_semaphore, #tpu.memory_space<semaphore_mem>>) {add = true}
        %dma_wait3A_259 = arith.constant 0 : i32
        %dma_wait3A_260 = tpu.memref_slice %arg8[%run_scoped3A_44, %dma_wait3A_259] : memref<8x128xi32, #tpu.memory_space<vmem>> -> memref<1x128xi32, #tpu.memory_space<vmem>>
        %dma_wait3A_261 = tpu.memref_squeeze %dma_wait3A_260 : memref<1x128xi32, #tpu.memory_space<vmem>> -> memref<128xi32, #tpu.memory_space<vmem>>
        %dma_wait3A_262 = arith.constant 0 : i32
        %dma_wait3A_263 = arith.constant 0 : i32
        %dma_wait3A_264 = tpu.memref_slice %arg13[%dma_wait3A_262, %dma_wait3A_263] : memref<10112x128xf32, #tpu.memory_space<vmem_shared>> -> memref<10112x128xf32, #tpu.memory_space<vmem_shared>>
        tpu.wait_indirect_dma semaphore(%run_scoped3A_252 : memref<!tpu.dma_semaphore, #tpu.memory_space<semaphore_mem>>) src(%arg12 : memref<128x128xf32, #tpu.memory_space<vmem>>) dst(%dma_wait3A_264 : memref<10112x128xf32, #tpu.memory_space<vmem_shared>>)
        tpu.yield
      }) : () -> ()
      %dma_start3A_45 = arith.constant 3 : i32
      %dma_start3A_46 = arith.constant 0 : i32
      %dma_start3A_47 = tpu.memref_slice %arg7[%dma_start3A_45, %dma_start3A_46] : memref<8x128xi32, #tpu.memory_space<vmem>> -> memref<1x128xi32, #tpu.memory_space<vmem>>
      %dma_start3A_48 = tpu.memref_squeeze %dma_start3A_47 : memref<1x128xi32, #tpu.memory_space<vmem>> -> memref<128xi32, #tpu.memory_space<vmem>>
      %dma_start3A_49 = arith.constant 0 : i32
      %dma_start3A_50 = arith.constant 0 : i32
      %dma_start3A_51 = tpu.memref_slice %arg2[%dma_start3A_49, %dma_start3A_50] : memref<20000x128xf32, #tpu.memory_space<hbm>> -> memref<20000x128xf32, #tpu.memory_space<hbm>>
      tpu.enqueue_indirect_dma source(%dma_start3A_51 : memref<20000x128xf32, #tpu.memory_space<hbm>>) target(%arg12 : memref<128x128xf32, #tpu.memory_space<vmem>>) offsets(%dma_start3A_48 : memref<128xi32, #tpu.memory_space<vmem>>) semaphore(%arg15 : memref<!tpu.dma_semaphore, #tpu.memory_space<semaphore_mem>>)
      %dma_wait3A_52 = arith.constant 0 : i32
      %dma_wait3A_53 = arith.constant 0 : i32
      %dma_wait3A_54 = tpu.memref_slice %arg2[%dma_wait3A_52, %dma_wait3A_53] : memref<20000x128xf32, #tpu.memory_space<hbm>> -> memref<128x128xf32, #tpu.memory_space<hbm>>
      %dma_wait3A_55 = arith.constant 0 : i32
      %dma_wait3A_56 = arith.constant 0 : i32
      %dma_wait3A_57 = tpu.memref_slice %arg2[%dma_wait3A_55, %dma_wait3A_56] : memref<20000x128xf32, #tpu.memory_space<hbm>> -> memref<128x128xf32, #tpu.memory_space<hbm>>
      tpu.wait_dma2 semaphore(%arg14 : memref<!tpu.dma_semaphore, #tpu.memory_space<semaphore_mem>>) src(%dma_wait3A_57 : memref<128x128xf32, #tpu.memory_space<hbm>>) dst(%arg11 : memref<128x128xf32, #tpu.memory_space<vmem>>)
      %run_scoped3A_58 = arith.constant 2 : i32
      "tpu.region"() ({
        %run_scoped3A_252 = tpu.sem_alloc : memref<!tpu.dma_semaphore, #tpu.memory_space<semaphore_mem>>
        %dma_start3A_253 = arith.constant 0 : i32
        %dma_start3A_254 = tpu.memref_slice %arg8[%run_scoped3A_58, %dma_start3A_253] : memref<8x128xi32, #tpu.memory_space<vmem>> -> memref<1x128xi32, #tpu.memory_space<vmem>>
        %dma_start3A_255 = tpu.memref_squeeze %dma_start3A_254 : memref<1x128xi32, #tpu.memory_space<vmem>> -> memref<128xi32, #tpu.memory_space<vmem>>
        %dma_start3A_256 = arith.constant 0 : i32
        %dma_start3A_257 = arith.constant 0 : i32
        %dma_start3A_258 = tpu.memref_slice %arg13[%dma_start3A_256, %dma_start3A_257] : memref<10112x128xf32, #tpu.memory_space<vmem_shared>> -> memref<10112x128xf32, #tpu.memory_space<vmem_shared>>
        tpu.enqueue_indirect_dma source(%arg11 : memref<128x128xf32, #tpu.memory_space<vmem>>) target(%dma_start3A_258 : memref<10112x128xf32, #tpu.memory_space<vmem_shared>>) offsets(%dma_start3A_255 : memref<128xi32, #tpu.memory_space<vmem>>) semaphore(%run_scoped3A_252 : memref<!tpu.dma_semaphore, #tpu.memory_space<semaphore_mem>>) {add = true}
        %dma_wait3A_259 = arith.constant 0 : i32
        %dma_wait3A_260 = tpu.memref_slice %arg8[%run_scoped3A_58, %dma_wait3A_259] : memref<8x128xi32, #tpu.memory_space<vmem>> -> memref<1x128xi32, #tpu.memory_space<vmem>>
        %dma_wait3A_261 = tpu.memref_squeeze %dma_wait3A_260 : memref<1x128xi32, #tpu.memory_space<vmem>> -> memref<128xi32, #tpu.memory_space<vmem>>
        %dma_wait3A_262 = arith.constant 0 : i32
        %dma_wait3A_263 = arith.constant 0 : i32
        %dma_wait3A_264 = tpu.memref_slice %arg13[%dma_wait3A_262, %dma_wait3A_263] : memref<10112x128xf32, #tpu.memory_space<vmem_shared>> -> memref<10112x128xf32, #tpu.memory_space<vmem_shared>>
        tpu.wait_indirect_dma semaphore(%run_scoped3A_252 : memref<!tpu.dma_semaphore, #tpu.memory_space<semaphore_mem>>) src(%arg11 : memref<128x128xf32, #tpu.memory_space<vmem>>) dst(%dma_wait3A_264 : memref<10112x128xf32, #tpu.memory_space<vmem_shared>>)
        tpu.yield
      }) : () -> ()
      %dma_start3A_59 = arith.constant 4 : i32
      %dma_start3A_60 = arith.constant 0 : i32
      %dma_start3A_61 = tpu.memref_slice %arg7[%dma_start3A_59, %dma_start3A_60] : memref<8x128xi32, #tpu.memory_space<vmem>> -> memref<1x128xi32, #tpu.memory_space<vmem>>
      %dma_start3A_62 = tpu.memref_squeeze %dma_start3A_61 : memref<1x128xi32, #tpu.memory_space<vmem>> -> memref<128xi32, #tpu.memory_space<vmem>>
      %dma_start3A_63 = arith.constant 0 : i32
      %dma_start3A_64 = arith.constant 0 : i32
      %dma_start3A_65 = tpu.memref_slice %arg2[%dma_start3A_63, %dma_start3A_64] : memref<20000x128xf32, #tpu.memory_space<hbm>> -> memref<20000x128xf32, #tpu.memory_space<hbm>>
      tpu.enqueue_indirect_dma source(%dma_start3A_65 : memref<20000x128xf32, #tpu.memory_space<hbm>>) target(%arg11 : memref<128x128xf32, #tpu.memory_space<vmem>>) offsets(%dma_start3A_62 : memref<128xi32, #tpu.memory_space<vmem>>) semaphore(%arg14 : memref<!tpu.dma_semaphore, #tpu.memory_space<semaphore_mem>>)
      %dma_wait3A_66 = arith.constant 0 : i32
      %dma_wait3A_67 = arith.constant 0 : i32
      %dma_wait3A_68 = tpu.memref_slice %arg2[%dma_wait3A_66, %dma_wait3A_67] : memref<20000x128xf32, #tpu.memory_space<hbm>> -> memref<128x128xf32, #tpu.memory_space<hbm>>
      %dma_wait3A_69 = arith.constant 0 : i32
      %dma_wait3A_70 = arith.constant 0 : i32
      %dma_wait3A_71 = tpu.memref_slice %arg2[%dma_wait3A_69, %dma_wait3A_70] : memref<20000x128xf32, #tpu.memory_space<hbm>> -> memref<128x128xf32, #tpu.memory_space<hbm>>
      tpu.wait_dma2 semaphore(%arg15 : memref<!tpu.dma_semaphore, #tpu.memory_space<semaphore_mem>>) src(%dma_wait3A_71 : memref<128x128xf32, #tpu.memory_space<hbm>>) dst(%arg12 : memref<128x128xf32, #tpu.memory_space<vmem>>)
      %run_scoped3A_72 = arith.constant 3 : i32
      "tpu.region"() ({
        %run_scoped3A_252 = tpu.sem_alloc : memref<!tpu.dma_semaphore, #tpu.memory_space<semaphore_mem>>
        %dma_start3A_253 = arith.constant 0 : i32
        %dma_start3A_254 = tpu.memref_slice %arg8[%run_scoped3A_72, %dma_start3A_253] : memref<8x128xi32, #tpu.memory_space<vmem>> -> memref<1x128xi32, #tpu.memory_space<vmem>>
        %dma_start3A_255 = tpu.memref_squeeze %dma_start3A_254 : memref<1x128xi32, #tpu.memory_space<vmem>> -> memref<128xi32, #tpu.memory_space<vmem>>
        %dma_start3A_256 = arith.constant 0 : i32
        %dma_start3A_257 = arith.constant 0 : i32
        %dma_start3A_258 = tpu.memref_slice %arg13[%dma_start3A_256, %dma_start3A_257] : memref<10112x128xf32, #tpu.memory_space<vmem_shared>> -> memref<10112x128xf32, #tpu.memory_space<vmem_shared>>
        tpu.enqueue_indirect_dma source(%arg12 : memref<128x128xf32, #tpu.memory_space<vmem>>) target(%dma_start3A_258 : memref<10112x128xf32, #tpu.memory_space<vmem_shared>>) offsets(%dma_start3A_255 : memref<128xi32, #tpu.memory_space<vmem>>) semaphore(%run_scoped3A_252 : memref<!tpu.dma_semaphore, #tpu.memory_space<semaphore_mem>>) {add = true}
        %dma_wait3A_259 = arith.constant 0 : i32
        %dma_wait3A_260 = tpu.memref_slice %arg8[%run_scoped3A_72, %dma_wait3A_259] : memref<8x128xi32, #tpu.memory_space<vmem>> -> memref<1x128xi32, #tpu.memory_space<vmem>>
        %dma_wait3A_261 = tpu.memref_squeeze %dma_wait3A_260 : memref<1x128xi32, #tpu.memory_space<vmem>> -> memref<128xi32, #tpu.memory_space<vmem>>
        %dma_wait3A_262 = arith.constant 0 : i32
        %dma_wait3A_263 = arith.constant 0 : i32
        %dma_wait3A_264 = tpu.memref_slice %arg13[%dma_wait3A_262, %dma_wait3A_263] : memref<10112x128xf32, #tpu.memory_space<vmem_shared>> -> memref<10112x128xf32, #tpu.memory_space<vmem_shared>>
        tpu.wait_indirect_dma semaphore(%run_scoped3A_252 : memref<!tpu.dma_semaphore, #tpu.memory_space<semaphore_mem>>) src(%arg12 : memref<128x128xf32, #tpu.memory_space<vmem>>) dst(%dma_wait3A_264 : memref<10112x128xf32, #tpu.memory_space<vmem_shared>>)
        tpu.yield
      }) : () -> ()
      %dma_start3A_73 = arith.constant 5 : i32
      %dma_start3A_74 = arith.constant 0 : i32
      %dma_start3A_75 = tpu.memref_slice %arg7[%dma_start3A_73, %dma_start3A_74] : memref<8x128xi32, #tpu.memory_space<vmem>> -> memref<1x128xi32, #tpu.memory_space<vmem>>
      %dma_start3A_76 = tpu.memref_squeeze %dma_start3A_75 : memref<1x128xi32, #tpu.memory_space<vmem>> -> memref<128xi32, #tpu.memory_space<vmem>>
      %dma_start3A_77 = arith.constant 0 : i32
      %dma_start3A_78 = arith.constant 0 : i32
      %dma_start3A_79 = tpu.memref_slice %arg2[%dma_start3A_77, %dma_start3A_78] : memref<20000x128xf32, #tpu.memory_space<hbm>> -> memref<20000x128xf32, #tpu.memory_space<hbm>>
      tpu.enqueue_indirect_dma source(%dma_start3A_79 : memref<20000x128xf32, #tpu.memory_space<hbm>>) target(%arg12 : memref<128x128xf32, #tpu.memory_space<vmem>>) offsets(%dma_start3A_76 : memref<128xi32, #tpu.memory_space<vmem>>) semaphore(%arg15 : memref<!tpu.dma_semaphore, #tpu.memory_space<semaphore_mem>>)
      %dma_wait3A_80 = arith.constant 0 : i32
      %dma_wait3A_81 = arith.constant 0 : i32
      %dma_wait3A_82 = tpu.memref_slice %arg2[%dma_wait3A_80, %dma_wait3A_81] : memref<20000x128xf32, #tpu.memory_space<hbm>> -> memref<128x128xf32, #tpu.memory_space<hbm>>
      %dma_wait3A_83 = arith.constant 0 : i32
      %dma_wait3A_84 = arith.constant 0 : i32
      %dma_wait3A_85 = tpu.memref_slice %arg2[%dma_wait3A_83, %dma_wait3A_84] : memref<20000x128xf32, #tpu.memory_space<hbm>> -> memref<128x128xf32, #tpu.memory_space<hbm>>
      tpu.wait_dma2 semaphore(%arg14 : memref<!tpu.dma_semaphore, #tpu.memory_space<semaphore_mem>>) src(%dma_wait3A_85 : memref<128x128xf32, #tpu.memory_space<hbm>>) dst(%arg11 : memref<128x128xf32, #tpu.memory_space<vmem>>)
      %run_scoped3A_86 = arith.constant 4 : i32
      "tpu.region"() ({
        %run_scoped3A_252 = tpu.sem_alloc : memref<!tpu.dma_semaphore, #tpu.memory_space<semaphore_mem>>
        %dma_start3A_253 = arith.constant 0 : i32
        %dma_start3A_254 = tpu.memref_slice %arg8[%run_scoped3A_86, %dma_start3A_253] : memref<8x128xi32, #tpu.memory_space<vmem>> -> memref<1x128xi32, #tpu.memory_space<vmem>>
        %dma_start3A_255 = tpu.memref_squeeze %dma_start3A_254 : memref<1x128xi32, #tpu.memory_space<vmem>> -> memref<128xi32, #tpu.memory_space<vmem>>
        %dma_start3A_256 = arith.constant 0 : i32
        %dma_start3A_257 = arith.constant 0 : i32
        %dma_start3A_258 = tpu.memref_slice %arg13[%dma_start3A_256, %dma_start3A_257] : memref<10112x128xf32, #tpu.memory_space<vmem_shared>> -> memref<10112x128xf32, #tpu.memory_space<vmem_shared>>
        tpu.enqueue_indirect_dma source(%arg11 : memref<128x128xf32, #tpu.memory_space<vmem>>) target(%dma_start3A_258 : memref<10112x128xf32, #tpu.memory_space<vmem_shared>>) offsets(%dma_start3A_255 : memref<128xi32, #tpu.memory_space<vmem>>) semaphore(%run_scoped3A_252 : memref<!tpu.dma_semaphore, #tpu.memory_space<semaphore_mem>>) {add = true}
        %dma_wait3A_259 = arith.constant 0 : i32
        %dma_wait3A_260 = tpu.memref_slice %arg8[%run_scoped3A_86, %dma_wait3A_259] : memref<8x128xi32, #tpu.memory_space<vmem>> -> memref<1x128xi32, #tpu.memory_space<vmem>>
        %dma_wait3A_261 = tpu.memref_squeeze %dma_wait3A_260 : memref<1x128xi32, #tpu.memory_space<vmem>> -> memref<128xi32, #tpu.memory_space<vmem>>
        %dma_wait3A_262 = arith.constant 0 : i32
        %dma_wait3A_263 = arith.constant 0 : i32
        %dma_wait3A_264 = tpu.memref_slice %arg13[%dma_wait3A_262, %dma_wait3A_263] : memref<10112x128xf32, #tpu.memory_space<vmem_shared>> -> memref<10112x128xf32, #tpu.memory_space<vmem_shared>>
        tpu.wait_indirect_dma semaphore(%run_scoped3A_252 : memref<!tpu.dma_semaphore, #tpu.memory_space<semaphore_mem>>) src(%arg11 : memref<128x128xf32, #tpu.memory_space<vmem>>) dst(%dma_wait3A_264 : memref<10112x128xf32, #tpu.memory_space<vmem_shared>>)
        tpu.yield
      }) : () -> ()
      %dma_start3A_87 = arith.constant 6 : i32
      %dma_start3A_88 = arith.constant 0 : i32
      %dma_start3A_89 = tpu.memref_slice %arg7[%dma_start3A_87, %dma_start3A_88] : memref<8x128xi32, #tpu.memory_space<vmem>> -> memref<1x128xi32, #tpu.memory_space<vmem>>
      %dma_start3A_90 = tpu.memref_squeeze %dma_start3A_89 : memref<1x128xi32, #tpu.memory_space<vmem>> -> memref<128xi32, #tpu.memory_space<vmem>>
      %dma_start3A_91 = arith.constant 0 : i32
      %dma_start3A_92 = arith.constant 0 : i32
      %dma_start3A_93 = tpu.memref_slice %arg2[%dma_start3A_91, %dma_start3A_92] : memref<20000x128xf32, #tpu.memory_space<hbm>> -> memref<20000x128xf32, #tpu.memory_space<hbm>>
      tpu.enqueue_indirect_dma source(%dma_start3A_93 : memref<20000x128xf32, #tpu.memory_space<hbm>>) target(%arg11 : memref<128x128xf32, #tpu.memory_space<vmem>>) offsets(%dma_start3A_90 : memref<128xi32, #tpu.memory_space<vmem>>) semaphore(%arg14 : memref<!tpu.dma_semaphore, #tpu.memory_space<semaphore_mem>>)
      %dma_wait3A_94 = arith.constant 0 : i32
      %dma_wait3A_95 = arith.constant 0 : i32
      %dma_wait3A_96 = tpu.memref_slice %arg2[%dma_wait3A_94, %dma_wait3A_95] : memref<20000x128xf32, #tpu.memory_space<hbm>> -> memref<128x128xf32, #tpu.memory_space<hbm>>
      %dma_wait3A_97 = arith.constant 0 : i32
      %dma_wait3A_98 = arith.constant 0 : i32
      %dma_wait3A_99 = tpu.memref_slice %arg2[%dma_wait3A_97, %dma_wait3A_98] : memref<20000x128xf32, #tpu.memory_space<hbm>> -> memref<128x128xf32, #tpu.memory_space<hbm>>
      tpu.wait_dma2 semaphore(%arg15 : memref<!tpu.dma_semaphore, #tpu.memory_space<semaphore_mem>>) src(%dma_wait3A_99 : memref<128x128xf32, #tpu.memory_space<hbm>>) dst(%arg12 : memref<128x128xf32, #tpu.memory_space<vmem>>)
      %run_scoped3A_100 = arith.constant 5 : i32
      "tpu.region"() ({
        %run_scoped3A_252 = tpu.sem_alloc : memref<!tpu.dma_semaphore, #tpu.memory_space<semaphore_mem>>
        %dma_start3A_253 = arith.constant 0 : i32
        %dma_start3A_254 = tpu.memref_slice %arg8[%run_scoped3A_100, %dma_start3A_253] : memref<8x128xi32, #tpu.memory_space<vmem>> -> memref<1x128xi32, #tpu.memory_space<vmem>>
        %dma_start3A_255 = tpu.memref_squeeze %dma_start3A_254 : memref<1x128xi32, #tpu.memory_space<vmem>> -> memref<128xi32, #tpu.memory_space<vmem>>
        %dma_start3A_256 = arith.constant 0 : i32
        %dma_start3A_257 = arith.constant 0 : i32
        %dma_start3A_258 = tpu.memref_slice %arg13[%dma_start3A_256, %dma_start3A_257] : memref<10112x128xf32, #tpu.memory_space<vmem_shared>> -> memref<10112x128xf32, #tpu.memory_space<vmem_shared>>
        tpu.enqueue_indirect_dma source(%arg12 : memref<128x128xf32, #tpu.memory_space<vmem>>) target(%dma_start3A_258 : memref<10112x128xf32, #tpu.memory_space<vmem_shared>>) offsets(%dma_start3A_255 : memref<128xi32, #tpu.memory_space<vmem>>) semaphore(%run_scoped3A_252 : memref<!tpu.dma_semaphore, #tpu.memory_space<semaphore_mem>>) {add = true}
        %dma_wait3A_259 = arith.constant 0 : i32
        %dma_wait3A_260 = tpu.memref_slice %arg8[%run_scoped3A_100, %dma_wait3A_259] : memref<8x128xi32, #tpu.memory_space<vmem>> -> memref<1x128xi32, #tpu.memory_space<vmem>>
        %dma_wait3A_261 = tpu.memref_squeeze %dma_wait3A_260 : memref<1x128xi32, #tpu.memory_space<vmem>> -> memref<128xi32, #tpu.memory_space<vmem>>
        %dma_wait3A_262 = arith.constant 0 : i32
        %dma_wait3A_263 = arith.constant 0 : i32
        %dma_wait3A_264 = tpu.memref_slice %arg13[%dma_wait3A_262, %dma_wait3A_263] : memref<10112x128xf32, #tpu.memory_space<vmem_shared>> -> memref<10112x128xf32, #tpu.memory_space<vmem_shared>>
        tpu.wait_indirect_dma semaphore(%run_scoped3A_252 : memref<!tpu.dma_semaphore, #tpu.memory_space<semaphore_mem>>) src(%arg12 : memref<128x128xf32, #tpu.memory_space<vmem>>) dst(%dma_wait3A_264 : memref<10112x128xf32, #tpu.memory_space<vmem_shared>>)
        tpu.yield
      }) : () -> ()
      %dma_start3A_101 = arith.constant 7 : i32
      %dma_start3A_102 = arith.constant 0 : i32
      %dma_start3A_103 = tpu.memref_slice %arg7[%dma_start3A_101, %dma_start3A_102] : memref<8x128xi32, #tpu.memory_space<vmem>> -> memref<1x128xi32, #tpu.memory_space<vmem>>
      %dma_start3A_104 = tpu.memref_squeeze %dma_start3A_103 : memref<1x128xi32, #tpu.memory_space<vmem>> -> memref<128xi32, #tpu.memory_space<vmem>>
      %dma_start3A_105 = arith.constant 0 : i32
      %dma_start3A_106 = arith.constant 0 : i32
      %dma_start3A_107 = tpu.memref_slice %arg2[%dma_start3A_105, %dma_start3A_106] : memref<20000x128xf32, #tpu.memory_space<hbm>> -> memref<20000x128xf32, #tpu.memory_space<hbm>>
      tpu.enqueue_indirect_dma source(%dma_start3A_107 : memref<20000x128xf32, #tpu.memory_space<hbm>>) target(%arg12 : memref<128x128xf32, #tpu.memory_space<vmem>>) offsets(%dma_start3A_104 : memref<128xi32, #tpu.memory_space<vmem>>) semaphore(%arg15 : memref<!tpu.dma_semaphore, #tpu.memory_space<semaphore_mem>>)
      %dma_wait3A_108 = arith.constant 0 : i32
      %dma_wait3A_109 = arith.constant 0 : i32
      %dma_wait3A_110 = tpu.memref_slice %arg2[%dma_wait3A_108, %dma_wait3A_109] : memref<20000x128xf32, #tpu.memory_space<hbm>> -> memref<128x128xf32, #tpu.memory_space<hbm>>
      %dma_wait3A_111 = arith.constant 0 : i32
      %dma_wait3A_112 = arith.constant 0 : i32
      %dma_wait3A_113 = tpu.memref_slice %arg2[%dma_wait3A_111, %dma_wait3A_112] : memref<20000x128xf32, #tpu.memory_space<hbm>> -> memref<128x128xf32, #tpu.memory_space<hbm>>
      tpu.wait_dma2 semaphore(%arg14 : memref<!tpu.dma_semaphore, #tpu.memory_space<semaphore_mem>>) src(%dma_wait3A_113 : memref<128x128xf32, #tpu.memory_space<hbm>>) dst(%arg11 : memref<128x128xf32, #tpu.memory_space<vmem>>)
      %run_scoped3A_114 = arith.constant 6 : i32
      "tpu.region"() ({
        %run_scoped3A_252 = tpu.sem_alloc : memref<!tpu.dma_semaphore, #tpu.memory_space<semaphore_mem>>
        %dma_start3A_253 = arith.constant 0 : i32
        %dma_start3A_254 = tpu.memref_slice %arg8[%run_scoped3A_114, %dma_start3A_253] : memref<8x128xi32, #tpu.memory_space<vmem>> -> memref<1x128xi32, #tpu.memory_space<vmem>>
        %dma_start3A_255 = tpu.memref_squeeze %dma_start3A_254 : memref<1x128xi32, #tpu.memory_space<vmem>> -> memref<128xi32, #tpu.memory_space<vmem>>
        %dma_start3A_256 = arith.constant 0 : i32
        %dma_start3A_257 = arith.constant 0 : i32
        %dma_start3A_258 = tpu.memref_slice %arg13[%dma_start3A_256, %dma_start3A_257] : memref<10112x128xf32, #tpu.memory_space<vmem_shared>> -> memref<10112x128xf32, #tpu.memory_space<vmem_shared>>
        tpu.enqueue_indirect_dma source(%arg11 : memref<128x128xf32, #tpu.memory_space<vmem>>) target(%dma_start3A_258 : memref<10112x128xf32, #tpu.memory_space<vmem_shared>>) offsets(%dma_start3A_255 : memref<128xi32, #tpu.memory_space<vmem>>) semaphore(%run_scoped3A_252 : memref<!tpu.dma_semaphore, #tpu.memory_space<semaphore_mem>>) {add = true}
        %dma_wait3A_259 = arith.constant 0 : i32
        %dma_wait3A_260 = tpu.memref_slice %arg8[%run_scoped3A_114, %dma_wait3A_259] : memref<8x128xi32, #tpu.memory_space<vmem>> -> memref<1x128xi32, #tpu.memory_space<vmem>>
        %dma_wait3A_261 = tpu.memref_squeeze %dma_wait3A_260 : memref<1x128xi32, #tpu.memory_space<vmem>> -> memref<128xi32, #tpu.memory_space<vmem>>
        %dma_wait3A_262 = arith.constant 0 : i32
        %dma_wait3A_263 = arith.constant 0 : i32
        %dma_wait3A_264 = tpu.memref_slice %arg13[%dma_wait3A_262, %dma_wait3A_263] : memref<10112x128xf32, #tpu.memory_space<vmem_shared>> -> memref<10112x128xf32, #tpu.memory_space<vmem_shared>>
        tpu.wait_indirect_dma semaphore(%run_scoped3A_252 : memref<!tpu.dma_semaphore, #tpu.memory_space<semaphore_mem>>) src(%arg11 : memref<128x128xf32, #tpu.memory_space<vmem>>) dst(%dma_wait3A_264 : memref<10112x128xf32, #tpu.memory_space<vmem_shared>>)
        tpu.yield
      }) : () -> ()
      %add3A_115 = arith.constant 1 : i32
      %add3A_116 = arith.addi %mul3A_15, %add3A_115 : i32
      %lt3A_117 = arith.constant 20 : i32
      %lt3A_118 = arith.cmpi slt, %add3A_116, %lt3A_117 : i32
      %convert_element_type3A_119 = arith.extui %lt3A_118 : i1 to i32
      %cond3A_120 = arith.constant 0 : i32
      %cond3A_121 = arith.cmpi ne, %convert_element_type3A_119, %cond3A_120 : i32
      scf.if %cond3A_121 {
        %dma_wait3A_252 = arith.constant 0 : i32
        %dma_wait3A_253 = arith.constant 0 : i32
        %dma_wait3A_254 = tpu.memref_slice %arg3[%arg0, %arg1, %dma_wait3A_252, %dma_wait3A_253] : memref<2x16x160x128xi32, #tpu.memory_space<hbm>> -> memref<1x1x8x128xi32, #tpu.memory_space<hbm>>
        %dma_wait3A_255 = tpu.memref_squeeze %dma_wait3A_254 : memref<1x1x8x128xi32, #tpu.memory_space<hbm>> -> memref<8x128xi32, #tpu.memory_space<hbm>>
        %dma_wait3A_256 = arith.constant 0 : i32
        %dma_wait3A_257 = arith.constant 0 : i32
        %dma_wait3A_258 = tpu.memref_slice %arg3[%arg0, %arg1, %dma_wait3A_256, %dma_wait3A_257] : memref<2x16x160x128xi32, #tpu.memory_space<hbm>> -> memref<1x1x8x128xi32, #tpu.memory_space<hbm>>
        %dma_wait3A_259 = tpu.memref_squeeze %dma_wait3A_258 : memref<1x1x8x128xi32, #tpu.memory_space<hbm>> -> memref<8x128xi32, #tpu.memory_space<hbm>>
        tpu.wait_dma2 semaphore(%arg16 : memref<!tpu.dma_semaphore, #tpu.memory_space<semaphore_mem>>) src(%dma_wait3A_259 : memref<8x128xi32, #tpu.memory_space<hbm>>) dst(%arg9 : memref<8x128xi32, #tpu.memory_space<vmem>>)
        %dma_wait3A_260 = arith.constant 0 : i32
        %dma_wait3A_261 = arith.constant 0 : i32
        %dma_wait3A_262 = tpu.memref_slice %arg4[%arg0, %arg1, %dma_wait3A_260, %dma_wait3A_261] : memref<2x16x160x128xi32, #tpu.memory_space<hbm>> -> memref<1x1x8x128xi32, #tpu.memory_space<hbm>>
        %dma_wait3A_263 = tpu.memref_squeeze %dma_wait3A_262 : memref<1x1x8x128xi32, #tpu.memory_space<hbm>> -> memref<8x128xi32, #tpu.memory_space<hbm>>
        %dma_wait3A_264 = arith.constant 0 : i32
        %dma_wait3A_265 = arith.constant 0 : i32
        %dma_wait3A_266 = tpu.memref_slice %arg4[%arg0, %arg1, %dma_wait3A_264, %dma_wait3A_265] : memref<2x16x160x128xi32, #tpu.memory_space<hbm>> -> memref<1x1x8x128xi32, #tpu.memory_space<hbm>>
        %dma_wait3A_267 = tpu.memref_squeeze %dma_wait3A_266 : memref<1x1x8x128xi32, #tpu.memory_space<hbm>> -> memref<8x128xi32, #tpu.memory_space<hbm>>
        tpu.wait_dma2 semaphore(%arg16 : memref<!tpu.dma_semaphore, #tpu.memory_space<semaphore_mem>>) src(%dma_wait3A_267 : memref<8x128xi32, #tpu.memory_space<hbm>>) dst(%arg10 : memref<8x128xi32, #tpu.memory_space<vmem>>)
        %dma_start3A_268 = arith.constant 0 : i32
        %dma_start3A_269 = arith.constant 0 : i32
        %dma_start3A_270 = tpu.memref_slice %arg9[%dma_start3A_268, %dma_start3A_269] : memref<8x128xi32, #tpu.memory_space<vmem>> -> memref<1x128xi32, #tpu.memory_space<vmem>>
        %dma_start3A_271 = tpu.memref_squeeze %dma_start3A_270 : memref<1x128xi32, #tpu.memory_space<vmem>> -> memref<128xi32, #tpu.memory_space<vmem>>
        %dma_start3A_272 = arith.constant 0 : i32
        %dma_start3A_273 = arith.constant 0 : i32
        %dma_start3A_274 = tpu.memref_slice %arg2[%dma_start3A_272, %dma_start3A_273] : memref<20000x128xf32, #tpu.memory_space<hbm>> -> memref<20000x128xf32, #tpu.memory_space<hbm>>
        tpu.enqueue_indirect_dma source(%dma_start3A_274 : memref<20000x128xf32, #tpu.memory_space<hbm>>) target(%arg11 : memref<128x128xf32, #tpu.memory_space<vmem>>) offsets(%dma_start3A_271 : memref<128xi32, #tpu.memory_space<vmem>>) semaphore(%arg14 : memref<!tpu.dma_semaphore, #tpu.memory_space<semaphore_mem>>)
      } else {
      }
      %dma_wait3A_122 = arith.constant 0 : i32
      %dma_wait3A_123 = arith.constant 0 : i32
      %dma_wait3A_124 = tpu.memref_slice %arg2[%dma_wait3A_122, %dma_wait3A_123] : memref<20000x128xf32, #tpu.memory_space<hbm>> -> memref<128x128xf32, #tpu.memory_space<hbm>>
      %dma_wait3A_125 = arith.constant 0 : i32
      %dma_wait3A_126 = arith.constant 0 : i32
      %dma_wait3A_127 = tpu.memref_slice %arg2[%dma_wait3A_125, %dma_wait3A_126] : memref<20000x128xf32, #tpu.memory_space<hbm>> -> memref<128x128xf32, #tpu.memory_space<hbm>>
      tpu.wait_dma2 semaphore(%arg15 : memref<!tpu.dma_semaphore, #tpu.memory_space<semaphore_mem>>) src(%dma_wait3A_127 : memref<128x128xf32, #tpu.memory_space<hbm>>) dst(%arg12 : memref<128x128xf32, #tpu.memory_space<vmem>>)
      %run_scoped3A_128 = arith.constant 7 : i32
      "tpu.region"() ({
        %run_scoped3A_252 = tpu.sem_alloc : memref<!tpu.dma_semaphore, #tpu.memory_space<semaphore_mem>>
        %dma_start3A_253 = arith.constant 0 : i32
        %dma_start3A_254 = tpu.memref_slice %arg8[%run_scoped3A_128, %dma_start3A_253] : memref<8x128xi32, #tpu.memory_space<vmem>> -> memref<1x128xi32, #tpu.memory_space<vmem>>
        %dma_start3A_255 = tpu.memref_squeeze %dma_start3A_254 : memref<1x128xi32, #tpu.memory_space<vmem>> -> memref<128xi32, #tpu.memory_space<vmem>>
        %dma_start3A_256 = arith.constant 0 : i32
        %dma_start3A_257 = arith.constant 0 : i32
        %dma_start3A_258 = tpu.memref_slice %arg13[%dma_start3A_256, %dma_start3A_257] : memref<10112x128xf32, #tpu.memory_space<vmem_shared>> -> memref<10112x128xf32, #tpu.memory_space<vmem_shared>>
        tpu.enqueue_indirect_dma source(%arg12 : memref<128x128xf32, #tpu.memory_space<vmem>>) target(%dma_start3A_258 : memref<10112x128xf32, #tpu.memory_space<vmem_shared>>) offsets(%dma_start3A_255 : memref<128xi32, #tpu.memory_space<vmem>>) semaphore(%run_scoped3A_252 : memref<!tpu.dma_semaphore, #tpu.memory_space<semaphore_mem>>) {add = true}
        %dma_wait3A_259 = arith.constant 0 : i32
        %dma_wait3A_260 = tpu.memref_slice %arg8[%run_scoped3A_128, %dma_wait3A_259] : memref<8x128xi32, #tpu.memory_space<vmem>> -> memref<1x128xi32, #tpu.memory_space<vmem>>
        %dma_wait3A_261 = tpu.memref_squeeze %dma_wait3A_260 : memref<1x128xi32, #tpu.memory_space<vmem>> -> memref<128xi32, #tpu.memory_space<vmem>>
        %dma_wait3A_262 = arith.constant 0 : i32
        %dma_wait3A_263 = arith.constant 0 : i32
        %dma_wait3A_264 = tpu.memref_slice %arg13[%dma_wait3A_262, %dma_wait3A_263] : memref<10112x128xf32, #tpu.memory_space<vmem_shared>> -> memref<10112x128xf32, #tpu.memory_space<vmem_shared>>
        tpu.wait_indirect_dma semaphore(%run_scoped3A_252 : memref<!tpu.dma_semaphore, #tpu.memory_space<semaphore_mem>>) src(%arg12 : memref<128x128xf32, #tpu.memory_space<vmem>>) dst(%dma_wait3A_264 : memref<10112x128xf32, #tpu.memory_space<vmem_shared>>)
        tpu.yield
      }) : () -> ()
      %mul3A_129 = arith.constant 2 : i32
      %mul3A_130 = arith.muli %mul3A_129, %scan3A_13 : i32
      %add3A_131 = arith.constant 1 : i32
      %add3A_132 = arith.addi %mul3A_130, %add3A_131 : i32
      %add3A_133 = arith.constant 1 : i32
      %add3A_134 = arith.addi %add3A_132, %add3A_133 : i32
      %lt3A_135 = arith.constant 20 : i32
      %lt3A_136 = arith.cmpi slt, %add3A_134, %lt3A_135 : i32
      %convert_element_type3A_137 = arith.extui %lt3A_136 : i1 to i32
      %cond3A_138 = arith.constant 0 : i32
      %cond3A_139 = arith.cmpi ne, %convert_element_type3A_137, %cond3A_138 : i32
      scf.if %cond3A_139 {
        %add3A_252 = arith.constant 1 : i32
        %add3A_253 = arith.addi %add3A_132, %add3A_252 : i32
        %mul3A_254 = arith.constant 8 : i32
        %mul3A_255 = arith.muli %add3A_253, %mul3A_254 : i32
        %dma_start3A_256 = arith.constant 0 : i32
        %dma_start3A_257 = tpu.memref_slice %arg3[%arg0, %arg1, %mul3A_255, %dma_start3A_256] : memref<2x16x160x128xi32, #tpu.memory_space<hbm>> -> memref<1x1x8x128xi32, #tpu.memory_space<hbm>>
        %dma_start3A_258 = tpu.memref_squeeze %dma_start3A_257 : memref<1x1x8x128xi32, #tpu.memory_space<hbm>> -> memref<8x128xi32, #tpu.memory_space<hbm>>
        %dma_start3A_259 = arith.constant 0 : i32
        %dma_start3A_260 = tpu.memref_slice %arg3[%arg0, %arg1, %mul3A_255, %dma_start3A_259] : memref<2x16x160x128xi32, #tpu.memory_space<hbm>> -> memref<1x1x8x128xi32, #tpu.memory_space<hbm>>
        %dma_start3A_261 = tpu.memref_squeeze %dma_start3A_260 : memref<1x1x8x128xi32, #tpu.memory_space<hbm>> -> memref<8x128xi32, #tpu.memory_space<hbm>>
        tpu.enqueue_dma source(%dma_start3A_261 : memref<8x128xi32, #tpu.memory_space<hbm>>) target(%arg7 : memref<8x128xi32, #tpu.memory_space<vmem>>) target_semaphore(%arg16 : memref<!tpu.dma_semaphore, #tpu.memory_space<semaphore_mem>>)
        %add3A_262 = arith.constant 1 : i32
        %add3A_263 = arith.addi %add3A_132, %add3A_262 : i32
        %mul3A_264 = arith.constant 8 : i32
        %mul3A_265 = arith.muli %add3A_263, %mul3A_264 : i32
        %dma_start3A_266 = arith.constant 0 : i32
        %dma_start3A_267 = tpu.memref_slice %arg4[%arg0, %arg1, %mul3A_265, %dma_start3A_266] : memref<2x16x160x128xi32, #tpu.memory_space<hbm>> -> memref<1x1x8x128xi32, #tpu.memory_space<hbm>>
        %dma_start3A_268 = tpu.memref_squeeze %dma_start3A_267 : memref<1x1x8x128xi32, #tpu.memory_space<hbm>> -> memref<8x128xi32, #tpu.memory_space<hbm>>
        %dma_start3A_269 = arith.constant 0 : i32
        %dma_start3A_270 = tpu.memref_slice %arg4[%arg0, %arg1, %mul3A_265, %dma_start3A_269] : memref<2x16x160x128xi32, #tpu.memory_space<hbm>> -> memref<1x1x8x128xi32, #tpu.memory_space<hbm>>
        %dma_start3A_271 = tpu.memref_squeeze %dma_start3A_270 : memref<1x1x8x128xi32, #tpu.memory_space<hbm>> -> memref<8x128xi32, #tpu.memory_space<hbm>>
        tpu.enqueue_dma source(%dma_start3A_271 : memref<8x128xi32, #tpu.memory_space<hbm>>) target(%arg8 : memref<8x128xi32, #tpu.memory_space<vmem>>) target_semaphore(%arg16 : memref<!tpu.dma_semaphore, #tpu.memory_space<semaphore_mem>>)
      } else {
      }
      %dma_start3A_140 = arith.constant 1 : i32
      %dma_start3A_141 = arith.constant 0 : i32
      %dma_start3A_142 = tpu.memref_slice %arg9[%dma_start3A_140, %dma_start3A_141] : memref<8x128xi32, #tpu.memory_space<vmem>> -> memref<1x128xi32, #tpu.memory_space<vmem>>
      %dma_start3A_143 = tpu.memref_squeeze %dma_start3A_142 : memref<1x128xi32, #tpu.memory_space<vmem>> -> memref<128xi32, #tpu.memory_space<vmem>>
      %dma_start3A_144 = arith.constant 0 : i32
      %dma_start3A_145 = arith.constant 0 : i32
      %dma_start3A_146 = tpu.memref_slice %arg2[%dma_start3A_144, %dma_start3A_145] : memref<20000x128xf32, #tpu.memory_space<hbm>> -> memref<20000x128xf32, #tpu.memory_space<hbm>>
      tpu.enqueue_indirect_dma source(%dma_start3A_146 : memref<20000x128xf32, #tpu.memory_space<hbm>>) target(%arg12 : memref<128x128xf32, #tpu.memory_space<vmem>>) offsets(%dma_start3A_143 : memref<128xi32, #tpu.memory_space<vmem>>) semaphore(%arg15 : memref<!tpu.dma_semaphore, #tpu.memory_space<semaphore_mem>>)
      %dma_wait3A_147 = arith.constant 0 : i32
      %dma_wait3A_148 = arith.constant 0 : i32
      %dma_wait3A_149 = tpu.memref_slice %arg2[%dma_wait3A_147, %dma_wait3A_148] : memref<20000x128xf32, #tpu.memory_space<hbm>> -> memref<128x128xf32, #tpu.memory_space<hbm>>
      %dma_wait3A_150 = arith.constant 0 : i32
      %dma_wait3A_151 = arith.constant 0 : i32
      %dma_wait3A_152 = tpu.memref_slice %arg2[%dma_wait3A_150, %dma_wait3A_151] : memref<20000x128xf32, #tpu.memory_space<hbm>> -> memref<128x128xf32, #tpu.memory_space<hbm>>
      tpu.wait_dma2 semaphore(%arg14 : memref<!tpu.dma_semaphore, #tpu.memory_space<semaphore_mem>>) src(%dma_wait3A_152 : memref<128x128xf32, #tpu.memory_space<hbm>>) dst(%arg11 : memref<128x128xf32, #tpu.memory_space<vmem>>)
      %run_scoped3A_153 = arith.constant 0 : i32
      "tpu.region"() ({
        %run_scoped3A_252 = tpu.sem_alloc : memref<!tpu.dma_semaphore, #tpu.memory_space<semaphore_mem>>
        %dma_start3A_253 = arith.constant 0 : i32
        %dma_start3A_254 = tpu.memref_slice %arg10[%run_scoped3A_153, %dma_start3A_253] : memref<8x128xi32, #tpu.memory_space<vmem>> -> memref<1x128xi32, #tpu.memory_space<vmem>>
        %dma_start3A_255 = tpu.memref_squeeze %dma_start3A_254 : memref<1x128xi32, #tpu.memory_space<vmem>> -> memref<128xi32, #tpu.memory_space<vmem>>
        %dma_start3A_256 = arith.constant 0 : i32
        %dma_start3A_257 = arith.constant 0 : i32
        %dma_start3A_258 = tpu.memref_slice %arg13[%dma_start3A_256, %dma_start3A_257] : memref<10112x128xf32, #tpu.memory_space<vmem_shared>> -> memref<10112x128xf32, #tpu.memory_space<vmem_shared>>
        tpu.enqueue_indirect_dma source(%arg11 : memref<128x128xf32, #tpu.memory_space<vmem>>) target(%dma_start3A_258 : memref<10112x128xf32, #tpu.memory_space<vmem_shared>>) offsets(%dma_start3A_255 : memref<128xi32, #tpu.memory_space<vmem>>) semaphore(%run_scoped3A_252 : memref<!tpu.dma_semaphore, #tpu.memory_space<semaphore_mem>>) {add = true}
        %dma_wait3A_259 = arith.constant 0 : i32
        %dma_wait3A_260 = tpu.memref_slice %arg10[%run_scoped3A_153, %dma_wait3A_259] : memref<8x128xi32, #tpu.memory_space<vmem>> -> memref<1x128xi32, #tpu.memory_space<vmem>>
        %dma_wait3A_261 = tpu.memref_squeeze %dma_wait3A_260 : memref<1x128xi32, #tpu.memory_space<vmem>> -> memref<128xi32, #tpu.memory_space<vmem>>
        %dma_wait3A_262 = arith.constant 0 : i32
        %dma_wait3A_263 = arith.constant 0 : i32
        %dma_wait3A_264 = tpu.memref_slice %arg13[%dma_wait3A_262, %dma_wait3A_263] : memref<10112x128xf32, #tpu.memory_space<vmem_shared>> -> memref<10112x128xf32, #tpu.memory_space<vmem_shared>>
        tpu.wait_indirect_dma semaphore(%run_scoped3A_252 : memref<!tpu.dma_semaphore, #tpu.memory_space<semaphore_mem>>) src(%arg11 : memref<128x128xf32, #tpu.memory_space<vmem>>) dst(%dma_wait3A_264 : memref<10112x128xf32, #tpu.memory_space<vmem_shared>>)
        tpu.yield
      }) : () -> ()
      %dma_start3A_154 = arith.constant 2 : i32
      %dma_start3A_155 = arith.constant 0 : i32
      %dma_start3A_156 = tpu.memref_slice %arg9[%dma_start3A_154, %dma_start3A_155] : memref<8x128xi32, #tpu.memory_space<vmem>> -> memref<1x128xi32, #tpu.memory_space<vmem>>
      %dma_start3A_157 = tpu.memref_squeeze %dma_start3A_156 : memref<1x128xi32, #tpu.memory_space<vmem>> -> memref<128xi32, #tpu.memory_space<vmem>>
      %dma_start3A_158 = arith.constant 0 : i32
      %dma_start3A_159 = arith.constant 0 : i32
      %dma_start3A_160 = tpu.memref_slice %arg2[%dma_start3A_158, %dma_start3A_159] : memref<20000x128xf32, #tpu.memory_space<hbm>> -> memref<20000x128xf32, #tpu.memory_space<hbm>>
      tpu.enqueue_indirect_dma source(%dma_start3A_160 : memref<20000x128xf32, #tpu.memory_space<hbm>>) target(%arg11 : memref<128x128xf32, #tpu.memory_space<vmem>>) offsets(%dma_start3A_157 : memref<128xi32, #tpu.memory_space<vmem>>) semaphore(%arg14 : memref<!tpu.dma_semaphore, #tpu.memory_space<semaphore_mem>>)
      %dma_wait3A_161 = arith.constant 0 : i32
      %dma_wait3A_162 = arith.constant 0 : i32
      %dma_wait3A_163 = tpu.memref_slice %arg2[%dma_wait3A_161, %dma_wait3A_162] : memref<20000x128xf32, #tpu.memory_space<hbm>> -> memref<128x128xf32, #tpu.memory_space<hbm>>
      %dma_wait3A_164 = arith.constant 0 : i32
      %dma_wait3A_165 = arith.constant 0 : i32
      %dma_wait3A_166 = tpu.memref_slice %arg2[%dma_wait3A_164, %dma_wait3A_165] : memref<20000x128xf32, #tpu.memory_space<hbm>> -> memref<128x128xf32, #tpu.memory_space<hbm>>
      tpu.wait_dma2 semaphore(%arg15 : memref<!tpu.dma_semaphore, #tpu.memory_space<semaphore_mem>>) src(%dma_wait3A_166 : memref<128x128xf32, #tpu.memory_space<hbm>>) dst(%arg12 : memref<128x128xf32, #tpu.memory_space<vmem>>)
      %run_scoped3A_167 = arith.constant 1 : i32
      "tpu.region"() ({
        %run_scoped3A_252 = tpu.sem_alloc : memref<!tpu.dma_semaphore, #tpu.memory_space<semaphore_mem>>
        %dma_start3A_253 = arith.constant 0 : i32
        %dma_start3A_254 = tpu.memref_slice %arg10[%run_scoped3A_167, %dma_start3A_253] : memref<8x128xi32, #tpu.memory_space<vmem>> -> memref<1x128xi32, #tpu.memory_space<vmem>>
        %dma_start3A_255 = tpu.memref_squeeze %dma_start3A_254 : memref<1x128xi32, #tpu.memory_space<vmem>> -> memref<128xi32, #tpu.memory_space<vmem>>
        %dma_start3A_256 = arith.constant 0 : i32
        %dma_start3A_257 = arith.constant 0 : i32
        %dma_start3A_258 = tpu.memref_slice %arg13[%dma_start3A_256, %dma_start3A_257] : memref<10112x128xf32, #tpu.memory_space<vmem_shared>> -> memref<10112x128xf32, #tpu.memory_space<vmem_shared>>
        tpu.enqueue_indirect_dma source(%arg12 : memref<128x128xf32, #tpu.memory_space<vmem>>) target(%dma_start3A_258 : memref<10112x128xf32, #tpu.memory_space<vmem_shared>>) offsets(%dma_start3A_255 : memref<128xi32, #tpu.memory_space<vmem>>) semaphore(%run_scoped3A_252 : memref<!tpu.dma_semaphore, #tpu.memory_space<semaphore_mem>>) {add = true}
        %dma_wait3A_259 = arith.constant 0 : i32
        %dma_wait3A_260 = tpu.memref_slice %arg10[%run_scoped3A_167, %dma_wait3A_259] : memref<8x128xi32, #tpu.memory_space<vmem>> -> memref<1x128xi32, #tpu.memory_space<vmem>>
        %dma_wait3A_261 = tpu.memref_squeeze %dma_wait3A_260 : memref<1x128xi32, #tpu.memory_space<vmem>> -> memref<128xi32, #tpu.memory_space<vmem>>
        %dma_wait3A_262 = arith.constant 0 : i32
        %dma_wait3A_263 = arith.constant 0 : i32
        %dma_wait3A_264 = tpu.memref_slice %arg13[%dma_wait3A_262, %dma_wait3A_263] : memref<10112x128xf32, #tpu.memory_space<vmem_shared>> -> memref<10112x128xf32, #tpu.memory_space<vmem_shared>>
        tpu.wait_indirect_dma semaphore(%run_scoped3A_252 : memref<!tpu.dma_semaphore, #tpu.memory_space<semaphore_mem>>) src(%arg12 : memref<128x128xf32, #tpu.memory_space<vmem>>) dst(%dma_wait3A_264 : memref<10112x128xf32, #tpu.memory_space<vmem_shared>>)
        tpu.yield
      }) : () -> ()
      %dma_start3A_168 = arith.constant 3 : i32
      %dma_start3A_169 = arith.constant 0 : i32
      %dma_start3A_170 = tpu.memref_slice %arg9[%dma_start3A_168, %dma_start3A_169] : memref<8x128xi32, #tpu.memory_space<vmem>> -> memref<1x128xi32, #tpu.memory_space<vmem>>
      %dma_start3A_171 = tpu.memref_squeeze %dma_start3A_170 : memref<1x128xi32, #tpu.memory_space<vmem>> -> memref<128xi32, #tpu.memory_space<vmem>>
      %dma_start3A_172 = arith.constant 0 : i32
      %dma_start3A_173 = arith.constant 0 : i32
      %dma_start3A_174 = tpu.memref_slice %arg2[%dma_start3A_172, %dma_start3A_173] : memref<20000x128xf32, #tpu.memory_space<hbm>> -> memref<20000x128xf32, #tpu.memory_space<hbm>>
      tpu.enqueue_indirect_dma source(%dma_start3A_174 : memref<20000x128xf32, #tpu.memory_space<hbm>>) target(%arg12 : memref<128x128xf32, #tpu.memory_space<vmem>>) offsets(%dma_start3A_171 : memref<128xi32, #tpu.memory_space<vmem>>) semaphore(%arg15 : memref<!tpu.dma_semaphore, #tpu.memory_space<semaphore_mem>>)
      %dma_wait3A_175 = arith.constant 0 : i32
      %dma_wait3A_176 = arith.constant 0 : i32
      %dma_wait3A_177 = tpu.memref_slice %arg2[%dma_wait3A_175, %dma_wait3A_176] : memref<20000x128xf32, #tpu.memory_space<hbm>> -> memref<128x128xf32, #tpu.memory_space<hbm>>
      %dma_wait3A_178 = arith.constant 0 : i32
      %dma_wait3A_179 = arith.constant 0 : i32
      %dma_wait3A_180 = tpu.memref_slice %arg2[%dma_wait3A_178, %dma_wait3A_179] : memref<20000x128xf32, #tpu.memory_space<hbm>> -> memref<128x128xf32, #tpu.memory_space<hbm>>
      tpu.wait_dma2 semaphore(%arg14 : memref<!tpu.dma_semaphore, #tpu.memory_space<semaphore_mem>>) src(%dma_wait3A_180 : memref<128x128xf32, #tpu.memory_space<hbm>>) dst(%arg11 : memref<128x128xf32, #tpu.memory_space<vmem>>)
      %run_scoped3A_181 = arith.constant 2 : i32
      "tpu.region"() ({
        %run_scoped3A_252 = tpu.sem_alloc : memref<!tpu.dma_semaphore, #tpu.memory_space<semaphore_mem>>
        %dma_start3A_253 = arith.constant 0 : i32
        %dma_start3A_254 = tpu.memref_slice %arg10[%run_scoped3A_181, %dma_start3A_253] : memref<8x128xi32, #tpu.memory_space<vmem>> -> memref<1x128xi32, #tpu.memory_space<vmem>>
        %dma_start3A_255 = tpu.memref_squeeze %dma_start3A_254 : memref<1x128xi32, #tpu.memory_space<vmem>> -> memref<128xi32, #tpu.memory_space<vmem>>
        %dma_start3A_256 = arith.constant 0 : i32
        %dma_start3A_257 = arith.constant 0 : i32
        %dma_start3A_258 = tpu.memref_slice %arg13[%dma_start3A_256, %dma_start3A_257] : memref<10112x128xf32, #tpu.memory_space<vmem_shared>> -> memref<10112x128xf32, #tpu.memory_space<vmem_shared>>
        tpu.enqueue_indirect_dma source(%arg11 : memref<128x128xf32, #tpu.memory_space<vmem>>) target(%dma_start3A_258 : memref<10112x128xf32, #tpu.memory_space<vmem_shared>>) offsets(%dma_start3A_255 : memref<128xi32, #tpu.memory_space<vmem>>) semaphore(%run_scoped3A_252 : memref<!tpu.dma_semaphore, #tpu.memory_space<semaphore_mem>>) {add = true}
        %dma_wait3A_259 = arith.constant 0 : i32
        %dma_wait3A_260 = tpu.memref_slice %arg10[%run_scoped3A_181, %dma_wait3A_259] : memref<8x128xi32, #tpu.memory_space<vmem>> -> memref<1x128xi32, #tpu.memory_space<vmem>>
        %dma_wait3A_261 = tpu.memref_squeeze %dma_wait3A_260 : memref<1x128xi32, #tpu.memory_space<vmem>> -> memref<128xi32, #tpu.memory_space<vmem>>
        %dma_wait3A_262 = arith.constant 0 : i32
        %dma_wait3A_263 = arith.constant 0 : i32
        %dma_wait3A_264 = tpu.memref_slice %arg13[%dma_wait3A_262, %dma_wait3A_263] : memref<10112x128xf32, #tpu.memory_space<vmem_shared>> -> memref<10112x128xf32, #tpu.memory_space<vmem_shared>>
        tpu.wait_indirect_dma semaphore(%run_scoped3A_252 : memref<!tpu.dma_semaphore, #tpu.memory_space<semaphore_mem>>) src(%arg11 : memref<128x128xf32, #tpu.memory_space<vmem>>) dst(%dma_wait3A_264 : memref<10112x128xf32, #tpu.memory_space<vmem_shared>>)
        tpu.yield
      }) : () -> ()
      %dma_start3A_182 = arith.constant 4 : i32
      %dma_start3A_183 = arith.constant 0 : i32
      %dma_start3A_184 = tpu.memref_slice %arg9[%dma_start3A_182, %dma_start3A_183] : memref<8x128xi32, #tpu.memory_space<vmem>> -> memref<1x128xi32, #tpu.memory_space<vmem>>
      %dma_start3A_185 = tpu.memref_squeeze %dma_start3A_184 : memref<1x128xi32, #tpu.memory_space<vmem>> -> memref<128xi32, #tpu.memory_space<vmem>>
      %dma_start3A_186 = arith.constant 0 : i32
      %dma_start3A_187 = arith.constant 0 : i32
      %dma_start3A_188 = tpu.memref_slice %arg2[%dma_start3A_186, %dma_start3A_187] : memref<20000x128xf32, #tpu.memory_space<hbm>> -> memref<20000x128xf32, #tpu.memory_space<hbm>>
      tpu.enqueue_indirect_dma source(%dma_start3A_188 : memref<20000x128xf32, #tpu.memory_space<hbm>>) target(%arg11 : memref<128x128xf32, #tpu.memory_space<vmem>>) offsets(%dma_start3A_185 : memref<128xi32, #tpu.memory_space<vmem>>) semaphore(%arg14 : memref<!tpu.dma_semaphore, #tpu.memory_space<semaphore_mem>>)
      %dma_wait3A_189 = arith.constant 0 : i32
      %dma_wait3A_190 = arith.constant 0 : i32
      %dma_wait3A_191 = tpu.memref_slice %arg2[%dma_wait3A_189, %dma_wait3A_190] : memref<20000x128xf32, #tpu.memory_space<hbm>> -> memref<128x128xf32, #tpu.memory_space<hbm>>
      %dma_wait3A_192 = arith.constant 0 : i32
      %dma_wait3A_193 = arith.constant 0 : i32
      %dma_wait3A_194 = tpu.memref_slice %arg2[%dma_wait3A_192, %dma_wait3A_193] : memref<20000x128xf32, #tpu.memory_space<hbm>> -> memref<128x128xf32, #tpu.memory_space<hbm>>
      tpu.wait_dma2 semaphore(%arg15 : memref<!tpu.dma_semaphore, #tpu.memory_space<semaphore_mem>>) src(%dma_wait3A_194 : memref<128x128xf32, #tpu.memory_space<hbm>>) dst(%arg12 : memref<128x128xf32, #tpu.memory_space<vmem>>)
      %run_scoped3A_195 = arith.constant 3 : i32
      "tpu.region"() ({
        %run_scoped3A_252 = tpu.sem_alloc : memref<!tpu.dma_semaphore, #tpu.memory_space<semaphore_mem>>
        %dma_start3A_253 = arith.constant 0 : i32
        %dma_start3A_254 = tpu.memref_slice %arg10[%run_scoped3A_195, %dma_start3A_253] : memref<8x128xi32, #tpu.memory_space<vmem>> -> memref<1x128xi32, #tpu.memory_space<vmem>>
        %dma_start3A_255 = tpu.memref_squeeze %dma_start3A_254 : memref<1x128xi32, #tpu.memory_space<vmem>> -> memref<128xi32, #tpu.memory_space<vmem>>
        %dma_start3A_256 = arith.constant 0 : i32
        %dma_start3A_257 = arith.constant 0 : i32
        %dma_start3A_258 = tpu.memref_slice %arg13[%dma_start3A_256, %dma_start3A_257] : memref<10112x128xf32, #tpu.memory_space<vmem_shared>> -> memref<10112x128xf32, #tpu.memory_space<vmem_shared>>
        tpu.enqueue_indirect_dma source(%arg12 : memref<128x128xf32, #tpu.memory_space<vmem>>) target(%dma_start3A_258 : memref<10112x128xf32, #tpu.memory_space<vmem_shared>>) offsets(%dma_start3A_255 : memref<128xi32, #tpu.memory_space<vmem>>) semaphore(%run_scoped3A_252 : memref<!tpu.dma_semaphore, #tpu.memory_space<semaphore_mem>>) {add = true}
        %dma_wait3A_259 = arith.constant 0 : i32
        %dma_wait3A_260 = tpu.memref_slice %arg10[%run_scoped3A_195, %dma_wait3A_259] : memref<8x128xi32, #tpu.memory_space<vmem>> -> memref<1x128xi32, #tpu.memory_space<vmem>>
        %dma_wait3A_261 = tpu.memref_squeeze %dma_wait3A_260 : memref<1x128xi32, #tpu.memory_space<vmem>> -> memref<128xi32, #tpu.memory_space<vmem>>
        %dma_wait3A_262 = arith.constant 0 : i32
        %dma_wait3A_263 = arith.constant 0 : i32
        %dma_wait3A_264 = tpu.memref_slice %arg13[%dma_wait3A_262, %dma_wait3A_263] : memref<10112x128xf32, #tpu.memory_space<vmem_shared>> -> memref<10112x128xf32, #tpu.memory_space<vmem_shared>>
        tpu.wait_indirect_dma semaphore(%run_scoped3A_252 : memref<!tpu.dma_semaphore, #tpu.memory_space<semaphore_mem>>) src(%arg12 : memref<128x128xf32, #tpu.memory_space<vmem>>) dst(%dma_wait3A_264 : memref<10112x128xf32, #tpu.memory_space<vmem_shared>>)
        tpu.yield
      }) : () -> ()
      %dma_start3A_196 = arith.constant 5 : i32
      %dma_start3A_197 = arith.constant 0 : i32
      %dma_start3A_198 = tpu.memref_slice %arg9[%dma_start3A_196, %dma_start3A_197] : memref<8x128xi32, #tpu.memory_space<vmem>> -> memref<1x128xi32, #tpu.memory_space<vmem>>
      %dma_start3A_199 = tpu.memref_squeeze %dma_start3A_198 : memref<1x128xi32, #tpu.memory_space<vmem>> -> memref<128xi32, #tpu.memory_space<vmem>>
      %dma_start3A_200 = arith.constant 0 : i32
      %dma_start3A_201 = arith.constant 0 : i32
      %dma_start3A_202 = tpu.memref_slice %arg2[%dma_start3A_200, %dma_start3A_201] : memref<20000x128xf32, #tpu.memory_space<hbm>> -> memref<20000x128xf32, #tpu.memory_space<hbm>>
      tpu.enqueue_indirect_dma source(%dma_start3A_202 : memref<20000x128xf32, #tpu.memory_space<hbm>>) target(%arg12 : memref<128x128xf32, #tpu.memory_space<vmem>>) offsets(%dma_start3A_199 : memref<128xi32, #tpu.memory_space<vmem>>) semaphore(%arg15 : memref<!tpu.dma_semaphore, #tpu.memory_space<semaphore_mem>>)
      %dma_wait3A_203 = arith.constant 0 : i32
      %dma_wait3A_204 = arith.constant 0 : i32
      %dma_wait3A_205 = tpu.memref_slice %arg2[%dma_wait3A_203, %dma_wait3A_204] : memref<20000x128xf32, #tpu.memory_space<hbm>> -> memref<128x128xf32, #tpu.memory_space<hbm>>
      %dma_wait3A_206 = arith.constant 0 : i32
      %dma_wait3A_207 = arith.constant 0 : i32
      %dma_wait3A_208 = tpu.memref_slice %arg2[%dma_wait3A_206, %dma_wait3A_207] : memref<20000x128xf32, #tpu.memory_space<hbm>> -> memref<128x128xf32, #tpu.memory_space<hbm>>
      tpu.wait_dma2 semaphore(%arg14 : memref<!tpu.dma_semaphore, #tpu.memory_space<semaphore_mem>>) src(%dma_wait3A_208 : memref<128x128xf32, #tpu.memory_space<hbm>>) dst(%arg11 : memref<128x128xf32, #tpu.memory_space<vmem>>)
      %run_scoped3A_209 = arith.constant 4 : i32
      "tpu.region"() ({
        %run_scoped3A_252 = tpu.sem_alloc : memref<!tpu.dma_semaphore, #tpu.memory_space<semaphore_mem>>
        %dma_start3A_253 = arith.constant 0 : i32
        %dma_start3A_254 = tpu.memref_slice %arg10[%run_scoped3A_209, %dma_start3A_253] : memref<8x128xi32, #tpu.memory_space<vmem>> -> memref<1x128xi32, #tpu.memory_space<vmem>>
        %dma_start3A_255 = tpu.memref_squeeze %dma_start3A_254 : memref<1x128xi32, #tpu.memory_space<vmem>> -> memref<128xi32, #tpu.memory_space<vmem>>
        %dma_start3A_256 = arith.constant 0 : i32
        %dma_start3A_257 = arith.constant 0 : i32
        %dma_start3A_258 = tpu.memref_slice %arg13[%dma_start3A_256, %dma_start3A_257] : memref<10112x128xf32, #tpu.memory_space<vmem_shared>> -> memref<10112x128xf32, #tpu.memory_space<vmem_shared>>
        tpu.enqueue_indirect_dma source(%arg11 : memref<128x128xf32, #tpu.memory_space<vmem>>) target(%dma_start3A_258 : memref<10112x128xf32, #tpu.memory_space<vmem_shared>>) offsets(%dma_start3A_255 : memref<128xi32, #tpu.memory_space<vmem>>) semaphore(%run_scoped3A_252 : memref<!tpu.dma_semaphore, #tpu.memory_space<semaphore_mem>>) {add = true}
        %dma_wait3A_259 = arith.constant 0 : i32
        %dma_wait3A_260 = tpu.memref_slice %arg10[%run_scoped3A_209, %dma_wait3A_259] : memref<8x128xi32, #tpu.memory_space<vmem>> -> memref<1x128xi32, #tpu.memory_space<vmem>>
        %dma_wait3A_261 = tpu.memref_squeeze %dma_wait3A_260 : memref<1x128xi32, #tpu.memory_space<vmem>> -> memref<128xi32, #tpu.memory_space<vmem>>
        %dma_wait3A_262 = arith.constant 0 : i32
        %dma_wait3A_263 = arith.constant 0 : i32
        %dma_wait3A_264 = tpu.memref_slice %arg13[%dma_wait3A_262, %dma_wait3A_263] : memref<10112x128xf32, #tpu.memory_space<vmem_shared>> -> memref<10112x128xf32, #tpu.memory_space<vmem_shared>>
        tpu.wait_indirect_dma semaphore(%run_scoped3A_252 : memref<!tpu.dma_semaphore, #tpu.memory_space<semaphore_mem>>) src(%arg11 : memref<128x128xf32, #tpu.memory_space<vmem>>) dst(%dma_wait3A_264 : memref<10112x128xf32, #tpu.memory_space<vmem_shared>>)
        tpu.yield
      }) : () -> ()
      %dma_start3A_210 = arith.constant 6 : i32
      %dma_start3A_211 = arith.constant 0 : i32
      %dma_start3A_212 = tpu.memref_slice %arg9[%dma_start3A_210, %dma_start3A_211] : memref<8x128xi32, #tpu.memory_space<vmem>> -> memref<1x128xi32, #tpu.memory_space<vmem>>
      %dma_start3A_213 = tpu.memref_squeeze %dma_start3A_212 : memref<1x128xi32, #tpu.memory_space<vmem>> -> memref<128xi32, #tpu.memory_space<vmem>>
      %dma_start3A_214 = arith.constant 0 : i32
      %dma_start3A_215 = arith.constant 0 : i32
      %dma_start3A_216 = tpu.memref_slice %arg2[%dma_start3A_214, %dma_start3A_215] : memref<20000x128xf32, #tpu.memory_space<hbm>> -> memref<20000x128xf32, #tpu.memory_space<hbm>>
      tpu.enqueue_indirect_dma source(%dma_start3A_216 : memref<20000x128xf32, #tpu.memory_space<hbm>>) target(%arg11 : memref<128x128xf32, #tpu.memory_space<vmem>>) offsets(%dma_start3A_213 : memref<128xi32, #tpu.memory_space<vmem>>) semaphore(%arg14 : memref<!tpu.dma_semaphore, #tpu.memory_space<semaphore_mem>>)
      %dma_wait3A_217 = arith.constant 0 : i32
      %dma_wait3A_218 = arith.constant 0 : i32
      %dma_wait3A_219 = tpu.memref_slice %arg2[%dma_wait3A_217, %dma_wait3A_218] : memref<20000x128xf32, #tpu.memory_space<hbm>> -> memref<128x128xf32, #tpu.memory_space<hbm>>
      %dma_wait3A_220 = arith.constant 0 : i32
      %dma_wait3A_221 = arith.constant 0 : i32
      %dma_wait3A_222 = tpu.memref_slice %arg2[%dma_wait3A_220, %dma_wait3A_221] : memref<20000x128xf32, #tpu.memory_space<hbm>> -> memref<128x128xf32, #tpu.memory_space<hbm>>
      tpu.wait_dma2 semaphore(%arg15 : memref<!tpu.dma_semaphore, #tpu.memory_space<semaphore_mem>>) src(%dma_wait3A_222 : memref<128x128xf32, #tpu.memory_space<hbm>>) dst(%arg12 : memref<128x128xf32, #tpu.memory_space<vmem>>)
      %run_scoped3A_223 = arith.constant 5 : i32
      "tpu.region"() ({
        %run_scoped3A_252 = tpu.sem_alloc : memref<!tpu.dma_semaphore, #tpu.memory_space<semaphore_mem>>
        %dma_start3A_253 = arith.constant 0 : i32
        %dma_start3A_254 = tpu.memref_slice %arg10[%run_scoped3A_223, %dma_start3A_253] : memref<8x128xi32, #tpu.memory_space<vmem>> -> memref<1x128xi32, #tpu.memory_space<vmem>>
        %dma_start3A_255 = tpu.memref_squeeze %dma_start3A_254 : memref<1x128xi32, #tpu.memory_space<vmem>> -> memref<128xi32, #tpu.memory_space<vmem>>
        %dma_start3A_256 = arith.constant 0 : i32
        %dma_start3A_257 = arith.constant 0 : i32
        %dma_start3A_258 = tpu.memref_slice %arg13[%dma_start3A_256, %dma_start3A_257] : memref<10112x128xf32, #tpu.memory_space<vmem_shared>> -> memref<10112x128xf32, #tpu.memory_space<vmem_shared>>
        tpu.enqueue_indirect_dma source(%arg12 : memref<128x128xf32, #tpu.memory_space<vmem>>) target(%dma_start3A_258 : memref<10112x128xf32, #tpu.memory_space<vmem_shared>>) offsets(%dma_start3A_255 : memref<128xi32, #tpu.memory_space<vmem>>) semaphore(%run_scoped3A_252 : memref<!tpu.dma_semaphore, #tpu.memory_space<semaphore_mem>>) {add = true}
        %dma_wait3A_259 = arith.constant 0 : i32
        %dma_wait3A_260 = tpu.memref_slice %arg10[%run_scoped3A_223, %dma_wait3A_259] : memref<8x128xi32, #tpu.memory_space<vmem>> -> memref<1x128xi32, #tpu.memory_space<vmem>>
        %dma_wait3A_261 = tpu.memref_squeeze %dma_wait3A_260 : memref<1x128xi32, #tpu.memory_space<vmem>> -> memref<128xi32, #tpu.memory_space<vmem>>
        %dma_wait3A_262 = arith.constant 0 : i32
        %dma_wait3A_263 = arith.constant 0 : i32
        %dma_wait3A_264 = tpu.memref_slice %arg13[%dma_wait3A_262, %dma_wait3A_263] : memref<10112x128xf32, #tpu.memory_space<vmem_shared>> -> memref<10112x128xf32, #tpu.memory_space<vmem_shared>>
        tpu.wait_indirect_dma semaphore(%run_scoped3A_252 : memref<!tpu.dma_semaphore, #tpu.memory_space<semaphore_mem>>) src(%arg12 : memref<128x128xf32, #tpu.memory_space<vmem>>) dst(%dma_wait3A_264 : memref<10112x128xf32, #tpu.memory_space<vmem_shared>>)
        tpu.yield
      }) : () -> ()
      %dma_start3A_224 = arith.constant 7 : i32
      %dma_start3A_225 = arith.constant 0 : i32
      %dma_start3A_226 = tpu.memref_slice %arg9[%dma_start3A_224, %dma_start3A_225] : memref<8x128xi32, #tpu.memory_space<vmem>> -> memref<1x128xi32, #tpu.memory_space<vmem>>
      %dma_start3A_227 = tpu.memref_squeeze %dma_start3A_226 : memref<1x128xi32, #tpu.memory_space<vmem>> -> memref<128xi32, #tpu.memory_space<vmem>>
      %dma_start3A_228 = arith.constant 0 : i32
      %dma_start3A_229 = arith.constant 0 : i32
      %dma_start3A_230 = tpu.memref_slice %arg2[%dma_start3A_228, %dma_start3A_229] : memref<20000x128xf32, #tpu.memory_space<hbm>> -> memref<20000x128xf32, #tpu.memory_space<hbm>>
      tpu.enqueue_indirect_dma source(%dma_start3A_230 : memref<20000x128xf32, #tpu.memory_space<hbm>>) target(%arg12 : memref<128x128xf32, #tpu.memory_space<vmem>>) offsets(%dma_start3A_227 : memref<128xi32, #tpu.memory_space<vmem>>) semaphore(%arg15 : memref<!tpu.dma_semaphore, #tpu.memory_space<semaphore_mem>>)
      %dma_wait3A_231 = arith.constant 0 : i32
      %dma_wait3A_232 = arith.constant 0 : i32
      %dma_wait3A_233 = tpu.memref_slice %arg2[%dma_wait3A_231, %dma_wait3A_232] : memref<20000x128xf32, #tpu.memory_space<hbm>> -> memref<128x128xf32, #tpu.memory_space<hbm>>
      %dma_wait3A_234 = arith.constant 0 : i32
      %dma_wait3A_235 = arith.constant 0 : i32
      %dma_wait3A_236 = tpu.memref_slice %arg2[%dma_wait3A_234, %dma_wait3A_235] : memref<20000x128xf32, #tpu.memory_space<hbm>> -> memref<128x128xf32, #tpu.memory_space<hbm>>
      tpu.wait_dma2 semaphore(%arg14 : memref<!tpu.dma_semaphore, #tpu.memory_space<semaphore_mem>>) src(%dma_wait3A_236 : memref<128x128xf32, #tpu.memory_space<hbm>>) dst(%arg11 : memref<128x128xf32, #tpu.memory_space<vmem>>)
      %run_scoped3A_237 = arith.constant 6 : i32
      "tpu.region"() ({
        %run_scoped3A_252 = tpu.sem_alloc : memref<!tpu.dma_semaphore, #tpu.memory_space<semaphore_mem>>
        %dma_start3A_253 = arith.constant 0 : i32
        %dma_start3A_254 = tpu.memref_slice %arg10[%run_scoped3A_237, %dma_start3A_253] : memref<8x128xi32, #tpu.memory_space<vmem>> -> memref<1x128xi32, #tpu.memory_space<vmem>>
        %dma_start3A_255 = tpu.memref_squeeze %dma_start3A_254 : memref<1x128xi32, #tpu.memory_space<vmem>> -> memref<128xi32, #tpu.memory_space<vmem>>
        %dma_start3A_256 = arith.constant 0 : i32
        %dma_start3A_257 = arith.constant 0 : i32
        %dma_start3A_258 = tpu.memref_slice %arg13[%dma_start3A_256, %dma_start3A_257] : memref<10112x128xf32, #tpu.memory_space<vmem_shared>> -> memref<10112x128xf32, #tpu.memory_space<vmem_shared>>
        tpu.enqueue_indirect_dma source(%arg11 : memref<128x128xf32, #tpu.memory_space<vmem>>) target(%dma_start3A_258 : memref<10112x128xf32, #tpu.memory_space<vmem_shared>>) offsets(%dma_start3A_255 : memref<128xi32, #tpu.memory_space<vmem>>) semaphore(%run_scoped3A_252 : memref<!tpu.dma_semaphore, #tpu.memory_space<semaphore_mem>>) {add = true}
        %dma_wait3A_259 = arith.constant 0 : i32
        %dma_wait3A_260 = tpu.memref_slice %arg10[%run_scoped3A_237, %dma_wait3A_259] : memref<8x128xi32, #tpu.memory_space<vmem>> -> memref<1x128xi32, #tpu.memory_space<vmem>>
        %dma_wait3A_261 = tpu.memref_squeeze %dma_wait3A_260 : memref<1x128xi32, #tpu.memory_space<vmem>> -> memref<128xi32, #tpu.memory_space<vmem>>
        %dma_wait3A_262 = arith.constant 0 : i32
        %dma_wait3A_263 = arith.constant 0 : i32
        %dma_wait3A_264 = tpu.memref_slice %arg13[%dma_wait3A_262, %dma_wait3A_263] : memref<10112x128xf32, #tpu.memory_space<vmem_shared>> -> memref<10112x128xf32, #tpu.memory_space<vmem_shared>>
        tpu.wait_indirect_dma semaphore(%run_scoped3A_252 : memref<!tpu.dma_semaphore, #tpu.memory_space<semaphore_mem>>) src(%arg11 : memref<128x128xf32, #tpu.memory_space<vmem>>) dst(%dma_wait3A_264 : memref<10112x128xf32, #tpu.memory_space<vmem_shared>>)
        tpu.yield
      }) : () -> ()
      %add3A_238 = arith.constant 1 : i32
      %add3A_239 = arith.addi %add3A_132, %add3A_238 : i32
      %lt3A_240 = arith.constant 20 : i32
      %lt3A_241 = arith.cmpi slt, %add3A_239, %lt3A_240 : i32
      %convert_element_type3A_242 = arith.extui %lt3A_241 : i1 to i32
      %cond3A_243 = arith.constant 0 : i32
      %cond3A_244 = arith.cmpi ne, %convert_element_type3A_242, %cond3A_243 : i32
      scf.if %cond3A_244 {
        %dma_wait3A_252 = arith.constant 0 : i32
        %dma_wait3A_253 = arith.constant 0 : i32
        %dma_wait3A_254 = tpu.memref_slice %arg3[%arg0, %arg1, %dma_wait3A_252, %dma_wait3A_253] : memref<2x16x160x128xi32, #tpu.memory_space<hbm>> -> memref<1x1x8x128xi32, #tpu.memory_space<hbm>>
        %dma_wait3A_255 = tpu.memref_squeeze %dma_wait3A_254 : memref<1x1x8x128xi32, #tpu.memory_space<hbm>> -> memref<8x128xi32, #tpu.memory_space<hbm>>
        %dma_wait3A_256 = arith.constant 0 : i32
        %dma_wait3A_257 = arith.constant 0 : i32
        %dma_wait3A_258 = tpu.memref_slice %arg3[%arg0, %arg1, %dma_wait3A_256, %dma_wait3A_257] : memref<2x16x160x128xi32, #tpu.memory_space<hbm>> -> memref<1x1x8x128xi32, #tpu.memory_space<hbm>>
        %dma_wait3A_259 = tpu.memref_squeeze %dma_wait3A_258 : memref<1x1x8x128xi32, #tpu.memory_space<hbm>> -> memref<8x128xi32, #tpu.memory_space<hbm>>
        tpu.wait_dma2 semaphore(%arg16 : memref<!tpu.dma_semaphore, #tpu.memory_space<semaphore_mem>>) src(%dma_wait3A_259 : memref<8x128xi32, #tpu.memory_space<hbm>>) dst(%arg7 : memref<8x128xi32, #tpu.memory_space<vmem>>)
        %dma_wait3A_260 = arith.constant 0 : i32
        %dma_wait3A_261 = arith.constant 0 : i32
        %dma_wait3A_262 = tpu.memref_slice %arg4[%arg0, %arg1, %dma_wait3A_260, %dma_wait3A_261] : memref<2x16x160x128xi32, #tpu.memory_space<hbm>> -> memref<1x1x8x128xi32, #tpu.memory_space<hbm>>
        %dma_wait3A_263 = tpu.memref_squeeze %dma_wait3A_262 : memref<1x1x8x128xi32, #tpu.memory_space<hbm>> -> memref<8x128xi32, #tpu.memory_space<hbm>>
        %dma_wait3A_264 = arith.constant 0 : i32
        %dma_wait3A_265 = arith.constant 0 : i32
        %dma_wait3A_266 = tpu.memref_slice %arg4[%arg0, %arg1, %dma_wait3A_264, %dma_wait3A_265] : memref<2x16x160x128xi32, #tpu.memory_space<hbm>> -> memref<1x1x8x128xi32, #tpu.memory_space<hbm>>
        %dma_wait3A_267 = tpu.memref_squeeze %dma_wait3A_266 : memref<1x1x8x128xi32, #tpu.memory_space<hbm>> -> memref<8x128xi32, #tpu.memory_space<hbm>>
        tpu.wait_dma2 semaphore(%arg16 : memref<!tpu.dma_semaphore, #tpu.memory_space<semaphore_mem>>) src(%dma_wait3A_267 : memref<8x128xi32, #tpu.memory_space<hbm>>) dst(%arg8 : memref<8x128xi32, #tpu.memory_space<vmem>>)
        %dma_start3A_268 = arith.constant 0 : i32
        %dma_start3A_269 = arith.constant 0 : i32
        %dma_start3A_270 = tpu.memref_slice %arg7[%dma_start3A_268, %dma_start3A_269] : memref<8x128xi32, #tpu.memory_space<vmem>> -> memref<1x128xi32, #tpu.memory_space<vmem>>
        %dma_start3A_271 = tpu.memref_squeeze %dma_start3A_270 : memref<1x128xi32, #tpu.memory_space<vmem>> -> memref<128xi32, #tpu.memory_space<vmem>>
        %dma_start3A_272 = arith.constant 0 : i32
        %dma_start3A_273 = arith.constant 0 : i32
        %dma_start3A_274 = tpu.memref_slice %arg2[%dma_start3A_272, %dma_start3A_273] : memref<20000x128xf32, #tpu.memory_space<hbm>> -> memref<20000x128xf32, #tpu.memory_space<hbm>>
        tpu.enqueue_indirect_dma source(%dma_start3A_274 : memref<20000x128xf32, #tpu.memory_space<hbm>>) target(%arg11 : memref<128x128xf32, #tpu.memory_space<vmem>>) offsets(%dma_start3A_271 : memref<128xi32, #tpu.memory_space<vmem>>) semaphore(%arg14 : memref<!tpu.dma_semaphore, #tpu.memory_space<semaphore_mem>>)
      } else {
      }
      %dma_wait3A_245 = arith.constant 0 : i32
      %dma_wait3A_246 = arith.constant 0 : i32
      %dma_wait3A_247 = tpu.memref_slice %arg2[%dma_wait3A_245, %dma_wait3A_246] : memref<20000x128xf32, #tpu.memory_space<hbm>> -> memref<128x128xf32, #tpu.memory_space<hbm>>
      %dma_wait3A_248 = arith.constant 0 : i32
      %dma_wait3A_249 = arith.constant 0 : i32
      %dma_wait3A_250 = tpu.memref_slice %arg2[%dma_wait3A_248, %dma_wait3A_249] : memref<20000x128xf32, #tpu.memory_space<hbm>> -> memref<128x128xf32, #tpu.memory_space<hbm>>
      tpu.wait_dma2 semaphore(%arg15 : memref<!tpu.dma_semaphore, #tpu.memory_space<semaphore_mem>>) src(%dma_wait3A_250 : memref<128x128xf32, #tpu.memory_space<hbm>>) dst(%arg12 : memref<128x128xf32, #tpu.memory_space<vmem>>)
      %run_scoped3A_251 = arith.constant 7 : i32
      "tpu.region"() ({
        %run_scoped3A_252 = tpu.sem_alloc : memref<!tpu.dma_semaphore, #tpu.memory_space<semaphore_mem>>
        %dma_start3A_253 = arith.constant 0 : i32
        %dma_start3A_254 = tpu.memref_slice %arg10[%run_scoped3A_251, %dma_start3A_253] : memref<8x128xi32, #tpu.memory_space<vmem>> -> memref<1x128xi32, #tpu.memory_space<vmem>>
        %dma_start3A_255 = tpu.memref_squeeze %dma_start3A_254 : memref<1x128xi32, #tpu.memory_space<vmem>> -> memref<128xi32, #tpu.memory_space<vmem>>
        %dma_start3A_256 = arith.constant 0 : i32
        %dma_start3A_257 = arith.constant 0 : i32
        %dma_start3A_258 = tpu.memref_slice %arg13[%dma_start3A_256, %dma_start3A_257] : memref<10112x128xf32, #tpu.memory_space<vmem_shared>> -> memref<10112x128xf32, #tpu.memory_space<vmem_shared>>
        tpu.enqueue_indirect_dma source(%arg12 : memref<128x128xf32, #tpu.memory_space<vmem>>) target(%dma_start3A_258 : memref<10112x128xf32, #tpu.memory_space<vmem_shared>>) offsets(%dma_start3A_255 : memref<128xi32, #tpu.memory_space<vmem>>) semaphore(%run_scoped3A_252 : memref<!tpu.dma_semaphore, #tpu.memory_space<semaphore_mem>>) {add = true}
        %dma_wait3A_259 = arith.constant 0 : i32
        %dma_wait3A_260 = tpu.memref_slice %arg10[%run_scoped3A_251, %dma_wait3A_259] : memref<8x128xi32, #tpu.memory_space<vmem>> -> memref<1x128xi32, #tpu.memory_space<vmem>>
        %dma_wait3A_261 = tpu.memref_squeeze %dma_wait3A_260 : memref<1x128xi32, #tpu.memory_space<vmem>> -> memref<128xi32, #tpu.memory_space<vmem>>
        %dma_wait3A_262 = arith.constant 0 : i32
        %dma_wait3A_263 = arith.constant 0 : i32
        %dma_wait3A_264 = tpu.memref_slice %arg13[%dma_wait3A_262, %dma_wait3A_263] : memref<10112x128xf32, #tpu.memory_space<vmem_shared>> -> memref<10112x128xf32, #tpu.memory_space<vmem_shared>>
        tpu.wait_indirect_dma semaphore(%run_scoped3A_252 : memref<!tpu.dma_semaphore, #tpu.memory_space<semaphore_mem>>) src(%arg12 : memref<128x128xf32, #tpu.memory_space<vmem>>) dst(%dma_wait3A_264 : memref<10112x128xf32, #tpu.memory_space<vmem_shared>>)
        tpu.yield
      }) : () -> ()
    }
    %scan3A_11 = arith.constant 10 : i32
    %barrier3A_12 = arith.constant 0 : index
    tpu.barrier barrier_id(%barrier3A_12)
    "tpu.region"() ({
      %run_scoped3A = tpu.sem_alloc : memref<!tpu.dma_semaphore, #tpu.memory_space<semaphore_mem>>
      %dma_start3A_13 = arith.constant 0 : i32
      %dma_start3A_14 = tpu.memref_slice %arg6[%arg0, %mul3A_0, %dma_start3A_13] : memref<2x10112x128xf32, #tpu.memory_space<hbm>> -> memref<1x632x128xf32, #tpu.memory_space<hbm>>
      %dma_start3A_15 = tpu.memref_squeeze %dma_start3A_14 : memref<1x632x128xf32, #tpu.memory_space<hbm>> -> memref<632x128xf32, #tpu.memory_space<hbm>>
      %dma_start3A_16 = arith.constant 0 : i32
      %dma_start3A_17 = tpu.memref_slice %arg13[%mul3A_0, %dma_start3A_16] : memref<10112x128xf32, #tpu.memory_space<vmem_shared>> -> memref<632x128xf32, #tpu.memory_space<vmem_shared>>
      tpu.enqueue_dma source(%dma_start3A_17 : memref<632x128xf32, #tpu.memory_space<vmem_shared>>) target(%dma_start3A_15 : memref<632x128xf32, #tpu.memory_space<hbm>>) target_semaphore(%run_scoped3A : memref<!tpu.dma_semaphore, #tpu.memory_space<semaphore_mem>>)
      %dma_wait3A = arith.constant 0 : i32
      %dma_wait3A_18 = tpu.memref_slice %arg6[%arg0, %mul3A_0, %dma_wait3A] : memref<2x10112x128xf32, #tpu.memory_space<hbm>> -> memref<1x632x128xf32, #tpu.memory_space<hbm>>
      %dma_wait3A_19 = tpu.memref_squeeze %dma_wait3A_18 : memref<1x632x128xf32, #tpu.memory_space<hbm>> -> memref<632x128xf32, #tpu.memory_space<hbm>>
      %dma_wait3A_20 = arith.constant 0 : i32
      %dma_wait3A_21 = tpu.memref_slice %arg13[%mul3A_0, %dma_wait3A_20] : memref<10112x128xf32, #tpu.memory_space<vmem_shared>> -> memref<632x128xf32, #tpu.memory_space<vmem_shared>>
      tpu.wait_dma2 semaphore(%run_scoped3A : memref<!tpu.dma_semaphore, #tpu.memory_space<semaphore_mem>>) src(%dma_wait3A_21 : memref<632x128xf32, #tpu.memory_space<vmem_shared>>) dst(%dma_wait3A_19 : memref<632x128xf32, #tpu.memory_space<hbm>>)
      tpu.yield
    }) : () -> ()
    return
  }
}

module attributes {stable_mosaic.version = 14 : i64} {
  func.func @_dense_body(%arg0: i32, %arg1: i32, %arg2: memref<1000x128xf32, #tpu.memory_space<vmem>>, %arg3: memref<1x1000x128xf32, #tpu.memory_space<vmem>>, %arg4: memref<1x1000x1xf32, #tpu.memory_space<vmem>>, %arg5: memref<1x128x128xf32, #tpu.memory_space<vmem>>, %arg6: memref<1x128x128xf32, #tpu.memory_space<vmem>>, %arg7: memref<1x1x128xf32, #tpu.memory_space<vmem>>, %arg8: memref<1000x128xf32, #tpu.memory_space<vmem>>) attributes {dimension_semantics = [#tpu.dimension_semantics<arbitrary>, #tpu.dimension_semantics<arbitrary>], iteration_bounds = array<i64: 2, 10>, scalar_prefetch = 0 : i64, scratch_operands = 0 : i64, tpu.core_type = #tpu.core_type<tc>, window_params = [{transform_indices = @transform_0, window_bounds = array<i64: 1000, 128>}, {transform_indices = @transform_1, window_bounds = array<i64: 1, 1000, 128>}, {transform_indices = @transform_2, window_bounds = array<i64: 1, 1000, 1>}, {transform_indices = @transform_3, window_bounds = array<i64: 1, 128, 128>}, {transform_indices = @transform_4, window_bounds = array<i64: 1, 128, 128>}, {transform_indices = @transform_5, window_bounds = array<i64: 1, 1, 128>}, {transform_indices = @transform_6, window_bounds = array<i64: 1000, 128>}]} {
    %get3A = arith.constant 0 : index
    %get3A_0 = arith.constant 0 : index
    %get3A_1 = arith.constant 0 : index
    %get3A_2 = vector.load %arg4[%get3A, %get3A_0, %get3A_1] : memref<1x1000x1xf32, #tpu.memory_space<vmem>>, vector<1x1000x1xf32>
    %get3A_3 = vector.shape_cast %get3A_2 : vector<1x1000x1xf32> to vector<1000x1xf32>
    %max3A = arith.constant 1.000000e+00 : f32
    %max3A_4 = vector.broadcast %max3A : f32 to vector<1000x1xf32>
    %max3A_5 = arith.maximumf %get3A_3, %max3A_4 : vector<1000x1xf32>
    %get3A_6 = arith.constant 0 : index
    %get3A_7 = arith.constant 0 : index
    %get3A_8 = arith.constant 0 : index
    %get3A_9 = vector.load %arg3[%get3A_6, %get3A_7, %get3A_8] : memref<1x1000x128xf32, #tpu.memory_space<vmem>>, vector<1x1000x128xf32>
    %get3A_10 = vector.shape_cast %get3A_9 : vector<1x1000x128xf32> to vector<1000x128xf32>
    %div3A = vector.broadcast %max3A_5 : vector<1000x1xf32> to vector<1000x128xf32>
    %div3A_11 = arith.divf %get3A_10, %div3A : vector<1000x128xf32>
    %get3A_12 = arith.constant 0 : index
    %get3A_13 = arith.constant 0 : index
    %get3A_14 = vector.load %arg2[%get3A_12, %get3A_13] : memref<1000x128xf32, #tpu.memory_space<vmem>>, vector<1000x128xf32>
    %get3A_15 = arith.constant 0 : index
    %get3A_16 = arith.constant 0 : index
    %get3A_17 = arith.constant 0 : index
    %get3A_18 = vector.load %arg5[%get3A_15, %get3A_16, %get3A_17] : memref<1x128x128xf32, #tpu.memory_space<vmem>>, vector<1x128x128xf32>
    %get3A_19 = vector.shape_cast %get3A_18 : vector<1x128x128xf32> to vector<128x128xf32>
    %dot_general3A = arith.constant dense<0.000000e+00> : vector<1000x128xf32>
    %dot_general3A_20 = tpu.matmul %get3A_14, %get3A_19, %dot_general3A {dimension_numbers = #tpu.dot_dimension_numbers<[1], [0], [0], [1], [0, 0, 1, 1], [], []>, transpose_lhs_hint = false} : vector<1000x128xf32>, vector<128x128xf32>, vector<1000x128xf32> -> vector<1000x128xf32>
    %get3A_21 = arith.constant 0 : index
    %get3A_22 = arith.constant 0 : index
    %get3A_23 = arith.constant 0 : index
    %get3A_24 = vector.load %arg6[%get3A_21, %get3A_22, %get3A_23] : memref<1x128x128xf32, #tpu.memory_space<vmem>>, vector<1x128x128xf32>
    %get3A_25 = vector.shape_cast %get3A_24 : vector<1x128x128xf32> to vector<128x128xf32>
    %dot_general3A_26 = arith.constant dense<0.000000e+00> : vector<1000x128xf32>
    %dot_general3A_27 = tpu.matmul %div3A_11, %get3A_25, %dot_general3A_26 {dimension_numbers = #tpu.dot_dimension_numbers<[1], [0], [0], [1], [0, 0, 1, 1], [], []>, transpose_lhs_hint = false} : vector<1000x128xf32>, vector<128x128xf32>, vector<1000x128xf32> -> vector<1000x128xf32>
    %add3A = arith.addf %dot_general3A_20, %dot_general3A_27 : vector<1000x128xf32>
    %get3A_28 = arith.constant 0 : index
    %get3A_29 = arith.constant 0 : index
    %get3A_30 = arith.constant 0 : index
    %get3A_31 = vector.load %arg7[%get3A_28, %get3A_29, %get3A_30] : memref<1x1x128xf32, #tpu.memory_space<vmem>>, vector<1x1x128xf32>
    %get3A_32 = vector.shape_cast %get3A_31 : vector<1x1x128xf32> to vector<1x128xf32>
    %add3A_33 = vector.broadcast %get3A_32 : vector<1x128xf32> to vector<1000x128xf32>
    %add3A_34 = arith.addf %add3A, %add3A_33 : vector<1000x128xf32>
    %max3A_35 = arith.constant 0.000000e+00 : f32
    %max3A_36 = vector.broadcast %max3A_35 : f32 to vector<1000x128xf32>
    %max3A_37 = arith.maximumf %add3A_34, %max3A_36 : vector<1000x128xf32>
    %swap3A = arith.constant 0 : index
    %swap3A_38 = arith.constant 0 : index
    %swap3A_39 = vector.load %arg8[%swap3A, %swap3A_38] : memref<1000x128xf32, #tpu.memory_space<vmem>>, vector<1000x128xf32>
    tpu.vector_store %arg8[%swap3A, %swap3A_38], %max3A_37 {strides = array<i32>} : memref<1000x128xf32, #tpu.memory_space<vmem>>, vector<1000x128xf32>,
    return
  }
  func.func @transform_0(%arg0: i32, %arg1: i32) -> (i32, i32) {
    %mul3A = arith.constant 10 : i32
    %mul3A_0 = arith.muli %arg0, %mul3A : i32
    %add3A = arith.addi %mul3A_0, %arg1 : i32
    %c0_i32 = arith.constant 0 : i32
    %c0_i32_1 = arith.constant 0 : i32
    return %add3A, %c0_i32 : i32, i32
  }
  func.func @transform_1(%arg0: i32, %arg1: i32) -> (i32, i32, i32) {
    %c0_i32 = arith.constant 0 : i32
    %c0_i32_0 = arith.constant 0 : i32
    return %arg0, %arg1, %c0_i32 : i32, i32, i32
  }
  func.func @transform_2(%arg0: i32, %arg1: i32) -> (i32, i32, i32) {
    %c0_i32 = arith.constant 0 : i32
    %c0_i32_0 = arith.constant 0 : i32
    return %arg0, %arg1, %c0_i32 : i32, i32, i32
  }
  func.func @transform_3(%arg0: i32, %arg1: i32) -> (i32, i32, i32) {
    %c0_i32 = arith.constant 0 : i32
    %c0_i32_0 = arith.constant 0 : i32
    %c0_i32_1 = arith.constant 0 : i32
    return %arg0, %c0_i32, %c0_i32_0 : i32, i32, i32
  }
  func.func @transform_4(%arg0: i32, %arg1: i32) -> (i32, i32, i32) {
    %c0_i32 = arith.constant 0 : i32
    %c0_i32_0 = arith.constant 0 : i32
    %c0_i32_1 = arith.constant 0 : i32
    return %arg0, %c0_i32, %c0_i32_0 : i32, i32, i32
  }
  func.func @transform_5(%arg0: i32, %arg1: i32) -> (i32, i32, i32) {
    %c0_i32 = arith.constant 0 : i32
    %c0_i32_0 = arith.constant 0 : i32
    %c0_i32_1 = arith.constant 0 : i32
    return %arg0, %c0_i32, %c0_i32_0 : i32, i32, i32
  }
  func.func @transform_6(%arg0: i32, %arg1: i32) -> (i32, i32) {
    %mul3A = arith.constant 10 : i32
    %mul3A_0 = arith.muli %arg0, %mul3A : i32
    %add3A = arith.addi %mul3A_0, %arg1 : i32
    %c0_i32 = arith.constant 0 : i32
    %c0_i32_1 = arith.constant 0 : i32
    return %add3A, %c0_i32 : i32, i32
  }
}

module attributes {stable_mosaic.version = 14 : i64} {
  func.func @_dense_body(%arg0: i32, %arg1: i32, %arg2: memref<1000x128xf32, #tpu.memory_space<vmem>>, %arg3: memref<1x1000x128xf32, #tpu.memory_space<vmem>>, %arg4: memref<1x1000x1xf32, #tpu.memory_space<vmem>>, %arg5: memref<1x128x128xf32, #tpu.memory_space<vmem>>, %arg6: memref<1x128x128xf32, #tpu.memory_space<vmem>>, %arg7: memref<1x1x128xf32, #tpu.memory_space<vmem>>, %arg8: memref<1000x128xf32, #tpu.memory_space<vmem>>) attributes {dimension_semantics = [#tpu.dimension_semantics<arbitrary>, #tpu.dimension_semantics<arbitrary>], iteration_bounds = array<i64: 2, 10>, scalar_prefetch = 0 : i64, scratch_operands = 0 : i64, tpu.core_type = #tpu.core_type<tc>, window_params = [{transform_indices = @transform_0, window_bounds = array<i64: 1000, 128>}, {transform_indices = @transform_1, window_bounds = array<i64: 1, 1000, 128>}, {transform_indices = @transform_2, window_bounds = array<i64: 1, 1000, 1>}, {transform_indices = @transform_3, window_bounds = array<i64: 1, 128, 128>}, {transform_indices = @transform_4, window_bounds = array<i64: 1, 128, 128>}, {transform_indices = @transform_5, window_bounds = array<i64: 1, 1, 128>}, {transform_indices = @transform_6, window_bounds = array<i64: 1000, 128>}]} {
    %get3A = arith.constant 0 : index
    %get3A_0 = arith.constant 0 : index
    %get3A_1 = arith.constant 0 : index
    %get3A_2 = vector.load %arg4[%get3A, %get3A_0, %get3A_1] : memref<1x1000x1xf32, #tpu.memory_space<vmem>>, vector<1x1000x1xf32>
    %get3A_3 = vector.shape_cast %get3A_2 : vector<1x1000x1xf32> to vector<1000x1xf32>
    %max3A = arith.constant 1.000000e+00 : f32
    %max3A_4 = vector.broadcast %max3A : f32 to vector<1000x1xf32>
    %max3A_5 = arith.maximumf %get3A_3, %max3A_4 : vector<1000x1xf32>
    %get3A_6 = arith.constant 0 : index
    %get3A_7 = arith.constant 0 : index
    %get3A_8 = arith.constant 0 : index
    %get3A_9 = vector.load %arg3[%get3A_6, %get3A_7, %get3A_8] : memref<1x1000x128xf32, #tpu.memory_space<vmem>>, vector<1x1000x128xf32>
    %get3A_10 = vector.shape_cast %get3A_9 : vector<1x1000x128xf32> to vector<1000x128xf32>
    %div3A = vector.broadcast %max3A_5 : vector<1000x1xf32> to vector<1000x128xf32>
    %div3A_11 = arith.divf %get3A_10, %div3A : vector<1000x128xf32>
    %get3A_12 = arith.constant 0 : index
    %get3A_13 = arith.constant 0 : index
    %get3A_14 = vector.load %arg2[%get3A_12, %get3A_13] : memref<1000x128xf32, #tpu.memory_space<vmem>>, vector<1000x128xf32>
    %get3A_15 = arith.constant 0 : index
    %get3A_16 = arith.constant 0 : index
    %get3A_17 = arith.constant 0 : index
    %get3A_18 = vector.load %arg5[%get3A_15, %get3A_16, %get3A_17] : memref<1x128x128xf32, #tpu.memory_space<vmem>>, vector<1x128x128xf32>
    %get3A_19 = vector.shape_cast %get3A_18 : vector<1x128x128xf32> to vector<128x128xf32>
    %dot_general3A = arith.constant dense<0.000000e+00> : vector<1000x128xf32>
    %dot_general3A_20 = tpu.matmul %get3A_14, %get3A_19, %dot_general3A {dimension_numbers = #tpu.dot_dimension_numbers<[1], [0], [0], [1], [0, 0, 1, 1], [], []>, transpose_lhs_hint = false} : vector<1000x128xf32>, vector<128x128xf32>, vector<1000x128xf32> -> vector<1000x128xf32>
    %get3A_21 = arith.constant 0 : index
    %get3A_22 = arith.constant 0 : index
    %get3A_23 = arith.constant 0 : index
    %get3A_24 = vector.load %arg6[%get3A_21, %get3A_22, %get3A_23] : memref<1x128x128xf32, #tpu.memory_space<vmem>>, vector<1x128x128xf32>
    %get3A_25 = vector.shape_cast %get3A_24 : vector<1x128x128xf32> to vector<128x128xf32>
    %dot_general3A_26 = arith.constant dense<0.000000e+00> : vector<1000x128xf32>
    %dot_general3A_27 = tpu.matmul %div3A_11, %get3A_25, %dot_general3A_26 {dimension_numbers = #tpu.dot_dimension_numbers<[1], [0], [0], [1], [0, 0, 1, 1], [], []>, transpose_lhs_hint = false} : vector<1000x128xf32>, vector<128x128xf32>, vector<1000x128xf32> -> vector<1000x128xf32>
    %add3A = arith.addf %dot_general3A_20, %dot_general3A_27 : vector<1000x128xf32>
    %get3A_28 = arith.constant 0 : index
    %get3A_29 = arith.constant 0 : index
    %get3A_30 = arith.constant 0 : index
    %get3A_31 = vector.load %arg7[%get3A_28, %get3A_29, %get3A_30] : memref<1x1x128xf32, #tpu.memory_space<vmem>>, vector<1x1x128xf32>
    %get3A_32 = vector.shape_cast %get3A_31 : vector<1x1x128xf32> to vector<1x128xf32>
    %add3A_33 = vector.broadcast %get3A_32 : vector<1x128xf32> to vector<1000x128xf32>
    %add3A_34 = arith.addf %add3A, %add3A_33 : vector<1000x128xf32>
    %swap3A = arith.constant 0 : index
    %swap3A_35 = arith.constant 0 : index
    %swap3A_36 = vector.load %arg8[%swap3A, %swap3A_35] : memref<1000x128xf32, #tpu.memory_space<vmem>>, vector<1000x128xf32>
    tpu.vector_store %arg8[%swap3A, %swap3A_35], %add3A_34 {strides = array<i32>} : memref<1000x128xf32, #tpu.memory_space<vmem>>, vector<1000x128xf32>,
    return
  }
  func.func @transform_0(%arg0: i32, %arg1: i32) -> (i32, i32) {
    %mul3A = arith.constant 10 : i32
    %mul3A_0 = arith.muli %arg0, %mul3A : i32
    %add3A = arith.addi %mul3A_0, %arg1 : i32
    %c0_i32 = arith.constant 0 : i32
    %c0_i32_1 = arith.constant 0 : i32
    return %add3A, %c0_i32 : i32, i32
  }
  func.func @transform_1(%arg0: i32, %arg1: i32) -> (i32, i32, i32) {
    %c0_i32 = arith.constant 0 : i32
    %c0_i32_0 = arith.constant 0 : i32
    return %arg0, %arg1, %c0_i32 : i32, i32, i32
  }
  func.func @transform_2(%arg0: i32, %arg1: i32) -> (i32, i32, i32) {
    %c0_i32 = arith.constant 0 : i32
    %c0_i32_0 = arith.constant 0 : i32
    return %arg0, %arg1, %c0_i32 : i32, i32, i32
  }
  func.func @transform_3(%arg0: i32, %arg1: i32) -> (i32, i32, i32) {
    %c0_i32 = arith.constant 0 : i32
    %c0_i32_0 = arith.constant 0 : i32
    %c0_i32_1 = arith.constant 0 : i32
    return %arg0, %c0_i32, %c0_i32_0 : i32, i32, i32
  }
  func.func @transform_4(%arg0: i32, %arg1: i32) -> (i32, i32, i32) {
    %c0_i32 = arith.constant 0 : i32
    %c0_i32_0 = arith.constant 0 : i32
    %c0_i32_1 = arith.constant 0 : i32
    return %arg0, %c0_i32, %c0_i32_0 : i32, i32, i32
  }
  func.func @transform_5(%arg0: i32, %arg1: i32) -> (i32, i32, i32) {
    %c0_i32 = arith.constant 0 : i32
    %c0_i32_0 = arith.constant 0 : i32
    %c0_i32_1 = arith.constant 0 : i32
    return %arg0, %c0_i32, %c0_i32_0 : i32, i32, i32
  }
  func.func @transform_6(%arg0: i32, %arg1: i32) -> (i32, i32) {
    %mul3A = arith.constant 10 : i32
    %mul3A_0 = arith.muli %arg0, %mul3A : i32
    %add3A = arith.addi %mul3A_0, %arg1 : i32
    %c0_i32 = arith.constant 0 : i32
    %c0_i32_1 = arith.constant 0 : i32
    return %add3A, %c0_i32 : i32, i32
  }
}

</mosaic_0001>

<sc_bundles>
// kernel: kernel.10.cloned.1.call-start
scs
__scs_entry_jumppad:
0x0: {  	(pc) =	sbr.rel $0x88, $3  }
0x1: {  	(tag) =	ssettag $0x0;
	lr =	simm.s32 $0x1  }
0x2: {  	[smem:$0x3F91] =	sst lr;
	_ =	strace $0xD0000000  }
0x3: {  	_ = 	snop  }
0x4: {  	_ = 	snop  }
0x5: {  	_ = 	snop  }
0x6: {  	_ = 	snop  }
0x7: {  	_ = 	snop  }
__scs_overlays_trampoline_lowered:
0x8: {  	[smem:$0x3FA0] =	sst s0  }
0x9: {  	[smem:$0x3FA1] =	sst s1  }
0xa: {  	[smem:$0x3FA2] =	sst s2  }
0xb: {  	[smem:$0x3FA3] =	sst s3  }
0xc: {  	[smem:$0x3FA4] =	sst s4  }
0xd: {  	[smem:$0x3FA5] =	sst s5  }
0xe: {  	[smem:$0x3FA6] =	sst s6  }
0xf: {  	[smem:$0x3FA7] =	sst s7  }
0x10: {  	[smem:$0x3FA8] =	sst s8  }
0x11: {  	[smem:$0x3FA9] =	sst s9;
	s0 =	simm.s32 @!p0 $0x0  }
0x12: {  	s1 =	sld [smem:$0x3F8F];
	s0 =	simm.s32 @p0 $0x1  }
0x13: {  	[smem:$0x3FAA] =	sst s0;
	s0 =	simm.s32 @!p1 $0x0  }
0x14: {  	s2 =	sld [smem:$0x3F8E];
	s0 =	simm.s32 @p1 $0x1  }
0x15: {  	[smem:$0x3FAB] =	sst s0;
	s0 =	simm.s32 @!p2 $0x0  }
0x16: {  	s3 =	sld [smem:$0x3FDB];
	s0 =	simm.s32 @p2 $0x1  }
0x17: {  	s4 =	simm.s32 $0x1BF5;
	[smem:$0x3FAD] =	sst s0  }
0x18: {  	s0 =	sld [smem:$0x3F90];
	_ =	swait.ge [sflag:s4], $0x0  }
0x19: {  	s7 =	sld [smem:$0x3F91]  }
0x1a: {  	s8 =	sadd.s32 $0xFFFFE003, lr  }
0x1b: {  	s9 =	sadd.s32 $0xFFFFFEF7, lr;
	s5 =	simm.s32 $0xFFFFFFFF;
	p2 =	slt.u32 s8, $0xFFFFF086  }
0x1c: {  	p1 =	slt.u32 s9, $0xF7A;
	s5 =	simm.s32 @!p2 $0x0  }
0x1d: {  	s5 =	simm.s32 @p1 $0x1;
	p0 =	seq.s32 s7, s2  }
0x1e: {  	s7 =	smul.u32 @!p0 $0xF7A, s2;
	p2 =	seq.s32 @!p0 s5, $0x0  }
0x1f: {  	s9 =	smul.u32 $0xF7A, s1;
	s8 =	simm.s32 @!p0 $0x1BF5;
	p2 =	por !p2, p0  }
0x20: {  	[sflag:s8] =	ssyncset.s32 @!p0 $0xFFFFF086;
	s6 =	sadd.s32 @!p0 s3, s7;
	s7 =	simm.s32 @!p0 $0x108  }
0x21: {  	s3 =	sadd.s32 s3, s9;
	s6 =	sadd.s32 @!p0 $0x88, s6;
	s7 =	simm.s32 @p2 $0x1082  }
0x22: {  	[simem:s7], [sflag:s8] =	dma.local @!p0 [hbm:s6], $0xF7A  }
0x23: {  	s9 =	sor.u32 $0xD0000000, s2;
	s6 =	simm.s32 $0x108;
	_ =	swait.ge @!p0 [sflag:s8], $0x0  }
0x24: {  	s3 =	sadd.s32 $0x88, s3;
	s6 =	simm.s32 @!p1 $0x1082;
	[sflag:s4] =	ssyncset.s32 $0xFFFFF086  }
0x25: {  	[simem:s6], [sflag:s4] =	dma.local [hbm:s3], $0xF7A  }
0x26: {  	[smem:$0x3F91] =	sst s1;
	(tag) =	ssettag s2;
	_ =	strace s9  }
0x27: {  	s1 =	sld [smem:$0x3FA1]  }
0x28: {  	s2 =	sld [smem:$0x3FA2]  }
0x29: {  	s4 =	sld [smem:$0x3FA4]  }
0x2a: {  	p0 =	seq.s32 s5, $0x0;
	s5 =	sld [smem:$0x3FA5]  }
0x2b: {  	s6 =	sld [smem:$0x3FA6]  }
0x2c: {  	s7 =	sld [smem:$0x3FA7]  }
0x2d: {  	s3 =	simm.s32 $0x108;
	s8 =	sld [smem:$0x3FA8]  }
0x2e: {  	s3 =	simm.s32 @!p0 $0x1082;
	s9 =	sld [smem:$0x3FA9]  }
0x2f: {  	lr =	sadd.s32 s0, s3;
	s0 =	sld [smem:$0x3FA0]  }
0x30: {  	s3 =	sld [smem:$0x3FA3]  }
0x31: {  	[smem:$0x3FAC] =	sst s10  }
0x32: {  	s10 =	sld [smem:$0x3FAA];
	_ =	sdelay $0x3  }
0x33: {  	p0 =	seq.s32 s10, $0x1;
	s10 =	sld [smem:$0x3FAC];
	_ =	sdelay $0x3  }
0x34: {  	[smem:$0x3FAC] =	sst s10  }
0x35: {  	s10 =	sld [smem:$0x3FAB];
	_ =	sdelay $0x3  }
0x36: {  	p1 =	seq.s32 s10, $0x1;
	s10 =	sld [smem:$0x3FAC];
	_ =	sdelay $0x3  }
0x37: {  	[smem:$0x3FAC] =	sst s10  }
0x38: {  	s10 =	sld [smem:$0x3FAD]  }
0x39: {  	_ = 	snop;
	(pc) =	sbr.ind lr, $3  }
0x3a: {  	_ = 	snop  }
0x3b: {  	_ = 	snop  }
0x3c: {  	p2 =	seq.s32 s10, $0x1;
	s10 =	sld [smem:$0x3FAC]  }
0x3d: {  	_ =	shalt  }
0x3e: {  	_ =	shalt  }
0x3f: {  	_ =	shalt  }
0x40: {  	_ =	shalt  }
0x41: {  	_ =	shalt  }
0x42: {  	_ =	shalt  }
0x43: {  	_ =	shalt  }
0x44: {  	_ =	shalt  }
0x45: {  	_ =	shalt  }
0x46: {  	_ =	shalt  }
0x47: {  	_ =	shalt  }
0x48: {  	_ =	shalt  }
0x49: {  	_ =	shalt  }
0x4a: {  	_ =	shalt  }
0x4b: {  	_ =	shalt  }
0x4c: {  	_ =	shalt  }
0x4d: {  	_ =	shalt  }
0x4e: {  	_ =	shalt  }
0x4f: {  	_ =	shalt  }
0x50: {  	_ =	shalt  }
0x51: {  	_ =	shalt  }
0x52: {  	_ =	shalt  }
0x53: {  	_ =	shalt  }
0x54: {  	_ =	shalt  }
0x55: {  	_ =	shalt  }
0x56: {  	_ =	shalt  }
0x57: {  	_ =	shalt  }
0x58: {  	_ =	shalt  }
0x59: {  	_ =	shalt  }
0x5a: {  	_ =	shalt  }
0x5b: {  	_ =	shalt  }
0x5c: {  	_ =	shalt  }
0x5d: {  	_ =	shalt  }
0x5e: {  	_ =	shalt  }
0x5f: {  	_ =	shalt  }
0x60: {  	_ =	shalt  }
0x61: {  	_ =	shalt  }
0x62: {  	_ =	shalt  }
0x63: {  	_ =	shalt  }
0x64: {  	_ =	shalt  }
0x65: {  	_ =	shalt  }
0x66: {  	_ =	shalt  }
0x67: {  	_ =	shalt  }
0x68: {  	_ =	shalt  }
0x69: {  	_ =	shalt  }
0x6a: {  	_ =	shalt  }
0x6b: {  	_ =	shalt  }
0x6c: {  	_ =	shalt  }
0x6d: {  	_ =	shalt  }
0x6e: {  	_ =	shalt  }
0x6f: {  	_ =	shalt  }
0x70: {  	_ =	shalt  }
0x71: {  	_ =	shalt  }
0x72: {  	_ =	shalt  }
0x73: {  	_ =	shalt  }
0x74: {  	_ =	shalt  }
0x75: {  	_ =	shalt  }
0x76: {  	_ =	shalt  }
0x77: {  	_ =	shalt  }
0x78: {  	_ =	shalt  }
0x79: {  	_ =	shalt  }
0x7a: {  	_ =	shalt  }
0x7b: {  	_ =	shalt  }
0x7c: {  	_ =	shalt  }
0x7d: {  	_ =	shalt  }
0x7e: {  	_ =	shalt  }
0x7f: {  	_ =	shalt  }
0x80: {  	_ =	shalt  }
0x81: {  	_ =	shalt  }
0x82: {  	_ =	shalt  }
0x83: {  	_ =	shalt  }
0x84: {  	_ =	shalt  }
0x85: {  	_ =	shalt  }
0x86: {  	_ =	shalt  }
0x87: {  	_ =	shalt  }
.Lfunc_end0:
.L_simem_size_0:
called_computation.1_lowered:
.L_overlay_start_0:
0x88: {  	s2 =	sld [smem:$0x3FD9]  }
0x89: {  	s3 =	sld [smem:$0x3FFE];
	_ =	sdelay $0x1  }
0x8a: {  	s1 =	srdreg.scid  }
0x8b: {  	s0 =	sand.u32 $0x1, s1  }
0x8c: {  	s14 =	sshll.u32 s0, $0xA;
	s2 =	sadd.s32 s3, s2  }
0x8d: {  	s2 =	sadd.s32 s2, s14  }
0x8e: {  	[smem:$0x3FB8] =	sst s2  }
0x8f: {  	_ = 	snop  }
0x90: {  	s2 =	sld [smem:$0x3FD0];
	_ =	sdelay $0x2  }
0x91: {  	s15 =	simm.s32 $0xB;
	s4 =	simm.s32 $0x10  }
0x92: {  	[smem:s4], [sflag:s15] =	dma.local [hbm:s2], $0x1  }
0x93: {  	_ =	swait.eq [sflag:s15], $0x1  }
0x94: {  	[sflag:s15] =	ssyncset.done $0x0  }
0x95: {  	s16 =	sld [smem:$0x10];
	[sflag:s15] =	ssyncadd.s32 $0xFFFFFFFF  }
0x96: {  	s17 =	sld [smem:$0x11];
	(tm) =	ssettm $0x1  }
0x97: {  	s18 =	sld [smem:$0x3FFB];
	_ =	sdelay $0x3  }
0x98: {  	_ =	strace s18  }
0x99: {  	s4 =	sld [smem:$0x3FFC];
	_ =	sdelay $0x3  }
0x9a: {  	_ =	strace s4  }
0x9b: {  	s4 =	sld [smem:$0x3FFD];
	_ =	sdelay $0x3  }
0x9c: {  	_ =	strace s4  }
0x9d: {  	_ =	strace $0x8FFFFFFF  }
0x9e: {  	s19 =	sld [smem:$0x3FDB];
	_ =	sdelay $0x1  }
0x9f: {  	s5 =	simm.s32 $_scs_section_size  }
0xa0: {  	s6 =	simm.s32 $_size__tile_overlayer_lowered;
	s7 =	simm.s32 $_tile_overlayer_lowered  }
0xa1: {  	s22 =	simm.s32 $0x1BFF;
	s21 =	sshll.u32 s7, $0x1;
	s4 =	sadd.s32 s5, s19  }
0xa2: {  	s8 =	simm.s32 $0x0;
	s20 =	sshll.u32 s6, $0x1;
	s6 =	sadd.s32 s21, s4  }
0xa3: {  	[timem:s8], [sflag:s22] =	dma.local [hbm:s6], s20  }
0xa4: {  	_ =	swait.ge [sflag:s22], s20  }
0xa5: {  	s5 =	ssub.s32 $0x0, s20;
	[sflag:s22] =	ssyncset.done $0x0  }
0xa6: {  	[sflag:s22] =	ssyncadd.s32 s5;
	_ =	sdelay $0x1  }
0xa7: {  	s23 =	simm.s32 $0x1B8B  }
0xa8: {  	_ =	swait.ge [sflag:s23], $0x1  }
0xa9: {  	[sflag:s23] =	ssyncset.done $0x0  }
0xaa: {  	s25 =	simm.s32 $0x1B8E;
	s24 =	sld [smem:$0x3FFE];
	[sflag:s23] =	ssyncadd.s32 $0xFFFFFFFF  }
0xab: {  	s26 =	simm.s32 $execute0_lowered;
	[smem:$0x3FD2] =	sst s25  }
0xac: {  	s6 =	sshll.u32 s26, $0x1;
	_ =	strace $0x80000046;
	[dreg:$0x1] =	wrdreg $0xFFFFFFFF  }
0xad: {  	s28 =	simm.s32 $_size_execute0_lowered;
	s4 =	sadd.s32 s4, s6;
	[dreg:$0x0] =	wrdreg $0x0  }
0xae: {  	s6 =	sshll.u32 s28, $0x1;
	[dreg:$0x2] =	wrdreg s4  }
0xaf: {  	[dreg:$0x3] =	wrdreg s6  }
0xb0: {  	[dreg:$0x4] =	wrdreg $0xC0  }
0xb1: {  	_ =	task [dreg:s8], $0x5FFFF  }
0xb2: {  	[dreg:$0x1] =	wrdreg $0xFFFFFFFF  }
0xb3: {  	[dreg:$0x0] =	wrdreg $0x60  }
0xb4: {  	[dreg:$0x2] =	wrdreg s24  }
0xb5: {  	[dreg:$0x3] =	wrdreg s16  }
0xb6: {  	[dreg:$0x4] =	wrdreg s17  }
0xb7: {  	[dreg:$0x5] =	wrdreg $0x90000  }
0xb8: {  	[dreg:$0x6] =	wrdreg $0xA  }
0xb9: {  	_ =	task.clear_ibuf [dreg:s8], $0x7FFFF;
	_ =	strace $0x90000046  }
0xba: {  	s29 =	simm.s32 $0xA;
	_ =	strace $0x80000048  }
0xbb: {  	_ =	swait.ge [sflag:s29], $0x1  }
0xbc: {  	[sflag:s29] =	ssyncadd.s32 $0xFFFFFFFF  }
0xbd: {  	_ =	strace $0x90000048  }
0xbe: {  	_ =	sfence  }
0xbf: {  	s30 =	sld [smem:$0x0];
	_ =	sdelay $0x2  }
0xc0: {  	s31 =	sshll.u32 s1, $0xD;
	s1 =	sshrl.u32 s1, $0x2  }
0xc1: {  	s3 =	sand.u32 $0x4000, s31;
	s1 =	sadd.s32 s1, s30  }
0xc2: {  	s0 =	sor.u32 s3, s0;
	s1 =	sshll.u32 s1, $0x11  }
0xc3: {  	s0 =	sor.u32 s1, s0  }
0xc4: {  	s0 =	sadd.s32 $0x8F2B, s0  }
0xc5: {  	[sflag:s0] =	ssyncadd.remote.s32 $0x1  }
0xc6: {  	_ =	sfence.sel $0xFFFF  }
0xc7: {  	[dreg:$0x0] =	wrdreg $0xFFFFFFFF;
	(pc) =	sbr.abs _section_cstart, $3  }
0xc8: {  	[dreg:$0x1] =	wrdreg $0xFFFFFFFF  }
0xc9: {  	_ =	task.clear_ibuf [dreg:s8], $0x2FFFF;
	_ =	strace $0x9FFFFFFF  }
0xca: {  	(tm) =	ssettm $0x7FFFFFFF  }
0xcb: {  	_ =	shalt  }
tec
execute0_lowered:
.L_overlay_start_1:
0x0: {  	(tag) =	ssettag $0x1  }
0x1: {  	s0 =	rddreg [dreg:$0x0]  }
0x2: {  	s1 =	rddreg [dreg:$0x1]  }
0x3: {  	s13 =	stileid.u32;
	s2 =	srdreg.scid  }
0x4: {  	s5 =	rddreg [dreg:$0x2];
	s3 =	simm.s32 $0x0;
	s22 =	simm.s32 $0x100  }
0x5: {  	s23 =	simm.s32 $0x480;
	s24 =	simm.s32 $0x180;
	s28 =	simm.s32 $0xB80  }
0x6: {  	s29 =	simm.s32 $0xF00;
	s30 =	simm.s32 $0xF80;
	s6 =	smul.u32 $0x13C00, s13  }
0x7: {  	s7 =	sand.u32 $0x1, s2;
	s2 =	rddreg [dreg:$0x3];
	s10 =	smul.u32 $0x5000, s13  }
0x8: {  	s31 =	simm.s32 $0x0;
	[smem:$0x7FF] =	sst s3;
	s18 =	smul.u32 $0x4F000, s13  }
0x9: {  	s8 =	smul.u32 $0x13C000, s7;
	_ =	strace $0x80000047;
	[dreg:$0x9] =	wrdreg s22  }
0xa: {  	s4 =	sadd.s32 $0x3E00, s0;
	s9 =	smul.u32 $0x50000, s7;
	[dreg:$0xa] =	wrdreg s23  }
0xb: {  	s26 =	ssub.s32 $0x2, s7;
	[dreg:$0xb] =	wrdreg s24;
	s22 =	simm.s32 $0x900  }
0xc: {  	s23 =	simm.s32 $0xC80;
	s24 =	simm.s32 $0x980;
	[dreg:$0x17] =	wrdreg s22  }
0xd: {  	s11 =	sshrl.u32 s6, $0x3;
	s15 =	sshrl.u32 s26, $0x1;
	[dreg:$0x18] =	wrdreg s23  }
0xe: {  	s21 =	sshrl.u32 s18, $0x2;
	s18 =	simm.s32 $0x380;
	[dreg:$0x19] =	wrdreg s24  }
0xf: {  	s6 =	sadd.s32 s6, s8;
	s8 =	sadd.s32 s10, s9;
	s25 =	sadd.s32 s11, s0  }
0x10: {  	[dreg:$0x13] =	wrdreg s18;
	s6 =	sshrl.u32 s6, $0x3;
	s10 =	sor.u32 $0x800, s8  }
0x11: {  	s12 =	sor.u32 $0x400, s8;
	s9 =	sadd.s32 $0x52000, s25;
	s25 =	sshll.u32 s13, $0x6  }
0x12: {  	s13 =	simm.s32 $0x580;
	s14 =	sshrl.u32 s10, $0x3;
	[dreg:$0x1c] =	wrdreg s9  }
0x13: {  	s10 =	ssub.s32 s26, s15;
	s26 =	simm.s32 $0x500;
	[dreg:$0xe] =	wrdreg s13  }
0x14: {  	s17 =	sshrl.u32 s12, $0x3;
	s12 =	simm.s32 $0x200;
	[dreg:$0xc] =	wrdreg s26  }
0x15: {  	s0 =	sadd.s32 s6, s0;
	s15 =	simm.s32 $0x600;
	[dreg:$0xd] =	wrdreg s12  }
0x16: {  	s6 =	sor.u32 $0x1C04, s25;
	s25 =	simm.s32 $0xD00;
	[dreg:$0x10] =	wrdreg s15  }
0x17: {  	s22 =	simm.s32 $0xD80;
	s16 =	sadd.s32 s14, s5;
	[dreg:$0x1a] =	wrdreg s25  }
0x18: {  	s23 =	simm.s32 $0xA80;
	s7 =	sadd.s32 s14, s1;
	[dreg:$0x5] =	wrdreg s16  }
0x19: {  	s24 =	simm.s32 $0xE00;
	s19 =	sadd.s32 s17, s5;
	[dreg:$0x6] =	wrdreg s7  }
0x1a: {  	s8 =	sshrl.u32 s8, $0x3;
	s20 =	sadd.s32 s17, s1;
	[dreg:$0x7] =	wrdreg s19  }
0x1b: {  	s18 =	simm.s32 $0x5000;
	s1 =	sadd.s32 s1, s8;
	[dreg:$0x8] =	wrdreg s20  }
0x1c: {  	s13 =	simm.s32 $0x400;
	s5 =	sadd.s32 s5, s8;
	[dreg:$0x1d] =	wrdreg s1  }
0x1d: {  	s14 =	simm.s32 $0x280;
	s0 =	sadd.s32 $0x79800, s0;
	[dreg:$0x1e] =	wrdreg s5  }
0x1e: {  	s10 =	smax.u32 s10, $0x1;
	s17 =	simm.s32 $0x680;
	[dreg:$0xf] =	wrdreg s14  }
0x1f: {  	s12 =	simm.s32 $0x4;
	s15 =	simm.s32 $0x1000;
	[dreg:$0x1f] =	wrdreg s0  }
0x20: {  	s26 =	simm.s32 $0xA00;
	s25 =	simm.s32 $0xB00;
	[dreg:$0x12] =	wrdreg s17  }
0x21: {  	s7 =	sadd.s32 s21, s2;
	s16 =	simm.s32 $0x300;
	[dreg:$0x1b] =	wrdreg s26  }
0x22: {  	s19 =	simm.s32 $0x700;
	s20 =	simm.s32 $0x780;
	[dreg:$0x11] =	wrdreg s16  }
0x23: {  	s14 =	simm.s32 $0x80;
	s21 =	simm.s32 $0x880;
	[dreg:$0x14] =	wrdreg s19  }
0x24: {  	s17 =	simm.s32 $0xC00;
	s26 =	simm.s32 $0xE80;
	[dreg:$0x15] =	wrdreg s20  }
0x25: {  	s11 =	sshrl.u32 s7, $0x3;
	[dreg:$0x16] =	wrdreg s21;
	s16 =	simm.s32 $0x800  }
0x26: {  	s19 =	simm.s32 $0x1;
	s20 =	simm.s32 $0x2;
	s21 =	simm.s32 $0x3  }
.LBB2_1:
0x27: {  	s0 =	rddreg [dreg:$0x1c]  }
0x28: {  	[spmem:s11], [sflag:s6] =	dma.local [hbm:s0], $0x2780  }
0x29: {  	_ =	swait.ge [sflag:s12], $0x2780  }
0x2a: {  	[sflag:s12] =	ssyncset.done $0x0  }
0x2b: {  	[sflag:s12] =	ssyncadd.s32 $0xFFFFD880  }
0x2c: {  	[bflag:$0x0] =	sbarrier.arrive $0xFFFF  }
0x2d: {  	s7 =	rddreg [dreg:$0x1d]  }
0x2e: {  	[tilespmem:s3], [sflag:$0x4] =	stream.linear.gather [hbm4b:s7+s3], $0x400, $0x38;
	[tilespmem:$0x1CC00] =	vst v63  }
0x2f: {  	_ =	swait.ge [sflag:s12], $0x400  }
0x30: {  	[sflag:s12] =	ssyncset.done $0x0  }
0x31: {  	s8 =	rddreg [dreg:$0x1e];
	[sflag:s12] =	ssyncadd.s32 $0xFFFFFC00  }
0x32: {  	[tilespmem:s13], [sflag:$0x4] =	stream.linear.gather [hbm4b:s8+s3], $0x400, $0x38;
	[tilespmem:$0x1CC00] =	vst v63  }
0x33: {  	_ =	swait.ge [sflag:s12], $0x400  }
0x34: {  	[sflag:s12] =	ssyncset.done $0x0  }
0x35: {  	s9 =	rddreg [dreg:$0x8];
	[sflag:s12] =	ssyncadd.s32 $0xFFFFFC00  }
0x36: {  	[tilespmem:s15], [sflag:$0x1] =	stream.indirect.gather [hbm4b:s4+s14], $0x80, s3, s14, $0xb8;
	[tilespmem:$0x1CC00] =	vst v63  }
0x37: {  	s1 =	rddreg [dreg:$0x7];
	s0 =	sadd.s32 $0x0, s9  }
0x38: {  	[tilespmem:s16], [sflag:$0x3] =	stream.linear.gather [hbm4b:s0+s3], $0x400, $0x38;
	[tilespmem:$0x1CC00] =	vst v63  }
0x39: {  	s1 =	sadd.s32 $0x0, s1  }
0x3a: {  	[tilespmem:s17], [sflag:$0x3] =	stream.linear.gather [hbm4b:s1+s3], $0x400, $0x38;
	[tilespmem:$0x1CC00] =	vst v63  }
0x3b: {  	_ = 	snop  }
0x3c: {  	[tilespmem:s18], [sflag:$0x2] =	stream.indirect.gather [hbm4b:s4+s14], $0x80, s14, s14, $0xb8;
	[tilespmem:$0x1CC00] =	vst v63  }
0x3d: {  	_ =	swait.ge [sflag:s19], $0x4000  }
0x3e: {  	[sflag:s19] =	ssyncset.done $0x0  }
0x3f: {  	[sflag:s19] =	ssyncadd.s32 $0xFFFFC000  }
0x40: {  	[spmem:s2] =	stream.indirect.scatter.add.f32 [tilespmem:s15], [sflag:$0x4], $0x80, s13, s14, $0xb8;
	[tilespmem:$0x1CC00] =	vst v63  }
0x41: {  	_ =	swait.ge [sflag:s12], $0x4000  }
0x42: {  	[sflag:s12] =	ssyncset.done $0x0  }
0x43: {  	s5 =	rddreg [dreg:$0x9];
	[sflag:s12] =	ssyncadd.s32 $0xFFFFC000  }
0x44: {  	[tilespmem:s15], [sflag:$0x1] =	stream.indirect.gather [hbm4b:s4+s14], $0x80, s5, s14, $0xb8;
	[tilespmem:$0x1CC00] =	vst v63  }
0x45: {  	_ =	swait.ge [sflag:s20], $0x4000  }
0x46: {  	[sflag:s20] =	ssyncset.done $0x0  }
0x47: {  	s7 =	rddreg [dreg:$0xa];
	[sflag:s20] =	ssyncadd.s32 $0xFFFFC000  }
0x48: {  	[spmem:s2] =	stream.indirect.scatter.add.f32 [tilespmem:s18], [sflag:$0x4], $0x80, s7, s14, $0xb8;
	[tilespmem:$0x1CC00] =	vst v63  }
0x49: {  	_ =	swait.ge [sflag:s12], $0x4000  }
0x4a: {  	[sflag:s12] =	ssyncset.done $0x0  }
0x4b: {  	s8 =	rddreg [dreg:$0xb];
	[sflag:s12] =	ssyncadd.s32 $0xFFFFC000  }
0x4c: {  	[tilespmem:s18], [sflag:$0x2] =	stream.indirect.gather [hbm4b:s4+s14], $0x80, s8, s14, $0xb8;
	[tilespmem:$0x1CC00] =	vst v63  }
0x4d: {  	_ =	swait.ge [sflag:s19], $0x4000  }
0x4e: {  	[sflag:s19] =	ssyncset.done $0x0  }
0x4f: {  	s9 =	rddreg [dreg:$0xc];
	[sflag:s19] =	ssyncadd.s32 $0xFFFFC000  }
0x50: {  	[spmem:s2] =	stream.indirect.scatter.add.f32 [tilespmem:s15], [sflag:$0x4], $0x80, s9, s14, $0xb8;
	[tilespmem:$0x1CC00] =	vst v63  }
0x51: {  	_ =	swait.ge [sflag:s12], $0x4000  }
0x52: {  	[sflag:s12] =	ssyncset.done $0x0  }
0x53: {  	s1 =	rddreg [dreg:$0xd];
	[sflag:s12] =	ssyncadd.s32 $0xFFFFC000  }
0x54: {  	[tilespmem:s15], [sflag:$0x1] =	stream.indirect.gather [hbm4b:s4+s14], $0x80, s1, s14, $0xb8;
	[tilespmem:$0x1CC00] =	vst v63  }
0x55: {  	_ =	swait.ge [sflag:s20], $0x4000  }
0x56: {  	[sflag:s20] =	ssyncset.done $0x0  }
0x57: {  	s5 =	rddreg [dreg:$0xe];
	[sflag:s20] =	ssyncadd.s32 $0xFFFFC000  }
0x58: {  	[spmem:s2] =	stream.indirect.scatter.add.f32 [tilespmem:s18], [sflag:$0x4], $0x80, s5, s14, $0xb8;
	[tilespmem:$0x1CC00] =	vst v63  }
0x59: {  	_ =	swait.ge [sflag:s12], $0x4000  }
0x5a: {  	[sflag:s12] =	ssyncset.done $0x0  }
0x5b: {  	s7 =	rddreg [dreg:$0xf];
	[sflag:s12] =	ssyncadd.s32 $0xFFFFC000  }
0x5c: {  	[tilespmem:s18], [sflag:$0x2] =	stream.indirect.gather [hbm4b:s4+s14], $0x80, s7, s14, $0xb8;
	[tilespmem:$0x1CC00] =	vst v63  }
0x5d: {  	_ =	swait.ge [sflag:s19], $0x4000  }
0x5e: {  	[sflag:s19] =	ssyncset.done $0x0  }
0x5f: {  	s8 =	rddreg [dreg:$0x10];
	[sflag:s19] =	ssyncadd.s32 $0xFFFFC000  }
0x60: {  	[spmem:s2] =	stream.indirect.scatter.add.f32 [tilespmem:s15], [sflag:$0x4], $0x80, s8, s14, $0xb8;
	[tilespmem:$0x1CC00] =	vst v63  }
0x61: {  	_ =	swait.ge [sflag:s12], $0x4000  }
0x62: {  	[sflag:s12] =	ssyncset.done $0x0  }
0x63: {  	s9 =	rddreg [dreg:$0x11];
	[sflag:s12] =	ssyncadd.s32 $0xFFFFC000  }
0x64: {  	[tilespmem:s15], [sflag:$0x1] =	stream.indirect.gather [hbm4b:s4+s14], $0x80, s9, s14, $0xb8;
	[tilespmem:$0x1CC00] =	vst v63  }
0x65: {  	_ =	swait.ge [sflag:s20], $0x4000  }
0x66: {  	[sflag:s20] =	ssyncset.done $0x0  }
0x67: {  	s1 =	rddreg [dreg:$0x12];
	[sflag:s20] =	ssyncadd.s32 $0xFFFFC000  }
0x68: {  	[spmem:s2] =	stream.indirect.scatter.add.f32 [tilespmem:s18], [sflag:$0x4], $0x80, s1, s14, $0xb8;
	[tilespmem:$0x1CC00] =	vst v63  }
0x69: {  	_ =	swait.ge [sflag:s12], $0x4000  }
0x6a: {  	[sflag:s12] =	ssyncset.done $0x0  }
0x6b: {  	s5 =	rddreg [dreg:$0x13];
	[sflag:s12] =	ssyncadd.s32 $0xFFFFC000  }
0x6c: {  	[tilespmem:s18], [sflag:$0x2] =	stream.indirect.gather [hbm4b:s4+s14], $0x80, s5, s14, $0xb8;
	[tilespmem:$0x1CC00] =	vst v63  }
0x6d: {  	_ =	swait.ge [sflag:s19], $0x4000  }
0x6e: {  	[sflag:s19] =	ssyncset.done $0x0  }
0x6f: {  	s7 =	rddreg [dreg:$0x14];
	[sflag:s19] =	ssyncadd.s32 $0xFFFFC000  }
0x70: {  	[spmem:s2] =	stream.indirect.scatter.add.f32 [tilespmem:s15], [sflag:$0x4], $0x80, s7, s14, $0xb8;
	[tilespmem:$0x1CC00] =	vst v63  }
0x71: {  	_ =	swait.ge [sflag:s12], $0x4000  }
0x72: {  	[sflag:s12] =	ssyncset.done $0x0  }
0x73: {  	[sflag:s12] =	ssyncadd.s32 $0xFFFFC000  }
0x74: {  	_ =	swait.ge [sflag:s21], $0x400  }
0x75: {  	[sflag:s21] =	ssyncset.done $0x0  }
0x76: {  	[sflag:s21] =	ssyncadd.s32 $0xFFFFFC00  }
0x77: {  	_ =	swait.ge [sflag:s21], $0x400  }
0x78: {  	[sflag:s21] =	ssyncset.done $0x0  }
0x79: {  	[sflag:s21] =	ssyncadd.s32 $0xFFFFFC00  }
0x7a: {  	[tilespmem:s15], [sflag:$0x1] =	stream.indirect.gather [hbm4b:s4+s14], $0x80, s16, s14, $0xb8;
	[tilespmem:$0x1CC00] =	vst v63  }
0x7b: {  	_ =	swait.ge [sflag:s20], $0x4000  }
0x7c: {  	[sflag:s20] =	ssyncset.done $0x0  }
0x7d: {  	s8 =	rddreg [dreg:$0x15];
	[sflag:s20] =	ssyncadd.s32 $0xFFFFC000  }
0x7e: {  	[spmem:s2] =	stream.indirect.scatter.add.f32 [tilespmem:s18], [sflag:$0x4], $0x80, s8, s14, $0xb8;
	[tilespmem:$0x1CC00] =	vst v63  }
0x7f: {  	_ =	swait.ge [sflag:s12], $0x4000  }
0x80: {  	s0 =	rddreg [dreg:$0x6]  }
0x81: {  	p0 =	por $0x0, $0x0;
	[sflag:s12] =	ssyncset.done $0x0;
	s1 =	rddreg [dreg:$0x5]  }
0x82: {  	[sflag:s12] =	ssyncadd.s32 $0xFFFFC000;
	s5 =	sadd.s32 @!p0 $0x0, s0;
	s0 =	simm.s32 @!p0 $0x0  }
0x83: {  	[tilespmem:s0], [sflag:$0x3] =	stream.linear.gather @!p0 [hbm4b:s5+s0], $0x400, $0x38;
	[tilespmem:$0x1CC00] =	vst v63  }
0x84: {  	s1 =	sadd.s32 @!p0 $0x0, s1;
	s5 =	simm.s32 @!p0 $0x400  }
0x85: {  	[tilespmem:s5], [sflag:$0x3] =	stream.linear.gather @!p0 [hbm4b:s1+s0], $0x400, $0x38;
	[tilespmem:$0x1CC00] =	vst v63  }
0x86: {  	s7 =	rddreg [dreg:$0x16]  }
0x87: {  	[tilespmem:s18], [sflag:$0x2] =	stream.indirect.gather [hbm4b:s4+s14], $0x80, s7, s14, $0xb8;
	[tilespmem:$0x1CC00] =	vst v63  }
0x88: {  	_ =	swait.ge [sflag:s19], $0x4000  }
0x89: {  	[sflag:s19] =	ssyncset.done $0x0  }
0x8a: {  	[sflag:s19] =	ssyncadd.s32 $0xFFFFC000  }
0x8b: {  	[spmem:s2] =	stream.indirect.scatter.add.f32 [tilespmem:s15], [sflag:$0x4], $0x80, s17, s14, $0xb8;
	[tilespmem:$0x1CC00] =	vst v63  }
0x8c: {  	_ =	swait.ge [sflag:s12], $0x4000  }
0x8d: {  	[sflag:s12] =	ssyncset.done $0x0  }
0x8e: {  	s9 =	rddreg [dreg:$0x17];
	[sflag:s12] =	ssyncadd.s32 $0xFFFFC000  }
0x8f: {  	[tilespmem:s15], [sflag:$0x1] =	stream.indirect.gather [hbm4b:s4+s14], $0x80, s9, s14, $0xb8;
	[tilespmem:$0x1CC00] =	vst v63  }
0x90: {  	_ =	swait.ge [sflag:s20], $0x4000  }
0x91: {  	[sflag:s20] =	ssyncset.done $0x0  }
0x92: {  	s5 =	rddreg [dreg:$0x18];
	[sflag:s20] =	ssyncadd.s32 $0xFFFFC000  }
0x93: {  	[spmem:s2] =	stream.indirect.scatter.add.f32 [tilespmem:s18], [sflag:$0x4], $0x80, s5, s14, $0xb8;
	[tilespmem:$0x1CC00] =	vst v63  }
0x94: {  	_ =	swait.ge [sflag:s12], $0x4000  }
0x95: {  	[sflag:s12] =	ssyncset.done $0x0  }
0x96: {  	s7 =	rddreg [dreg:$0x19];
	[sflag:s12] =	ssyncadd.s32 $0xFFFFC000  }
0x97: {  	[tilespmem:s18], [sflag:$0x2] =	stream.indirect.gather [hbm4b:s4+s14], $0x80, s7, s14, $0xb8;
	[tilespmem:$0x1CC00] =	vst v63  }
0x98: {  	_ =	swait.ge [sflag:s19], $0x4000  }
0x99: {  	[sflag:s19] =	ssyncset.done $0x0  }
0x9a: {  	s8 =	rddreg [dreg:$0x1a];
	[sflag:s19] =	ssyncadd.s32 $0xFFFFC000  }
0x9b: {  	[spmem:s2] =	stream.indirect.scatter.add.f32 [tilespmem:s15], [sflag:$0x4], $0x80, s8, s14, $0xb8;
	[tilespmem:$0x1CC00] =	vst v63  }
0x9c: {  	_ =	swait.ge [sflag:s12], $0x4000  }
0x9d: {  	[sflag:s12] =	ssyncset.done $0x0  }
0x9e: {  	s9 =	rddreg [dreg:$0x1b];
	[sflag:s12] =	ssyncadd.s32 $0xFFFFC000  }
0x9f: {  	[tilespmem:s15], [sflag:$0x1] =	stream.indirect.gather [hbm4b:s4+s14], $0x80, s9, s14, $0xb8;
	[tilespmem:$0x1CC00] =	vst v63  }
0xa0: {  	_ =	swait.ge [sflag:s20], $0x4000  }
0xa1: {  	[sflag:s20] =	ssyncset.done $0x0  }
0xa2: {  	[sflag:s20] =	ssyncadd.s32 $0xFFFFC000  }
0xa3: {  	[spmem:s2] =	stream.indirect.scatter.add.f32 [tilespmem:s18], [sflag:$0x4], $0x80, s22, s14, $0xb8;
	[tilespmem:$0x1CC00] =	vst v63  }
0xa4: {  	_ =	swait.ge [sflag:s12], $0x4000  }
0xa5: {  	[sflag:s12] =	ssyncset.done $0x0  }
0xa6: {  	[sflag:s12] =	ssyncadd.s32 $0xFFFFC000  }
0xa7: {  	[tilespmem:s18], [sflag:$0x2] =	stream.indirect.gather [hbm4b:s4+s14], $0x80, s23, s14, $0xb8;
	[tilespmem:$0x1CC00] =	vst v63  }
0xa8: {  	_ =	swait.ge [sflag:s19], $0x4000  }
0xa9: {  	[sflag:s19] =	ssyncset.done $0x0  }
0xaa: {  	[sflag:s19] =	ssyncadd.s32 $0xFFFFC000  }
0xab: {  	[spmem:s2] =	stream.indirect.scatter.add.f32 [tilespmem:s15], [sflag:$0x4], $0x80, s24, s14, $0xb8;
	[tilespmem:$0x1CC00] =	vst v63  }
0xac: {  	_ =	swait.ge [sflag:s12], $0x4000  }
0xad: {  	[sflag:s12] =	ssyncset.done $0x0  }
0xae: {  	[sflag:s12] =	ssyncadd.s32 $0xFFFFC000  }
0xaf: {  	[tilespmem:s15], [sflag:$0x1] =	stream.indirect.gather [hbm4b:s4+s14], $0x80, s25, s14, $0xb8;
	[tilespmem:$0x1CC00] =	vst v63  }
0xb0: {  	_ =	swait.ge [sflag:s20], $0x4000  }
0xb1: {  	[sflag:s20] =	ssyncset.done $0x0  }
0xb2: {  	[sflag:s20] =	ssyncadd.s32 $0xFFFFC000  }
0xb3: {  	[spmem:s2] =	stream.indirect.scatter.add.f32 [tilespmem:s18], [sflag:$0x4], $0x80, s26, s14, $0xb8;
	[tilespmem:$0x1CC00] =	vst v63  }
0xb4: {  	_ =	swait.ge [sflag:s12], $0x4000  }
0xb5: {  	[sflag:s12] =	ssyncset.done $0x0  }
0xb6: {  	[sflag:s12] =	ssyncadd.s32 $0xFFFFC000  }
0xb7: {  	[tilespmem:s18], [sflag:$0x2] =	stream.indirect.gather [hbm4b:s4+s14], $0x80, s28, s14, $0xb8;
	[tilespmem:$0x1CC00] =	vst v63  }
0xb8: {  	_ =	swait.ge [sflag:s19], $0x4000  }
0xb9: {  	[sflag:s19] =	ssyncset.done $0x0  }
0xba: {  	[sflag:s19] =	ssyncadd.s32 $0xFFFFC000  }
0xbb: {  	[spmem:s2] =	stream.indirect.scatter.add.f32 [tilespmem:s15], [sflag:$0x4], $0x80, s29, s14, $0xb8;
	[tilespmem:$0x1CC00] =	vst v63  }
0xbc: {  	_ =	swait.ge [sflag:s12], $0x4000  }
0xbd: {  	[sflag:s12] =	ssyncset.done $0x0  }
0xbe: {  	s1 =	simm.s32 @!p0 $0x3;
	[sflag:s12] =	ssyncadd.s32 $0xFFFFC000  }
0xbf: {  	_ =	swait.ge @!p0 [sflag:s1], $0x400  }
0xc0: {  	[sflag:s1] =	ssyncset.done @!p0 $0x0  }
0xc1: {  	[sflag:s1] =	ssyncadd.s32 @!p0 $0xFFFFFC00  }
0xc2: {  	_ =	swait.ge @!p0 [sflag:s1], $0x400  }
0xc3: {  	[sflag:s1] =	ssyncset.done @!p0 $0x0  }
0xc4: {  	s5 =	simm.s32 @!p0 $0x1000;
	[sflag:s1] =	ssyncadd.s32 @!p0 $0xFFFFFC00;
	s1 =	simm.s32 @!p0 $0x80  }
0xc5: {  	[tilespmem:s5], [sflag:$0x1] =	stream.indirect.gather @!p0 [hbm4b:s4+s1], $0x80, s0, s1, $0xb8;
	[tilespmem:$0x1CC00] =	vst v63  }
0xc6: {  	_ =	swait.ge [sflag:s20], $0x4000  }
0xc7: {  	[sflag:s20] =	ssyncset.done $0x0  }
0xc8: {  	[sflag:s20] =	ssyncadd.s32 $0xFFFFC000  }
0xc9: {  	[spmem:s2] =	stream.indirect.scatter.add.f32 [tilespmem:s18], [sflag:$0x4], $0x80, s30, s14, $0xb8;
	[tilespmem:$0x1CC00] =	vst v63  }
0xca: {  	s1 =	simm.s32 $0x100;
	_ =	swait.ge [sflag:s12], $0x4000  }
0xcb: {  	s0 =	simm.s32 $0x200;
	s7 =	rddreg [dreg:$0x8];
	[sflag:s12] =	ssyncset.done $0x0  }
.LBB2_2:
0xcc: {  	[sflag:s12] =	ssyncadd.s32 $0xFFFFC000;
	s8 =	rddreg [dreg:$0x7];
	s7 =	sadd.s32 s1, s7  }
0xcd: {  	[tilespmem:s16], [sflag:$0x3] =	stream.linear.gather [hbm4b:s7+s3], $0x400, $0x38;
	[tilespmem:$0x1CC00] =	vst v63  }
0xce: {  	s9 =	sadd.s32 s1, s8  }
0xcf: {  	[tilespmem:s17], [sflag:$0x3] =	stream.linear.gather [hbm4b:s9+s3], $0x400, $0x38;
	[tilespmem:$0x1CC00] =	vst v63  }
0xd0: {  	_ = 	snop  }
0xd1: {  	[tilespmem:s18], [sflag:$0x2] =	stream.indirect.gather [hbm4b:s4+s14], $0x80, s14, s14, $0xb8;
	[tilespmem:$0x1CC00] =	vst v63  }
0xd2: {  	_ =	swait.ge [sflag:s19], $0x4000  }
0xd3: {  	[sflag:s19] =	ssyncset.done $0x0  }
0xd4: {  	[sflag:s19] =	ssyncadd.s32 $0xFFFFC000  }
0xd5: {  	[spmem:s2] =	stream.indirect.scatter.add.f32 [tilespmem:s15], [sflag:$0x4], $0x80, s13, s14, $0xb8;
	[tilespmem:$0x1CC00] =	vst v63  }
0xd6: {  	_ =	swait.ge [sflag:s12], $0x4000  }
0xd7: {  	[sflag:s12] =	ssyncset.done $0x0  }
0xd8: {  	s8 =	rddreg [dreg:$0x9];
	[sflag:s12] =	ssyncadd.s32 $0xFFFFC000  }
0xd9: {  	[tilespmem:s15], [sflag:$0x1] =	stream.indirect.gather [hbm4b:s4+s14], $0x80, s8, s14, $0xb8;
	[tilespmem:$0x1CC00] =	vst v63  }
0xda: {  	_ =	swait.ge [sflag:s20], $0x4000  }
0xdb: {  	[sflag:s20] =	ssyncset.done $0x0  }
0xdc: {  	s9 =	rddreg [dreg:$0xa];
	[sflag:s20] =	ssyncadd.s32 $0xFFFFC000  }
0xdd: {  	[spmem:s2] =	stream.indirect.scatter.add.f32 [tilespmem:s18], [sflag:$0x4], $0x80, s9, s14, $0xb8;
	[tilespmem:$0x1CC00] =	vst v63  }
0xde: {  	_ =	swait.ge [sflag:s12], $0x4000  }
0xdf: {  	[sflag:s12] =	ssyncset.done $0x0  }
0xe0: {  	s8 =	rddreg [dreg:$0xb];
	[sflag:s12] =	ssyncadd.s32 $0xFFFFC000  }
0xe1: {  	[tilespmem:s18], [sflag:$0x2] =	stream.indirect.gather [hbm4b:s4+s14], $0x80, s8, s14, $0xb8;
	[tilespmem:$0x1CC00] =	vst v63  }
0xe2: {  	_ =	swait.ge [sflag:s19], $0x4000  }
0xe3: {  	[sflag:s19] =	ssyncset.done $0x0  }
0xe4: {  	s9 =	rddreg [dreg:$0xc];
	[sflag:s19] =	ssyncadd.s32 $0xFFFFC000  }
0xe5: {  	[spmem:s2] =	stream.indirect.scatter.add.f32 [tilespmem:s15], [sflag:$0x4], $0x80, s9, s14, $0xb8;
	[tilespmem:$0x1CC00] =	vst v63  }
0xe6: {  	_ =	swait.ge [sflag:s12], $0x4000  }
0xe7: {  	[sflag:s12] =	ssyncset.done $0x0  }
0xe8: {  	s8 =	rddreg [dreg:$0xd];
	[sflag:s12] =	ssyncadd.s32 $0xFFFFC000  }
0xe9: {  	[tilespmem:s15], [sflag:$0x1] =	stream.indirect.gather [hbm4b:s4+s14], $0x80, s8, s14, $0xb8;
	[tilespmem:$0x1CC00] =	vst v63  }
0xea: {  	_ =	swait.ge [sflag:s20], $0x4000  }
0xeb: {  	[sflag:s20] =	ssyncset.done $0x0  }
0xec: {  	s9 =	rddreg [dreg:$0xe];
	[sflag:s20] =	ssyncadd.s32 $0xFFFFC000  }
0xed: {  	[spmem:s2] =	stream.indirect.scatter.add.f32 [tilespmem:s18], [sflag:$0x4], $0x80, s9, s14, $0xb8;
	[tilespmem:$0x1CC00] =	vst v63  }
0xee: {  	_ =	swait.ge [sflag:s12], $0x4000  }
0xef: {  	[sflag:s12] =	ssyncset.done $0x0  }
0xf0: {  	s8 =	rddreg [dreg:$0xf];
	[sflag:s12] =	ssyncadd.s32 $0xFFFFC000  }
0xf1: {  	[tilespmem:s18], [sflag:$0x2] =	stream.indirect.gather [hbm4b:s4+s14], $0x80, s8, s14, $0xb8;
	[tilespmem:$0x1CC00] =	vst v63  }
0xf2: {  	_ =	swait.ge [sflag:s19], $0x4000  }
0xf3: {  	[sflag:s19] =	ssyncset.done $0x0  }
0xf4: {  	s9 =	rddreg [dreg:$0x10];
	[sflag:s19] =	ssyncadd.s32 $0xFFFFC000  }
0xf5: {  	[spmem:s2] =	stream.indirect.scatter.add.f32 [tilespmem:s15], [sflag:$0x4], $0x80, s9, s14, $0xb8;
	[tilespmem:$0x1CC00] =	vst v63  }
0xf6: {  	_ =	swait.ge [sflag:s12], $0x4000  }
0xf7: {  	[sflag:s12] =	ssyncset.done $0x0  }
0xf8: {  	s8 =	rddreg [dreg:$0x11];
	[sflag:s12] =	ssyncadd.s32 $0xFFFFC000  }
0xf9: {  	[tilespmem:s15], [sflag:$0x1] =	stream.indirect.gather [hbm4b:s4+s14], $0x80, s8, s14, $0xb8;
	[tilespmem:$0x1CC00] =	vst v63  }
0xfa: {  	_ =	swait.ge [sflag:s20], $0x4000  }
0xfb: {  	[sflag:s20] =	ssyncset.done $0x0  }
0xfc: {  	s9 =	rddreg [dreg:$0x12];
	[sflag:s20] =	ssyncadd.s32 $0xFFFFC000  }
0xfd: {  	[spmem:s2] =	stream.indirect.scatter.add.f32 [tilespmem:s18], [sflag:$0x4], $0x80, s9, s14, $0xb8;
	[tilespmem:$0x1CC00] =	vst v63  }
0xfe: {  	_ =	swait.ge [sflag:s12], $0x4000  }
0xff: {  	[sflag:s12] =	ssyncset.done $0x0  }
0x100: {  	s8 =	rddreg [dreg:$0x13];
	[sflag:s12] =	ssyncadd.s32 $0xFFFFC000  }
0x101: {  	[tilespmem:s18], [sflag:$0x2] =	stream.indirect.gather [hbm4b:s4+s14], $0x80, s8, s14, $0xb8;
	[tilespmem:$0x1CC00] =	vst v63  }
0x102: {  	_ =	swait.ge [sflag:s19], $0x4000  }
0x103: {  	[sflag:s19] =	ssyncset.done $0x0  }
0x104: {  	s9 =	rddreg [dreg:$0x14];
	[sflag:s19] =	ssyncadd.s32 $0xFFFFC000  }
0x105: {  	[spmem:s2] =	stream.indirect.scatter.add.f32 [tilespmem:s15], [sflag:$0x4], $0x80, s9, s14, $0xb8;
	[tilespmem:$0x1CC00] =	vst v63  }
0x106: {  	_ =	swait.ge [sflag:s12], $0x4000  }
0x107: {  	[sflag:s12] =	ssyncset.done $0x0  }
0x108: {  	[sflag:s12] =	ssyncadd.s32 $0xFFFFC000  }
0x109: {  	_ =	swait.ge [sflag:s21], $0x400  }
0x10a: {  	[sflag:s21] =	ssyncset.done $0x0  }
0x10b: {  	[sflag:s21] =	ssyncadd.s32 $0xFFFFFC00  }
0x10c: {  	_ =	swait.ge [sflag:s21], $0x400  }
0x10d: {  	[sflag:s21] =	ssyncset.done $0x0  }
0x10e: {  	[sflag:s21] =	ssyncadd.s32 $0xFFFFFC00  }
0x10f: {  	[tilespmem:s15], [sflag:$0x1] =	stream.indirect.gather [hbm4b:s4+s14], $0x80, s16, s14, $0xb8;
	[tilespmem:$0x1CC00] =	vst v63  }
0x110: {  	_ =	swait.ge [sflag:s20], $0x4000  }
0x111: {  	[sflag:s20] =	ssyncset.done $0x0  }
0x112: {  	s8 =	rddreg [dreg:$0x15];
	[sflag:s20] =	ssyncadd.s32 $0xFFFFC000  }
0x113: {  	[spmem:s2] =	stream.indirect.scatter.add.f32 [tilespmem:s18], [sflag:$0x4], $0x80, s8, s14, $0xb8;
	[tilespmem:$0x1CC00] =	vst v63  }
0x114: {  	_ =	swait.ge [sflag:s12], $0x4000  }
0x115: {  	s7 =	rddreg [dreg:$0x6]  }
0x116: {  	p1 =	seq.s32 s1, $0x900;
	[sflag:s12] =	ssyncset.done $0x0;
	s8 =	rddreg [dreg:$0x5]  }
0x117: {  	[sflag:s12] =	ssyncadd.s32 $0xFFFFC000;
	s9 =	sadd.s32 @!p1 s1, s7;
	s7 =	simm.s32 @!p1 $0x0  }
0x118: {  	[tilespmem:s7], [sflag:$0x3] =	stream.linear.gather @!p1 [hbm4b:s9+s7], $0x400, $0x38;
	[tilespmem:$0x1CC00] =	vst v63  }
0x119: {  	s1 =	sadd.s32 @!p1 s1, s8;
	s8 =	simm.s32 @!p1 $0x400  }
0x11a: {  	[tilespmem:s8], [sflag:$0x3] =	stream.linear.gather @!p1 [hbm4b:s1+s7], $0x400, $0x38;
	[tilespmem:$0x1CC00] =	vst v63  }
0x11b: {  	s9 =	rddreg [dreg:$0x16]  }
0x11c: {  	[tilespmem:s18], [sflag:$0x2] =	stream.indirect.gather [hbm4b:s4+s14], $0x80, s9, s14, $0xb8;
	[tilespmem:$0x1CC00] =	vst v63  }
0x11d: {  	_ =	swait.ge [sflag:s19], $0x4000  }
0x11e: {  	[sflag:s19] =	ssyncset.done $0x0  }
0x11f: {  	[sflag:s19] =	ssyncadd.s32 $0xFFFFC000  }
0x120: {  	[spmem:s2] =	stream.indirect.scatter.add.f32 [tilespmem:s15], [sflag:$0x4], $0x80, s17, s14, $0xb8;
	[tilespmem:$0x1CC00] =	vst v63  }
0x121: {  	_ =	swait.ge [sflag:s12], $0x4000  }
0x122: {  	[sflag:s12] =	ssyncset.done $0x0  }
0x123: {  	s9 =	rddreg [dreg:$0x17];
	[sflag:s12] =	ssyncadd.s32 $0xFFFFC000  }
0x124: {  	[tilespmem:s15], [sflag:$0x1] =	stream.indirect.gather [hbm4b:s4+s14], $0x80, s9, s14, $0xb8;
	[tilespmem:$0x1CC00] =	vst v63  }
0x125: {  	_ =	swait.ge [sflag:s20], $0x4000  }
0x126: {  	[sflag:s20] =	ssyncset.done $0x0  }
0x127: {  	s8 =	rddreg [dreg:$0x18];
	[sflag:s20] =	ssyncadd.s32 $0xFFFFC000  }
0x128: {  	[spmem:s2] =	stream.indirect.scatter.add.f32 [tilespmem:s18], [sflag:$0x4], $0x80, s8, s14, $0xb8;
	[tilespmem:$0x1CC00] =	vst v63  }
0x129: {  	_ =	swait.ge [sflag:s12], $0x4000  }
0x12a: {  	[sflag:s12] =	ssyncset.done $0x0  }
0x12b: {  	s9 =	rddreg [dreg:$0x19];
	[sflag:s12] =	ssyncadd.s32 $0xFFFFC000  }
0x12c: {  	[tilespmem:s18], [sflag:$0x2] =	stream.indirect.gather [hbm4b:s4+s14], $0x80, s9, s14, $0xb8;
	[tilespmem:$0x1CC00] =	vst v63  }
0x12d: {  	_ =	swait.ge [sflag:s19], $0x4000  }
0x12e: {  	[sflag:s19] =	ssyncset.done $0x0  }
0x12f: {  	s8 =	rddreg [dreg:$0x1a];
	[sflag:s19] =	ssyncadd.s32 $0xFFFFC000  }
0x130: {  	[spmem:s2] =	stream.indirect.scatter.add.f32 [tilespmem:s15], [sflag:$0x4], $0x80, s8, s14, $0xb8;
	[tilespmem:$0x1CC00] =	vst v63  }
0x131: {  	_ =	swait.ge [sflag:s12], $0x4000  }
0x132: {  	[sflag:s12] =	ssyncset.done $0x0  }
0x133: {  	s9 =	rddreg [dreg:$0x1b];
	[sflag:s12] =	ssyncadd.s32 $0xFFFFC000  }
0x134: {  	[tilespmem:s15], [sflag:$0x1] =	stream.indirect.gather [hbm4b:s4+s14], $0x80, s9, s14, $0xb8;
	[tilespmem:$0x1CC00] =	vst v63  }
0x135: {  	_ =	swait.ge [sflag:s20], $0x4000  }
0x136: {  	[sflag:s20] =	ssyncset.done $0x0  }
0x137: {  	[sflag:s20] =	ssyncadd.s32 $0xFFFFC000  }
0x138: {  	[spmem:s2] =	stream.indirect.scatter.add.f32 [tilespmem:s18], [sflag:$0x4], $0x80, s22, s14, $0xb8;
	[tilespmem:$0x1CC00] =	vst v63  }
0x139: {  	_ =	swait.ge [sflag:s12], $0x4000  }
0x13a: {  	[sflag:s12] =	ssyncset.done $0x0  }
0x13b: {  	[sflag:s12] =	ssyncadd.s32 $0xFFFFC000  }
0x13c: {  	[tilespmem:s18], [sflag:$0x2] =	stream.indirect.gather [hbm4b:s4+s14], $0x80, s23, s14, $0xb8;
	[tilespmem:$0x1CC00] =	vst v63  }
0x13d: {  	_ =	swait.ge [sflag:s19], $0x4000  }
0x13e: {  	[sflag:s19] =	ssyncset.done $0x0  }
0x13f: {  	[sflag:s19] =	ssyncadd.s32 $0xFFFFC000  }
0x140: {  	[spmem:s2] =	stream.indirect.scatter.add.f32 [tilespmem:s15], [sflag:$0x4], $0x80, s24, s14, $0xb8;
	[tilespmem:$0x1CC00] =	vst v63  }
0x141: {  	_ =	swait.ge [sflag:s12], $0x4000  }
0x142: {  	[sflag:s12] =	ssyncset.done $0x0  }
0x143: {  	[sflag:s12] =	ssyncadd.s32 $0xFFFFC000  }
0x144: {  	[tilespmem:s15], [sflag:$0x1] =	stream.indirect.gather [hbm4b:s4+s14], $0x80, s25, s14, $0xb8;
	[tilespmem:$0x1CC00] =	vst v63  }
0x145: {  	_ =	swait.ge [sflag:s20], $0x4000  }
0x146: {  	[sflag:s20] =	ssyncset.done $0x0  }
0x147: {  	[sflag:s20] =	ssyncadd.s32 $0xFFFFC000  }
0x148: {  	[spmem:s2] =	stream.indirect.scatter.add.f32 [tilespmem:s18], [sflag:$0x4], $0x80, s26, s14, $0xb8;
	[tilespmem:$0x1CC00] =	vst v63  }
0x149: {  	_ =	swait.ge [sflag:s12], $0x4000  }
0x14a: {  	[sflag:s12] =	ssyncset.done $0x0  }
0x14b: {  	[sflag:s12] =	ssyncadd.s32 $0xFFFFC000  }
0x14c: {  	[tilespmem:s18], [sflag:$0x2] =	stream.indirect.gather [hbm4b:s4+s14], $0x80, s28, s14, $0xb8;
	[tilespmem:$0x1CC00] =	vst v63  }
0x14d: {  	_ =	swait.ge [sflag:s19], $0x4000  }
0x14e: {  	[sflag:s19] =	ssyncset.done $0x0  }
0x14f: {  	[sflag:s19] =	ssyncadd.s32 $0xFFFFC000  }
0x150: {  	[spmem:s2] =	stream.indirect.scatter.add.f32 [tilespmem:s15], [sflag:$0x4], $0x80, s29, s14, $0xb8;
	[tilespmem:$0x1CC00] =	vst v63  }
0x151: {  	_ =	swait.ge [sflag:s12], $0x4000  }
0x152: {  	s5 =	smov.u32 s0;
	[sflag:s12] =	ssyncset.done $0x0  }
0x153: {  	s1 =	smov.u32 s5;
	s5 =	simm.s32 @!p1 $0x3;
	[sflag:s12] =	ssyncadd.s32 $0xFFFFC000  }
0x154: {  	_ =	swait.ge @!p1 [sflag:s5], $0x400  }
0x155: {  	[sflag:s5] =	ssyncset.done @!p1 $0x0  }
0x156: {  	[sflag:s5] =	ssyncadd.s32 @!p1 $0xFFFFFC00  }
0x157: {  	_ =	swait.ge @!p1 [sflag:s5], $0x400  }
0x158: {  	s0 =	sadd.s32 $0x100, s0;
	[sflag:s5] =	ssyncset.done @!p1 $0x0  }
0x159: {  	s8 =	simm.s32 @!p1 $0x1000;
	[sflag:s5] =	ssyncadd.s32 @!p1 $0xFFFFFC00;
	s5 =	simm.s32 @!p1 $0x80  }
0x15a: {  	[tilespmem:s8], [sflag:$0x1] =	stream.indirect.gather @!p1 [hbm4b:s4+s5], $0x80, s7, s5, $0xb8;
	[tilespmem:$0x1CC00] =	vst v63  }
0x15b: {  	p0 =	sne.s32 s0, $0xA00;
	_ =	swait.ge [sflag:s20], $0x4000  }
.Ltmp0:
0x15c: {  	[sflag:s20] =	ssyncset.done $0x0;
	(pc) =	sbr.rel @p0 .LBB2_2-.Ltmp0, $4  }
0x15d: {  	[sflag:s20] =	ssyncadd.s32 $0xFFFFC000  }
0x15e: {  	[spmem:s2] =	stream.indirect.scatter.add.f32 [tilespmem:s18], [sflag:$0x4], $0x80, s30, s14, $0xb8;
	[tilespmem:$0x1CC00] =	vst v63  }
0x15f: {  	_ =	swait.ge [sflag:s12], $0x4000  }
0x160: {  	s7 =	rddreg [dreg:$0x8];
	[sflag:s12] =	ssyncset.done $0x0  }
0x161: {  	s0 =	rddreg [dreg:$0x7];
	[sflag:s12] =	ssyncadd.s32 $0xFFFFC000;
	s5 =	sadd.s32 s1, s7  }
0x162: {  	[tilespmem:s16], [sflag:$0x3] =	stream.linear.gather [hbm4b:s5+s3], $0x400, $0x38;
	[tilespmem:$0x1CC00] =	vst v63  }
0x163: {  	s0 =	sadd.s32 s1, s0  }
0x164: {  	[tilespmem:s17], [sflag:$0x3] =	stream.linear.gather [hbm4b:s0+s3], $0x400, $0x38;
	[tilespmem:$0x1CC00] =	vst v63  }
0x165: {  	_ = 	snop  }
0x166: {  	[tilespmem:s18], [sflag:$0x2] =	stream.indirect.gather [hbm4b:s4+s14], $0x80, s14, s14, $0xb8;
	[tilespmem:$0x1CC00] =	vst v63  }
0x167: {  	_ =	swait.ge [sflag:s19], $0x4000  }
0x168: {  	[sflag:s19] =	ssyncset.done $0x0  }
0x169: {  	[sflag:s19] =	ssyncadd.s32 $0xFFFFC000  }
0x16a: {  	[spmem:s2] =	stream.indirect.scatter.add.f32 [tilespmem:s15], [sflag:$0x4], $0x80, s13, s14, $0xb8;
	[tilespmem:$0x1CC00] =	vst v63  }
0x16b: {  	_ =	swait.ge [sflag:s12], $0x4000  }
0x16c: {  	[sflag:s12] =	ssyncset.done $0x0  }
0x16d: {  	s8 =	rddreg [dreg:$0x9];
	[sflag:s12] =	ssyncadd.s32 $0xFFFFC000  }
0x16e: {  	[tilespmem:s15], [sflag:$0x1] =	stream.indirect.gather [hbm4b:s4+s14], $0x80, s8, s14, $0xb8;
	[tilespmem:$0x1CC00] =	vst v63  }
0x16f: {  	_ =	swait.ge [sflag:s20], $0x4000  }
0x170: {  	[sflag:s20] =	ssyncset.done $0x0  }
0x171: {  	s9 =	rddreg [dreg:$0xa];
	[sflag:s20] =	ssyncadd.s32 $0xFFFFC000  }
0x172: {  	[spmem:s2] =	stream.indirect.scatter.add.f32 [tilespmem:s18], [sflag:$0x4], $0x80, s9, s14, $0xb8;
	[tilespmem:$0x1CC00] =	vst v63  }
0x173: {  	_ =	swait.ge [sflag:s12], $0x4000  }
0x174: {  	[sflag:s12] =	ssyncset.done $0x0  }
0x175: {  	s5 =	rddreg [dreg:$0xb];
	[sflag:s12] =	ssyncadd.s32 $0xFFFFC000  }
0x176: {  	[tilespmem:s18], [sflag:$0x2] =	stream.indirect.gather [hbm4b:s4+s14], $0x80, s5, s14, $0xb8;
	[tilespmem:$0x1CC00] =	vst v63  }
0x177: {  	_ =	swait.ge [sflag:s19], $0x4000  }
0x178: {  	[sflag:s19] =	ssyncset.done $0x0  }
0x179: {  	s7 =	rddreg [dreg:$0xc];
	[sflag:s19] =	ssyncadd.s32 $0xFFFFC000  }
0x17a: {  	[spmem:s2] =	stream.indirect.scatter.add.f32 [tilespmem:s15], [sflag:$0x4], $0x80, s7, s14, $0xb8;
	[tilespmem:$0x1CC00] =	vst v63  }
0x17b: {  	_ =	swait.ge [sflag:s12], $0x4000  }
0x17c: {  	[sflag:s12] =	ssyncset.done $0x0  }
0x17d: {  	s8 =	rddreg [dreg:$0xd];
	[sflag:s12] =	ssyncadd.s32 $0xFFFFC000  }
0x17e: {  	[tilespmem:s15], [sflag:$0x1] =	stream.indirect.gather [hbm4b:s4+s14], $0x80, s8, s14, $0xb8;
	[tilespmem:$0x1CC00] =	vst v63  }
0x17f: {  	_ =	swait.ge [sflag:s20], $0x4000  }
0x180: {  	[sflag:s20] =	ssyncset.done $0x0  }
0x181: {  	s9 =	rddreg [dreg:$0xe];
	[sflag:s20] =	ssyncadd.s32 $0xFFFFC000  }
0x182: {  	[spmem:s2] =	stream.indirect.scatter.add.f32 [tilespmem:s18], [sflag:$0x4], $0x80, s9, s14, $0xb8;
	[tilespmem:$0x1CC00] =	vst v63  }
0x183: {  	_ =	swait.ge [sflag:s12], $0x4000  }
0x184: {  	[sflag:s12] =	ssyncset.done $0x0  }
0x185: {  	s5 =	rddreg [dreg:$0xf];
	[sflag:s12] =	ssyncadd.s32 $0xFFFFC000  }
0x186: {  	[tilespmem:s18], [sflag:$0x2] =	stream.indirect.gather [hbm4b:s4+s14], $0x80, s5, s14, $0xb8;
	[tilespmem:$0x1CC00] =	vst v63  }
0x187: {  	_ =	swait.ge [sflag:s19], $0x4000  }
0x188: {  	[sflag:s19] =	ssyncset.done $0x0  }
0x189: {  	s7 =	rddreg [dreg:$0x10];
	[sflag:s19] =	ssyncadd.s32 $0xFFFFC000  }
0x18a: {  	[spmem:s2] =	stream.indirect.scatter.add.f32 [tilespmem:s15], [sflag:$0x4], $0x80, s7, s14, $0xb8;
	[tilespmem:$0x1CC00] =	vst v63  }
0x18b: {  	_ =	swait.ge [sflag:s12], $0x4000  }
0x18c: {  	[sflag:s12] =	ssyncset.done $0x0  }
0x18d: {  	s8 =	rddreg [dreg:$0x11];
	[sflag:s12] =	ssyncadd.s32 $0xFFFFC000  }
0x18e: {  	[tilespmem:s15], [sflag:$0x1] =	stream.indirect.gather [hbm4b:s4+s14], $0x80, s8, s14, $0xb8;
	[tilespmem:$0x1CC00] =	vst v63  }
0x18f: {  	_ =	swait.ge [sflag:s20], $0x4000  }
0x190: {  	[sflag:s20] =	ssyncset.done $0x0  }
0x191: {  	s9 =	rddreg [dreg:$0x12];
	[sflag:s20] =	ssyncadd.s32 $0xFFFFC000  }
0x192: {  	[spmem:s2] =	stream.indirect.scatter.add.f32 [tilespmem:s18], [sflag:$0x4], $0x80, s9, s14, $0xb8;
	[tilespmem:$0x1CC00] =	vst v63  }
0x193: {  	_ =	swait.ge [sflag:s12], $0x4000  }
0x194: {  	[sflag:s12] =	ssyncset.done $0x0  }
0x195: {  	s5 =	rddreg [dreg:$0x13];
	[sflag:s12] =	ssyncadd.s32 $0xFFFFC000  }
0x196: {  	[tilespmem:s18], [sflag:$0x2] =	stream.indirect.gather [hbm4b:s4+s14], $0x80, s5, s14, $0xb8;
	[tilespmem:$0x1CC00] =	vst v63  }
0x197: {  	_ =	swait.ge [sflag:s19], $0x4000  }
0x198: {  	[sflag:s19] =	ssyncset.done $0x0  }
0x199: {  	s7 =	rddreg [dreg:$0x14];
	[sflag:s19] =	ssyncadd.s32 $0xFFFFC000  }
0x19a: {  	[spmem:s2] =	stream.indirect.scatter.add.f32 [tilespmem:s15], [sflag:$0x4], $0x80, s7, s14, $0xb8;
	[tilespmem:$0x1CC00] =	vst v63  }
0x19b: {  	_ =	swait.ge [sflag:s12], $0x4000  }
0x19c: {  	[sflag:s12] =	ssyncset.done $0x0  }
0x19d: {  	[sflag:s12] =	ssyncadd.s32 $0xFFFFC000  }
0x19e: {  	_ =	swait.ge [sflag:s21], $0x400  }
0x19f: {  	[sflag:s21] =	ssyncset.done $0x0  }
0x1a0: {  	[sflag:s21] =	ssyncadd.s32 $0xFFFFFC00  }
0x1a1: {  	_ =	swait.ge [sflag:s21], $0x400  }
0x1a2: {  	[sflag:s21] =	ssyncset.done $0x0  }
0x1a3: {  	[sflag:s21] =	ssyncadd.s32 $0xFFFFFC00  }
0x1a4: {  	[tilespmem:s15], [sflag:$0x1] =	stream.indirect.gather [hbm4b:s4+s14], $0x80, s16, s14, $0xb8;
	[tilespmem:$0x1CC00] =	vst v63  }
0x1a5: {  	_ =	swait.ge [sflag:s20], $0x4000  }
0x1a6: {  	[sflag:s20] =	ssyncset.done $0x0  }
0x1a7: {  	s8 =	rddreg [dreg:$0x15];
	[sflag:s20] =	ssyncadd.s32 $0xFFFFC000  }
0x1a8: {  	[spmem:s2] =	stream.indirect.scatter.add.f32 [tilespmem:s18], [sflag:$0x4], $0x80, s8, s14, $0xb8;
	[tilespmem:$0x1CC00] =	vst v63  }
0x1a9: {  	_ =	swait.ge [sflag:s12], $0x4000  }
0x1aa: {  	s0 =	rddreg [dreg:$0x6]  }
0x1ab: {  	p0 =	seq.s32 s1, $0x900;
	[sflag:s12] =	ssyncset.done $0x0;
	s5 =	rddreg [dreg:$0x5]  }
0x1ac: {  	[sflag:s12] =	ssyncadd.s32 $0xFFFFC000;
	s7 =	sadd.s32 @!p0 s1, s0;
	s0 =	simm.s32 @!p0 $0x0  }
0x1ad: {  	[tilespmem:s0], [sflag:$0x3] =	stream.linear.gather @!p0 [hbm4b:s7+s0], $0x400, $0x38;
	[tilespmem:$0x1CC00] =	vst v63  }
0x1ae: {  	s1 =	sadd.s32 @!p0 s1, s5;
	s5 =	simm.s32 @!p0 $0x400  }
0x1af: {  	[tilespmem:s5], [sflag:$0x3] =	stream.linear.gather @!p0 [hbm4b:s1+s0], $0x400, $0x38;
	[tilespmem:$0x1CC00] =	vst v63  }
0x1b0: {  	s9 =	rddreg [dreg:$0x16]  }
0x1b1: {  	[tilespmem:s18], [sflag:$0x2] =	stream.indirect.gather [hbm4b:s4+s14], $0x80, s9, s14, $0xb8;
	[tilespmem:$0x1CC00] =	vst v63  }
0x1b2: {  	_ =	swait.ge [sflag:s19], $0x4000  }
0x1b3: {  	[sflag:s19] =	ssyncset.done $0x0  }
0x1b4: {  	[sflag:s19] =	ssyncadd.s32 $0xFFFFC000  }
0x1b5: {  	[spmem:s2] =	stream.indirect.scatter.add.f32 [tilespmem:s15], [sflag:$0x4], $0x80, s17, s14, $0xb8;
	[tilespmem:$0x1CC00] =	vst v63  }
0x1b6: {  	_ =	swait.ge [sflag:s12], $0x4000  }
0x1b7: {  	[sflag:s12] =	ssyncset.done $0x0  }
0x1b8: {  	s8 =	rddreg [dreg:$0x17];
	[sflag:s12] =	ssyncadd.s32 $0xFFFFC000  }
0x1b9: {  	[tilespmem:s15], [sflag:$0x1] =	stream.indirect.gather [hbm4b:s4+s14], $0x80, s8, s14, $0xb8;
	[tilespmem:$0x1CC00] =	vst v63  }
0x1ba: {  	_ =	swait.ge [sflag:s20], $0x4000  }
0x1bb: {  	[sflag:s20] =	ssyncset.done $0x0  }
0x1bc: {  	s9 =	rddreg [dreg:$0x18];
	[sflag:s20] =	ssyncadd.s32 $0xFFFFC000  }
0x1bd: {  	[spmem:s2] =	stream.indirect.scatter.add.f32 [tilespmem:s18], [sflag:$0x4], $0x80, s9, s14, $0xb8;
	[tilespmem:$0x1CC00] =	vst v63  }
0x1be: {  	_ =	swait.ge [sflag:s12], $0x4000  }
0x1bf: {  	[sflag:s12] =	ssyncset.done $0x0  }
0x1c0: {  	s5 =	rddreg [dreg:$0x19];
	[sflag:s12] =	ssyncadd.s32 $0xFFFFC000  }
0x1c1: {  	[tilespmem:s18], [sflag:$0x2] =	stream.indirect.gather [hbm4b:s4+s14], $0x80, s5, s14, $0xb8;
	[tilespmem:$0x1CC00] =	vst v63  }
0x1c2: {  	_ =	swait.ge [sflag:s19], $0x4000  }
0x1c3: {  	[sflag:s19] =	ssyncset.done $0x0  }
0x1c4: {  	s7 =	rddreg [dreg:$0x1a];
	[sflag:s19] =	ssyncadd.s32 $0xFFFFC000  }
0x1c5: {  	[spmem:s2] =	stream.indirect.scatter.add.f32 [tilespmem:s15], [sflag:$0x4], $0x80, s7, s14, $0xb8;
	[tilespmem:$0x1CC00] =	vst v63  }
0x1c6: {  	_ =	swait.ge [sflag:s12], $0x4000  }
0x1c7: {  	[sflag:s12] =	ssyncset.done $0x0  }
0x1c8: {  	s8 =	rddreg [dreg:$0x1b];
	[sflag:s12] =	ssyncadd.s32 $0xFFFFC000  }
0x1c9: {  	[tilespmem:s15], [sflag:$0x1] =	stream.indirect.gather [hbm4b:s4+s14], $0x80, s8, s14, $0xb8;
	[tilespmem:$0x1CC00] =	vst v63  }
0x1ca: {  	_ =	swait.ge [sflag:s20], $0x4000  }
0x1cb: {  	[sflag:s20] =	ssyncset.done $0x0  }
0x1cc: {  	[sflag:s20] =	ssyncadd.s32 $0xFFFFC000  }
0x1cd: {  	[spmem:s2] =	stream.indirect.scatter.add.f32 [tilespmem:s18], [sflag:$0x4], $0x80, s22, s14, $0xb8;
	[tilespmem:$0x1CC00] =	vst v63  }
0x1ce: {  	_ =	swait.ge [sflag:s12], $0x4000  }
0x1cf: {  	[sflag:s12] =	ssyncset.done $0x0  }
0x1d0: {  	[sflag:s12] =	ssyncadd.s32 $0xFFFFC000  }
0x1d1: {  	[tilespmem:s18], [sflag:$0x2] =	stream.indirect.gather [hbm4b:s4+s14], $0x80, s23, s14, $0xb8;
	[tilespmem:$0x1CC00] =	vst v63  }
0x1d2: {  	_ =	swait.ge [sflag:s19], $0x4000  }
0x1d3: {  	[sflag:s19] =	ssyncset.done $0x0  }
0x1d4: {  	[sflag:s19] =	ssyncadd.s32 $0xFFFFC000  }
0x1d5: {  	[spmem:s2] =	stream.indirect.scatter.add.f32 [tilespmem:s15], [sflag:$0x4], $0x80, s24, s14, $0xb8;
	[tilespmem:$0x1CC00] =	vst v63  }
0x1d6: {  	_ =	swait.ge [sflag:s12], $0x4000  }
0x1d7: {  	[sflag:s12] =	ssyncset.done $0x0  }
0x1d8: {  	[sflag:s12] =	ssyncadd.s32 $0xFFFFC000  }
0x1d9: {  	[tilespmem:s15], [sflag:$0x1] =	stream.indirect.gather [hbm4b:s4+s14], $0x80, s25, s14, $0xb8;
	[tilespmem:$0x1CC00] =	vst v63  }
0x1da: {  	_ =	swait.ge [sflag:s20], $0x4000  }
0x1db: {  	[sflag:s20] =	ssyncset.done $0x0  }
0x1dc: {  	[sflag:s20] =	ssyncadd.s32 $0xFFFFC000  }
0x1dd: {  	[spmem:s2] =	stream.indirect.scatter.add.f32 [tilespmem:s18], [sflag:$0x4], $0x80, s26, s14, $0xb8;
	[tilespmem:$0x1CC00] =	vst v63  }
0x1de: {  	_ =	swait.ge [sflag:s12], $0x4000  }
0x1df: {  	[sflag:s12] =	ssyncset.done $0x0  }
0x1e0: {  	[sflag:s12] =	ssyncadd.s32 $0xFFFFC000  }
0x1e1: {  	[tilespmem:s18], [sflag:$0x2] =	stream.indirect.gather [hbm4b:s4+s14], $0x80, s28, s14, $0xb8;
	[tilespmem:$0x1CC00] =	vst v63  }
0x1e2: {  	_ =	swait.ge [sflag:s19], $0x4000  }
0x1e3: {  	[sflag:s19] =	ssyncset.done $0x0  }
0x1e4: {  	[sflag:s19] =	ssyncadd.s32 $0xFFFFC000  }
0x1e5: {  	[spmem:s2] =	stream.indirect.scatter.add.f32 [tilespmem:s15], [sflag:$0x4], $0x80, s29, s14, $0xb8;
	[tilespmem:$0x1CC00] =	vst v63  }
0x1e6: {  	_ =	swait.ge [sflag:s12], $0x4000  }
0x1e7: {  	[sflag:s12] =	ssyncset.done $0x0  }
0x1e8: {  	s1 =	simm.s32 @!p0 $0x3;
	[sflag:s12] =	ssyncadd.s32 $0xFFFFC000  }
0x1e9: {  	_ =	swait.ge @!p0 [sflag:s1], $0x400  }
0x1ea: {  	[sflag:s1] =	ssyncset.done @!p0 $0x0  }
0x1eb: {  	[sflag:s1] =	ssyncadd.s32 @!p0 $0xFFFFFC00  }
0x1ec: {  	_ =	swait.ge @!p0 [sflag:s1], $0x400  }
0x1ed: {  	[sflag:s1] =	ssyncset.done @!p0 $0x0  }
0x1ee: {  	s5 =	simm.s32 @!p0 $0x1000;
	[sflag:s1] =	ssyncadd.s32 @!p0 $0xFFFFFC00;
	s1 =	simm.s32 @!p0 $0x80  }
0x1ef: {  	[tilespmem:s5], [sflag:$0x1] =	stream.indirect.gather @!p0 [hbm4b:s4+s1], $0x80, s0, s1, $0xb8;
	[tilespmem:$0x1CC00] =	vst v63  }
0x1f0: {  	_ =	swait.ge [sflag:s20], $0x4000  }
0x1f1: {  	[sflag:s20] =	ssyncset.done $0x0  }
0x1f2: {  	[sflag:s20] =	ssyncadd.s32 $0xFFFFC000  }
0x1f3: {  	[spmem:s2] =	stream.indirect.scatter.add.f32 [tilespmem:s18], [sflag:$0x4], $0x80, s30, s14, $0xb8;
	[tilespmem:$0x1CC00] =	vst v63  }
0x1f4: {  	_ =	swait.ge [sflag:s12], $0x4000  }
0x1f5: {  	[sflag:s12] =	ssyncset.done $0x0  }
0x1f6: {  	s31 =	sadd.s32 $0x1, s31;
	[sflag:s12] =	ssyncadd.s32 $0xFFFFC000  }
0x1f7: {  	p0 =	sne.s32 s31, s10;
	[bflag:$0x0] =	sbarrier.arrive $0xFFFF  }
.Ltmp1:
0x1f8: {  	s9 =	rddreg [dreg:$0x1f];
	(pc) =	sbr.rel @p0 .LBB2_1-.Ltmp1, $4  }
0x1f9: {  	[hbm:s9], [sflag:s6] =	dma.local [spmem:s11], $0x2780  }
0x1fa: {  	_ =	swait.ge [sflag:s12], $0x2780  }
0x1fb: {  	[sflag:s12] =	ssyncset.done $0x0  }
0x1fc: {  	[sflag:s12] =	ssyncadd.s32 $0xFFFFD880  }
0x1fd: {  	_ =	sfence.sel $0x180000  }
0x1fe: {  	[bflag:$0x0] =	sbarrier.arrive $0xFFFF  }
0x1ff: {  	_ =	strace $0x90000047  }
0x200: {  	s0 =	stileid.u32;
	[bflag:$0x2] =	sbarrier.arrive $0xFFFF  }
0x201: {  	p0 =	sne.s32 s0, $0x0;
	s0 =	rddreg [dreg:$0x4]  }
0x202: {  	s0 =	sadd.s32 @!p0 $0x100000, s0  }
0x203: {  	[sflag:s0] =	ssyncadd.tile.s32 @!p0 $0x1;
	_ =	shalt  }
.Lfunc_end2:
_tile_overlayer_lowered:
.L_overlay_start_2:
0x204: {  	(tag) =	ssettag $0x2  }
0x205: {  	s0 =	rddreg [dreg:$0x0];
	s2 =	stileid.u32  }
0x206: {  	s1 =	rddreg [dreg:$0x1];
	p0 =	sne.s32 s2, $0x0  }
0x207: {  	s3 =	rddreg [dreg:$0x2];
	[bflag:$0x3] =	sbarrier.arrive $0xFFFF;
	s2 =	simm.s32 @!p0 $0x1C04  }
0x208: {  	[timem:s3], [sflag:s2] =	dma.local @!p0 [hbm:s0], s1  }
0x209: {  	s0 =	simm.s32 @!p0 $0x4  }
0x20a: {  	_ =	swait.ge @!p0 [sflag:s0], s1  }
0x20b: {  	s1 =	ssub.s32 @!p0 $0x0, s1;
	[sflag:s0] =	ssyncset.done @!p0 $0x0  }
0x20c: {  	[sflag:s0] =	ssyncadd.s32 @!p0 s1  }
0x20d: {  	[bflag:$0x3] =	sbarrier.arrive $0xFFFF  }
0x20e: {  	_ =	shalt  }

// kernel: kernel.13.cloned.1.call-start
scs
__scs_entry_jumppad:
0x0: {  	(pc) =	sbr.rel $0x88, $3  }
0x1: {  	(tag) =	ssettag $0x0;
	lr =	simm.s32 $0x1  }
0x2: {  	[smem:$0x3F91] =	sst lr;
	_ =	strace $0xD0000000  }
0x3: {  	_ = 	snop  }
0x4: {  	_ = 	snop  }
0x5: {  	_ = 	snop  }
0x6: {  	_ = 	snop  }
0x7: {  	_ = 	snop  }
__scs_overlays_trampoline_lowered:
0x8: {  	[smem:$0x3FA0] =	sst s0  }
0x9: {  	[smem:$0x3FA1] =	sst s1  }
0xa: {  	[smem:$0x3FA2] =	sst s2  }
0xb: {  	[smem:$0x3FA3] =	sst s3  }
0xc: {  	[smem:$0x3FA4] =	sst s4  }
0xd: {  	[smem:$0x3FA5] =	sst s5  }
0xe: {  	[smem:$0x3FA6] =	sst s6  }
0xf: {  	[smem:$0x3FA7] =	sst s7  }
0x10: {  	[smem:$0x3FA8] =	sst s8  }
0x11: {  	[smem:$0x3FA9] =	sst s9;
	s0 =	simm.s32 @!p0 $0x0  }
0x12: {  	s1 =	sld [smem:$0x3F8F];
	s0 =	simm.s32 @p0 $0x1  }
0x13: {  	[smem:$0x3FAA] =	sst s0;
	s0 =	simm.s32 @!p1 $0x0  }
0x14: {  	s2 =	sld [smem:$0x3F8E];
	s0 =	simm.s32 @p1 $0x1  }
0x15: {  	[smem:$0x3FAB] =	sst s0;
	s0 =	simm.s32 @!p2 $0x0  }
0x16: {  	s3 =	sld [smem:$0x3FDB];
	s0 =	simm.s32 @p2 $0x1  }
0x17: {  	s4 =	simm.s32 $0x1BF5;
	[smem:$0x3FAD] =	sst s0  }
0x18: {  	s0 =	sld [smem:$0x3F90];
	_ =	swait.ge [sflag:s4], $0x0  }
0x19: {  	s7 =	sld [smem:$0x3F91]  }
0x1a: {  	s8 =	sadd.s32 $0xFFFFE003, lr  }
0x1b: {  	s9 =	sadd.s32 $0xFFFFFEF7, lr;
	s5 =	simm.s32 $0xFFFFFFFF;
	p2 =	slt.u32 s8, $0xFFFFF086  }
0x1c: {  	p1 =	slt.u32 s9, $0xF7A;
	s5 =	simm.s32 @!p2 $0x0  }
0x1d: {  	s5 =	simm.s32 @p1 $0x1;
	p0 =	seq.s32 s7, s2  }
0x1e: {  	s7 =	smul.u32 @!p0 $0xF7A, s2;
	p2 =	seq.s32 @!p0 s5, $0x0  }
0x1f: {  	s9 =	smul.u32 $0xF7A, s1;
	s8 =	simm.s32 @!p0 $0x1BF5;
	p2 =	por !p2, p0  }
0x20: {  	[sflag:s8] =	ssyncset.s32 @!p0 $0xFFFFF086;
	s6 =	sadd.s32 @!p0 s3, s7;
	s7 =	simm.s32 @!p0 $0x108  }
0x21: {  	s3 =	sadd.s32 s3, s9;
	s6 =	sadd.s32 @!p0 $0x88, s6;
	s7 =	simm.s32 @p2 $0x1082  }
0x22: {  	[simem:s7], [sflag:s8] =	dma.local @!p0 [hbm:s6], $0xF7A  }
0x23: {  	s9 =	sor.u32 $0xD0000000, s2;
	s6 =	simm.s32 $0x108;
	_ =	swait.ge @!p0 [sflag:s8], $0x0  }
0x24: {  	s3 =	sadd.s32 $0x88, s3;
	s6 =	simm.s32 @!p1 $0x1082;
	[sflag:s4] =	ssyncset.s32 $0xFFFFF086  }
0x25: {  	[simem:s6], [sflag:s4] =	dma.local [hbm:s3], $0xF7A  }
0x26: {  	[smem:$0x3F91] =	sst s1;
	(tag) =	ssettag s2;
	_ =	strace s9  }
0x27: {  	s1 =	sld [smem:$0x3FA1]  }
0x28: {  	s2 =	sld [smem:$0x3FA2]  }
0x29: {  	s4 =	sld [smem:$0x3FA4]  }
0x2a: {  	p0 =	seq.s32 s5, $0x0;
	s5 =	sld [smem:$0x3FA5]  }
0x2b: {  	s6 =	sld [smem:$0x3FA6]  }
0x2c: {  	s7 =	sld [smem:$0x3FA7]  }
0x2d: {  	s3 =	simm.s32 $0x108;
	s8 =	sld [smem:$0x3FA8]  }
0x2e: {  	s3 =	simm.s32 @!p0 $0x1082;
	s9 =	sld [smem:$0x3FA9]  }
0x2f: {  	lr =	sadd.s32 s0, s3;
	s0 =	sld [smem:$0x3FA0]  }
0x30: {  	s3 =	sld [smem:$0x3FA3]  }
0x31: {  	[smem:$0x3FAC] =	sst s10  }
0x32: {  	s10 =	sld [smem:$0x3FAA];
	_ =	sdelay $0x3  }
0x33: {  	p0 =	seq.s32 s10, $0x1;
	s10 =	sld [smem:$0x3FAC];
	_ =	sdelay $0x3  }
0x34: {  	[smem:$0x3FAC] =	sst s10  }
0x35: {  	s10 =	sld [smem:$0x3FAB];
	_ =	sdelay $0x3  }
0x36: {  	p1 =	seq.s32 s10, $0x1;
	s10 =	sld [smem:$0x3FAC];
	_ =	sdelay $0x3  }
0x37: {  	[smem:$0x3FAC] =	sst s10  }
0x38: {  	s10 =	sld [smem:$0x3FAD]  }
0x39: {  	_ = 	snop;
	(pc) =	sbr.ind lr, $3  }
0x3a: {  	_ = 	snop  }
0x3b: {  	_ = 	snop  }
0x3c: {  	p2 =	seq.s32 s10, $0x1;
	s10 =	sld [smem:$0x3FAC]  }
0x3d: {  	_ =	shalt  }
0x3e: {  	_ =	shalt  }
0x3f: {  	_ =	shalt  }
0x40: {  	_ =	shalt  }
0x41: {  	_ =	shalt  }
0x42: {  	_ =	shalt  }
0x43: {  	_ =	shalt  }
0x44: {  	_ =	shalt  }
0x45: {  	_ =	shalt  }
0x46: {  	_ =	shalt  }
0x47: {  	_ =	shalt  }
0x48: {  	_ =	shalt  }
0x49: {  	_ =	shalt  }
0x4a: {  	_ =	shalt  }
0x4b: {  	_ =	shalt  }
0x4c: {  	_ =	shalt  }
0x4d: {  	_ =	shalt  }
0x4e: {  	_ =	shalt  }
0x4f: {  	_ =	shalt  }
0x50: {  	_ =	shalt  }
0x51: {  	_ =	shalt  }
0x52: {  	_ =	shalt  }
0x53: {  	_ =	shalt  }
0x54: {  	_ =	shalt  }
0x55: {  	_ =	shalt  }
0x56: {  	_ =	shalt  }
0x57: {  	_ =	shalt  }
0x58: {  	_ =	shalt  }
0x59: {  	_ =	shalt  }
0x5a: {  	_ =	shalt  }
0x5b: {  	_ =	shalt  }
0x5c: {  	_ =	shalt  }
0x5d: {  	_ =	shalt  }
0x5e: {  	_ =	shalt  }
0x5f: {  	_ =	shalt  }
0x60: {  	_ =	shalt  }
0x61: {  	_ =	shalt  }
0x62: {  	_ =	shalt  }
0x63: {  	_ =	shalt  }
0x64: {  	_ =	shalt  }
0x65: {  	_ =	shalt  }
0x66: {  	_ =	shalt  }
0x67: {  	_ =	shalt  }
0x68: {  	_ =	shalt  }
0x69: {  	_ =	shalt  }
0x6a: {  	_ =	shalt  }
0x6b: {  	_ =	shalt  }
0x6c: {  	_ =	shalt  }
0x6d: {  	_ =	shalt  }
0x6e: {  	_ =	shalt  }
0x6f: {  	_ =	shalt  }
0x70: {  	_ =	shalt  }
0x71: {  	_ =	shalt  }
0x72: {  	_ =	shalt  }
0x73: {  	_ =	shalt  }
0x74: {  	_ =	shalt  }
0x75: {  	_ =	shalt  }
0x76: {  	_ =	shalt  }
0x77: {  	_ =	shalt  }
0x78: {  	_ =	shalt  }
0x79: {  	_ =	shalt  }
0x7a: {  	_ =	shalt  }
0x7b: {  	_ =	shalt  }
0x7c: {  	_ =	shalt  }
0x7d: {  	_ =	shalt  }
0x7e: {  	_ =	shalt  }
0x7f: {  	_ =	shalt  }
0x80: {  	_ =	shalt  }
0x81: {  	_ =	shalt  }
0x82: {  	_ =	shalt  }
0x83: {  	_ =	shalt  }
0x84: {  	_ =	shalt  }
0x85: {  	_ =	shalt  }
0x86: {  	_ =	shalt  }
0x87: {  	_ =	shalt  }
.Lfunc_end0:
.L_simem_size_0:
called_computation.2_lowered:
.L_overlay_start_0:
0x88: {  	s2 =	sld [smem:$0x3FD9]  }
0x89: {  	s3 =	sld [smem:$0x3FFE];
	_ =	sdelay $0x1  }
0x8a: {  	s1 =	srdreg.scid  }
0x8b: {  	s0 =	sand.u32 $0x1, s1  }
0x8c: {  	s14 =	sshll.u32 s0, $0xA;
	s2 =	sadd.s32 s3, s2  }
0x8d: {  	s2 =	sadd.s32 s2, s14  }
0x8e: {  	[smem:$0x3FB8] =	sst s2  }
0x8f: {  	_ = 	snop  }
0x90: {  	s2 =	sld [smem:$0x3FD0];
	_ =	sdelay $0x2  }
0x91: {  	s15 =	simm.s32 $0xB;
	s4 =	simm.s32 $0x10  }
0x92: {  	[smem:s4], [sflag:s15] =	dma.local [hbm:s2], $0x1  }
0x93: {  	_ =	swait.eq [sflag:s15], $0x1  }
0x94: {  	[sflag:s15] =	ssyncset.done $0x0  }
0x95: {  	s16 =	sld [smem:$0x10];
	[sflag:s15] =	ssyncadd.s32 $0xFFFFFFFF  }
0x96: {  	s17 =	sld [smem:$0x11];
	(tm) =	ssettm $0x1  }
0x97: {  	s18 =	sld [smem:$0x3FFB];
	_ =	sdelay $0x3  }
0x98: {  	_ =	strace s18  }
0x99: {  	s4 =	sld [smem:$0x3FFC];
	_ =	sdelay $0x3  }
0x9a: {  	_ =	strace s4  }
0x9b: {  	s4 =	sld [smem:$0x3FFD];
	_ =	sdelay $0x3  }
0x9c: {  	_ =	strace s4  }
0x9d: {  	_ =	strace $0x8FFFFFFF  }
0x9e: {  	s19 =	sld [smem:$0x3FDB];
	_ =	sdelay $0x1  }
0x9f: {  	s5 =	simm.s32 $_scs_section_size  }
0xa0: {  	s6 =	simm.s32 $_size__tile_overlayer_lowered;
	s7 =	simm.s32 $_tile_overlayer_lowered  }
0xa1: {  	s22 =	simm.s32 $0x1BFF;
	s21 =	sshll.u32 s7, $0x1;
	s4 =	sadd.s32 s5, s19  }
0xa2: {  	s8 =	simm.s32 $0x0;
	s20 =	sshll.u32 s6, $0x1;
	s6 =	sadd.s32 s21, s4  }
0xa3: {  	[timem:s8], [sflag:s22] =	dma.local [hbm:s6], s20  }
0xa4: {  	_ =	swait.ge [sflag:s22], s20  }
0xa5: {  	s5 =	ssub.s32 $0x0, s20;
	[sflag:s22] =	ssyncset.done $0x0  }
0xa6: {  	[sflag:s22] =	ssyncadd.s32 s5;
	_ =	sdelay $0x1  }
0xa7: {  	s23 =	simm.s32 $0x1B8B  }
0xa8: {  	_ =	swait.ge [sflag:s23], $0x1  }
0xa9: {  	[sflag:s23] =	ssyncset.done $0x0  }
0xaa: {  	s25 =	simm.s32 $0x1B8E;
	s24 =	sld [smem:$0x3FFE];
	[sflag:s23] =	ssyncadd.s32 $0xFFFFFFFF  }
0xab: {  	s26 =	simm.s32 $execute0_lowered;
	[smem:$0x3FD2] =	sst s25  }
0xac: {  	s6 =	sshll.u32 s26, $0x1;
	_ =	strace $0x8000004C;
	[dreg:$0x1] =	wrdreg $0xFFFFFFFF  }
0xad: {  	s28 =	simm.s32 $_size_execute0_lowered;
	s4 =	sadd.s32 s4, s6;
	[dreg:$0x0] =	wrdreg $0x0  }
0xae: {  	s6 =	sshll.u32 s28, $0x1;
	[dreg:$0x2] =	wrdreg s4  }
0xaf: {  	[dreg:$0x3] =	wrdreg s6  }
0xb0: {  	[dreg:$0x4] =	wrdreg $0xC0  }
0xb1: {  	_ =	task [dreg:s8], $0x5FFFF  }
0xb2: {  	[dreg:$0x1] =	wrdreg $0xFFFFFFFF  }
0xb3: {  	[dreg:$0x0] =	wrdreg $0x60  }
0xb4: {  	[dreg:$0x2] =	wrdreg s24  }
0xb5: {  	[dreg:$0x3] =	wrdreg s16  }
0xb6: {  	[dreg:$0x4] =	wrdreg s17  }
0xb7: {  	[dreg:$0x5] =	wrdreg $0x90000  }
0xb8: {  	[dreg:$0x6] =	wrdreg $0x9  }
0xb9: {  	_ =	task.clear_ibuf [dreg:s8], $0x7FFFF;
	_ =	strace $0x9000004C  }
0xba: {  	s29 =	simm.s32 $0x9;
	_ =	strace $0x8000004E  }
0xbb: {  	_ =	swait.ge [sflag:s29], $0x1  }
0xbc: {  	[sflag:s29] =	ssyncadd.s32 $0xFFFFFFFF  }
0xbd: {  	_ =	strace $0x9000004E  }
0xbe: {  	_ =	sfence  }
0xbf: {  	s30 =	sld [smem:$0x0];
	_ =	sdelay $0x2  }
0xc0: {  	s31 =	sshll.u32 s1, $0xD;
	s1 =	sshrl.u32 s1, $0x2  }
0xc1: {  	s3 =	sand.u32 $0x4000, s31;
	s1 =	sadd.s32 s1, s30  }
0xc2: {  	s0 =	sor.u32 s3, s0;
	s1 =	sshll.u32 s1, $0x11  }
0xc3: {  	s0 =	sor.u32 s1, s0  }
0xc4: {  	s0 =	sadd.s32 $0x8F2B, s0  }
0xc5: {  	[sflag:s0] =	ssyncadd.remote.s32 $0x1  }
0xc6: {  	_ =	sfence.sel $0xFFFF  }
0xc7: {  	[dreg:$0x0] =	wrdreg $0xFFFFFFFF;
	(pc) =	sbr.abs _section_cstart, $3  }
0xc8: {  	[dreg:$0x1] =	wrdreg $0xFFFFFFFF  }
0xc9: {  	_ =	task.clear_ibuf [dreg:s8], $0x2FFFF;
	_ =	strace $0x9FFFFFFF  }
0xca: {  	(tm) =	ssettm $0x7FFFFFFF  }
0xcb: {  	_ =	shalt  }
tec
execute0_lowered:
.L_overlay_start_1:
0x0: {  	(tag) =	ssettag $0x1  }
0x1: {  	s0 =	rddreg [dreg:$0x0]  }
0x2: {  	s1 =	rddreg [dreg:$0x1]  }
0x3: {  	s13 =	stileid.u32;
	s2 =	srdreg.scid  }
0x4: {  	s5 =	rddreg [dreg:$0x2];
	s3 =	simm.s32 $0x0;
	s22 =	simm.s32 $0x100  }
0x5: {  	s23 =	simm.s32 $0x480;
	s24 =	simm.s32 $0x180;
	s28 =	simm.s32 $0xB80  }
0x6: {  	s29 =	simm.s32 $0xF00;
	s30 =	simm.s32 $0xF80;
	s6 =	smul.u32 $0x13C00, s13  }
0x7: {  	s7 =	sand.u32 $0x1, s2;
	s2 =	rddreg [dreg:$0x3];
	s10 =	smul.u32 $0x5000, s13  }
0x8: {  	s31 =	simm.s32 $0x0;
	[smem:$0x7FF] =	sst s3;
	s18 =	smul.u32 $0x4F000, s13  }
0x9: {  	s8 =	smul.u32 $0x13C000, s7;
	_ =	strace $0x8000004D;
	[dreg:$0x9] =	wrdreg s22  }
0xa: {  	s4 =	sadd.s32 $0x3E00, s0;
	s9 =	smul.u32 $0x50000, s7;
	[dreg:$0xa] =	wrdreg s23  }
0xb: {  	s26 =	ssub.s32 $0x2, s7;
	[dreg:$0xb] =	wrdreg s24;
	s22 =	simm.s32 $0x900  }
0xc: {  	s23 =	simm.s32 $0xC80;
	s24 =	simm.s32 $0x980;
	[dreg:$0x17] =	wrdreg s22  }
0xd: {  	s11 =	sshrl.u32 s6, $0x3;
	s15 =	sshrl.u32 s26, $0x1;
	[dreg:$0x18] =	wrdreg s23  }
0xe: {  	s21 =	sshrl.u32 s18, $0x2;
	s18 =	simm.s32 $0x380;
	[dreg:$0x19] =	wrdreg s24  }
0xf: {  	s6 =	sadd.s32 s6, s8;
	s8 =	sadd.s32 s10, s9;
	s25 =	sadd.s32 s11, s0  }
0x10: {  	[dreg:$0x13] =	wrdreg s18;
	s6 =	sshrl.u32 s6, $0x3;
	s10 =	sor.u32 $0x800, s8  }
0x11: {  	s12 =	sor.u32 $0x400, s8;
	s9 =	sadd.s32 $0x52000, s25;
	s25 =	sshll.u32 s13, $0x6  }
0x12: {  	s13 =	simm.s32 $0x580;
	s14 =	sshrl.u32 s10, $0x3;
	[dreg:$0x1c] =	wrdreg s9  }
0x13: {  	s10 =	ssub.s32 s26, s15;
	s26 =	simm.s32 $0x500;
	[dreg:$0xe] =	wrdreg s13  }
0x14: {  	s17 =	sshrl.u32 s12, $0x3;
	s12 =	simm.s32 $0x200;
	[dreg:$0xc] =	wrdreg s26  }
0x15: {  	s0 =	sadd.s32 s6, s0;
	s15 =	simm.s32 $0x600;
	[dreg:$0xd] =	wrdreg s12  }
0x16: {  	s6 =	sor.u32 $0x1C04, s25;
	s25 =	simm.s32 $0xD00;
	[dreg:$0x10] =	wrdreg s15  }
0x17: {  	s22 =	simm.s32 $0xD80;
	s16 =	sadd.s32 s14, s5;
	[dreg:$0x1a] =	wrdreg s25  }
0x18: {  	s23 =	simm.s32 $0xA80;
	s7 =	sadd.s32 s14, s1;
	[dreg:$0x5] =	wrdreg s16  }
0x19: {  	s24 =	simm.s32 $0xE00;
	s19 =	sadd.s32 s17, s5;
	[dreg:$0x6] =	wrdreg s7  }
0x1a: {  	s8 =	sshrl.u32 s8, $0x3;
	s20 =	sadd.s32 s17, s1;
	[dreg:$0x7] =	wrdreg s19  }
0x1b: {  	s18 =	simm.s32 $0x5000;
	s1 =	sadd.s32 s1, s8;
	[dreg:$0x8] =	wrdreg s20  }
0x1c: {  	s13 =	simm.s32 $0x400;
	s5 =	sadd.s32 s5, s8;
	[dreg:$0x1d] =	wrdreg s1  }
0x1d: {  	s14 =	simm.s32 $0x280;
	s0 =	sadd.s32 $0x79800, s0;
	[dreg:$0x1e] =	wrdreg s5  }
0x1e: {  	s10 =	smax.u32 s10, $0x1;
	s17 =	simm.s32 $0x680;
	[dreg:$0xf] =	wrdreg s14  }
0x1f: {  	s12 =	simm.s32 $0x4;
	s15 =	simm.s32 $0x1000;
	[dreg:$0x1f] =	wrdreg s0  }
0x20: {  	s26 =	simm.s32 $0xA00;
	s25 =	simm.s32 $0xB00;
	[dreg:$0x12] =	wrdreg s17  }
0x21: {  	s7 =	sadd.s32 s21, s2;
	s16 =	simm.s32 $0x300;
	[dreg:$0x1b] =	wrdreg s26  }
0x22: {  	s19 =	simm.s32 $0x700;
	s20 =	simm.s32 $0x780;
	[dreg:$0x11] =	wrdreg s16  }
0x23: {  	s14 =	simm.s32 $0x80;
	s21 =	simm.s32 $0x880;
	[dreg:$0x14] =	wrdreg s19  }
0x24: {  	s17 =	simm.s32 $0xC00;
	s26 =	simm.s32 $0xE80;
	[dreg:$0x15] =	wrdreg s20  }
0x25: {  	s11 =	sshrl.u32 s7, $0x3;
	[dreg:$0x16] =	wrdreg s21;
	s16 =	simm.s32 $0x800  }
0x26: {  	s19 =	simm.s32 $0x1;
	s20 =	simm.s32 $0x2;
	s21 =	simm.s32 $0x3  }
.LBB2_1:
0x27: {  	s0 =	rddreg [dreg:$0x1c]  }
0x28: {  	[spmem:s11], [sflag:s6] =	dma.local [hbm:s0], $0x2780  }
0x29: {  	_ =	swait.ge [sflag:s12], $0x2780  }
0x2a: {  	[sflag:s12] =	ssyncset.done $0x0  }
0x2b: {  	[sflag:s12] =	ssyncadd.s32 $0xFFFFD880  }
0x2c: {  	[bflag:$0x0] =	sbarrier.arrive $0xFFFF  }
0x2d: {  	s7 =	rddreg [dreg:$0x1d]  }
0x2e: {  	[tilespmem:s3], [sflag:$0x4] =	stream.linear.gather [hbm4b:s7+s3], $0x400, $0x38;
	[tilespmem:$0x1CC00] =	vst v63  }
0x2f: {  	_ =	swait.ge [sflag:s12], $0x400  }
0x30: {  	[sflag:s12] =	ssyncset.done $0x0  }
0x31: {  	s8 =	rddreg [dreg:$0x1e];
	[sflag:s12] =	ssyncadd.s32 $0xFFFFFC00  }
0x32: {  	[tilespmem:s13], [sflag:$0x4] =	stream.linear.gather [hbm4b:s8+s3], $0x400, $0x38;
	[tilespmem:$0x1CC00] =	vst v63  }
0x33: {  	_ =	swait.ge [sflag:s12], $0x400  }
0x34: {  	[sflag:s12] =	ssyncset.done $0x0  }
0x35: {  	s9 =	rddreg [dreg:$0x8];
	[sflag:s12] =	ssyncadd.s32 $0xFFFFFC00  }
0x36: {  	[tilespmem:s15], [sflag:$0x1] =	stream.indirect.gather [hbm4b:s4+s14], $0x80, s3, s14, $0xb8;
	[tilespmem:$0x1CC00] =	vst v63  }
0x37: {  	s1 =	rddreg [dreg:$0x7];
	s0 =	sadd.s32 $0x0, s9  }
0x38: {  	[tilespmem:s16], [sflag:$0x3] =	stream.linear.gather [hbm4b:s0+s3], $0x400, $0x38;
	[tilespmem:$0x1CC00] =	vst v63  }
0x39: {  	s1 =	sadd.s32 $0x0, s1  }
0x3a: {  	[tilespmem:s17], [sflag:$0x3] =	stream.linear.gather [hbm4b:s1+s3], $0x400, $0x38;
	[tilespmem:$0x1CC00] =	vst v63  }
0x3b: {  	_ = 	snop  }
0x3c: {  	[tilespmem:s18], [sflag:$0x2] =	stream.indirect.gather [hbm4b:s4+s14], $0x80, s14, s14, $0xb8;
	[tilespmem:$0x1CC00] =	vst v63  }
0x3d: {  	_ =	swait.ge [sflag:s19], $0x4000  }
0x3e: {  	[sflag:s19] =	ssyncset.done $0x0  }
0x3f: {  	[sflag:s19] =	ssyncadd.s32 $0xFFFFC000  }
0x40: {  	[spmem:s2] =	stream.indirect.scatter.add.f32 [tilespmem:s15], [sflag:$0x4], $0x80, s13, s14, $0xb8;
	[tilespmem:$0x1CC00] =	vst v63  }
0x41: {  	_ =	swait.ge [sflag:s12], $0x4000  }
0x42: {  	[sflag:s12] =	ssyncset.done $0x0  }
0x43: {  	s5 =	rddreg [dreg:$0x9];
	[sflag:s12] =	ssyncadd.s32 $0xFFFFC000  }
0x44: {  	[tilespmem:s15], [sflag:$0x1] =	stream.indirect.gather [hbm4b:s4+s14], $0x80, s5, s14, $0xb8;
	[tilespmem:$0x1CC00] =	vst v63  }
0x45: {  	_ =	swait.ge [sflag:s20], $0x4000  }
0x46: {  	[sflag:s20] =	ssyncset.done $0x0  }
0x47: {  	s7 =	rddreg [dreg:$0xa];
	[sflag:s20] =	ssyncadd.s32 $0xFFFFC000  }
0x48: {  	[spmem:s2] =	stream.indirect.scatter.add.f32 [tilespmem:s18], [sflag:$0x4], $0x80, s7, s14, $0xb8;
	[tilespmem:$0x1CC00] =	vst v63  }
0x49: {  	_ =	swait.ge [sflag:s12], $0x4000  }
0x4a: {  	[sflag:s12] =	ssyncset.done $0x0  }
0x4b: {  	s8 =	rddreg [dreg:$0xb];
	[sflag:s12] =	ssyncadd.s32 $0xFFFFC000  }
0x4c: {  	[tilespmem:s18], [sflag:$0x2] =	stream.indirect.gather [hbm4b:s4+s14], $0x80, s8, s14, $0xb8;
	[tilespmem:$0x1CC00] =	vst v63  }
0x4d: {  	_ =	swait.ge [sflag:s19], $0x4000  }
0x4e: {  	[sflag:s19] =	ssyncset.done $0x0  }
0x4f: {  	s9 =	rddreg [dreg:$0xc];
	[sflag:s19] =	ssyncadd.s32 $0xFFFFC000  }
0x50: {  	[spmem:s2] =	stream.indirect.scatter.add.f32 [tilespmem:s15], [sflag:$0x4], $0x80, s9, s14, $0xb8;
	[tilespmem:$0x1CC00] =	vst v63  }
0x51: {  	_ =	swait.ge [sflag:s12], $0x4000  }
0x52: {  	[sflag:s12] =	ssyncset.done $0x0  }
0x53: {  	s1 =	rddreg [dreg:$0xd];
	[sflag:s12] =	ssyncadd.s32 $0xFFFFC000  }
0x54: {  	[tilespmem:s15], [sflag:$0x1] =	stream.indirect.gather [hbm4b:s4+s14], $0x80, s1, s14, $0xb8;
	[tilespmem:$0x1CC00] =	vst v63  }
0x55: {  	_ =	swait.ge [sflag:s20], $0x4000  }
0x56: {  	[sflag:s20] =	ssyncset.done $0x0  }
0x57: {  	s5 =	rddreg [dreg:$0xe];
	[sflag:s20] =	ssyncadd.s32 $0xFFFFC000  }
0x58: {  	[spmem:s2] =	stream.indirect.scatter.add.f32 [tilespmem:s18], [sflag:$0x4], $0x80, s5, s14, $0xb8;
	[tilespmem:$0x1CC00] =	vst v63  }
0x59: {  	_ =	swait.ge [sflag:s12], $0x4000  }
0x5a: {  	[sflag:s12] =	ssyncset.done $0x0  }
0x5b: {  	s7 =	rddreg [dreg:$0xf];
	[sflag:s12] =	ssyncadd.s32 $0xFFFFC000  }
0x5c: {  	[tilespmem:s18], [sflag:$0x2] =	stream.indirect.gather [hbm4b:s4+s14], $0x80, s7, s14, $0xb8;
	[tilespmem:$0x1CC00] =	vst v63  }
0x5d: {  	_ =	swait.ge [sflag:s19], $0x4000  }
0x5e: {  	[sflag:s19] =	ssyncset.done $0x0  }
0x5f: {  	s8 =	rddreg [dreg:$0x10];
	[sflag:s19] =	ssyncadd.s32 $0xFFFFC000  }
0x60: {  	[spmem:s2] =	stream.indirect.scatter.add.f32 [tilespmem:s15], [sflag:$0x4], $0x80, s8, s14, $0xb8;
	[tilespmem:$0x1CC00] =	vst v63  }
0x61: {  	_ =	swait.ge [sflag:s12], $0x4000  }
0x62: {  	[sflag:s12] =	ssyncset.done $0x0  }
0x63: {  	s9 =	rddreg [dreg:$0x11];
	[sflag:s12] =	ssyncadd.s32 $0xFFFFC000  }
0x64: {  	[tilespmem:s15], [sflag:$0x1] =	stream.indirect.gather [hbm4b:s4+s14], $0x80, s9, s14, $0xb8;
	[tilespmem:$0x1CC00] =	vst v63  }
0x65: {  	_ =	swait.ge [sflag:s20], $0x4000  }
0x66: {  	[sflag:s20] =	ssyncset.done $0x0  }
0x67: {  	s1 =	rddreg [dreg:$0x12];
	[sflag:s20] =	ssyncadd.s32 $0xFFFFC000  }
0x68: {  	[spmem:s2] =	stream.indirect.scatter.add.f32 [tilespmem:s18], [sflag:$0x4], $0x80, s1, s14, $0xb8;
	[tilespmem:$0x1CC00] =	vst v63  }
0x69: {  	_ =	swait.ge [sflag:s12], $0x4000  }
0x6a: {  	[sflag:s12] =	ssyncset.done $0x0  }
0x6b: {  	s5 =	rddreg [dreg:$0x13];
	[sflag:s12] =	ssyncadd.s32 $0xFFFFC000  }
0x6c: {  	[tilespmem:s18], [sflag:$0x2] =	stream.indirect.gather [hbm4b:s4+s14], $0x80, s5, s14, $0xb8;
	[tilespmem:$0x1CC00] =	vst v63  }
0x6d: {  	_ =	swait.ge [sflag:s19], $0x4000  }
0x6e: {  	[sflag:s19] =	ssyncset.done $0x0  }
0x6f: {  	s7 =	rddreg [dreg:$0x14];
	[sflag:s19] =	ssyncadd.s32 $0xFFFFC000  }
0x70: {  	[spmem:s2] =	stream.indirect.scatter.add.f32 [tilespmem:s15], [sflag:$0x4], $0x80, s7, s14, $0xb8;
	[tilespmem:$0x1CC00] =	vst v63  }
0x71: {  	_ =	swait.ge [sflag:s12], $0x4000  }
0x72: {  	[sflag:s12] =	ssyncset.done $0x0  }
0x73: {  	[sflag:s12] =	ssyncadd.s32 $0xFFFFC000  }
0x74: {  	_ =	swait.ge [sflag:s21], $0x400  }
0x75: {  	[sflag:s21] =	ssyncset.done $0x0  }
0x76: {  	[sflag:s21] =	ssyncadd.s32 $0xFFFFFC00  }
0x77: {  	_ =	swait.ge [sflag:s21], $0x400  }
0x78: {  	[sflag:s21] =	ssyncset.done $0x0  }
0x79: {  	[sflag:s21] =	ssyncadd.s32 $0xFFFFFC00  }
0x7a: {  	[tilespmem:s15], [sflag:$0x1] =	stream.indirect.gather [hbm4b:s4+s14], $0x80, s16, s14, $0xb8;
	[tilespmem:$0x1CC00] =	vst v63  }
0x7b: {  	_ =	swait.ge [sflag:s20], $0x4000  }
0x7c: {  	[sflag:s20] =	ssyncset.done $0x0  }
0x7d: {  	s8 =	rddreg [dreg:$0x15];
	[sflag:s20] =	ssyncadd.s32 $0xFFFFC000  }
0x7e: {  	[spmem:s2] =	stream.indirect.scatter.add.f32 [tilespmem:s18], [sflag:$0x4], $0x80, s8, s14, $0xb8;
	[tilespmem:$0x1CC00] =	vst v63  }
0x7f: {  	_ =	swait.ge [sflag:s12], $0x4000  }
0x80: {  	s0 =	rddreg [dreg:$0x6]  }
0x81: {  	p0 =	por $0x0, $0x0;
	[sflag:s12] =	ssyncset.done $0x0;
	s1 =	rddreg [dreg:$0x5]  }
0x82: {  	[sflag:s12] =	ssyncadd.s32 $0xFFFFC000;
	s5 =	sadd.s32 @!p0 $0x0, s0;
	s0 =	simm.s32 @!p0 $0x0  }
0x83: {  	[tilespmem:s0], [sflag:$0x3] =	stream.linear.gather @!p0 [hbm4b:s5+s0], $0x400, $0x38;
	[tilespmem:$0x1CC00] =	vst v63  }
0x84: {  	s1 =	sadd.s32 @!p0 $0x0, s1;
	s5 =	simm.s32 @!p0 $0x400  }
0x85: {  	[tilespmem:s5], [sflag:$0x3] =	stream.linear.gather @!p0 [hbm4b:s1+s0], $0x400, $0x38;
	[tilespmem:$0x1CC00] =	vst v63  }
0x86: {  	s7 =	rddreg [dreg:$0x16]  }
0x87: {  	[tilespmem:s18], [sflag:$0x2] =	stream.indirect.gather [hbm4b:s4+s14], $0x80, s7, s14, $0xb8;
	[tilespmem:$0x1CC00] =	vst v63  }
0x88: {  	_ =	swait.ge [sflag:s19], $0x4000  }
0x89: {  	[sflag:s19] =	ssyncset.done $0x0  }
0x8a: {  	[sflag:s19] =	ssyncadd.s32 $0xFFFFC000  }
0x8b: {  	[spmem:s2] =	stream.indirect.scatter.add.f32 [tilespmem:s15], [sflag:$0x4], $0x80, s17, s14, $0xb8;
	[tilespmem:$0x1CC00] =	vst v63  }
0x8c: {  	_ =	swait.ge [sflag:s12], $0x4000  }
0x8d: {  	[sflag:s12] =	ssyncset.done $0x0  }
0x8e: {  	s9 =	rddreg [dreg:$0x17];
	[sflag:s12] =	ssyncadd.s32 $0xFFFFC000  }
0x8f: {  	[tilespmem:s15], [sflag:$0x1] =	stream.indirect.gather [hbm4b:s4+s14], $0x80, s9, s14, $0xb8;
	[tilespmem:$0x1CC00] =	vst v63  }
0x90: {  	_ =	swait.ge [sflag:s20], $0x4000  }
0x91: {  	[sflag:s20] =	ssyncset.done $0x0  }
0x92: {  	s5 =	rddreg [dreg:$0x18];
	[sflag:s20] =	ssyncadd.s32 $0xFFFFC000  }
0x93: {  	[spmem:s2] =	stream.indirect.scatter.add.f32 [tilespmem:s18], [sflag:$0x4], $0x80, s5, s14, $0xb8;
	[tilespmem:$0x1CC00] =	vst v63  }
0x94: {  	_ =	swait.ge [sflag:s12], $0x4000  }
0x95: {  	[sflag:s12] =	ssyncset.done $0x0  }
0x96: {  	s7 =	rddreg [dreg:$0x19];
	[sflag:s12] =	ssyncadd.s32 $0xFFFFC000  }
0x97: {  	[tilespmem:s18], [sflag:$0x2] =	stream.indirect.gather [hbm4b:s4+s14], $0x80, s7, s14, $0xb8;
	[tilespmem:$0x1CC00] =	vst v63  }
0x98: {  	_ =	swait.ge [sflag:s19], $0x4000  }
0x99: {  	[sflag:s19] =	ssyncset.done $0x0  }
0x9a: {  	s8 =	rddreg [dreg:$0x1a];
	[sflag:s19] =	ssyncadd.s32 $0xFFFFC000  }
0x9b: {  	[spmem:s2] =	stream.indirect.scatter.add.f32 [tilespmem:s15], [sflag:$0x4], $0x80, s8, s14, $0xb8;
	[tilespmem:$0x1CC00] =	vst v63  }
0x9c: {  	_ =	swait.ge [sflag:s12], $0x4000  }
0x9d: {  	[sflag:s12] =	ssyncset.done $0x0  }
0x9e: {  	s9 =	rddreg [dreg:$0x1b];
	[sflag:s12] =	ssyncadd.s32 $0xFFFFC000  }
0x9f: {  	[tilespmem:s15], [sflag:$0x1] =	stream.indirect.gather [hbm4b:s4+s14], $0x80, s9, s14, $0xb8;
	[tilespmem:$0x1CC00] =	vst v63  }
0xa0: {  	_ =	swait.ge [sflag:s20], $0x4000  }
0xa1: {  	[sflag:s20] =	ssyncset.done $0x0  }
0xa2: {  	[sflag:s20] =	ssyncadd.s32 $0xFFFFC000  }
0xa3: {  	[spmem:s2] =	stream.indirect.scatter.add.f32 [tilespmem:s18], [sflag:$0x4], $0x80, s22, s14, $0xb8;
	[tilespmem:$0x1CC00] =	vst v63  }
0xa4: {  	_ =	swait.ge [sflag:s12], $0x4000  }
0xa5: {  	[sflag:s12] =	ssyncset.done $0x0  }
0xa6: {  	[sflag:s12] =	ssyncadd.s32 $0xFFFFC000  }
0xa7: {  	[tilespmem:s18], [sflag:$0x2] =	stream.indirect.gather [hbm4b:s4+s14], $0x80, s23, s14, $0xb8;
	[tilespmem:$0x1CC00] =	vst v63  }
0xa8: {  	_ =	swait.ge [sflag:s19], $0x4000  }
0xa9: {  	[sflag:s19] =	ssyncset.done $0x0  }
0xaa: {  	[sflag:s19] =	ssyncadd.s32 $0xFFFFC000  }
0xab: {  	[spmem:s2] =	stream.indirect.scatter.add.f32 [tilespmem:s15], [sflag:$0x4], $0x80, s24, s14, $0xb8;
	[tilespmem:$0x1CC00] =	vst v63  }
0xac: {  	_ =	swait.ge [sflag:s12], $0x4000  }
0xad: {  	[sflag:s12] =	ssyncset.done $0x0  }
0xae: {  	[sflag:s12] =	ssyncadd.s32 $0xFFFFC000  }
0xaf: {  	[tilespmem:s15], [sflag:$0x1] =	stream.indirect.gather [hbm4b:s4+s14], $0x80, s25, s14, $0xb8;
	[tilespmem:$0x1CC00] =	vst v63  }
0xb0: {  	_ =	swait.ge [sflag:s20], $0x4000  }
0xb1: {  	[sflag:s20] =	ssyncset.done $0x0  }
0xb2: {  	[sflag:s20] =	ssyncadd.s32 $0xFFFFC000  }
0xb3: {  	[spmem:s2] =	stream.indirect.scatter.add.f32 [tilespmem:s18], [sflag:$0x4], $0x80, s26, s14, $0xb8;
	[tilespmem:$0x1CC00] =	vst v63  }
0xb4: {  	_ =	swait.ge [sflag:s12], $0x4000  }
0xb5: {  	[sflag:s12] =	ssyncset.done $0x0  }
0xb6: {  	[sflag:s12] =	ssyncadd.s32 $0xFFFFC000  }
0xb7: {  	[tilespmem:s18], [sflag:$0x2] =	stream.indirect.gather [hbm4b:s4+s14], $0x80, s28, s14, $0xb8;
	[tilespmem:$0x1CC00] =	vst v63  }
0xb8: {  	_ =	swait.ge [sflag:s19], $0x4000  }
0xb9: {  	[sflag:s19] =	ssyncset.done $0x0  }
0xba: {  	[sflag:s19] =	ssyncadd.s32 $0xFFFFC000  }
0xbb: {  	[spmem:s2] =	stream.indirect.scatter.add.f32 [tilespmem:s15], [sflag:$0x4], $0x80, s29, s14, $0xb8;
	[tilespmem:$0x1CC00] =	vst v63  }
0xbc: {  	_ =	swait.ge [sflag:s12], $0x4000  }
0xbd: {  	[sflag:s12] =	ssyncset.done $0x0  }
0xbe: {  	s1 =	simm.s32 @!p0 $0x3;
	[sflag:s12] =	ssyncadd.s32 $0xFFFFC000  }
0xbf: {  	_ =	swait.ge @!p0 [sflag:s1], $0x400  }
0xc0: {  	[sflag:s1] =	ssyncset.done @!p0 $0x0  }
0xc1: {  	[sflag:s1] =	ssyncadd.s32 @!p0 $0xFFFFFC00  }
0xc2: {  	_ =	swait.ge @!p0 [sflag:s1], $0x400  }
0xc3: {  	[sflag:s1] =	ssyncset.done @!p0 $0x0  }
0xc4: {  	s5 =	simm.s32 @!p0 $0x1000;
	[sflag:s1] =	ssyncadd.s32 @!p0 $0xFFFFFC00;
	s1 =	simm.s32 @!p0 $0x80  }
0xc5: {  	[tilespmem:s5], [sflag:$0x1] =	stream.indirect.gather @!p0 [hbm4b:s4+s1], $0x80, s0, s1, $0xb8;
	[tilespmem:$0x1CC00] =	vst v63  }
0xc6: {  	_ =	swait.ge [sflag:s20], $0x4000  }
0xc7: {  	[sflag:s20] =	ssyncset.done $0x0  }
0xc8: {  	[sflag:s20] =	ssyncadd.s32 $0xFFFFC000  }
0xc9: {  	[spmem:s2] =	stream.indirect.scatter.add.f32 [tilespmem:s18], [sflag:$0x4], $0x80, s30, s14, $0xb8;
	[tilespmem:$0x1CC00] =	vst v63  }
0xca: {  	s1 =	simm.s32 $0x100;
	_ =	swait.ge [sflag:s12], $0x4000  }
0xcb: {  	s0 =	simm.s32 $0x200;
	s7 =	rddreg [dreg:$0x8];
	[sflag:s12] =	ssyncset.done $0x0  }
.LBB2_2:
0xcc: {  	[sflag:s12] =	ssyncadd.s32 $0xFFFFC000;
	s8 =	rddreg [dreg:$0x7];
	s7 =	sadd.s32 s1, s7  }
0xcd: {  	[tilespmem:s16], [sflag:$0x3] =	stream.linear.gather [hbm4b:s7+s3], $0x400, $0x38;
	[tilespmem:$0x1CC00] =	vst v63  }
0xce: {  	s9 =	sadd.s32 s1, s8  }
0xcf: {  	[tilespmem:s17], [sflag:$0x3] =	stream.linear.gather [hbm4b:s9+s3], $0x400, $0x38;
	[tilespmem:$0x1CC00] =	vst v63  }
0xd0: {  	_ = 	snop  }
0xd1: {  	[tilespmem:s18], [sflag:$0x2] =	stream.indirect.gather [hbm4b:s4+s14], $0x80, s14, s14, $0xb8;
	[tilespmem:$0x1CC00] =	vst v63  }
0xd2: {  	_ =	swait.ge [sflag:s19], $0x4000  }
0xd3: {  	[sflag:s19] =	ssyncset.done $0x0  }
0xd4: {  	[sflag:s19] =	ssyncadd.s32 $0xFFFFC000  }
0xd5: {  	[spmem:s2] =	stream.indirect.scatter.add.f32 [tilespmem:s15], [sflag:$0x4], $0x80, s13, s14, $0xb8;
	[tilespmem:$0x1CC00] =	vst v63  }
0xd6: {  	_ =	swait.ge [sflag:s12], $0x4000  }
0xd7: {  	[sflag:s12] =	ssyncset.done $0x0  }
0xd8: {  	s8 =	rddreg [dreg:$0x9];
	[sflag:s12] =	ssyncadd.s32 $0xFFFFC000  }
0xd9: {  	[tilespmem:s15], [sflag:$0x1] =	stream.indirect.gather [hbm4b:s4+s14], $0x80, s8, s14, $0xb8;
	[tilespmem:$0x1CC00] =	vst v63  }
0xda: {  	_ =	swait.ge [sflag:s20], $0x4000  }
0xdb: {  	[sflag:s20] =	ssyncset.done $0x0  }
0xdc: {  	s9 =	rddreg [dreg:$0xa];
	[sflag:s20] =	ssyncadd.s32 $0xFFFFC000  }
0xdd: {  	[spmem:s2] =	stream.indirect.scatter.add.f32 [tilespmem:s18], [sflag:$0x4], $0x80, s9, s14, $0xb8;
	[tilespmem:$0x1CC00] =	vst v63  }
0xde: {  	_ =	swait.ge [sflag:s12], $0x4000  }
0xdf: {  	[sflag:s12] =	ssyncset.done $0x0  }
0xe0: {  	s8 =	rddreg [dreg:$0xb];
	[sflag:s12] =	ssyncadd.s32 $0xFFFFC000  }
0xe1: {  	[tilespmem:s18], [sflag:$0x2] =	stream.indirect.gather [hbm4b:s4+s14], $0x80, s8, s14, $0xb8;
	[tilespmem:$0x1CC00] =	vst v63  }
0xe2: {  	_ =	swait.ge [sflag:s19], $0x4000  }
0xe3: {  	[sflag:s19] =	ssyncset.done $0x0  }
0xe4: {  	s9 =	rddreg [dreg:$0xc];
	[sflag:s19] =	ssyncadd.s32 $0xFFFFC000  }
0xe5: {  	[spmem:s2] =	stream.indirect.scatter.add.f32 [tilespmem:s15], [sflag:$0x4], $0x80, s9, s14, $0xb8;
	[tilespmem:$0x1CC00] =	vst v63  }
0xe6: {  	_ =	swait.ge [sflag:s12], $0x4000  }
0xe7: {  	[sflag:s12] =	ssyncset.done $0x0  }
0xe8: {  	s8 =	rddreg [dreg:$0xd];
	[sflag:s12] =	ssyncadd.s32 $0xFFFFC000  }
0xe9: {  	[tilespmem:s15], [sflag:$0x1] =	stream.indirect.gather [hbm4b:s4+s14], $0x80, s8, s14, $0xb8;
	[tilespmem:$0x1CC00] =	vst v63  }
0xea: {  	_ =	swait.ge [sflag:s20], $0x4000  }
0xeb: {  	[sflag:s20] =	ssyncset.done $0x0  }
0xec: {  	s9 =	rddreg [dreg:$0xe];
	[sflag:s20] =	ssyncadd.s32 $0xFFFFC000  }
0xed: {  	[spmem:s2] =	stream.indirect.scatter.add.f32 [tilespmem:s18], [sflag:$0x4], $0x80, s9, s14, $0xb8;
	[tilespmem:$0x1CC00] =	vst v63  }
0xee: {  	_ =	swait.ge [sflag:s12], $0x4000  }
0xef: {  	[sflag:s12] =	ssyncset.done $0x0  }
0xf0: {  	s8 =	rddreg [dreg:$0xf];
	[sflag:s12] =	ssyncadd.s32 $0xFFFFC000  }
0xf1: {  	[tilespmem:s18], [sflag:$0x2] =	stream.indirect.gather [hbm4b:s4+s14], $0x80, s8, s14, $0xb8;
	[tilespmem:$0x1CC00] =	vst v63  }
0xf2: {  	_ =	swait.ge [sflag:s19], $0x4000  }
0xf3: {  	[sflag:s19] =	ssyncset.done $0x0  }
0xf4: {  	s9 =	rddreg [dreg:$0x10];
	[sflag:s19] =	ssyncadd.s32 $0xFFFFC000  }
0xf5: {  	[spmem:s2] =	stream.indirect.scatter.add.f32 [tilespmem:s15], [sflag:$0x4], $0x80, s9, s14, $0xb8;
	[tilespmem:$0x1CC00] =	vst v63  }
0xf6: {  	_ =	swait.ge [sflag:s12], $0x4000  }
0xf7: {  	[sflag:s12] =	ssyncset.done $0x0  }
0xf8: {  	s8 =	rddreg [dreg:$0x11];
	[sflag:s12] =	ssyncadd.s32 $0xFFFFC000  }
0xf9: {  	[tilespmem:s15], [sflag:$0x1] =	stream.indirect.gather [hbm4b:s4+s14], $0x80, s8, s14, $0xb8;
	[tilespmem:$0x1CC00] =	vst v63  }
0xfa: {  	_ =	swait.ge [sflag:s20], $0x4000  }
0xfb: {  	[sflag:s20] =	ssyncset.done $0x0  }
0xfc: {  	s9 =	rddreg [dreg:$0x12];
	[sflag:s20] =	ssyncadd.s32 $0xFFFFC000  }
0xfd: {  	[spmem:s2] =	stream.indirect.scatter.add.f32 [tilespmem:s18], [sflag:$0x4], $0x80, s9, s14, $0xb8;
	[tilespmem:$0x1CC00] =	vst v63  }
0xfe: {  	_ =	swait.ge [sflag:s12], $0x4000  }
0xff: {  	[sflag:s12] =	ssyncset.done $0x0  }
0x100: {  	s8 =	rddreg [dreg:$0x13];
	[sflag:s12] =	ssyncadd.s32 $0xFFFFC000  }
0x101: {  	[tilespmem:s18], [sflag:$0x2] =	stream.indirect.gather [hbm4b:s4+s14], $0x80, s8, s14, $0xb8;
	[tilespmem:$0x1CC00] =	vst v63  }
0x102: {  	_ =	swait.ge [sflag:s19], $0x4000  }
0x103: {  	[sflag:s19] =	ssyncset.done $0x0  }
0x104: {  	s9 =	rddreg [dreg:$0x14];
	[sflag:s19] =	ssyncadd.s32 $0xFFFFC000  }
0x105: {  	[spmem:s2] =	stream.indirect.scatter.add.f32 [tilespmem:s15], [sflag:$0x4], $0x80, s9, s14, $0xb8;
	[tilespmem:$0x1CC00] =	vst v63  }
0x106: {  	_ =	swait.ge [sflag:s12], $0x4000  }
0x107: {  	[sflag:s12] =	ssyncset.done $0x0  }
0x108: {  	[sflag:s12] =	ssyncadd.s32 $0xFFFFC000  }
0x109: {  	_ =	swait.ge [sflag:s21], $0x400  }
0x10a: {  	[sflag:s21] =	ssyncset.done $0x0  }
0x10b: {  	[sflag:s21] =	ssyncadd.s32 $0xFFFFFC00  }
0x10c: {  	_ =	swait.ge [sflag:s21], $0x400  }
0x10d: {  	[sflag:s21] =	ssyncset.done $0x0  }
0x10e: {  	[sflag:s21] =	ssyncadd.s32 $0xFFFFFC00  }
0x10f: {  	[tilespmem:s15], [sflag:$0x1] =	stream.indirect.gather [hbm4b:s4+s14], $0x80, s16, s14, $0xb8;
	[tilespmem:$0x1CC00] =	vst v63  }
0x110: {  	_ =	swait.ge [sflag:s20], $0x4000  }
0x111: {  	[sflag:s20] =	ssyncset.done $0x0  }
0x112: {  	s8 =	rddreg [dreg:$0x15];
	[sflag:s20] =	ssyncadd.s32 $0xFFFFC000  }
0x113: {  	[spmem:s2] =	stream.indirect.scatter.add.f32 [tilespmem:s18], [sflag:$0x4], $0x80, s8, s14, $0xb8;
	[tilespmem:$0x1CC00] =	vst v63  }
0x114: {  	_ =	swait.ge [sflag:s12], $0x4000  }
0x115: {  	s7 =	rddreg [dreg:$0x6]  }
0x116: {  	p1 =	seq.s32 s1, $0x900;
	[sflag:s12] =	ssyncset.done $0x0;
	s8 =	rddreg [dreg:$0x5]  }
0x117: {  	[sflag:s12] =	ssyncadd.s32 $0xFFFFC000;
	s9 =	sadd.s32 @!p1 s1, s7;
	s7 =	simm.s32 @!p1 $0x0  }
0x118: {  	[tilespmem:s7], [sflag:$0x3] =	stream.linear.gather @!p1 [hbm4b:s9+s7], $0x400, $0x38;
	[tilespmem:$0x1CC00] =	vst v63  }
0x119: {  	s1 =	sadd.s32 @!p1 s1, s8;
	s8 =	simm.s32 @!p1 $0x400  }
0x11a: {  	[tilespmem:s8], [sflag:$0x3] =	stream.linear.gather @!p1 [hbm4b:s1+s7], $0x400, $0x38;
	[tilespmem:$0x1CC00] =	vst v63  }
0x11b: {  	s9 =	rddreg [dreg:$0x16]  }
0x11c: {  	[tilespmem:s18], [sflag:$0x2] =	stream.indirect.gather [hbm4b:s4+s14], $0x80, s9, s14, $0xb8;
	[tilespmem:$0x1CC00] =	vst v63  }
0x11d: {  	_ =	swait.ge [sflag:s19], $0x4000  }
0x11e: {  	[sflag:s19] =	ssyncset.done $0x0  }
0x11f: {  	[sflag:s19] =	ssyncadd.s32 $0xFFFFC000  }
0x120: {  	[spmem:s2] =	stream.indirect.scatter.add.f32 [tilespmem:s15], [sflag:$0x4], $0x80, s17, s14, $0xb8;
	[tilespmem:$0x1CC00] =	vst v63  }
0x121: {  	_ =	swait.ge [sflag:s12], $0x4000  }
0x122: {  	[sflag:s12] =	ssyncset.done $0x0  }
0x123: {  	s9 =	rddreg [dreg:$0x17];
	[sflag:s12] =	ssyncadd.s32 $0xFFFFC000  }
0x124: {  	[tilespmem:s15], [sflag:$0x1] =	stream.indirect.gather [hbm4b:s4+s14], $0x80, s9, s14, $0xb8;
	[tilespmem:$0x1CC00] =	vst v63  }
0x125: {  	_ =	swait.ge [sflag:s20], $0x4000  }
0x126: {  	[sflag:s20] =	ssyncset.done $0x0  }
0x127: {  	s8 =	rddreg [dreg:$0x18];
	[sflag:s20] =	ssyncadd.s32 $0xFFFFC000  }
0x128: {  	[spmem:s2] =	stream.indirect.scatter.add.f32 [tilespmem:s18], [sflag:$0x4], $0x80, s8, s14, $0xb8;
	[tilespmem:$0x1CC00] =	vst v63  }
0x129: {  	_ =	swait.ge [sflag:s12], $0x4000  }
0x12a: {  	[sflag:s12] =	ssyncset.done $0x0  }
0x12b: {  	s9 =	rddreg [dreg:$0x19];
	[sflag:s12] =	ssyncadd.s32 $0xFFFFC000  }
0x12c: {  	[tilespmem:s18], [sflag:$0x2] =	stream.indirect.gather [hbm4b:s4+s14], $0x80, s9, s14, $0xb8;
	[tilespmem:$0x1CC00] =	vst v63  }
0x12d: {  	_ =	swait.ge [sflag:s19], $0x4000  }
0x12e: {  	[sflag:s19] =	ssyncset.done $0x0  }
0x12f: {  	s8 =	rddreg [dreg:$0x1a];
	[sflag:s19] =	ssyncadd.s32 $0xFFFFC000  }
0x130: {  	[spmem:s2] =	stream.indirect.scatter.add.f32 [tilespmem:s15], [sflag:$0x4], $0x80, s8, s14, $0xb8;
	[tilespmem:$0x1CC00] =	vst v63  }
0x131: {  	_ =	swait.ge [sflag:s12], $0x4000  }
0x132: {  	[sflag:s12] =	ssyncset.done $0x0  }
0x133: {  	s9 =	rddreg [dreg:$0x1b];
	[sflag:s12] =	ssyncadd.s32 $0xFFFFC000  }
0x134: {  	[tilespmem:s15], [sflag:$0x1] =	stream.indirect.gather [hbm4b:s4+s14], $0x80, s9, s14, $0xb8;
	[tilespmem:$0x1CC00] =	vst v63  }
0x135: {  	_ =	swait.ge [sflag:s20], $0x4000  }
0x136: {  	[sflag:s20] =	ssyncset.done $0x0  }
0x137: {  	[sflag:s20] =	ssyncadd.s32 $0xFFFFC000  }
0x138: {  	[spmem:s2] =	stream.indirect.scatter.add.f32 [tilespmem:s18], [sflag:$0x4], $0x80, s22, s14, $0xb8;
	[tilespmem:$0x1CC00] =	vst v63  }
0x139: {  	_ =	swait.ge [sflag:s12], $0x4000  }
0x13a: {  	[sflag:s12] =	ssyncset.done $0x0  }
0x13b: {  	[sflag:s12] =	ssyncadd.s32 $0xFFFFC000  }
0x13c: {  	[tilespmem:s18], [sflag:$0x2] =	stream.indirect.gather [hbm4b:s4+s14], $0x80, s23, s14, $0xb8;
	[tilespmem:$0x1CC00] =	vst v63  }
0x13d: {  	_ =	swait.ge [sflag:s19], $0x4000  }
0x13e: {  	[sflag:s19] =	ssyncset.done $0x0  }
0x13f: {  	[sflag:s19] =	ssyncadd.s32 $0xFFFFC000  }
0x140: {  	[spmem:s2] =	stream.indirect.scatter.add.f32 [tilespmem:s15], [sflag:$0x4], $0x80, s24, s14, $0xb8;
	[tilespmem:$0x1CC00] =	vst v63  }
0x141: {  	_ =	swait.ge [sflag:s12], $0x4000  }
0x142: {  	[sflag:s12] =	ssyncset.done $0x0  }
0x143: {  	[sflag:s12] =	ssyncadd.s32 $0xFFFFC000  }
0x144: {  	[tilespmem:s15], [sflag:$0x1] =	stream.indirect.gather [hbm4b:s4+s14], $0x80, s25, s14, $0xb8;
	[tilespmem:$0x1CC00] =	vst v63  }
0x145: {  	_ =	swait.ge [sflag:s20], $0x4000  }
0x146: {  	[sflag:s20] =	ssyncset.done $0x0  }
0x147: {  	[sflag:s20] =	ssyncadd.s32 $0xFFFFC000  }
0x148: {  	[spmem:s2] =	stream.indirect.scatter.add.f32 [tilespmem:s18], [sflag:$0x4], $0x80, s26, s14, $0xb8;
	[tilespmem:$0x1CC00] =	vst v63  }
0x149: {  	_ =	swait.ge [sflag:s12], $0x4000  }
0x14a: {  	[sflag:s12] =	ssyncset.done $0x0  }
0x14b: {  	[sflag:s12] =	ssyncadd.s32 $0xFFFFC000  }
0x14c: {  	[tilespmem:s18], [sflag:$0x2] =	stream.indirect.gather [hbm4b:s4+s14], $0x80, s28, s14, $0xb8;
	[tilespmem:$0x1CC00] =	vst v63  }
0x14d: {  	_ =	swait.ge [sflag:s19], $0x4000  }
0x14e: {  	[sflag:s19] =	ssyncset.done $0x0  }
0x14f: {  	[sflag:s19] =	ssyncadd.s32 $0xFFFFC000  }
0x150: {  	[spmem:s2] =	stream.indirect.scatter.add.f32 [tilespmem:s15], [sflag:$0x4], $0x80, s29, s14, $0xb8;
	[tilespmem:$0x1CC00] =	vst v63  }
0x151: {  	_ =	swait.ge [sflag:s12], $0x4000  }
0x152: {  	s5 =	smov.u32 s0;
	[sflag:s12] =	ssyncset.done $0x0  }
0x153: {  	s1 =	smov.u32 s5;
	s5 =	simm.s32 @!p1 $0x3;
	[sflag:s12] =	ssyncadd.s32 $0xFFFFC000  }
0x154: {  	_ =	swait.ge @!p1 [sflag:s5], $0x400  }
0x155: {  	[sflag:s5] =	ssyncset.done @!p1 $0x0  }
0x156: {  	[sflag:s5] =	ssyncadd.s32 @!p1 $0xFFFFFC00  }
0x157: {  	_ =	swait.ge @!p1 [sflag:s5], $0x400  }
0x158: {  	s0 =	sadd.s32 $0x100, s0;
	[sflag:s5] =	ssyncset.done @!p1 $0x0  }
0x159: {  	s8 =	simm.s32 @!p1 $0x1000;
	[sflag:s5] =	ssyncadd.s32 @!p1 $0xFFFFFC00;
	s5 =	simm.s32 @!p1 $0x80  }
0x15a: {  	[tilespmem:s8], [sflag:$0x1] =	stream.indirect.gather @!p1 [hbm4b:s4+s5], $0x80, s7, s5, $0xb8;
	[tilespmem:$0x1CC00] =	vst v63  }
0x15b: {  	p0 =	sne.s32 s0, $0xA00;
	_ =	swait.ge [sflag:s20], $0x4000  }
.Ltmp0:
0x15c: {  	[sflag:s20] =	ssyncset.done $0x0;
	(pc) =	sbr.rel @p0 .LBB2_2-.Ltmp0, $4  }
0x15d: {  	[sflag:s20] =	ssyncadd.s32 $0xFFFFC000  }
0x15e: {  	[spmem:s2] =	stream.indirect.scatter.add.f32 [tilespmem:s18], [sflag:$0x4], $0x80, s30, s14, $0xb8;
	[tilespmem:$0x1CC00] =	vst v63  }
0x15f: {  	_ =	swait.ge [sflag:s12], $0x4000  }
0x160: {  	s7 =	rddreg [dreg:$0x8];
	[sflag:s12] =	ssyncset.done $0x0  }
0x161: {  	s0 =	rddreg [dreg:$0x7];
	[sflag:s12] =	ssyncadd.s32 $0xFFFFC000;
	s5 =	sadd.s32 s1, s7  }
0x162: {  	[tilespmem:s16], [sflag:$0x3] =	stream.linear.gather [hbm4b:s5+s3], $0x400, $0x38;
	[tilespmem:$0x1CC00] =	vst v63  }
0x163: {  	s0 =	sadd.s32 s1, s0  }
0x164: {  	[tilespmem:s17], [sflag:$0x3] =	stream.linear.gather [hbm4b:s0+s3], $0x400, $0x38;
	[tilespmem:$0x1CC00] =	vst v63  }
0x165: {  	_ = 	snop  }
0x166: {  	[tilespmem:s18], [sflag:$0x2] =	stream.indirect.gather [hbm4b:s4+s14], $0x80, s14, s14, $0xb8;
	[tilespmem:$0x1CC00] =	vst v63  }
0x167: {  	_ =	swait.ge [sflag:s19], $0x4000  }
0x168: {  	[sflag:s19] =	ssyncset.done $0x0  }
0x169: {  	[sflag:s19] =	ssyncadd.s32 $0xFFFFC000  }
0x16a: {  	[spmem:s2] =	stream.indirect.scatter.add.f32 [tilespmem:s15], [sflag:$0x4], $0x80, s13, s14, $0xb8;
	[tilespmem:$0x1CC00] =	vst v63  }
0x16b: {  	_ =	swait.ge [sflag:s12], $0x4000  }
0x16c: {  	[sflag:s12] =	ssyncset.done $0x0  }
0x16d: {  	s8 =	rddreg [dreg:$0x9];
	[sflag:s12] =	ssyncadd.s32 $0xFFFFC000  }
0x16e: {  	[tilespmem:s15], [sflag:$0x1] =	stream.indirect.gather [hbm4b:s4+s14], $0x80, s8, s14, $0xb8;
	[tilespmem:$0x1CC00] =	vst v63  }
0x16f: {  	_ =	swait.ge [sflag:s20], $0x4000  }
0x170: {  	[sflag:s20] =	ssyncset.done $0x0  }
0x171: {  	s9 =	rddreg [dreg:$0xa];
	[sflag:s20] =	ssyncadd.s32 $0xFFFFC000  }
0x172: {  	[spmem:s2] =	stream.indirect.scatter.add.f32 [tilespmem:s18], [sflag:$0x4], $0x80, s9, s14, $0xb8;
	[tilespmem:$0x1CC00] =	vst v63  }
0x173: {  	_ =	swait.ge [sflag:s12], $0x4000  }
0x174: {  	[sflag:s12] =	ssyncset.done $0x0  }
0x175: {  	s5 =	rddreg [dreg:$0xb];
	[sflag:s12] =	ssyncadd.s32 $0xFFFFC000  }
0x176: {  	[tilespmem:s18], [sflag:$0x2] =	stream.indirect.gather [hbm4b:s4+s14], $0x80, s5, s14, $0xb8;
	[tilespmem:$0x1CC00] =	vst v63  }
0x177: {  	_ =	swait.ge [sflag:s19], $0x4000  }
0x178: {  	[sflag:s19] =	ssyncset.done $0x0  }
0x179: {  	s7 =	rddreg [dreg:$0xc];
	[sflag:s19] =	ssyncadd.s32 $0xFFFFC000  }
0x17a: {  	[spmem:s2] =	stream.indirect.scatter.add.f32 [tilespmem:s15], [sflag:$0x4], $0x80, s7, s14, $0xb8;
	[tilespmem:$0x1CC00] =	vst v63  }
0x17b: {  	_ =	swait.ge [sflag:s12], $0x4000  }
0x17c: {  	[sflag:s12] =	ssyncset.done $0x0  }
0x17d: {  	s8 =	rddreg [dreg:$0xd];
	[sflag:s12] =	ssyncadd.s32 $0xFFFFC000  }
0x17e: {  	[tilespmem:s15], [sflag:$0x1] =	stream.indirect.gather [hbm4b:s4+s14], $0x80, s8, s14, $0xb8;
	[tilespmem:$0x1CC00] =	vst v63  }
0x17f: {  	_ =	swait.ge [sflag:s20], $0x4000  }
0x180: {  	[sflag:s20] =	ssyncset.done $0x0  }
0x181: {  	s9 =	rddreg [dreg:$0xe];
	[sflag:s20] =	ssyncadd.s32 $0xFFFFC000  }
0x182: {  	[spmem:s2] =	stream.indirect.scatter.add.f32 [tilespmem:s18], [sflag:$0x4], $0x80, s9, s14, $0xb8;
	[tilespmem:$0x1CC00] =	vst v63  }
0x183: {  	_ =	swait.ge [sflag:s12], $0x4000  }
0x184: {  	[sflag:s12] =	ssyncset.done $0x0  }
0x185: {  	s5 =	rddreg [dreg:$0xf];
	[sflag:s12] =	ssyncadd.s32 $0xFFFFC000  }
0x186: {  	[tilespmem:s18], [sflag:$0x2] =	stream.indirect.gather [hbm4b:s4+s14], $0x80, s5, s14, $0xb8;
	[tilespmem:$0x1CC00] =	vst v63  }
0x187: {  	_ =	swait.ge [sflag:s19], $0x4000  }
0x188: {  	[sflag:s19] =	ssyncset.done $0x0  }
0x189: {  	s7 =	rddreg [dreg:$0x10];
	[sflag:s19] =	ssyncadd.s32 $0xFFFFC000  }
0x18a: {  	[spmem:s2] =	stream.indirect.scatter.add.f32 [tilespmem:s15], [sflag:$0x4], $0x80, s7, s14, $0xb8;
	[tilespmem:$0x1CC00] =	vst v63  }
0x18b: {  	_ =	swait.ge [sflag:s12], $0x4000  }
0x18c: {  	[sflag:s12] =	ssyncset.done $0x0  }
0x18d: {  	s8 =	rddreg [dreg:$0x11];
	[sflag:s12] =	ssyncadd.s32 $0xFFFFC000  }
0x18e: {  	[tilespmem:s15], [sflag:$0x1] =	stream.indirect.gather [hbm4b:s4+s14], $0x80, s8, s14, $0xb8;
	[tilespmem:$0x1CC00] =	vst v63  }
0x18f: {  	_ =	swait.ge [sflag:s20], $0x4000  }
0x190: {  	[sflag:s20] =	ssyncset.done $0x0  }
0x191: {  	s9 =	rddreg [dreg:$0x12];
	[sflag:s20] =	ssyncadd.s32 $0xFFFFC000  }
0x192: {  	[spmem:s2] =	stream.indirect.scatter.add.f32 [tilespmem:s18], [sflag:$0x4], $0x80, s9, s14, $0xb8;
	[tilespmem:$0x1CC00] =	vst v63  }
0x193: {  	_ =	swait.ge [sflag:s12], $0x4000  }
0x194: {  	[sflag:s12] =	ssyncset.done $0x0  }
0x195: {  	s5 =	rddreg [dreg:$0x13];
	[sflag:s12] =	ssyncadd.s32 $0xFFFFC000  }
0x196: {  	[tilespmem:s18], [sflag:$0x2] =	stream.indirect.gather [hbm4b:s4+s14], $0x80, s5, s14, $0xb8;
	[tilespmem:$0x1CC00] =	vst v63  }
0x197: {  	_ =	swait.ge [sflag:s19], $0x4000  }
0x198: {  	[sflag:s19] =	ssyncset.done $0x0  }
0x199: {  	s7 =	rddreg [dreg:$0x14];
	[sflag:s19] =	ssyncadd.s32 $0xFFFFC000  }
0x19a: {  	[spmem:s2] =	stream.indirect.scatter.add.f32 [tilespmem:s15], [sflag:$0x4], $0x80, s7, s14, $0xb8;
	[tilespmem:$0x1CC00] =	vst v63  }
0x19b: {  	_ =	swait.ge [sflag:s12], $0x4000  }
0x19c: {  	[sflag:s12] =	ssyncset.done $0x0  }
0x19d: {  	[sflag:s12] =	ssyncadd.s32 $0xFFFFC000  }
0x19e: {  	_ =	swait.ge [sflag:s21], $0x400  }
0x19f: {  	[sflag:s21] =	ssyncset.done $0x0  }
0x1a0: {  	[sflag:s21] =	ssyncadd.s32 $0xFFFFFC00  }
0x1a1: {  	_ =	swait.ge [sflag:s21], $0x400  }
0x1a2: {  	[sflag:s21] =	ssyncset.done $0x0  }
0x1a3: {  	[sflag:s21] =	ssyncadd.s32 $0xFFFFFC00  }
0x1a4: {  	[tilespmem:s15], [sflag:$0x1] =	stream.indirect.gather [hbm4b:s4+s14], $0x80, s16, s14, $0xb8;
	[tilespmem:$0x1CC00] =	vst v63  }
0x1a5: {  	_ =	swait.ge [sflag:s20], $0x4000  }
0x1a6: {  	[sflag:s20] =	ssyncset.done $0x0  }
0x1a7: {  	s8 =	rddreg [dreg:$0x15];
	[sflag:s20] =	ssyncadd.s32 $0xFFFFC000  }
0x1a8: {  	[spmem:s2] =	stream.indirect.scatter.add.f32 [tilespmem:s18], [sflag:$0x4], $0x80, s8, s14, $0xb8;
	[tilespmem:$0x1CC00] =	vst v63  }
0x1a9: {  	_ =	swait.ge [sflag:s12], $0x4000  }
0x1aa: {  	s0 =	rddreg [dreg:$0x6]  }
0x1ab: {  	p0 =	seq.s32 s1, $0x900;
	[sflag:s12] =	ssyncset.done $0x0;
	s5 =	rddreg [dreg:$0x5]  }
0x1ac: {  	[sflag:s12] =	ssyncadd.s32 $0xFFFFC000;
	s7 =	sadd.s32 @!p0 s1, s0;
	s0 =	simm.s32 @!p0 $0x0  }
0x1ad: {  	[tilespmem:s0], [sflag:$0x3] =	stream.linear.gather @!p0 [hbm4b:s7+s0], $0x400, $0x38;
	[tilespmem:$0x1CC00] =	vst v63  }
0x1ae: {  	s1 =	sadd.s32 @!p0 s1, s5;
	s5 =	simm.s32 @!p0 $0x400  }
0x1af: {  	[tilespmem:s5], [sflag:$0x3] =	stream.linear.gather @!p0 [hbm4b:s1+s0], $0x400, $0x38;
	[tilespmem:$0x1CC00] =	vst v63  }
0x1b0: {  	s9 =	rddreg [dreg:$0x16]  }
0x1b1: {  	[tilespmem:s18], [sflag:$0x2] =	stream.indirect.gather [hbm4b:s4+s14], $0x80, s9, s14, $0xb8;
	[tilespmem:$0x1CC00] =	vst v63  }
0x1b2: {  	_ =	swait.ge [sflag:s19], $0x4000  }
0x1b3: {  	[sflag:s19] =	ssyncset.done $0x0  }
0x1b4: {  	[sflag:s19] =	ssyncadd.s32 $0xFFFFC000  }
0x1b5: {  	[spmem:s2] =	stream.indirect.scatter.add.f32 [tilespmem:s15], [sflag:$0x4], $0x80, s17, s14, $0xb8;
	[tilespmem:$0x1CC00] =	vst v63  }
0x1b6: {  	_ =	swait.ge [sflag:s12], $0x4000  }
0x1b7: {  	[sflag:s12] =	ssyncset.done $0x0  }
0x1b8: {  	s8 =	rddreg [dreg:$0x17];
	[sflag:s12] =	ssyncadd.s32 $0xFFFFC000  }
0x1b9: {  	[tilespmem:s15], [sflag:$0x1] =	stream.indirect.gather [hbm4b:s4+s14], $0x80, s8, s14, $0xb8;
	[tilespmem:$0x1CC00] =	vst v63  }
0x1ba: {  	_ =	swait.ge [sflag:s20], $0x4000  }
0x1bb: {  	[sflag:s20] =	ssyncset.done $0x0  }
0x1bc: {  	s9 =	rddreg [dreg:$0x18];
	[sflag:s20] =	ssyncadd.s32 $0xFFFFC000  }
0x1bd: {  	[spmem:s2] =	stream.indirect.scatter.add.f32 [tilespmem:s18], [sflag:$0x4], $0x80, s9, s14, $0xb8;
	[tilespmem:$0x1CC00] =	vst v63  }
0x1be: {  	_ =	swait.ge [sflag:s12], $0x4000  }
0x1bf: {  	[sflag:s12] =	ssyncset.done $0x0  }
0x1c0: {  	s5 =	rddreg [dreg:$0x19];
	[sflag:s12] =	ssyncadd.s32 $0xFFFFC000  }
0x1c1: {  	[tilespmem:s18], [sflag:$0x2] =	stream.indirect.gather [hbm4b:s4+s14], $0x80, s5, s14, $0xb8;
	[tilespmem:$0x1CC00] =	vst v63  }
0x1c2: {  	_ =	swait.ge [sflag:s19], $0x4000  }
0x1c3: {  	[sflag:s19] =	ssyncset.done $0x0  }
0x1c4: {  	s7 =	rddreg [dreg:$0x1a];
	[sflag:s19] =	ssyncadd.s32 $0xFFFFC000  }
0x1c5: {  	[spmem:s2] =	stream.indirect.scatter.add.f32 [tilespmem:s15], [sflag:$0x4], $0x80, s7, s14, $0xb8;
	[tilespmem:$0x1CC00] =	vst v63  }
0x1c6: {  	_ =	swait.ge [sflag:s12], $0x4000  }
0x1c7: {  	[sflag:s12] =	ssyncset.done $0x0  }
0x1c8: {  	s8 =	rddreg [dreg:$0x1b];
	[sflag:s12] =	ssyncadd.s32 $0xFFFFC000  }
0x1c9: {  	[tilespmem:s15], [sflag:$0x1] =	stream.indirect.gather [hbm4b:s4+s14], $0x80, s8, s14, $0xb8;
	[tilespmem:$0x1CC00] =	vst v63  }
0x1ca: {  	_ =	swait.ge [sflag:s20], $0x4000  }
0x1cb: {  	[sflag:s20] =	ssyncset.done $0x0  }
0x1cc: {  	[sflag:s20] =	ssyncadd.s32 $0xFFFFC000  }
0x1cd: {  	[spmem:s2] =	stream.indirect.scatter.add.f32 [tilespmem:s18], [sflag:$0x4], $0x80, s22, s14, $0xb8;
	[tilespmem:$0x1CC00] =	vst v63  }
0x1ce: {  	_ =	swait.ge [sflag:s12], $0x4000  }
0x1cf: {  	[sflag:s12] =	ssyncset.done $0x0  }
0x1d0: {  	[sflag:s12] =	ssyncadd.s32 $0xFFFFC000  }
0x1d1: {  	[tilespmem:s18], [sflag:$0x2] =	stream.indirect.gather [hbm4b:s4+s14], $0x80, s23, s14, $0xb8;
	[tilespmem:$0x1CC00] =	vst v63  }
0x1d2: {  	_ =	swait.ge [sflag:s19], $0x4000  }
0x1d3: {  	[sflag:s19] =	ssyncset.done $0x0  }
0x1d4: {  	[sflag:s19] =	ssyncadd.s32 $0xFFFFC000  }
0x1d5: {  	[spmem:s2] =	stream.indirect.scatter.add.f32 [tilespmem:s15], [sflag:$0x4], $0x80, s24, s14, $0xb8;
	[tilespmem:$0x1CC00] =	vst v63  }
0x1d6: {  	_ =	swait.ge [sflag:s12], $0x4000  }
0x1d7: {  	[sflag:s12] =	ssyncset.done $0x0  }
0x1d8: {  	[sflag:s12] =	ssyncadd.s32 $0xFFFFC000  }
0x1d9: {  	[tilespmem:s15], [sflag:$0x1] =	stream.indirect.gather [hbm4b:s4+s14], $0x80, s25, s14, $0xb8;
	[tilespmem:$0x1CC00] =	vst v63  }
0x1da: {  	_ =	swait.ge [sflag:s20], $0x4000  }
0x1db: {  	[sflag:s20] =	ssyncset.done $0x0  }
0x1dc: {  	[sflag:s20] =	ssyncadd.s32 $0xFFFFC000  }
0x1dd: {  	[spmem:s2] =	stream.indirect.scatter.add.f32 [tilespmem:s18], [sflag:$0x4], $0x80, s26, s14, $0xb8;
	[tilespmem:$0x1CC00] =	vst v63  }
0x1de: {  	_ =	swait.ge [sflag:s12], $0x4000  }
0x1df: {  	[sflag:s12] =	ssyncset.done $0x0  }
0x1e0: {  	[sflag:s12] =	ssyncadd.s32 $0xFFFFC000  }
0x1e1: {  	[tilespmem:s18], [sflag:$0x2] =	stream.indirect.gather [hbm4b:s4+s14], $0x80, s28, s14, $0xb8;
	[tilespmem:$0x1CC00] =	vst v63  }
0x1e2: {  	_ =	swait.ge [sflag:s19], $0x4000  }
0x1e3: {  	[sflag:s19] =	ssyncset.done $0x0  }
0x1e4: {  	[sflag:s19] =	ssyncadd.s32 $0xFFFFC000  }
0x1e5: {  	[spmem:s2] =	stream.indirect.scatter.add.f32 [tilespmem:s15], [sflag:$0x4], $0x80, s29, s14, $0xb8;
	[tilespmem:$0x1CC00] =	vst v63  }
0x1e6: {  	_ =	swait.ge [sflag:s12], $0x4000  }
0x1e7: {  	[sflag:s12] =	ssyncset.done $0x0  }
0x1e8: {  	s1 =	simm.s32 @!p0 $0x3;
	[sflag:s12] =	ssyncadd.s32 $0xFFFFC000  }
0x1e9: {  	_ =	swait.ge @!p0 [sflag:s1], $0x400  }
0x1ea: {  	[sflag:s1] =	ssyncset.done @!p0 $0x0  }
0x1eb: {  	[sflag:s1] =	ssyncadd.s32 @!p0 $0xFFFFFC00  }
0x1ec: {  	_ =	swait.ge @!p0 [sflag:s1], $0x400  }
0x1ed: {  	[sflag:s1] =	ssyncset.done @!p0 $0x0  }
0x1ee: {  	s5 =	simm.s32 @!p0 $0x1000;
	[sflag:s1] =	ssyncadd.s32 @!p0 $0xFFFFFC00;
	s1 =	simm.s32 @!p0 $0x80  }
0x1ef: {  	[tilespmem:s5], [sflag:$0x1] =	stream.indirect.gather @!p0 [hbm4b:s4+s1], $0x80, s0, s1, $0xb8;
	[tilespmem:$0x1CC00] =	vst v63  }
0x1f0: {  	_ =	swait.ge [sflag:s20], $0x4000  }
0x1f1: {  	[sflag:s20] =	ssyncset.done $0x0  }
0x1f2: {  	[sflag:s20] =	ssyncadd.s32 $0xFFFFC000  }
0x1f3: {  	[spmem:s2] =	stream.indirect.scatter.add.f32 [tilespmem:s18], [sflag:$0x4], $0x80, s30, s14, $0xb8;
	[tilespmem:$0x1CC00] =	vst v63  }
0x1f4: {  	_ =	swait.ge [sflag:s12], $0x4000  }
0x1f5: {  	[sflag:s12] =	ssyncset.done $0x0  }
0x1f6: {  	s31 =	sadd.s32 $0x1, s31;
	[sflag:s12] =	ssyncadd.s32 $0xFFFFC000  }
0x1f7: {  	p0 =	sne.s32 s31, s10;
	[bflag:$0x0] =	sbarrier.arrive $0xFFFF  }
.Ltmp1:
0x1f8: {  	s9 =	rddreg [dreg:$0x1f];
	(pc) =	sbr.rel @p0 .LBB2_1-.Ltmp1, $4  }
0x1f9: {  	[hbm:s9], [sflag:s6] =	dma.local [spmem:s11], $0x2780  }
0x1fa: {  	_ =	swait.ge [sflag:s12], $0x2780  }
0x1fb: {  	[sflag:s12] =	ssyncset.done $0x0  }
0x1fc: {  	[sflag:s12] =	ssyncadd.s32 $0xFFFFD880  }
0x1fd: {  	_ =	sfence.sel $0x180000  }
0x1fe: {  	[bflag:$0x0] =	sbarrier.arrive $0xFFFF  }
0x1ff: {  	_ =	strace $0x9000004D  }
0x200: {  	s0 =	stileid.u32;
	[bflag:$0x2] =	sbarrier.arrive $0xFFFF  }
0x201: {  	p0 =	sne.s32 s0, $0x0;
	s0 =	rddreg [dreg:$0x4]  }
0x202: {  	s0 =	sadd.s32 @!p0 $0x100000, s0  }
0x203: {  	[sflag:s0] =	ssyncadd.tile.s32 @!p0 $0x1;
	_ =	shalt  }
.Lfunc_end2:
_tile_overlayer_lowered:
.L_overlay_start_2:
0x204: {  	(tag) =	ssettag $0x2  }
0x205: {  	s0 =	rddreg [dreg:$0x0];
	s2 =	stileid.u32  }
0x206: {  	s1 =	rddreg [dreg:$0x1];
	p0 =	sne.s32 s2, $0x0  }
0x207: {  	s3 =	rddreg [dreg:$0x2];
	[bflag:$0x3] =	sbarrier.arrive $0xFFFF;
	s2 =	simm.s32 @!p0 $0x1C04  }
0x208: {  	[timem:s3], [sflag:s2] =	dma.local @!p0 [hbm:s0], s1  }
0x209: {  	s0 =	simm.s32 @!p0 $0x4  }
0x20a: {  	_ =	swait.ge @!p0 [sflag:s0], s1  }
0x20b: {  	s1 =	ssub.s32 @!p0 $0x0, s1;
	[sflag:s0] =	ssyncset.done @!p0 $0x0  }
0x20c: {  	[sflag:s0] =	ssyncadd.s32 @!p0 s1  }
0x20d: {  	[bflag:$0x3] =	sbarrier.arrive $0xFFFF  }
0x20e: {  	_ =	shalt  }

// kernel: kernel.7.cloned.1.call-start
scs
__scs_entry_jumppad:
0x0: {  	(pc) =	sbr.rel $0x88, $3  }
0x1: {  	(tag) =	ssettag $0x0;
	lr =	simm.s32 $0x1  }
0x2: {  	[smem:$0x3F91] =	sst lr;
	_ =	strace $0xD0000000  }
0x3: {  	_ = 	snop  }
0x4: {  	_ = 	snop  }
0x5: {  	_ = 	snop  }
0x6: {  	_ = 	snop  }
0x7: {  	_ = 	snop  }
__scs_overlays_trampoline_lowered:
0x8: {  	[smem:$0x3FA0] =	sst s0  }
0x9: {  	[smem:$0x3FA1] =	sst s1  }
0xa: {  	[smem:$0x3FA2] =	sst s2  }
0xb: {  	[smem:$0x3FA3] =	sst s3  }
0xc: {  	[smem:$0x3FA4] =	sst s4  }
0xd: {  	[smem:$0x3FA5] =	sst s5  }
0xe: {  	[smem:$0x3FA6] =	sst s6  }
0xf: {  	[smem:$0x3FA7] =	sst s7  }
0x10: {  	[smem:$0x3FA8] =	sst s8  }
0x11: {  	[smem:$0x3FA9] =	sst s9;
	s0 =	simm.s32 @!p0 $0x0  }
0x12: {  	s1 =	sld [smem:$0x3F8F];
	s0 =	simm.s32 @p0 $0x1  }
0x13: {  	[smem:$0x3FAA] =	sst s0;
	s0 =	simm.s32 @!p1 $0x0  }
0x14: {  	s2 =	sld [smem:$0x3F8E];
	s0 =	simm.s32 @p1 $0x1  }
0x15: {  	[smem:$0x3FAB] =	sst s0;
	s0 =	simm.s32 @!p2 $0x0  }
0x16: {  	s3 =	sld [smem:$0x3FDB];
	s0 =	simm.s32 @p2 $0x1  }
0x17: {  	s4 =	simm.s32 $0x1BF5;
	[smem:$0x3FAD] =	sst s0  }
0x18: {  	s0 =	sld [smem:$0x3F90];
	_ =	swait.ge [sflag:s4], $0x0  }
0x19: {  	s7 =	sld [smem:$0x3F91]  }
0x1a: {  	s8 =	sadd.s32 $0xFFFFE003, lr  }
0x1b: {  	s9 =	sadd.s32 $0xFFFFFEF7, lr;
	s5 =	simm.s32 $0xFFFFFFFF;
	p2 =	slt.u32 s8, $0xFFFFF086  }
0x1c: {  	p1 =	slt.u32 s9, $0xF7A;
	s5 =	simm.s32 @!p2 $0x0  }
0x1d: {  	s5 =	simm.s32 @p1 $0x1;
	p0 =	seq.s32 s7, s2  }
0x1e: {  	s7 =	smul.u32 @!p0 $0xF7A, s2;
	p2 =	seq.s32 @!p0 s5, $0x0  }
0x1f: {  	s9 =	smul.u32 $0xF7A, s1;
	s8 =	simm.s32 @!p0 $0x1BF5;
	p2 =	por !p2, p0  }
0x20: {  	[sflag:s8] =	ssyncset.s32 @!p0 $0xFFFFF086;
	s6 =	sadd.s32 @!p0 s3, s7;
	s7 =	simm.s32 @!p0 $0x108  }
0x21: {  	s3 =	sadd.s32 s3, s9;
	s6 =	sadd.s32 @!p0 $0x88, s6;
	s7 =	simm.s32 @p2 $0x1082  }
0x22: {  	[simem:s7], [sflag:s8] =	dma.local @!p0 [hbm:s6], $0xF7A  }
0x23: {  	s9 =	sor.u32 $0xD0000000, s2;
	s6 =	simm.s32 $0x108;
	_ =	swait.ge @!p0 [sflag:s8], $0x0  }
0x24: {  	s3 =	sadd.s32 $0x88, s3;
	s6 =	simm.s32 @!p1 $0x1082;
	[sflag:s4] =	ssyncset.s32 $0xFFFFF086  }
0x25: {  	[simem:s6], [sflag:s4] =	dma.local [hbm:s3], $0xF7A  }
0x26: {  	[smem:$0x3F91] =	sst s1;
	(tag) =	ssettag s2;
	_ =	strace s9  }
0x27: {  	s1 =	sld [smem:$0x3FA1]  }
0x28: {  	s2 =	sld [smem:$0x3FA2]  }
0x29: {  	s4 =	sld [smem:$0x3FA4]  }
0x2a: {  	p0 =	seq.s32 s5, $0x0;
	s5 =	sld [smem:$0x3FA5]  }
0x2b: {  	s6 =	sld [smem:$0x3FA6]  }
0x2c: {  	s7 =	sld [smem:$0x3FA7]  }
0x2d: {  	s3 =	simm.s32 $0x108;
	s8 =	sld [smem:$0x3FA8]  }
0x2e: {  	s3 =	simm.s32 @!p0 $0x1082;
	s9 =	sld [smem:$0x3FA9]  }
0x2f: {  	lr =	sadd.s32 s0, s3;
	s0 =	sld [smem:$0x3FA0]  }
0x30: {  	s3 =	sld [smem:$0x3FA3]  }
0x31: {  	[smem:$0x3FAC] =	sst s10  }
0x32: {  	s10 =	sld [smem:$0x3FAA];
	_ =	sdelay $0x3  }
0x33: {  	p0 =	seq.s32 s10, $0x1;
	s10 =	sld [smem:$0x3FAC];
	_ =	sdelay $0x3  }
0x34: {  	[smem:$0x3FAC] =	sst s10  }
0x35: {  	s10 =	sld [smem:$0x3FAB];
	_ =	sdelay $0x3  }
0x36: {  	p1 =	seq.s32 s10, $0x1;
	s10 =	sld [smem:$0x3FAC];
	_ =	sdelay $0x3  }
0x37: {  	[smem:$0x3FAC] =	sst s10  }
0x38: {  	s10 =	sld [smem:$0x3FAD]  }
0x39: {  	_ = 	snop;
	(pc) =	sbr.ind lr, $3  }
0x3a: {  	_ = 	snop  }
0x3b: {  	_ = 	snop  }
0x3c: {  	p2 =	seq.s32 s10, $0x1;
	s10 =	sld [smem:$0x3FAC]  }
0x3d: {  	_ =	shalt  }
0x3e: {  	_ =	shalt  }
0x3f: {  	_ =	shalt  }
0x40: {  	_ =	shalt  }
0x41: {  	_ =	shalt  }
0x42: {  	_ =	shalt  }
0x43: {  	_ =	shalt  }
0x44: {  	_ =	shalt  }
0x45: {  	_ =	shalt  }
0x46: {  	_ =	shalt  }
0x47: {  	_ =	shalt  }
0x48: {  	_ =	shalt  }
0x49: {  	_ =	shalt  }
0x4a: {  	_ =	shalt  }
0x4b: {  	_ =	shalt  }
0x4c: {  	_ =	shalt  }
0x4d: {  	_ =	shalt  }
0x4e: {  	_ =	shalt  }
0x4f: {  	_ =	shalt  }
0x50: {  	_ =	shalt  }
0x51: {  	_ =	shalt  }
0x52: {  	_ =	shalt  }
0x53: {  	_ =	shalt  }
0x54: {  	_ =	shalt  }
0x55: {  	_ =	shalt  }
0x56: {  	_ =	shalt  }
0x57: {  	_ =	shalt  }
0x58: {  	_ =	shalt  }
0x59: {  	_ =	shalt  }
0x5a: {  	_ =	shalt  }
0x5b: {  	_ =	shalt  }
0x5c: {  	_ =	shalt  }
0x5d: {  	_ =	shalt  }
0x5e: {  	_ =	shalt  }
0x5f: {  	_ =	shalt  }
0x60: {  	_ =	shalt  }
0x61: {  	_ =	shalt  }
0x62: {  	_ =	shalt  }
0x63: {  	_ =	shalt  }
0x64: {  	_ =	shalt  }
0x65: {  	_ =	shalt  }
0x66: {  	_ =	shalt  }
0x67: {  	_ =	shalt  }
0x68: {  	_ =	shalt  }
0x69: {  	_ =	shalt  }
0x6a: {  	_ =	shalt  }
0x6b: {  	_ =	shalt  }
0x6c: {  	_ =	shalt  }
0x6d: {  	_ =	shalt  }
0x6e: {  	_ =	shalt  }
0x6f: {  	_ =	shalt  }
0x70: {  	_ =	shalt  }
0x71: {  	_ =	shalt  }
0x72: {  	_ =	shalt  }
0x73: {  	_ =	shalt  }
0x74: {  	_ =	shalt  }
0x75: {  	_ =	shalt  }
0x76: {  	_ =	shalt  }
0x77: {  	_ =	shalt  }
0x78: {  	_ =	shalt  }
0x79: {  	_ =	shalt  }
0x7a: {  	_ =	shalt  }
0x7b: {  	_ =	shalt  }
0x7c: {  	_ =	shalt  }
0x7d: {  	_ =	shalt  }
0x7e: {  	_ =	shalt  }
0x7f: {  	_ =	shalt  }
0x80: {  	_ =	shalt  }
0x81: {  	_ =	shalt  }
0x82: {  	_ =	shalt  }
0x83: {  	_ =	shalt  }
0x84: {  	_ =	shalt  }
0x85: {  	_ =	shalt  }
0x86: {  	_ =	shalt  }
0x87: {  	_ =	shalt  }
.Lfunc_end0:
.L_simem_size_0:
called_computation_lowered:
.L_overlay_start_0:
0x88: {  	s2 =	sld [smem:$0x3FD9]  }
0x89: {  	s3 =	sld [smem:$0x3FFE];
	_ =	sdelay $0x1  }
0x8a: {  	s1 =	srdreg.scid  }
0x8b: {  	s0 =	sand.u32 $0x1, s1  }
0x8c: {  	s15 =	sshll.u32 s0, $0xA;
	s2 =	sadd.s32 s3, s2  }
0x8d: {  	s2 =	sadd.s32 s2, s15  }
0x8e: {  	[smem:$0x3FB8] =	sst s2  }
0x8f: {  	_ = 	snop  }
0x90: {  	s2 =	sld [smem:$0x3FD0];
	_ =	sdelay $0x2  }
0x91: {  	s16 =	simm.s32 $0xB;
	s4 =	simm.s32 $0x10  }
0x92: {  	[smem:s4], [sflag:s16] =	dma.local [hbm:s2], $0x1  }
0x93: {  	_ =	swait.eq [sflag:s16], $0x1  }
0x94: {  	[sflag:s16] =	ssyncset.done $0x0  }
0x95: {  	[sflag:s16] =	ssyncadd.s32 $0xFFFFFFFF  }
0x96: {  	s17 =	sld [smem:$0x11];
	(tm) =	ssettm $0x1  }
0x97: {  	s18 =	sld [smem:$0x3FFB];
	_ =	sdelay $0x3  }
0x98: {  	_ =	strace s18  }
0x99: {  	s2 =	sld [smem:$0x3FFC];
	_ =	sdelay $0x3  }
0x9a: {  	_ =	strace s2  }
0x9b: {  	s2 =	sld [smem:$0x3FFD];
	_ =	sdelay $0x3  }
0x9c: {  	_ =	strace s2  }
0x9d: {  	_ =	strace $0x8FFFFFFF  }
0x9e: {  	s19 =	sld [smem:$0x3FDB];
	_ =	sdelay $0x1  }
0x9f: {  	s20 =	simm.s32 $_scs_section_size  }
0xa0: {  	s5 =	simm.s32 $_size__tile_overlayer_lowered;
	s6 =	simm.s32 $_tile_overlayer_lowered  }
0xa1: {  	s7 =	simm.s32 $0x1BFF;
	s21 =	sshll.u32 s6, $0x1;
	s4 =	sadd.s32 s20, s19  }
0xa2: {  	s22 =	simm.s32 $0x0;
	s5 =	sshll.u32 s5, $0x1;
	s6 =	sadd.s32 s21, s4  }
0xa3: {  	[timem:s22], [sflag:s7] =	dma.local [hbm:s6], s5  }
0xa4: {  	_ =	swait.ge [sflag:s7], s5  }
0xa5: {  	s5 =	ssub.s32 $0x0, s5;
	[sflag:s7] =	ssyncset.done $0x0  }
0xa6: {  	[sflag:s7] =	ssyncadd.s32 s5;
	_ =	sdelay $0x1  }
0xa7: {  	s23 =	simm.s32 $0x1B8B  }
0xa8: {  	_ =	swait.ge [sflag:s23], $0x1  }
0xa9: {  	[sflag:s23] =	ssyncset.done $0x0  }
0xaa: {  	[sflag:s23] =	ssyncadd.s32 $0xFFFFFFFF  }
0xab: {  	s5 =	sld [smem:$0x0]  }
0xac: {  	s6 =	sand.u32 $0xFFFFFFFE, s1  }
0xad: {  	p0 =	sne.s32 s1, s6  }
0xae: {  	s6 =	sshll.u32 @p0 s6, $0xE  }
0xaf: {  	s6 =	sadd.s32 @p0 $0x11B8D, s6;
	s7 =	sshll.u32 @p0 s5, $0x11  }
0xb0: {  	s6 =	sor.u32 @p0 s7, s6  }
0xb1: {  	[sflag:s6] =	ssyncadd.remote.s32 @p0 $0x1;
	_ =	sdelay $0x1  }
0xb2: {  	s6 =	simm.s32 @p0 $0x1B8D  }
0xb3: {  	_ =	swait.eq @p0 [sflag:s6], $0x1  }
0xb4: {  	[sflag:s6] =	ssyncadd.s32 @p0 $0xFFFFFFFF  }
0xb5: {  	s7 =	sshll.u32 @!p0 s1, $0xE  }
0xb6: {  	s7 =	sor.u32 @!p0 $0x4000, s7;
	s6 =	simm.s32 @!p0 $0x1B8D  }
0xb7: {  	s5 =	sshll.u32 @!p0 s5, $0x11;
	s7 =	sadd.s32 @!p0 $0x11B8D, s7;
	_ =	swait.eq @!p0 [sflag:s6], $0x1  }
0xb8: {  	s5 =	sor.u32 @!p0 s5, s7;
	[sflag:s6] =	ssyncadd.s32 @!p0 $0xFFFFFFFF  }
0xb9: {  	s25 =	simm.s32 $0x1B8E;
	s24 =	sld [smem:$0x3FFE];
	[sflag:s5] =	ssyncadd.remote.s32 @!p0 $0x1  }
0xba: {  	s26 =	simm.s32 $execute0_lowered;
	[smem:$0x3FD2] =	sst s25  }
0xbb: {  	s6 =	sshll.u32 s26, $0x1;
	_ =	strace $0x80000049;
	[dreg:$0x1] =	wrdreg $0xFFFFFFFF  }
0xbc: {  	s28 =	simm.s32 $_size_execute0_lowered;
	s4 =	sadd.s32 s4, s6;
	[dreg:$0x0] =	wrdreg $0x0  }
0xbd: {  	s6 =	sshll.u32 s28, $0x1;
	[dreg:$0x2] =	wrdreg s4  }
0xbe: {  	[dreg:$0x3] =	wrdreg s6  }
0xbf: {  	[dreg:$0x4] =	wrdreg $0xC0  }
0xc0: {  	_ =	task [dreg:s22], $0x5FFFF  }
0xc1: {  	[dreg:$0x1] =	wrdreg $0xFFFFFFFF  }
0xc2: {  	[dreg:$0x0] =	wrdreg $0x60  }
0xc3: {  	[dreg:$0x2] =	wrdreg s24  }
0xc4: {  	[dreg:$0x3] =	wrdreg s17  }
0xc5: {  	[dreg:$0x4] =	wrdreg $0x44000  }
0xc6: {  	[dreg:$0x5] =	wrdreg $0x9  }
0xc7: {  	_ =	task.clear_ibuf [dreg:s22], $0x6FFFF;
	_ =	strace $0x90000049  }
0xc8: {  	s29 =	simm.s32 $0x9;
	_ =	strace $0x8000004B  }
0xc9: {  	_ =	swait.ge [sflag:s29], $0x1  }
0xca: {  	[sflag:s29] =	ssyncadd.s32 $0xFFFFFFFF  }
0xcb: {  	_ =	strace $0x9000004B  }
0xcc: {  	_ =	sfence  }
0xcd: {  	s30 =	sld [smem:$0x0];
	_ =	sdelay $0x2  }
0xce: {  	s31 =	sshll.u32 s1, $0xD;
	s1 =	sshrl.u32 s1, $0x2  }
0xcf: {  	s4 =	sand.u32 $0x4000, s31;
	s1 =	sadd.s32 s1, s30  }
0xd0: {  	s0 =	sor.u32 s4, s0;
	s1 =	sshll.u32 s1, $0x11  }
0xd1: {  	s0 =	sor.u32 s1, s0  }
0xd2: {  	s0 =	sadd.s32 $0x8F2B, s0  }
0xd3: {  	[sflag:s0] =	ssyncadd.remote.s32 $0x1  }
0xd4: {  	_ =	sfence.sel $0xFFFF  }
0xd5: {  	[dreg:$0x0] =	wrdreg $0xFFFFFFFF;
	(pc) =	sbr.abs _section_cstart, $3  }
0xd6: {  	[dreg:$0x1] =	wrdreg $0xFFFFFFFF  }
0xd7: {  	_ =	task.clear_ibuf [dreg:s22], $0x2FFFF;
	_ =	strace $0x9FFFFFFF  }
0xd8: {  	(tm) =	ssettm $0x7FFFFFFF  }
0xd9: {  	_ =	shalt  }
tec
execute0_lowered:
.L_overlay_start_1:
0x0: {  	(tag) =	ssettag $0x1  }
0x1: {  	s5 =	rddreg [dreg:$0x0]  }
0x2: {  	s9 =	rddreg [dreg:$0x1]  }
0x3: {  	s2 =	rddreg [dreg:$0x2]  }
0x4: {  	s0 =	rddreg [dreg:$0x3]  }
0x5: {  	s1 =	stileid.u32;
	s4 =	srdreg.scid  }
0x6: {  	s3 =	simm.s32 $0x0;
	s14 =	simm.s32 $0x100;
	s15 =	simm.s32 $0x180  }
0x7: {  	s16 =	simm.s32 $0x200;
	s17 =	simm.s32 $0x280;
	s18 =	simm.s32 $0x300  }
0x8: {  	s19 =	simm.s32 $0x380;
	s20 =	simm.s32 $0x0;
	s6 =	smul.u32 $0x13C00, s1  }
0x9: {  	s7 =	sand.u32 $0x1, s4;
	[smem:$0x7FF] =	sst s3;
	s26 =	smul.u32 $0x4F000, s1  }
0xa: {  	s4 =	sadd.s32 $0xC8800, s5;
	s12 =	smul.u32 $0x5000, s1;
	s30 =	sshll.u32 s1, $0x6  }
0xb: {  	s8 =	smul.u32 $0x13C000, s7;
	_ =	strace $0x8000004A;
	s28 =	ssub.s32 $0x2, s7  }
0xc: {  	s7 =	smul.u32 $0x50000, s7;
	s10 =	sshrl.u32 s6, $0x3;
	s29 =	sshrl.u32 s28, $0x1  }
0xd: {  	s6 =	sadd.s32 s6, s8;
	s25 =	sadd.s32 s10, s5;
	s10 =	sshrl.u32 s26, $0x2  }
0xe: {  	s13 =	ssub.s32 s28, s29;
	s12 =	sadd.s32 s12, s7;
	s6 =	sshrl.u32 s6, $0x3  }
0xf: {  	s10 =	sadd.s32 s10, s2;
	s8 =	smax.u32 s13, $0x1;
	s31 =	sshrl.u32 s12, $0x3  }
0x10: {  	s12 =	simm.s32 $0x400;
	s13 =	simm.s32 $0x80;
	s11 =	sadd.s32 s6, s5  }
0x11: {  	s5 =	sadd.s32 $0x52000, s25;
	s6 =	sor.u32 $0x1C01, s30;
	s9 =	sadd.s32 s31, s9  }
0x12: {  	s10 =	sshrl.u32 s10, $0x3;
	s7 =	sadd.s32 $0xC9000, s11;
	s11 =	simm.s32 $0x1  }
.LBB2_1:
0x13: {  	[spmem:s10], [sflag:s6] =	dma.local [hbm:s5], $0x2780  }
0x14: {  	_ =	swait.ge [sflag:s11], $0x2780  }
0x15: {  	[sflag:s11] =	ssyncset.done $0x0  }
0x16: {  	[sflag:s11] =	ssyncadd.s32 $0xFFFFD880  }
0x17: {  	[tilespmem:s12], [sflag:$0x1] =	stream.linear.gather [hbm4b:s4+s3], $0x4000, $0x38;
	[tilespmem:$0x18000] =	vst v63  }
0x18: {  	_ =	swait.ge [sflag:s11], $0x4000  }
0x19: {  	[sflag:s11] =	ssyncset.done $0x0  }
0x1a: {  	[sflag:s11] =	ssyncadd.s32 $0xFFFFC000  }
0x1b: {  	s21 =	sadd.s32 $0x0, s9;
	[bflag:$0x0] =	sbarrier.arrive $0xFFFF  }
0x1c: {  	[tilespmem:s3], [sflag:$0x1] =	stream.linear.gather [hbm4b:s21+s3], $0x400, $0x38;
	[tilespmem:$0x18000] =	vst v63  }
0x1d: {  	_ =	swait.ge [sflag:s11], $0x400  }
0x1e: {  	[sflag:s11] =	ssyncset.done $0x0  }
0x1f: {  	[sflag:s11] =	ssyncadd.s32 $0xFFFFFC00  }
0x20: {  	[spmem:s2] =	stream.indirect.scatter.add.f32 [tilespmem:s12], [sflag:$0x1], $0x80, s3, s13, $0xb8;
	[tilespmem:$0x18000] =	vst v63  }
0x21: {  	_ =	swait.ge [sflag:s11], $0x4000  }
0x22: {  	[sflag:s11] =	ssyncset.done $0x0  }
0x23: {  	[sflag:s11] =	ssyncadd.s32 $0xFFFFC000  }
0x24: {  	[spmem:s2] =	stream.indirect.scatter.add.f32 [tilespmem:s12], [sflag:$0x1], $0x80, s13, s13, $0xb8;
	[tilespmem:$0x18000] =	vst v63  }
0x25: {  	_ =	swait.ge [sflag:s11], $0x4000  }
0x26: {  	[sflag:s11] =	ssyncset.done $0x0  }
0x27: {  	[sflag:s11] =	ssyncadd.s32 $0xFFFFC000  }
0x28: {  	[spmem:s2] =	stream.indirect.scatter.add.f32 [tilespmem:s12], [sflag:$0x1], $0x80, s14, s13, $0xb8;
	[tilespmem:$0x18000] =	vst v63  }
0x29: {  	_ =	swait.ge [sflag:s11], $0x4000  }
0x2a: {  	[sflag:s11] =	ssyncset.done $0x0  }
0x2b: {  	[sflag:s11] =	ssyncadd.s32 $0xFFFFC000  }
0x2c: {  	[spmem:s2] =	stream.indirect.scatter.add.f32 [tilespmem:s12], [sflag:$0x1], $0x80, s15, s13, $0xb8;
	[tilespmem:$0x18000] =	vst v63  }
0x2d: {  	_ =	swait.ge [sflag:s11], $0x4000  }
0x2e: {  	[sflag:s11] =	ssyncset.done $0x0  }
0x2f: {  	[sflag:s11] =	ssyncadd.s32 $0xFFFFC000  }
0x30: {  	[spmem:s2] =	stream.indirect.scatter.add.f32 [tilespmem:s12], [sflag:$0x1], $0x80, s16, s13, $0xb8;
	[tilespmem:$0x18000] =	vst v63  }
0x31: {  	_ =	swait.ge [sflag:s11], $0x4000  }
0x32: {  	[sflag:s11] =	ssyncset.done $0x0  }
0x33: {  	[sflag:s11] =	ssyncadd.s32 $0xFFFFC000  }
0x34: {  	[spmem:s2] =	stream.indirect.scatter.add.f32 [tilespmem:s12], [sflag:$0x1], $0x80, s17, s13, $0xb8;
	[tilespmem:$0x18000] =	vst v63  }
0x35: {  	_ =	swait.ge [sflag:s11], $0x4000  }
0x36: {  	[sflag:s11] =	ssyncset.done $0x0  }
0x37: {  	[sflag:s11] =	ssyncadd.s32 $0xFFFFC000  }
0x38: {  	[spmem:s2] =	stream.indirect.scatter.add.f32 [tilespmem:s12], [sflag:$0x1], $0x80, s18, s13, $0xb8;
	[tilespmem:$0x18000] =	vst v63  }
0x39: {  	_ =	swait.ge [sflag:s11], $0x4000  }
0x3a: {  	[sflag:s11] =	ssyncset.done $0x0  }
0x3b: {  	[sflag:s11] =	ssyncadd.s32 $0xFFFFC000  }
0x3c: {  	[spmem:s2] =	stream.indirect.scatter.add.f32 [tilespmem:s12], [sflag:$0x1], $0x80, s19, s13, $0xb8;
	[tilespmem:$0x18000] =	vst v63  }
0x3d: {  	_ =	swait.ge [sflag:s11], $0x4000  }
0x3e: {  	s23 =	simm.s32 $0x100;
	s21 =	simm.s32 $0x80;
	[sflag:s11] =	ssyncset.done $0x0  }
.LBB2_2:
0x3f: {  	s24 =	sadd.s32 s21, s9  }
0x40: {  	[sflag:s11] =	ssyncadd.s32 $0xFFFFC000;
	s21 =	smov.u32 s23;
	s22 =	sadd.s32 $0x80, s23  }
0x41: {  	[tilespmem:s3], [sflag:$0x1] =	stream.linear.gather [hbm4b:s24+s3], $0x400, $0x38;
	[tilespmem:$0x18000] =	vst v63  }
0x42: {  	p0 =	sne.s32 s23, $0x980;
	_ =	swait.ge [sflag:s11], $0x400  }
0x43: {  	[sflag:s11] =	ssyncset.done $0x0  }
0x44: {  	[sflag:s11] =	ssyncadd.s32 $0xFFFFFC00  }
0x45: {  	[spmem:s2] =	stream.indirect.scatter.add.f32 [tilespmem:s12], [sflag:$0x1], $0x80, s3, s13, $0xb8;
	[tilespmem:$0x18000] =	vst v63  }
0x46: {  	_ =	swait.ge [sflag:s11], $0x4000  }
0x47: {  	[sflag:s11] =	ssyncset.done $0x0  }
0x48: {  	[sflag:s11] =	ssyncadd.s32 $0xFFFFC000  }
0x49: {  	[spmem:s2] =	stream.indirect.scatter.add.f32 [tilespmem:s12], [sflag:$0x1], $0x80, s13, s13, $0xb8;
	[tilespmem:$0x18000] =	vst v63  }
0x4a: {  	_ =	swait.ge [sflag:s11], $0x4000  }
0x4b: {  	[sflag:s11] =	ssyncset.done $0x0  }
0x4c: {  	[sflag:s11] =	ssyncadd.s32 $0xFFFFC000  }
0x4d: {  	[spmem:s2] =	stream.indirect.scatter.add.f32 [tilespmem:s12], [sflag:$0x1], $0x80, s14, s13, $0xb8;
	[tilespmem:$0x18000] =	vst v63  }
0x4e: {  	_ =	swait.ge [sflag:s11], $0x4000  }
0x4f: {  	[sflag:s11] =	ssyncset.done $0x0  }
0x50: {  	[sflag:s11] =	ssyncadd.s32 $0xFFFFC000  }
0x51: {  	[spmem:s2] =	stream.indirect.scatter.add.f32 [tilespmem:s12], [sflag:$0x1], $0x80, s15, s13, $0xb8;
	[tilespmem:$0x18000] =	vst v63  }
0x52: {  	_ =	swait.ge [sflag:s11], $0x4000  }
0x53: {  	[sflag:s11] =	ssyncset.done $0x0  }
0x54: {  	[sflag:s11] =	ssyncadd.s32 $0xFFFFC000  }
0x55: {  	[spmem:s2] =	stream.indirect.scatter.add.f32 [tilespmem:s12], [sflag:$0x1], $0x80, s16, s13, $0xb8;
	[tilespmem:$0x18000] =	vst v63  }
0x56: {  	_ =	swait.ge [sflag:s11], $0x4000  }
0x57: {  	[sflag:s11] =	ssyncset.done $0x0  }
0x58: {  	[sflag:s11] =	ssyncadd.s32 $0xFFFFC000  }
0x59: {  	[spmem:s2] =	stream.indirect.scatter.add.f32 [tilespmem:s12], [sflag:$0x1], $0x80, s17, s13, $0xb8;
	[tilespmem:$0x18000] =	vst v63  }
0x5a: {  	_ =	swait.ge [sflag:s11], $0x4000  }
0x5b: {  	[sflag:s11] =	ssyncset.done $0x0  }
0x5c: {  	[sflag:s11] =	ssyncadd.s32 $0xFFFFC000  }
0x5d: {  	[spmem:s2] =	stream.indirect.scatter.add.f32 [tilespmem:s12], [sflag:$0x1], $0x80, s18, s13, $0xb8;
	[tilespmem:$0x18000] =	vst v63  }
0x5e: {  	_ =	swait.ge [sflag:s11], $0x4000  }
.Ltmp0:
0x5f: {  	[sflag:s11] =	ssyncset.done $0x0;
	(pc) =	sbr.rel @p0 .LBB2_2-.Ltmp0, $4  }
0x60: {  	[sflag:s11] =	ssyncadd.s32 $0xFFFFC000  }
0x61: {  	[spmem:s2] =	stream.indirect.scatter.add.f32 [tilespmem:s12], [sflag:$0x1], $0x80, s19, s13, $0xb8;
	[tilespmem:$0x18000] =	vst v63  }
0x62: {  	_ =	swait.ge [sflag:s11], $0x4000  }
0x63: {  	s23 =	smov.u32 s22;
	[sflag:s11] =	ssyncset.done $0x0  }
0x64: {  	s21 =	sadd.s32 s21, s9;
	[sflag:s11] =	ssyncadd.s32 $0xFFFFC000  }
0x65: {  	[tilespmem:s3], [sflag:$0x1] =	stream.linear.gather [hbm4b:s21+s3], $0x400, $0x38;
	[tilespmem:$0x18000] =	vst v63  }
0x66: {  	_ =	swait.ge [sflag:s11], $0x400  }
0x67: {  	[sflag:s11] =	ssyncset.done $0x0  }
0x68: {  	[sflag:s11] =	ssyncadd.s32 $0xFFFFFC00  }
0x69: {  	[spmem:s2] =	stream.indirect.scatter.add.f32 [tilespmem:s12], [sflag:$0x1], $0x80, s3, s13, $0xb8;
	[tilespmem:$0x18000] =	vst v63  }
0x6a: {  	_ =	swait.ge [sflag:s11], $0x4000  }
0x6b: {  	[sflag:s11] =	ssyncset.done $0x0  }
0x6c: {  	[sflag:s11] =	ssyncadd.s32 $0xFFFFC000  }
0x6d: {  	[spmem:s2] =	stream.indirect.scatter.add.f32 [tilespmem:s12], [sflag:$0x1], $0x80, s13, s13, $0xb8;
	[tilespmem:$0x18000] =	vst v63  }
0x6e: {  	_ =	swait.ge [sflag:s11], $0x4000  }
0x6f: {  	[sflag:s11] =	ssyncset.done $0x0  }
0x70: {  	[sflag:s11] =	ssyncadd.s32 $0xFFFFC000  }
0x71: {  	[spmem:s2] =	stream.indirect.scatter.add.f32 [tilespmem:s12], [sflag:$0x1], $0x80, s14, s13, $0xb8;
	[tilespmem:$0x18000] =	vst v63  }
0x72: {  	_ =	swait.ge [sflag:s11], $0x4000  }
0x73: {  	[sflag:s11] =	ssyncset.done $0x0  }
0x74: {  	[sflag:s11] =	ssyncadd.s32 $0xFFFFC000  }
0x75: {  	[spmem:s2] =	stream.indirect.scatter.add.f32 [tilespmem:s12], [sflag:$0x1], $0x80, s15, s13, $0xb8;
	[tilespmem:$0x18000] =	vst v63  }
0x76: {  	_ =	swait.ge [sflag:s11], $0x4000  }
0x77: {  	[sflag:s11] =	ssyncset.done $0x0  }
0x78: {  	[sflag:s11] =	ssyncadd.s32 $0xFFFFC000  }
0x79: {  	[spmem:s2] =	stream.indirect.scatter.add.f32 [tilespmem:s12], [sflag:$0x1], $0x80, s16, s13, $0xb8;
	[tilespmem:$0x18000] =	vst v63  }
0x7a: {  	_ =	swait.ge [sflag:s11], $0x4000  }
0x7b: {  	[sflag:s11] =	ssyncset.done $0x0  }
0x7c: {  	[sflag:s11] =	ssyncadd.s32 $0xFFFFC000  }
0x7d: {  	[spmem:s2] =	stream.indirect.scatter.add.f32 [tilespmem:s12], [sflag:$0x1], $0x80, s17, s13, $0xb8;
	[tilespmem:$0x18000] =	vst v63  }
0x7e: {  	_ =	swait.ge [sflag:s11], $0x4000  }
0x7f: {  	[sflag:s11] =	ssyncset.done $0x0  }
0x80: {  	[sflag:s11] =	ssyncadd.s32 $0xFFFFC000  }
0x81: {  	[spmem:s2] =	stream.indirect.scatter.add.f32 [tilespmem:s12], [sflag:$0x1], $0x80, s18, s13, $0xb8;
	[tilespmem:$0x18000] =	vst v63  }
0x82: {  	_ =	swait.ge [sflag:s11], $0x4000  }
0x83: {  	[sflag:s11] =	ssyncset.done $0x0  }
0x84: {  	[sflag:s11] =	ssyncadd.s32 $0xFFFFC000  }
0x85: {  	[spmem:s2] =	stream.indirect.scatter.add.f32 [tilespmem:s12], [sflag:$0x1], $0x80, s19, s13, $0xb8;
	[tilespmem:$0x18000] =	vst v63  }
0x86: {  	_ =	swait.ge [sflag:s11], $0x4000  }
0x87: {  	s20 =	sadd.s32 $0x1, s20;
	[sflag:s11] =	ssyncset.done $0x0  }
0x88: {  	p0 =	sne.s32 s20, s8;
	[sflag:s11] =	ssyncadd.s32 $0xFFFFC000  }
.Ltmp1:
0x89: {  	[bflag:$0x0] =	sbarrier.arrive $0xFFFF;
	(pc) =	sbr.rel @p0 .LBB2_1-.Ltmp1, $4  }
0x8a: {  	[hbm:s7], [sflag:s6] =	dma.local [spmem:s10], $0x2780  }
0x8b: {  	_ =	swait.ge [sflag:s11], $0x2780  }
0x8c: {  	[sflag:s11] =	ssyncset.done $0x0  }
0x8d: {  	[sflag:s11] =	ssyncadd.s32 $0xFFFFD880  }
0x8e: {  	_ =	sfence.sel $0x180000  }
0x8f: {  	[bflag:$0x0] =	sbarrier.arrive $0xFFFF  }
0x90: {  	p0 =	sne.s32 s1, $0x0;
	_ =	strace $0x9000004A  }
0x91: {  	s0 =	sadd.s32 @!p0 $0x100000, s0;
	[bflag:$0x2] =	sbarrier.arrive $0xFFFF  }
0x92: {  	[sflag:s0] =	ssyncadd.tile.s32 @!p0 $0x1;
	_ =	shalt  }
.Lfunc_end2:
_tile_overlayer_lowered:
.L_overlay_start_2:
0x93: {  	(tag) =	ssettag $0x2  }
0x94: {  	s0 =	rddreg [dreg:$0x0];
	s2 =	stileid.u32  }
0x95: {  	s1 =	rddreg [dreg:$0x1];
	p0 =	sne.s32 s2, $0x0  }
0x96: {  	s3 =	rddreg [dreg:$0x2];
	[bflag:$0x3] =	sbarrier.arrive $0xFFFF;
	s2 =	simm.s32 @!p0 $0x1C01  }
0x97: {  	[timem:s3], [sflag:s2] =	dma.local @!p0 [hbm:s0], s1  }
0x98: {  	s0 =	simm.s32 @!p0 $0x1  }
0x99: {  	_ =	swait.ge @!p0 [sflag:s0], s1  }
0x9a: {  	s1 =	ssub.s32 @!p0 $0x0, s1;
	[sflag:s0] =	ssyncset.done @!p0 $0x0  }
0x9b: {  	[sflag:s0] =	ssyncadd.s32 @!p0 s1  }
0x9c: {  	[bflag:$0x3] =	sbarrier.arrive $0xFFFF  }
0x9d: {  	_ =	shalt  }

</sc_bundles>
